<compile_context>
chip_gen: v7x
topology: tpu7x:2x2x1
jax: 0.10.2.dev20260603
libtpu: 0.0.44.dev20260713+nightly
codegen_flags: <defaults>
</compile_context>

<pallas_src>
import functools

import jax
import jax.numpy as jnp
from jax import lax
from jax.experimental import pallas as pl
from jax.experimental.pallas import tpu as pltpu
from jax.experimental.pallas import tpu_sc as plsc

_NC = 2
_NS = 16
_NW = _NC * _NS
_D = 128
_DH = 64
_CW = 32

_N1, _N2 = 10000, 2000
_NPAD1, _NPAD2 = 10112, 2048


def _make_sc_agg(E, NPAD, B, K):
    e_per_t = E // _NS
    nb = e_per_t // B
    ns = nb // K
    assert nb * B == e_per_t and B % 16 == 0 and B <= 128 and ns * K == nb
    rpt = NPAD // _NS
    ZR = rpt // 2
    assert rpt % ZR == 0 and NPAD % 16 == 0 and ZR % 4 == 0
    mesh = plsc.VectorSubcoreMesh(core_axis_name="c", subcore_axis_name="s")

    @functools.partial(
        pl.kernel,
        out_type=jax.ShapeDtypeStruct((_NC * NPAD, _DH), jnp.float32),
        mesh=mesh,
        compiler_params=pltpu.CompilerParams(use_tc_tiling_on_sc=False),
        scratch_types=[
            pltpu.VMEM((2 * K, B), jnp.int32),
            pltpu.VMEM((2 * K, B), jnp.int32),
            pltpu.VMEM((2 * K, B), jnp.int32),
            pltpu.VMEM((2 * K, B, _DH), jnp.float32),
            pltpu.VMEM((ZR, _DH), jnp.float32),
            pltpu.VMEM_SHARED((NPAD, _DH), jnp.float32),
            pltpu.SemaphoreType.DMA,
            pltpu.SemaphoreType.DMA,
            pltpu.SemaphoreType.DMA,
        ],
    )
    def agg(tab, src, dst, out_acc, idx_s, idx_d, idx_g, rows, zrow,
            acc_sh, sem_g, sem_s, sem_i):
        c = lax.axis_index("c")
        s = lax.axis_index("s")

        z16 = jnp.zeros((16,), jnp.float32)

        def zr_body(i, carry):
            zrow[i // 4, pl.ds((i % 4) * 16, 16)] = z16
            return carry

        lax.fori_loop(0, ZR * 4, zr_body, 0)

        for k in range(rpt // ZR):
            pltpu.sync_copy(zrow, acc_sh.at[pl.ds(s * rpt + k * ZR, ZR)])
        plsc.subcore_barrier()

        row0 = s * nb

        def compute_idx_g(base_slot):
            for k in range(K):
                t = base_slot + k
                for j in range(B // 16):
                    v = idx_s[t, pl.ds(j * 16, 16)]
                    idx_g[t, pl.ds(j * 16, 16)] = v * 2 + c

        def fire_gathers(base_slot):
            for k in range(K):
                t = base_slot + k
                pltpu.async_copy(tab.at[idx_g.at[t]], rows.at[t], sem_g)

        def drain_scatters(base_slot):
            for k in range(K):
                t = base_slot + k
                pltpu.make_async_copy(
                    rows.at[t], acc_sh.at[idx_d.at[t]], sem_s).wait()

        pltpu.sync_copy(src.at[pl.ds(row0, K)], idx_s.at[pl.ds(0, K)])
        pltpu.sync_copy(dst.at[pl.ds(row0, K)], idx_d.at[pl.ds(0, K)])
        compute_idx_g(0)
        fire_gathers(0)

        def body(i, carry):
            p = lax.rem(i, 2) * K
            pn = (1 - lax.rem(i, 2)) * K
            r_next = row0 + (i + 1) * K

            @pl.when(i >= 1)
            def _():
                drain_scatters(pn)

            @pl.when(i + 1 < ns)
            def _():
                pltpu.async_copy(src.at[pl.ds(r_next, K)],
                                 idx_s.at[pl.ds(pn, K)], sem_i)
                pltpu.async_copy(dst.at[pl.ds(r_next, K)],
                                 idx_d.at[pl.ds(pn, K)], sem_i)

            for k in range(K):
                t = p + k
                pltpu.make_async_copy(
                    tab.at[idx_g.at[t]], rows.at[t], sem_g).wait()
                pltpu.async_copy(
                    rows.at[t], acc_sh.at[idx_d.at[t]], sem_s, add=True)

            @pl.when(i + 1 < ns)
            def _():
                pltpu.make_async_copy(src.at[pl.ds(r_next, K)],
                                      idx_s.at[pl.ds(pn, K)], sem_i).wait()
                pltpu.make_async_copy(dst.at[pl.ds(r_next, K)],
                                      idx_d.at[pl.ds(pn, K)], sem_i).wait()
                compute_idx_g(pn)
                fire_gathers(pn)

            return carry

        lax.fori_loop(0, ns, body, 0)
        drain_scatters(((ns - 1) % 2) * K)
        plsc.subcore_barrier()

        pltpu.sync_copy(acc_sh.at[pl.ds(s * rpt, rpt)],
                        out_acc.at[pl.ds(c * NPAD + s * rpt, rpt)])

    return agg


def _make_sc_cnt(E, NPAD, B, K):
    e_per_w = E // _NW
    nb = e_per_w // B
    ns = nb // K
    assert nb * B == e_per_w and B % 16 == 0 and B <= 128 and ns * K == nb
    rpt = NPAD // _NS
    mesh = plsc.VectorSubcoreMesh(core_axis_name="c", subcore_axis_name="s")

    @functools.partial(
        pl.kernel,
        out_type=jax.ShapeDtypeStruct((_NC * NPAD, _CW), jnp.float32),
        mesh=mesh,
        compiler_params=pltpu.CompilerParams(use_tc_tiling_on_sc=False),
        scratch_types=[
            pltpu.VMEM((2 * K, B), jnp.int32),
            pltpu.VMEM((B, _CW), jnp.float32),
            pltpu.VMEM((rpt, _CW), jnp.float32),
            pltpu.VMEM_SHARED((NPAD, _CW), jnp.float32),
            pltpu.SemaphoreType.DMA,
            pltpu.SemaphoreType.DMA,
        ],
    )
    def cnt(dst, out_cnt, idx_d, ones2, zc, cnt_sh, sem_s, sem_i):
        c = lax.axis_index("c")
        s = lax.axis_index("s")
        wid = s * _NC + c

        z16 = jnp.zeros((16,), jnp.float32)
        one16 = jnp.ones((16,), jnp.float32)

        def zb(i, carry):
            zc[i, pl.ds(0, 16)] = z16
            zc[i, pl.ds(16, 16)] = z16
            return carry

        lax.fori_loop(0, rpt, zb, 0)

        def ob(i, carry):
            ones2[i, pl.ds(0, 16)] = one16
            ones2[i, pl.ds(16, 16)] = one16
            return carry

        lax.fori_loop(0, B, ob, 0)

        pltpu.sync_copy(zc, cnt_sh.at[pl.ds(s * rpt, rpt)])
        plsc.subcore_barrier()

        row0 = wid * nb

        def drain_scatters(base_slot):
            for k in range(K):
                pltpu.make_async_copy(
                    ones2, cnt_sh.at[idx_d.at[base_slot + k]], sem_s).wait()

        pltpu.sync_copy(dst.at[pl.ds(row0, K)], idx_d.at[pl.ds(0, K)])

        def body(i, carry):
            p = lax.rem(i, 2) * K
            pn = (1 - lax.rem(i, 2)) * K
            r_next = row0 + (i + 1) * K

            @pl.when(i >= 1)
            def _():
                drain_scatters(pn)

            @pl.when(i + 1 < ns)
            def _():
                pltpu.async_copy(dst.at[pl.ds(r_next, K)],
                                 idx_d.at[pl.ds(pn, K)], sem_i)

            for k in range(K):
                pltpu.async_copy(ones2, cnt_sh.at[idx_d.at[p + k]], sem_s,
                                 add=True)

            @pl.when(i + 1 < ns)
            def _():
                pltpu.make_async_copy(dst.at[pl.ds(r_next, K)],
                                      idx_d.at[pl.ds(pn, K)], sem_i).wait()

            return carry

        lax.fori_loop(0, ns, body, 0)
        drain_scatters(((ns - 1) % 2) * K)
        plsc.subcore_barrier()

        pltpu.sync_copy(cnt_sh.at[pl.ds(s * rpt, rpt)],
                        out_cnt.at[pl.ds(c * NPAD + s * rpt, rpt)])

    return cnt


_E1_PAD = 320000
_E2_PAD = 161280
_B = 80
_sc_agg1 = _make_sc_agg(_E1_PAD, _NPAD1, _B, 5)
_sc_agg2 = _make_sc_agg(_E2_PAD, _NPAD2, _B, 7)
_sc_cnt1 = _make_sc_cnt(_E1_PAD, _NPAD1, _B, 5)
_sc_cnt2 = _make_sc_cnt(_E2_PAD, _NPAD2, _B, 9)


def _tc1_body(acc_ref, cnt_ref, w_ref, b_ref, out_ref):
    a = jnp.concatenate([acc_ref[0], acc_ref[1]], axis=1)
    cn = cnt_ref[0, :, 0:1] + cnt_ref[1, :, 0:1]
    m = a / jnp.maximum(cn, 1.0)
    y = lax.dot_general(m, w_ref[...], (((1,), (1,)), ((), ())),
                        preferred_element_type=jnp.float32)
    out_ref[...] = jnp.maximum(y + b_ref[...], 0.0)


def _tc2_body(acc_ref, cnt_ref, w_ref, b_ref, out_ref):
    a = jnp.concatenate([acc_ref[0], acc_ref[1]], axis=1)
    cn = cnt_ref[0, :, 0:1] + cnt_ref[1, :, 0:1]
    m = a / jnp.maximum(cn, 1.0)
    y = lax.dot_general(m, w_ref[...], (((1,), (1,)), ((), ())),
                        preferred_element_type=jnp.float32)
    y = y + b_ref[...]
    z = y - jnp.max(y, axis=1, keepdims=True)
    out_ref[...] = z - jnp.log(jnp.sum(jnp.exp(z), axis=1, keepdims=True))


_TC1_BLK = 1264

_tc1 = pl.pallas_call(
    _tc1_body,
    grid=(_NPAD1 // _TC1_BLK,),
    in_specs=[
        pl.BlockSpec((_NC, _TC1_BLK, _DH), lambda i: (0, i, 0)),
        pl.BlockSpec((_NC, _TC1_BLK, _CW), lambda i: (0, i, 0)),
        pl.BlockSpec((_D, _D), lambda i: (0, 0)),
        pl.BlockSpec((1, _D), lambda i: (0, 0)),
    ],
    out_specs=pl.BlockSpec((_TC1_BLK, _D), lambda i: (i, 0)),
    out_shape=jax.ShapeDtypeStruct((_NPAD1, _D), jnp.float32),
)

_tc2 = pl.pallas_call(
    _tc2_body,
    in_specs=[
        pl.BlockSpec((_NC, _NPAD2, _DH), lambda: (0, 0, 0)),
        pl.BlockSpec((_NC, _NPAD2, _CW), lambda: (0, 0, 0)),
        pl.BlockSpec((64, _D), lambda: (0, 0)),
        pl.BlockSpec((1, 64), lambda: (0, 0)),
    ],
    out_specs=pl.BlockSpec((_NPAD2, 64), lambda: (0, 0)),
    out_shape=jax.ShapeDtypeStruct((_NPAD2, 64), jnp.float32),
)


def _pad_edges(edge_index, e_pad, n_real, npad):
    npad_e = e_pad - edge_index.shape[1]
    src = jnp.concatenate(
        [edge_index[0], jnp.zeros((npad_e,), jnp.int32)]).reshape(-1, _B)
    trash = n_real + jnp.arange(npad_e, dtype=jnp.int32) % (npad - n_real)
    dst = jnp.concatenate([edge_index[1], trash]).reshape(-1, _B)
    return src, dst


def kernel(x, edge_index1, edge_index2, size1, size2, W1, b1, W2, b2):
    src1, dst1 = _pad_edges(edge_index1, _E1_PAD, _N1, _NPAD1)
    acc1 = _sc_agg1(x.reshape(-1, _DH), src1, dst1)
    cnt1 = _sc_cnt1(dst1)
    h = _tc1(acc1.reshape(_NC, _NPAD1, _DH), cnt1.reshape(_NC, _NPAD1, _CW),
             W1, b1.reshape(1, _D))
    src2, dst2 = _pad_edges(edge_index2, _E2_PAD, _N2, _NPAD2)
    acc2 = _sc_agg2(h.reshape(-1, _DH), src2, dst2)
    cnt2 = _sc_cnt2(dst2)
    out = _tc2(acc2.reshape(_NC, _NPAD2, _DH), cnt2.reshape(_NC, _NPAD2, _CW),
               W2, b2.reshape(1, 64))
    return out[:_N2]

# --- scband reference (transcript-rebuilt; emitter-appended) ---
"""Pipeline reference for scband-neighbor-sampling-gcn-87488483820170 (READ-ONLY COPY).

The authoritative reference and input builder live on the scoring server;
editing this copy changes nothing except your own understanding.
"""

import jax, jax.numpy as jnp
import numpy as np


def setup_inputs(seed: int = 0) -> dict:
    key = jax.random.key(seed)
    ks = jax.random.split(key, 8)
    N0, d_in, d_h, d_out = 50000, 128, 128, 64
    E1, E2 = 320000, 160000
    s1, s2 = 10000, 2000
    x = jax.random.normal(ks[0], (N0, d_in), dtype=jnp.float32)
    src1 = jax.random.randint(ks[1], (E1,), 0, N0, dtype=jnp.int32)
    dst1 = jax.random.randint(ks[2], (E1,), 0, s1, dtype=jnp.int32)
    edge_index1 = jnp.stack([src1, dst1], axis=0)
    src2 = jax.random.randint(ks[3], (E2,), 0, s1, dtype=jnp.int32)
    dst2 = jax.random.randint(ks[4], (E2,), 0, s2, dtype=jnp.int32)
    edge_index2 = jnp.stack([src2, dst2], axis=0)
    # Linear layer params (torch default init: U(-1/sqrt(fan_in), 1/sqrt(fan_in)))
    lim1 = 1.0 / np.sqrt(d_in)
    W1 = jax.random.uniform(ks[5], (d_h, d_in), minval=-lim1, maxval=lim1, dtype=jnp.float32)
    b1 = jnp.zeros((d_h,), dtype=jnp.float32)
    lim2 = 1.0 / np.sqrt(d_h)
    W2 = jax.random.uniform(ks[6], (d_out, d_h), minval=-lim2, maxval=lim2, dtype=jnp.float32)
    b2 = jnp.zeros((d_out,), dtype=jnp.float32)
    return {
        "x": x,
        "edge_index1": edge_index1,
        "edge_index2": edge_index2,
        "size1": s1,
        "size2": s2,
        "W1": W1,
        "b1": b1,
        "W2": W2,
        "b2": b2,
    }


def _conv(x_src, edge_index, size_dst, num_dst, W, b):
    # indBiGCNConv with aggr='mean', bipartite (x, x_target):
    # message = x_j (source features), mean-aggregated into dst nodes
    # (zeros for dst nodes with no incoming edges), then Linear.
    src = edge_index[0]
    dst = edge_index[1] + jnp.int32(0) * jnp.asarray(size_dst, dtype=jnp.int32)
    msgs = jnp.take(x_src, src, axis=0)
    summed = jax.ops.segment_sum(msgs, dst, num_segments=num_dst)
    cnt = jax.ops.segment_sum(
        jnp.ones((edge_index.shape[1],), dtype=x_src.dtype), dst, num_segments=num_dst
    )
    mean = summed / jnp.clip(cnt, 1.0, None)[:, None]
    return mean @ W.T + b


def reference(x, edge_index1, edge_index2, size1, size2, W1, b1, W2, b2):
    # layer 1 (binarize=False, dropout=0.0)
    h = _conv(x, edge_index1, size1, 10000, W1, b1)
    h = jax.nn.relu(h)
    # layer 2
    h = _conv(h, edge_index2, size2, 2000, W2, b2)
    return jax.nn.log_softmax(h, axis=-1)

if __name__ == "__main__":
    import jax
    _d = setup_inputs()
    print(jax.jit(kernel)(*tuple(_d.values())))

</pallas_src>

<mosaic_0001>
#map = affine_map<(d0, d1) -> (0, 0)>
module attributes {stable_mosaic.version = 14 : i64} {
  func.func @agg(%arg0: i32, %arg1: i32, %arg2: memref<100000x64xf32, #tpu.memory_space<hbm>>, %arg3: memref<4000x80xi32, #tpu.memory_space<hbm>>, %arg4: memref<4000x80xi32, #tpu.memory_space<hbm>>, %arg5: memref<20224x64xf32, #tpu.memory_space<hbm>>, %arg6: memref<10x80xi32, #tpu.memory_space<vmem>>, %arg7: memref<10x80xi32, #tpu.memory_space<vmem>>, %arg8: memref<10x80xi32, #tpu.memory_space<vmem>>, %arg9: memref<10x80x64xf32, #tpu.memory_space<vmem>>, %arg10: memref<316x64xf32, #tpu.memory_space<vmem>>, %arg11: memref<10112x64xf32, #tpu.memory_space<vmem_shared>>, %arg12: memref<!tpu.dma_semaphore, #tpu.memory_space<semaphore_mem>>, %arg13: memref<!tpu.dma_semaphore, #tpu.memory_space<semaphore_mem>>, %arg14: memref<!tpu.dma_semaphore, #tpu.memory_space<semaphore_mem>>) attributes {dimension_semantics = [#tpu.dimension_semantics<core_parallel>, #tpu.dimension_semantics<subcore_parallel>], iteration_bounds = array<i64: 2, 16>, scalar_prefetch = 0 : i64, scratch_operands = 9 : i64, tpu.core_type = #tpu.core_type<sc_vector_subcore>, window_params = [{transform_indices = #map}, {transform_indices = #map}, {transform_indices = #map}, {transform_indices = #map}]} {
    %broadcast_in_dim3A = arith.constant 0.000000e+00 : f32
    %broadcast_in_dim3A_0 = vector.broadcast %broadcast_in_dim3A : f32 to vector<16xf32>
    %scan3A = arith.constant 0 : i32
    %scan3A_1 = arith.constant 0 : i32
    %scan3A_2 = arith.constant 1264 : i32
    %scan3A_3 = arith.addi %scan3A_1, %scan3A_2 : i32
    %scan3A_4 = arith.constant 1 : i32
    scf.for %scan3A_544 = %scan3A_1 to %scan3A_3 step %scan3A_4  : i32 {
      %jit3A = arith.constant 4 : i32
      %div3A = arith.divsi %scan3A_544, %jit3A : i32
      %sign3A = arith.constant 0 : i32
      %sign3A_545 = arith.cmpi sgt, %scan3A_544, %sign3A : i32
      %sign3A_546 = arith.extui %sign3A_545 : i1 to i32
      %sign3A_547 = arith.constant 0 : i32
      %sign3A_548 = arith.cmpi slt, %scan3A_544, %sign3A_547 : i32
      %sign3A_549 = arith.extui %sign3A_548 : i1 to i32
      %sign3A_550 = arith.subi %sign3A_546, %sign3A_549 : i32
      %sign3A_551 = arith.constant 0 : i32
      %sign3A_552 = arith.cmpi sgt, %jit3A, %sign3A_551 : i32
      %sign3A_553 = arith.extui %sign3A_552 : i1 to i32
      %sign3A_554 = arith.constant 0 : i32
      %sign3A_555 = arith.cmpi slt, %jit3A, %sign3A_554 : i32
      %sign3A_556 = arith.extui %sign3A_555 : i1 to i32
      %sign3A_557 = arith.subi %sign3A_553, %sign3A_556 : i32
      %ne3A = arith.cmpi ne, %sign3A_550, %sign3A_557 : i32
      %rem3A = arith.remsi %scan3A_544, %jit3A : i32
      %ne3A_558 = arith.constant 0 : i32
      %ne3A_559 = arith.cmpi ne, %rem3A, %ne3A_558 : i32
      %and3A = arith.andi %ne3A, %ne3A_559 : i1
      %sub3A = arith.constant 1 : i32
      %sub3A_560 = arith.subi %div3A, %sub3A : i32
      %select_n3A = arith.select %and3A, %sub3A_560, %div3A : i32
      %jit3A_561 = arith.constant 4 : i32
      %eq3A = arith.constant 0 : i32
      %eq3A_562 = arith.cmpi eq, %jit3A_561, %eq3A : i32
      %jit3A_563 = arith.constant 1 : i32
      %select_n3A_564 = arith.select %eq3A_562, %jit3A_563, %jit3A_561 : i32
      %rem3A_565 = arith.remsi %scan3A_544, %select_n3A_564 : i32
      %ne3A_566 = arith.constant 0 : i32
      %ne3A_567 = arith.cmpi ne, %rem3A_565, %ne3A_566 : i32
      %lt3A = arith.constant 0 : i32
      %lt3A_568 = arith.cmpi slt, %rem3A_565, %lt3A : i32
      %lt3A_569 = arith.constant 0 : i32
      %lt3A_570 = arith.cmpi slt, %select_n3A_564, %lt3A_569 : i32
      %ne3A_571 = arith.xori %lt3A_568, %lt3A_570 : i1
      %and3A_572 = arith.andi %ne3A_571, %ne3A_567 : i1
      %add3A_573 = arith.addi %rem3A_565, %select_n3A_564 : i32
      %select_n3A_574 = arith.select %and3A_572, %add3A_573, %rem3A_565 : i32
      %mul3A_575 = arith.constant 16 : i32
      %mul3A_576 = arith.muli %select_n3A_574, %mul3A_575 : i32
      %swap3A_577 = arith.index_cast %select_n3A : i32 to index
      %swap3A_578 = arith.index_cast %mul3A_576 : i32 to index
      %swap3A_579 = tpu.vector_load %arg10[%swap3A_577, %swap3A_578] {strides = array<i32>} : memref<316x64xf32, #tpu.memory_space<vmem>>, vector<1x16xf32>,
      %swap3A_580 = vector.shape_cast %swap3A_579 : vector<1x16xf32> to vector<16xf32>
      %swap3A_581 = vector.shape_cast %broadcast_in_dim3A_0 : vector<16xf32> to vector<1x16xf32>
      tpu.vector_store %arg10[%swap3A_577, %swap3A_578], %swap3A_581 {strides = array<i32>} : memref<316x64xf32, #tpu.memory_space<vmem>>, vector<1x16xf32>,
    }
    %scan3A_5 = arith.constant 1264 : i32
    %mul3A = arith.constant 632 : i32
    %mul3A_6 = arith.muli %arg1, %mul3A : i32
    %add3A = arith.constant 0 : i32
    %add3A_7 = arith.addi %mul3A_6, %add3A : i32
    "tpu.region"() ({
      %run_scoped3A = tpu.sem_alloc : memref<!tpu.dma_semaphore, #tpu.memory_space<semaphore_mem>>
      %dma_start3A_544 = arith.constant 0 : i32
      %dma_start3A_545 = tpu.memref_slice %arg11[%add3A_7, %dma_start3A_544] : memref<10112x64xf32, #tpu.memory_space<vmem_shared>> -> memref<316x64xf32, #tpu.memory_space<vmem_shared>>
      %dma_start3A_546 = arith.constant 0 : i32
      %dma_start3A_547 = tpu.memref_slice %arg11[%add3A_7, %dma_start3A_546] : memref<10112x64xf32, #tpu.memory_space<vmem_shared>> -> memref<316x64xf32, #tpu.memory_space<vmem_shared>>
      tpu.enqueue_dma source(%arg10 : memref<316x64xf32, #tpu.memory_space<vmem>>) target(%dma_start3A_547 : memref<316x64xf32, #tpu.memory_space<vmem_shared>>) target_semaphore(%run_scoped3A : memref<!tpu.dma_semaphore, #tpu.memory_space<semaphore_mem>>)
      %dma_wait3A_548 = arith.constant 0 : i32
      %dma_wait3A_549 = tpu.memref_slice %arg11[%add3A_7, %dma_wait3A_548] : memref<10112x64xf32, #tpu.memory_space<vmem_shared>> -> memref<316x64xf32, #tpu.memory_space<vmem_shared>>
      %dma_wait3A_550 = arith.constant 0 : i32
      %dma_wait3A_551 = tpu.memref_slice %arg11[%add3A_7, %dma_wait3A_550] : memref<10112x64xf32, #tpu.memory_space<vmem_shared>> -> memref<316x64xf32, #tpu.memory_space<vmem_shared>>
      tpu.wait_dma2 semaphore(%run_scoped3A : memref<!tpu.dma_semaphore, #tpu.memory_space<semaphore_mem>>) src(%arg10 : memref<316x64xf32, #tpu.memory_space<vmem>>) dst(%dma_wait3A_551 : memref<316x64xf32, #tpu.memory_space<vmem_shared>>)
      tpu.yield
    }) : () -> ()
    %mul3A_8 = arith.constant 632 : i32
    %mul3A_9 = arith.muli %arg1, %mul3A_8 : i32
    %add3A_10 = arith.constant 316 : i32
    %add3A_11 = arith.addi %mul3A_9, %add3A_10 : i32
    "tpu.region"() ({
      %run_scoped3A = tpu.sem_alloc : memref<!tpu.dma_semaphore, #tpu.memory_space<semaphore_mem>>
      %dma_start3A_544 = arith.constant 0 : i32
      %dma_start3A_545 = tpu.memref_slice %arg11[%add3A_11, %dma_start3A_544] : memref<10112x64xf32, #tpu.memory_space<vmem_shared>> -> memref<316x64xf32, #tpu.memory_space<vmem_shared>>
      %dma_start3A_546 = arith.constant 0 : i32
      %dma_start3A_547 = tpu.memref_slice %arg11[%add3A_11, %dma_start3A_546] : memref<10112x64xf32, #tpu.memory_space<vmem_shared>> -> memref<316x64xf32, #tpu.memory_space<vmem_shared>>
      tpu.enqueue_dma source(%arg10 : memref<316x64xf32, #tpu.memory_space<vmem>>) target(%dma_start3A_547 : memref<316x64xf32, #tpu.memory_space<vmem_shared>>) target_semaphore(%run_scoped3A : memref<!tpu.dma_semaphore, #tpu.memory_space<semaphore_mem>>)
      %dma_wait3A_548 = arith.constant 0 : i32
      %dma_wait3A_549 = tpu.memref_slice %arg11[%add3A_11, %dma_wait3A_548] : memref<10112x64xf32, #tpu.memory_space<vmem_shared>> -> memref<316x64xf32, #tpu.memory_space<vmem_shared>>
      %dma_wait3A_550 = arith.constant 0 : i32
      %dma_wait3A_551 = tpu.memref_slice %arg11[%add3A_11, %dma_wait3A_550] : memref<10112x64xf32, #tpu.memory_space<vmem_shared>> -> memref<316x64xf32, #tpu.memory_space<vmem_shared>>
      tpu.wait_dma2 semaphore(%run_scoped3A : memref<!tpu.dma_semaphore, #tpu.memory_space<semaphore_mem>>) src(%arg10 : memref<316x64xf32, #tpu.memory_space<vmem>>) dst(%dma_wait3A_551 : memref<316x64xf32, #tpu.memory_space<vmem_shared>>)
      tpu.yield
    }) : () -> ()
    %barrier3A = arith.constant 0 : index
    tpu.barrier barrier_id(%barrier3A)
    %mul3A_12 = arith.constant 250 : i32
    %mul3A_13 = arith.muli %arg1, %mul3A_12 : i32
    "tpu.region"() ({
      %run_scoped3A = tpu.sem_alloc : memref<!tpu.dma_semaphore, #tpu.memory_space<semaphore_mem>>
      %dma_start3A_544 = arith.constant 0 : i32
      %dma_start3A_545 = arith.constant 0 : i32
      %dma_start3A_546 = tpu.memref_slice %arg6[%dma_start3A_544, %dma_start3A_545] : memref<10x80xi32, #tpu.memory_space<vmem>> -> memref<5x80xi32, #tpu.memory_space<vmem>>
      %dma_start3A_547 = arith.constant 0 : i32
      %dma_start3A_548 = tpu.memref_slice %arg3[%mul3A_13, %dma_start3A_547] : memref<4000x80xi32, #tpu.memory_space<hbm>> -> memref<5x80xi32, #tpu.memory_space<hbm>>
      %dma_start3A_549 = arith.constant 0 : i32
      %dma_start3A_550 = arith.constant 0 : i32
      %dma_start3A_551 = tpu.memref_slice %arg6[%dma_start3A_549, %dma_start3A_550] : memref<10x80xi32, #tpu.memory_space<vmem>> -> memref<5x80xi32, #tpu.memory_space<vmem>>
      %dma_start3A_552 = arith.constant 0 : i32
      %dma_start3A_553 = tpu.memref_slice %arg3[%mul3A_13, %dma_start3A_552] : memref<4000x80xi32, #tpu.memory_space<hbm>> -> memref<5x80xi32, #tpu.memory_space<hbm>>
      tpu.enqueue_dma source(%dma_start3A_553 : memref<5x80xi32, #tpu.memory_space<hbm>>) target(%dma_start3A_551 : memref<5x80xi32, #tpu.memory_space<vmem>>) target_semaphore(%run_scoped3A : memref<!tpu.dma_semaphore, #tpu.memory_space<semaphore_mem>>)
      %dma_wait3A_554 = arith.constant 0 : i32
      %dma_wait3A_555 = arith.constant 0 : i32
      %dma_wait3A_556 = tpu.memref_slice %arg6[%dma_wait3A_554, %dma_wait3A_555] : memref<10x80xi32, #tpu.memory_space<vmem>> -> memref<5x80xi32, #tpu.memory_space<vmem>>
      %dma_wait3A_557 = arith.constant 0 : i32
      %dma_wait3A_558 = tpu.memref_slice %arg3[%mul3A_13, %dma_wait3A_557] : memref<4000x80xi32, #tpu.memory_space<hbm>> -> memref<5x80xi32, #tpu.memory_space<hbm>>
      %dma_wait3A_559 = arith.constant 0 : i32
      %dma_wait3A_560 = arith.constant 0 : i32
      %dma_wait3A_561 = tpu.memref_slice %arg6[%dma_wait3A_559, %dma_wait3A_560] : memref<10x80xi32, #tpu.memory_space<vmem>> -> memref<5x80xi32, #tpu.memory_space<vmem>>
      %dma_wait3A_562 = arith.constant 0 : i32
      %dma_wait3A_563 = tpu.memref_slice %arg3[%mul3A_13, %dma_wait3A_562] : memref<4000x80xi32, #tpu.memory_space<hbm>> -> memref<5x80xi32, #tpu.memory_space<hbm>>
      tpu.wait_dma2 semaphore(%run_scoped3A : memref<!tpu.dma_semaphore, #tpu.memory_space<semaphore_mem>>) src(%dma_wait3A_563 : memref<5x80xi32, #tpu.memory_space<hbm>>) dst(%dma_wait3A_561 : memref<5x80xi32, #tpu.memory_space<vmem>>)
      tpu.yield
    }) : () -> ()
    "tpu.region"() ({
      %run_scoped3A = tpu.sem_alloc : memref<!tpu.dma_semaphore, #tpu.memory_space<semaphore_mem>>
      %dma_start3A_544 = arith.constant 0 : i32
      %dma_start3A_545 = arith.constant 0 : i32
      %dma_start3A_546 = tpu.memref_slice %arg7[%dma_start3A_544, %dma_start3A_545] : memref<10x80xi32, #tpu.memory_space<vmem>> -> memref<5x80xi32, #tpu.memory_space<vmem>>
      %dma_start3A_547 = arith.constant 0 : i32
      %dma_start3A_548 = tpu.memref_slice %arg4[%mul3A_13, %dma_start3A_547] : memref<4000x80xi32, #tpu.memory_space<hbm>> -> memref<5x80xi32, #tpu.memory_space<hbm>>
      %dma_start3A_549 = arith.constant 0 : i32
      %dma_start3A_550 = arith.constant 0 : i32
      %dma_start3A_551 = tpu.memref_slice %arg7[%dma_start3A_549, %dma_start3A_550] : memref<10x80xi32, #tpu.memory_space<vmem>> -> memref<5x80xi32, #tpu.memory_space<vmem>>
      %dma_start3A_552 = arith.constant 0 : i32
      %dma_start3A_553 = tpu.memref_slice %arg4[%mul3A_13, %dma_start3A_552] : memref<4000x80xi32, #tpu.memory_space<hbm>> -> memref<5x80xi32, #tpu.memory_space<hbm>>
      tpu.enqueue_dma source(%dma_start3A_553 : memref<5x80xi32, #tpu.memory_space<hbm>>) target(%dma_start3A_551 : memref<5x80xi32, #tpu.memory_space<vmem>>) target_semaphore(%run_scoped3A : memref<!tpu.dma_semaphore, #tpu.memory_space<semaphore_mem>>)
      %dma_wait3A_554 = arith.constant 0 : i32
      %dma_wait3A_555 = arith.constant 0 : i32
      %dma_wait3A_556 = tpu.memref_slice %arg7[%dma_wait3A_554, %dma_wait3A_555] : memref<10x80xi32, #tpu.memory_space<vmem>> -> memref<5x80xi32, #tpu.memory_space<vmem>>
      %dma_wait3A_557 = arith.constant 0 : i32
      %dma_wait3A_558 = tpu.memref_slice %arg4[%mul3A_13, %dma_wait3A_557] : memref<4000x80xi32, #tpu.memory_space<hbm>> -> memref<5x80xi32, #tpu.memory_space<hbm>>
      %dma_wait3A_559 = arith.constant 0 : i32
      %dma_wait3A_560 = arith.constant 0 : i32
      %dma_wait3A_561 = tpu.memref_slice %arg7[%dma_wait3A_559, %dma_wait3A_560] : memref<10x80xi32, #tpu.memory_space<vmem>> -> memref<5x80xi32, #tpu.memory_space<vmem>>
      %dma_wait3A_562 = arith.constant 0 : i32
      %dma_wait3A_563 = tpu.memref_slice %arg4[%mul3A_13, %dma_wait3A_562] : memref<4000x80xi32, #tpu.memory_space<hbm>> -> memref<5x80xi32, #tpu.memory_space<hbm>>
      tpu.wait_dma2 semaphore(%run_scoped3A : memref<!tpu.dma_semaphore, #tpu.memory_space<semaphore_mem>>) src(%dma_wait3A_563 : memref<5x80xi32, #tpu.memory_space<hbm>>) dst(%dma_wait3A_561 : memref<5x80xi32, #tpu.memory_space<vmem>>)
      tpu.yield
    }) : () -> ()
    %get3A = arith.constant 0 : i32
    %get3A_14 = arith.index_cast %get3A : i32 to index
    %get3A_15 = arith.constant 0 : index
    %get3A_16 = tpu.vector_load %arg6[%get3A_14, %get3A_15] {strides = array<i32>} : memref<10x80xi32, #tpu.memory_space<vmem>>, vector<1x16xi32>,
    %get3A_17 = vector.shape_cast %get3A_16 : vector<1x16xi32> to vector<16xi32>
    %mul3A_18 = arith.constant 2 : i32
    %mul3A_19 = vector.broadcast %mul3A_18 : i32 to vector<16xi32>
    %mul3A_20 = arith.muli %get3A_17, %mul3A_19 : vector<16xi32>
    %add3A_21 = vector.broadcast %arg0 : i32 to vector<16xi32>
    %add3A_22 = arith.addi %mul3A_20, %add3A_21 : vector<16xi32>
    %swap3A = arith.constant 0 : i32
    %swap3A_23 = arith.index_cast %swap3A : i32 to index
    %swap3A_24 = arith.constant 0 : index
    %swap3A_25 = tpu.vector_load %arg8[%swap3A_23, %swap3A_24] {strides = array<i32>} : memref<10x80xi32, #tpu.memory_space<vmem>>, vector<1x16xi32>,
    %swap3A_26 = vector.shape_cast %swap3A_25 : vector<1x16xi32> to vector<16xi32>
    %swap3A_27 = vector.shape_cast %add3A_22 : vector<16xi32> to vector<1x16xi32>
    tpu.vector_store %arg8[%swap3A_23, %swap3A_24], %swap3A_27 {strides = array<i32>} : memref<10x80xi32, #tpu.memory_space<vmem>>, vector<1x16xi32>,
    %get3A_28 = arith.constant 0 : i32
    %get3A_29 = arith.index_cast %get3A_28 : i32 to index
    %get3A_30 = arith.constant 16 : index
    %get3A_31 = tpu.vector_load %arg6[%get3A_29, %get3A_30] {strides = array<i32>} : memref<10x80xi32, #tpu.memory_space<vmem>>, vector<1x16xi32>,
    %get3A_32 = vector.shape_cast %get3A_31 : vector<1x16xi32> to vector<16xi32>
    %mul3A_33 = arith.constant 2 : i32
    %mul3A_34 = vector.broadcast %mul3A_33 : i32 to vector<16xi32>
    %mul3A_35 = arith.muli %get3A_32, %mul3A_34 : vector<16xi32>
    %add3A_36 = vector.broadcast %arg0 : i32 to vector<16xi32>
    %add3A_37 = arith.addi %mul3A_35, %add3A_36 : vector<16xi32>
    %swap3A_38 = arith.constant 0 : i32
    %swap3A_39 = arith.index_cast %swap3A_38 : i32 to index
    %swap3A_40 = arith.constant 16 : index
    %swap3A_41 = tpu.vector_load %arg8[%swap3A_39, %swap3A_40] {strides = array<i32>} : memref<10x80xi32, #tpu.memory_space<vmem>>, vector<1x16xi32>,
    %swap3A_42 = vector.shape_cast %swap3A_41 : vector<1x16xi32> to vector<16xi32>
    %swap3A_43 = vector.shape_cast %add3A_37 : vector<16xi32> to vector<1x16xi32>
    tpu.vector_store %arg8[%swap3A_39, %swap3A_40], %swap3A_43 {strides = array<i32>} : memref<10x80xi32, #tpu.memory_space<vmem>>, vector<1x16xi32>,
    %get3A_44 = arith.constant 0 : i32
    %get3A_45 = arith.index_cast %get3A_44 : i32 to index
    %get3A_46 = arith.constant 32 : index
    %get3A_47 = tpu.vector_load %arg6[%get3A_45, %get3A_46] {strides = array<i32>} : memref<10x80xi32, #tpu.memory_space<vmem>>, vector<1x16xi32>,
    %get3A_48 = vector.shape_cast %get3A_47 : vector<1x16xi32> to vector<16xi32>
    %mul3A_49 = arith.constant 2 : i32
    %mul3A_50 = vector.broadcast %mul3A_49 : i32 to vector<16xi32>
    %mul3A_51 = arith.muli %get3A_48, %mul3A_50 : vector<16xi32>
    %add3A_52 = vector.broadcast %arg0 : i32 to vector<16xi32>
    %add3A_53 = arith.addi %mul3A_51, %add3A_52 : vector<16xi32>
    %swap3A_54 = arith.constant 0 : i32
    %swap3A_55 = arith.index_cast %swap3A_54 : i32 to index
    %swap3A_56 = arith.constant 32 : index
    %swap3A_57 = tpu.vector_load %arg8[%swap3A_55, %swap3A_56] {strides = array<i32>} : memref<10x80xi32, #tpu.memory_space<vmem>>, vector<1x16xi32>,
    %swap3A_58 = vector.shape_cast %swap3A_57 : vector<1x16xi32> to vector<16xi32>
    %swap3A_59 = vector.shape_cast %add3A_53 : vector<16xi32> to vector<1x16xi32>
    tpu.vector_store %arg8[%swap3A_55, %swap3A_56], %swap3A_59 {strides = array<i32>} : memref<10x80xi32, #tpu.memory_space<vmem>>, vector<1x16xi32>,
    %get3A_60 = arith.constant 0 : i32
    %get3A_61 = arith.index_cast %get3A_60 : i32 to index
    %get3A_62 = arith.constant 48 : index
    %get3A_63 = tpu.vector_load %arg6[%get3A_61, %get3A_62] {strides = array<i32>} : memref<10x80xi32, #tpu.memory_space<vmem>>, vector<1x16xi32>,
    %get3A_64 = vector.shape_cast %get3A_63 : vector<1x16xi32> to vector<16xi32>
    %mul3A_65 = arith.constant 2 : i32
    %mul3A_66 = vector.broadcast %mul3A_65 : i32 to vector<16xi32>
    %mul3A_67 = arith.muli %get3A_64, %mul3A_66 : vector<16xi32>
    %add3A_68 = vector.broadcast %arg0 : i32 to vector<16xi32>
    %add3A_69 = arith.addi %mul3A_67, %add3A_68 : vector<16xi32>
    %swap3A_70 = arith.constant 0 : i32
    %swap3A_71 = arith.index_cast %swap3A_70 : i32 to index
    %swap3A_72 = arith.constant 48 : index
    %swap3A_73 = tpu.vector_load %arg8[%swap3A_71, %swap3A_72] {strides = array<i32>} : memref<10x80xi32, #tpu.memory_space<vmem>>, vector<1x16xi32>,
    %swap3A_74 = vector.shape_cast %swap3A_73 : vector<1x16xi32> to vector<16xi32>
    %swap3A_75 = vector.shape_cast %add3A_69 : vector<16xi32> to vector<1x16xi32>
    tpu.vector_store %arg8[%swap3A_71, %swap3A_72], %swap3A_75 {strides = array<i32>} : memref<10x80xi32, #tpu.memory_space<vmem>>, vector<1x16xi32>,
    %get3A_76 = arith.constant 0 : i32
    %get3A_77 = arith.index_cast %get3A_76 : i32 to index
    %get3A_78 = arith.constant 64 : index
    %get3A_79 = tpu.vector_load %arg6[%get3A_77, %get3A_78] {strides = array<i32>} : memref<10x80xi32, #tpu.memory_space<vmem>>, vector<1x16xi32>,
    %get3A_80 = vector.shape_cast %get3A_79 : vector<1x16xi32> to vector<16xi32>
    %mul3A_81 = arith.constant 2 : i32
    %mul3A_82 = vector.broadcast %mul3A_81 : i32 to vector<16xi32>
    %mul3A_83 = arith.muli %get3A_80, %mul3A_82 : vector<16xi32>
    %add3A_84 = vector.broadcast %arg0 : i32 to vector<16xi32>
    %add3A_85 = arith.addi %mul3A_83, %add3A_84 : vector<16xi32>
    %swap3A_86 = arith.constant 0 : i32
    %swap3A_87 = arith.index_cast %swap3A_86 : i32 to index
    %swap3A_88 = arith.constant 64 : index
    %swap3A_89 = tpu.vector_load %arg8[%swap3A_87, %swap3A_88] {strides = array<i32>} : memref<10x80xi32, #tpu.memory_space<vmem>>, vector<1x16xi32>,
    %swap3A_90 = vector.shape_cast %swap3A_89 : vector<1x16xi32> to vector<16xi32>
    %swap3A_91 = vector.shape_cast %add3A_85 : vector<16xi32> to vector<1x16xi32>
    tpu.vector_store %arg8[%swap3A_87, %swap3A_88], %swap3A_91 {strides = array<i32>} : memref<10x80xi32, #tpu.memory_space<vmem>>, vector<1x16xi32>,
    %get3A_92 = arith.constant 1 : i32
    %get3A_93 = arith.index_cast %get3A_92 : i32 to index
    %get3A_94 = arith.constant 0 : index
    %get3A_95 = tpu.vector_load %arg6[%get3A_93, %get3A_94] {strides = array<i32>} : memref<10x80xi32, #tpu.memory_space<vmem>>, vector<1x16xi32>,
    %get3A_96 = vector.shape_cast %get3A_95 : vector<1x16xi32> to vector<16xi32>
    %mul3A_97 = arith.constant 2 : i32
    %mul3A_98 = vector.broadcast %mul3A_97 : i32 to vector<16xi32>
    %mul3A_99 = arith.muli %get3A_96, %mul3A_98 : vector<16xi32>
    %add3A_100 = vector.broadcast %arg0 : i32 to vector<16xi32>
    %add3A_101 = arith.addi %mul3A_99, %add3A_100 : vector<16xi32>
    %swap3A_102 = arith.constant 1 : i32
    %swap3A_103 = arith.index_cast %swap3A_102 : i32 to index
    %swap3A_104 = arith.constant 0 : index
    %swap3A_105 = tpu.vector_load %arg8[%swap3A_103, %swap3A_104] {strides = array<i32>} : memref<10x80xi32, #tpu.memory_space<vmem>>, vector<1x16xi32>,
    %swap3A_106 = vector.shape_cast %swap3A_105 : vector<1x16xi32> to vector<16xi32>
    %swap3A_107 = vector.shape_cast %add3A_101 : vector<16xi32> to vector<1x16xi32>
    tpu.vector_store %arg8[%swap3A_103, %swap3A_104], %swap3A_107 {strides = array<i32>} : memref<10x80xi32, #tpu.memory_space<vmem>>, vector<1x16xi32>,
    %get3A_108 = arith.constant 1 : i32
    %get3A_109 = arith.index_cast %get3A_108 : i32 to index
    %get3A_110 = arith.constant 16 : index
    %get3A_111 = tpu.vector_load %arg6[%get3A_109, %get3A_110] {strides = array<i32>} : memref<10x80xi32, #tpu.memory_space<vmem>>, vector<1x16xi32>,
    %get3A_112 = vector.shape_cast %get3A_111 : vector<1x16xi32> to vector<16xi32>
    %mul3A_113 = arith.constant 2 : i32
    %mul3A_114 = vector.broadcast %mul3A_113 : i32 to vector<16xi32>
    %mul3A_115 = arith.muli %get3A_112, %mul3A_114 : vector<16xi32>
    %add3A_116 = vector.broadcast %arg0 : i32 to vector<16xi32>
    %add3A_117 = arith.addi %mul3A_115, %add3A_116 : vector<16xi32>
    %swap3A_118 = arith.constant 1 : i32
    %swap3A_119 = arith.index_cast %swap3A_118 : i32 to index
    %swap3A_120 = arith.constant 16 : index
    %swap3A_121 = tpu.vector_load %arg8[%swap3A_119, %swap3A_120] {strides = array<i32>} : memref<10x80xi32, #tpu.memory_space<vmem>>, vector<1x16xi32>,
    %swap3A_122 = vector.shape_cast %swap3A_121 : vector<1x16xi32> to vector<16xi32>
    %swap3A_123 = vector.shape_cast %add3A_117 : vector<16xi32> to vector<1x16xi32>
    tpu.vector_store %arg8[%swap3A_119, %swap3A_120], %swap3A_123 {strides = array<i32>} : memref<10x80xi32, #tpu.memory_space<vmem>>, vector<1x16xi32>,
    %get3A_124 = arith.constant 1 : i32
    %get3A_125 = arith.index_cast %get3A_124 : i32 to index
    %get3A_126 = arith.constant 32 : index
    %get3A_127 = tpu.vector_load %arg6[%get3A_125, %get3A_126] {strides = array<i32>} : memref<10x80xi32, #tpu.memory_space<vmem>>, vector<1x16xi32>,
    %get3A_128 = vector.shape_cast %get3A_127 : vector<1x16xi32> to vector<16xi32>
    %mul3A_129 = arith.constant 2 : i32
    %mul3A_130 = vector.broadcast %mul3A_129 : i32 to vector<16xi32>
    %mul3A_131 = arith.muli %get3A_128, %mul3A_130 : vector<16xi32>
    %add3A_132 = vector.broadcast %arg0 : i32 to vector<16xi32>
    %add3A_133 = arith.addi %mul3A_131, %add3A_132 : vector<16xi32>
    %swap3A_134 = arith.constant 1 : i32
    %swap3A_135 = arith.index_cast %swap3A_134 : i32 to index
    %swap3A_136 = arith.constant 32 : index
    %swap3A_137 = tpu.vector_load %arg8[%swap3A_135, %swap3A_136] {strides = array<i32>} : memref<10x80xi32, #tpu.memory_space<vmem>>, vector<1x16xi32>,
    %swap3A_138 = vector.shape_cast %swap3A_137 : vector<1x16xi32> to vector<16xi32>
    %swap3A_139 = vector.shape_cast %add3A_133 : vector<16xi32> to vector<1x16xi32>
    tpu.vector_store %arg8[%swap3A_135, %swap3A_136], %swap3A_139 {strides = array<i32>} : memref<10x80xi32, #tpu.memory_space<vmem>>, vector<1x16xi32>,
    %get3A_140 = arith.constant 1 : i32
    %get3A_141 = arith.index_cast %get3A_140 : i32 to index
    %get3A_142 = arith.constant 48 : index
    %get3A_143 = tpu.vector_load %arg6[%get3A_141, %get3A_142] {strides = array<i32>} : memref<10x80xi32, #tpu.memory_space<vmem>>, vector<1x16xi32>,
    %get3A_144 = vector.shape_cast %get3A_143 : vector<1x16xi32> to vector<16xi32>
    %mul3A_145 = arith.constant 2 : i32
    %mul3A_146 = vector.broadcast %mul3A_145 : i32 to vector<16xi32>
    %mul3A_147 = arith.muli %get3A_144, %mul3A_146 : vector<16xi32>
    %add3A_148 = vector.broadcast %arg0 : i32 to vector<16xi32>
    %add3A_149 = arith.addi %mul3A_147, %add3A_148 : vector<16xi32>
    %swap3A_150 = arith.constant 1 : i32
    %swap3A_151 = arith.index_cast %swap3A_150 : i32 to index
    %swap3A_152 = arith.constant 48 : index
    %swap3A_153 = tpu.vector_load %arg8[%swap3A_151, %swap3A_152] {strides = array<i32>} : memref<10x80xi32, #tpu.memory_space<vmem>>, vector<1x16xi32>,
    %swap3A_154 = vector.shape_cast %swap3A_153 : vector<1x16xi32> to vector<16xi32>
    %swap3A_155 = vector.shape_cast %add3A_149 : vector<16xi32> to vector<1x16xi32>
    tpu.vector_store %arg8[%swap3A_151, %swap3A_152], %swap3A_155 {strides = array<i32>} : memref<10x80xi32, #tpu.memory_space<vmem>>, vector<1x16xi32>,
    %get3A_156 = arith.constant 1 : i32
    %get3A_157 = arith.index_cast %get3A_156 : i32 to index
    %get3A_158 = arith.constant 64 : index
    %get3A_159 = tpu.vector_load %arg6[%get3A_157, %get3A_158] {strides = array<i32>} : memref<10x80xi32, #tpu.memory_space<vmem>>, vector<1x16xi32>,
    %get3A_160 = vector.shape_cast %get3A_159 : vector<1x16xi32> to vector<16xi32>
    %mul3A_161 = arith.constant 2 : i32
    %mul3A_162 = vector.broadcast %mul3A_161 : i32 to vector<16xi32>
    %mul3A_163 = arith.muli %get3A_160, %mul3A_162 : vector<16xi32>
    %add3A_164 = vector.broadcast %arg0 : i32 to vector<16xi32>
    %add3A_165 = arith.addi %mul3A_163, %add3A_164 : vector<16xi32>
    %swap3A_166 = arith.constant 1 : i32
    %swap3A_167 = arith.index_cast %swap3A_166 : i32 to index
    %swap3A_168 = arith.constant 64 : index
    %swap3A_169 = tpu.vector_load %arg8[%swap3A_167, %swap3A_168] {strides = array<i32>} : memref<10x80xi32, #tpu.memory_space<vmem>>, vector<1x16xi32>,
    %swap3A_170 = vector.shape_cast %swap3A_169 : vector<1x16xi32> to vector<16xi32>
    %swap3A_171 = vector.shape_cast %add3A_165 : vector<16xi32> to vector<1x16xi32>
    tpu.vector_store %arg8[%swap3A_167, %swap3A_168], %swap3A_171 {strides = array<i32>} : memref<10x80xi32, #tpu.memory_space<vmem>>, vector<1x16xi32>,
    %get3A_172 = arith.constant 2 : i32
    %get3A_173 = arith.index_cast %get3A_172 : i32 to index
    %get3A_174 = arith.constant 0 : index
    %get3A_175 = tpu.vector_load %arg6[%get3A_173, %get3A_174] {strides = array<i32>} : memref<10x80xi32, #tpu.memory_space<vmem>>, vector<1x16xi32>,
    %get3A_176 = vector.shape_cast %get3A_175 : vector<1x16xi32> to vector<16xi32>
    %mul3A_177 = arith.constant 2 : i32
    %mul3A_178 = vector.broadcast %mul3A_177 : i32 to vector<16xi32>
    %mul3A_179 = arith.muli %get3A_176, %mul3A_178 : vector<16xi32>
    %add3A_180 = vector.broadcast %arg0 : i32 to vector<16xi32>
    %add3A_181 = arith.addi %mul3A_179, %add3A_180 : vector<16xi32>
    %swap3A_182 = arith.constant 2 : i32
    %swap3A_183 = arith.index_cast %swap3A_182 : i32 to index
    %swap3A_184 = arith.constant 0 : index
    %swap3A_185 = tpu.vector_load %arg8[%swap3A_183, %swap3A_184] {strides = array<i32>} : memref<10x80xi32, #tpu.memory_space<vmem>>, vector<1x16xi32>,
    %swap3A_186 = vector.shape_cast %swap3A_185 : vector<1x16xi32> to vector<16xi32>
    %swap3A_187 = vector.shape_cast %add3A_181 : vector<16xi32> to vector<1x16xi32>
    tpu.vector_store %arg8[%swap3A_183, %swap3A_184], %swap3A_187 {strides = array<i32>} : memref<10x80xi32, #tpu.memory_space<vmem>>, vector<1x16xi32>,
    %get3A_188 = arith.constant 2 : i32
    %get3A_189 = arith.index_cast %get3A_188 : i32 to index
    %get3A_190 = arith.constant 16 : index
    %get3A_191 = tpu.vector_load %arg6[%get3A_189, %get3A_190] {strides = array<i32>} : memref<10x80xi32, #tpu.memory_space<vmem>>, vector<1x16xi32>,
    %get3A_192 = vector.shape_cast %get3A_191 : vector<1x16xi32> to vector<16xi32>
    %mul3A_193 = arith.constant 2 : i32
    %mul3A_194 = vector.broadcast %mul3A_193 : i32 to vector<16xi32>
    %mul3A_195 = arith.muli %get3A_192, %mul3A_194 : vector<16xi32>
    %add3A_196 = vector.broadcast %arg0 : i32 to vector<16xi32>
    %add3A_197 = arith.addi %mul3A_195, %add3A_196 : vector<16xi32>
    %swap3A_198 = arith.constant 2 : i32
    %swap3A_199 = arith.index_cast %swap3A_198 : i32 to index
    %swap3A_200 = arith.constant 16 : index
    %swap3A_201 = tpu.vector_load %arg8[%swap3A_199, %swap3A_200] {strides = array<i32>} : memref<10x80xi32, #tpu.memory_space<vmem>>, vector<1x16xi32>,
    %swap3A_202 = vector.shape_cast %swap3A_201 : vector<1x16xi32> to vector<16xi32>
    %swap3A_203 = vector.shape_cast %add3A_197 : vector<16xi32> to vector<1x16xi32>
    tpu.vector_store %arg8[%swap3A_199, %swap3A_200], %swap3A_203 {strides = array<i32>} : memref<10x80xi32, #tpu.memory_space<vmem>>, vector<1x16xi32>,
    %get3A_204 = arith.constant 2 : i32
    %get3A_205 = arith.index_cast %get3A_204 : i32 to index
    %get3A_206 = arith.constant 32 : index
    %get3A_207 = tpu.vector_load %arg6[%get3A_205, %get3A_206] {strides = array<i32>} : memref<10x80xi32, #tpu.memory_space<vmem>>, vector<1x16xi32>,
    %get3A_208 = vector.shape_cast %get3A_207 : vector<1x16xi32> to vector<16xi32>
    %mul3A_209 = arith.constant 2 : i32
    %mul3A_210 = vector.broadcast %mul3A_209 : i32 to vector<16xi32>
    %mul3A_211 = arith.muli %get3A_208, %mul3A_210 : vector<16xi32>
    %add3A_212 = vector.broadcast %arg0 : i32 to vector<16xi32>
    %add3A_213 = arith.addi %mul3A_211, %add3A_212 : vector<16xi32>
    %swap3A_214 = arith.constant 2 : i32
    %swap3A_215 = arith.index_cast %swap3A_214 : i32 to index
    %swap3A_216 = arith.constant 32 : index
    %swap3A_217 = tpu.vector_load %arg8[%swap3A_215, %swap3A_216] {strides = array<i32>} : memref<10x80xi32, #tpu.memory_space<vmem>>, vector<1x16xi32>,
    %swap3A_218 = vector.shape_cast %swap3A_217 : vector<1x16xi32> to vector<16xi32>
    %swap3A_219 = vector.shape_cast %add3A_213 : vector<16xi32> to vector<1x16xi32>
    tpu.vector_store %arg8[%swap3A_215, %swap3A_216], %swap3A_219 {strides = array<i32>} : memref<10x80xi32, #tpu.memory_space<vmem>>, vector<1x16xi32>,
    %get3A_220 = arith.constant 2 : i32
    %get3A_221 = arith.index_cast %get3A_220 : i32 to index
    %get3A_222 = arith.constant 48 : index
    %get3A_223 = tpu.vector_load %arg6[%get3A_221, %get3A_222] {strides = array<i32>} : memref<10x80xi32, #tpu.memory_space<vmem>>, vector<1x16xi32>,
    %get3A_224 = vector.shape_cast %get3A_223 : vector<1x16xi32> to vector<16xi32>
    %mul3A_225 = arith.constant 2 : i32
    %mul3A_226 = vector.broadcast %mul3A_225 : i32 to vector<16xi32>
    %mul3A_227 = arith.muli %get3A_224, %mul3A_226 : vector<16xi32>
    %add3A_228 = vector.broadcast %arg0 : i32 to vector<16xi32>
    %add3A_229 = arith.addi %mul3A_227, %add3A_228 : vector<16xi32>
    %swap3A_230 = arith.constant 2 : i32
    %swap3A_231 = arith.index_cast %swap3A_230 : i32 to index
    %swap3A_232 = arith.constant 48 : index
    %swap3A_233 = tpu.vector_load %arg8[%swap3A_231, %swap3A_232] {strides = array<i32>} : memref<10x80xi32, #tpu.memory_space<vmem>>, vector<1x16xi32>,
    %swap3A_234 = vector.shape_cast %swap3A_233 : vector<1x16xi32> to vector<16xi32>
    %swap3A_235 = vector.shape_cast %add3A_229 : vector<16xi32> to vector<1x16xi32>
    tpu.vector_store %arg8[%swap3A_231, %swap3A_232], %swap3A_235 {strides = array<i32>} : memref<10x80xi32, #tpu.memory_space<vmem>>, vector<1x16xi32>,
    %get3A_236 = arith.constant 2 : i32
    %get3A_237 = arith.index_cast %get3A_236 : i32 to index
    %get3A_238 = arith.constant 64 : index
    %get3A_239 = tpu.vector_load %arg6[%get3A_237, %get3A_238] {strides = array<i32>} : memref<10x80xi32, #tpu.memory_space<vmem>>, vector<1x16xi32>,
    %get3A_240 = vector.shape_cast %get3A_239 : vector<1x16xi32> to vector<16xi32>
    %mul3A_241 = arith.constant 2 : i32
    %mul3A_242 = vector.broadcast %mul3A_241 : i32 to vector<16xi32>
    %mul3A_243 = arith.muli %get3A_240, %mul3A_242 : vector<16xi32>
    %add3A_244 = vector.broadcast %arg0 : i32 to vector<16xi32>
    %add3A_245 = arith.addi %mul3A_243, %add3A_244 : vector<16xi32>
    %swap3A_246 = arith.constant 2 : i32
    %swap3A_247 = arith.index_cast %swap3A_246 : i32 to index
    %swap3A_248 = arith.constant 64 : index
    %swap3A_249 = tpu.vector_load %arg8[%swap3A_247, %swap3A_248] {strides = array<i32>} : memref<10x80xi32, #tpu.memory_space<vmem>>, vector<1x16xi32>,
    %swap3A_250 = vector.shape_cast %swap3A_249 : vector<1x16xi32> to vector<16xi32>
    %swap3A_251 = vector.shape_cast %add3A_245 : vector<16xi32> to vector<1x16xi32>
    tpu.vector_store %arg8[%swap3A_247, %swap3A_248], %swap3A_251 {strides = array<i32>} : memref<10x80xi32, #tpu.memory_space<vmem>>, vector<1x16xi32>,
    %get3A_252 = arith.constant 3 : i32
    %get3A_253 = arith.index_cast %get3A_252 : i32 to index
    %get3A_254 = arith.constant 0 : index
    %get3A_255 = tpu.vector_load %arg6[%get3A_253, %get3A_254] {strides = array<i32>} : memref<10x80xi32, #tpu.memory_space<vmem>>, vector<1x16xi32>,
    %get3A_256 = vector.shape_cast %get3A_255 : vector<1x16xi32> to vector<16xi32>
    %mul3A_257 = arith.constant 2 : i32
    %mul3A_258 = vector.broadcast %mul3A_257 : i32 to vector<16xi32>
    %mul3A_259 = arith.muli %get3A_256, %mul3A_258 : vector<16xi32>
    %add3A_260 = vector.broadcast %arg0 : i32 to vector<16xi32>
    %add3A_261 = arith.addi %mul3A_259, %add3A_260 : vector<16xi32>
    %swap3A_262 = arith.constant 3 : i32
    %swap3A_263 = arith.index_cast %swap3A_262 : i32 to index
    %swap3A_264 = arith.constant 0 : index
    %swap3A_265 = tpu.vector_load %arg8[%swap3A_263, %swap3A_264] {strides = array<i32>} : memref<10x80xi32, #tpu.memory_space<vmem>>, vector<1x16xi32>,
    %swap3A_266 = vector.shape_cast %swap3A_265 : vector<1x16xi32> to vector<16xi32>
    %swap3A_267 = vector.shape_cast %add3A_261 : vector<16xi32> to vector<1x16xi32>
    tpu.vector_store %arg8[%swap3A_263, %swap3A_264], %swap3A_267 {strides = array<i32>} : memref<10x80xi32, #tpu.memory_space<vmem>>, vector<1x16xi32>,
    %get3A_268 = arith.constant 3 : i32
    %get3A_269 = arith.index_cast %get3A_268 : i32 to index
    %get3A_270 = arith.constant 16 : index
    %get3A_271 = tpu.vector_load %arg6[%get3A_269, %get3A_270] {strides = array<i32>} : memref<10x80xi32, #tpu.memory_space<vmem>>, vector<1x16xi32>,
    %get3A_272 = vector.shape_cast %get3A_271 : vector<1x16xi32> to vector<16xi32>
    %mul3A_273 = arith.constant 2 : i32
    %mul3A_274 = vector.broadcast %mul3A_273 : i32 to vector<16xi32>
    %mul3A_275 = arith.muli %get3A_272, %mul3A_274 : vector<16xi32>
    %add3A_276 = vector.broadcast %arg0 : i32 to vector<16xi32>
    %add3A_277 = arith.addi %mul3A_275, %add3A_276 : vector<16xi32>
    %swap3A_278 = arith.constant 3 : i32
    %swap3A_279 = arith.index_cast %swap3A_278 : i32 to index
    %swap3A_280 = arith.constant 16 : index
    %swap3A_281 = tpu.vector_load %arg8[%swap3A_279, %swap3A_280] {strides = array<i32>} : memref<10x80xi32, #tpu.memory_space<vmem>>, vector<1x16xi32>,
    %swap3A_282 = vector.shape_cast %swap3A_281 : vector<1x16xi32> to vector<16xi32>
    %swap3A_283 = vector.shape_cast %add3A_277 : vector<16xi32> to vector<1x16xi32>
    tpu.vector_store %arg8[%swap3A_279, %swap3A_280], %swap3A_283 {strides = array<i32>} : memref<10x80xi32, #tpu.memory_space<vmem>>, vector<1x16xi32>,
    %get3A_284 = arith.constant 3 : i32
    %get3A_285 = arith.index_cast %get3A_284 : i32 to index
    %get3A_286 = arith.constant 32 : index
    %get3A_287 = tpu.vector_load %arg6[%get3A_285, %get3A_286] {strides = array<i32>} : memref<10x80xi32, #tpu.memory_space<vmem>>, vector<1x16xi32>,
    %get3A_288 = vector.shape_cast %get3A_287 : vector<1x16xi32> to vector<16xi32>
    %mul3A_289 = arith.constant 2 : i32
    %mul3A_290 = vector.broadcast %mul3A_289 : i32 to vector<16xi32>
    %mul3A_291 = arith.muli %get3A_288, %mul3A_290 : vector<16xi32>
    %add3A_292 = vector.broadcast %arg0 : i32 to vector<16xi32>
    %add3A_293 = arith.addi %mul3A_291, %add3A_292 : vector<16xi32>
    %swap3A_294 = arith.constant 3 : i32
    %swap3A_295 = arith.index_cast %swap3A_294 : i32 to index
    %swap3A_296 = arith.constant 32 : index
    %swap3A_297 = tpu.vector_load %arg8[%swap3A_295, %swap3A_296] {strides = array<i32>} : memref<10x80xi32, #tpu.memory_space<vmem>>, vector<1x16xi32>,
    %swap3A_298 = vector.shape_cast %swap3A_297 : vector<1x16xi32> to vector<16xi32>
    %swap3A_299 = vector.shape_cast %add3A_293 : vector<16xi32> to vector<1x16xi32>
    tpu.vector_store %arg8[%swap3A_295, %swap3A_296], %swap3A_299 {strides = array<i32>} : memref<10x80xi32, #tpu.memory_space<vmem>>, vector<1x16xi32>,
    %get3A_300 = arith.constant 3 : i32
    %get3A_301 = arith.index_cast %get3A_300 : i32 to index
    %get3A_302 = arith.constant 48 : index
    %get3A_303 = tpu.vector_load %arg6[%get3A_301, %get3A_302] {strides = array<i32>} : memref<10x80xi32, #tpu.memory_space<vmem>>, vector<1x16xi32>,
    %get3A_304 = vector.shape_cast %get3A_303 : vector<1x16xi32> to vector<16xi32>
    %mul3A_305 = arith.constant 2 : i32
    %mul3A_306 = vector.broadcast %mul3A_305 : i32 to vector<16xi32>
    %mul3A_307 = arith.muli %get3A_304, %mul3A_306 : vector<16xi32>
    %add3A_308 = vector.broadcast %arg0 : i32 to vector<16xi32>
    %add3A_309 = arith.addi %mul3A_307, %add3A_308 : vector<16xi32>
    %swap3A_310 = arith.constant 3 : i32
    %swap3A_311 = arith.index_cast %swap3A_310 : i32 to index
    %swap3A_312 = arith.constant 48 : index
    %swap3A_313 = tpu.vector_load %arg8[%swap3A_311, %swap3A_312] {strides = array<i32>} : memref<10x80xi32, #tpu.memory_space<vmem>>, vector<1x16xi32>,
    %swap3A_314 = vector.shape_cast %swap3A_313 : vector<1x16xi32> to vector<16xi32>
    %swap3A_315 = vector.shape_cast %add3A_309 : vector<16xi32> to vector<1x16xi32>
    tpu.vector_store %arg8[%swap3A_311, %swap3A_312], %swap3A_315 {strides = array<i32>} : memref<10x80xi32, #tpu.memory_space<vmem>>, vector<1x16xi32>,
    %get3A_316 = arith.constant 3 : i32
    %get3A_317 = arith.index_cast %get3A_316 : i32 to index
    %get3A_318 = arith.constant 64 : index
    %get3A_319 = tpu.vector_load %arg6[%get3A_317, %get3A_318] {strides = array<i32>} : memref<10x80xi32, #tpu.memory_space<vmem>>, vector<1x16xi32>,
    %get3A_320 = vector.shape_cast %get3A_319 : vector<1x16xi32> to vector<16xi32>
    %mul3A_321 = arith.constant 2 : i32
    %mul3A_322 = vector.broadcast %mul3A_321 : i32 to vector<16xi32>
    %mul3A_323 = arith.muli %get3A_320, %mul3A_322 : vector<16xi32>
    %add3A_324 = vector.broadcast %arg0 : i32 to vector<16xi32>
    %add3A_325 = arith.addi %mul3A_323, %add3A_324 : vector<16xi32>
    %swap3A_326 = arith.constant 3 : i32
    %swap3A_327 = arith.index_cast %swap3A_326 : i32 to index
    %swap3A_328 = arith.constant 64 : index
    %swap3A_329 = tpu.vector_load %arg8[%swap3A_327, %swap3A_328] {strides = array<i32>} : memref<10x80xi32, #tpu.memory_space<vmem>>, vector<1x16xi32>,
    %swap3A_330 = vector.shape_cast %swap3A_329 : vector<1x16xi32> to vector<16xi32>
    %swap3A_331 = vector.shape_cast %add3A_325 : vector<16xi32> to vector<1x16xi32>
    tpu.vector_store %arg8[%swap3A_327, %swap3A_328], %swap3A_331 {strides = array<i32>} : memref<10x80xi32, #tpu.memory_space<vmem>>, vector<1x16xi32>,
    %get3A_332 = arith.constant 4 : i32
    %get3A_333 = arith.index_cast %get3A_332 : i32 to index
    %get3A_334 = arith.constant 0 : index
    %get3A_335 = tpu.vector_load %arg6[%get3A_333, %get3A_334] {strides = array<i32>} : memref<10x80xi32, #tpu.memory_space<vmem>>, vector<1x16xi32>,
    %get3A_336 = vector.shape_cast %get3A_335 : vector<1x16xi32> to vector<16xi32>
    %mul3A_337 = arith.constant 2 : i32
    %mul3A_338 = vector.broadcast %mul3A_337 : i32 to vector<16xi32>
    %mul3A_339 = arith.muli %get3A_336, %mul3A_338 : vector<16xi32>
    %add3A_340 = vector.broadcast %arg0 : i32 to vector<16xi32>
    %add3A_341 = arith.addi %mul3A_339, %add3A_340 : vector<16xi32>
    %swap3A_342 = arith.constant 4 : i32
    %swap3A_343 = arith.index_cast %swap3A_342 : i32 to index
    %swap3A_344 = arith.constant 0 : index
    %swap3A_345 = tpu.vector_load %arg8[%swap3A_343, %swap3A_344] {strides = array<i32>} : memref<10x80xi32, #tpu.memory_space<vmem>>, vector<1x16xi32>,
    %swap3A_346 = vector.shape_cast %swap3A_345 : vector<1x16xi32> to vector<16xi32>
    %swap3A_347 = vector.shape_cast %add3A_341 : vector<16xi32> to vector<1x16xi32>
    tpu.vector_store %arg8[%swap3A_343, %swap3A_344], %swap3A_347 {strides = array<i32>} : memref<10x80xi32, #tpu.memory_space<vmem>>, vector<1x16xi32>,
    %get3A_348 = arith.constant 4 : i32
    %get3A_349 = arith.index_cast %get3A_348 : i32 to index
    %get3A_350 = arith.constant 16 : index
    %get3A_351 = tpu.vector_load %arg6[%get3A_349, %get3A_350] {strides = array<i32>} : memref<10x80xi32, #tpu.memory_space<vmem>>, vector<1x16xi32>,
    %get3A_352 = vector.shape_cast %get3A_351 : vector<1x16xi32> to vector<16xi32>
    %mul3A_353 = arith.constant 2 : i32
    %mul3A_354 = vector.broadcast %mul3A_353 : i32 to vector<16xi32>
    %mul3A_355 = arith.muli %get3A_352, %mul3A_354 : vector<16xi32>
    %add3A_356 = vector.broadcast %arg0 : i32 to vector<16xi32>
    %add3A_357 = arith.addi %mul3A_355, %add3A_356 : vector<16xi32>
    %swap3A_358 = arith.constant 4 : i32
    %swap3A_359 = arith.index_cast %swap3A_358 : i32 to index
    %swap3A_360 = arith.constant 16 : index
    %swap3A_361 = tpu.vector_load %arg8[%swap3A_359, %swap3A_360] {strides = array<i32>} : memref<10x80xi32, #tpu.memory_space<vmem>>, vector<1x16xi32>,
    %swap3A_362 = vector.shape_cast %swap3A_361 : vector<1x16xi32> to vector<16xi32>
    %swap3A_363 = vector.shape_cast %add3A_357 : vector<16xi32> to vector<1x16xi32>
    tpu.vector_store %arg8[%swap3A_359, %swap3A_360], %swap3A_363 {strides = array<i32>} : memref<10x80xi32, #tpu.memory_space<vmem>>, vector<1x16xi32>,
    %get3A_364 = arith.constant 4 : i32
    %get3A_365 = arith.index_cast %get3A_364 : i32 to index
    %get3A_366 = arith.constant 32 : index
    %get3A_367 = tpu.vector_load %arg6[%get3A_365, %get3A_366] {strides = array<i32>} : memref<10x80xi32, #tpu.memory_space<vmem>>, vector<1x16xi32>,
    %get3A_368 = vector.shape_cast %get3A_367 : vector<1x16xi32> to vector<16xi32>
    %mul3A_369 = arith.constant 2 : i32
    %mul3A_370 = vector.broadcast %mul3A_369 : i32 to vector<16xi32>
    %mul3A_371 = arith.muli %get3A_368, %mul3A_370 : vector<16xi32>
    %add3A_372 = vector.broadcast %arg0 : i32 to vector<16xi32>
    %add3A_373 = arith.addi %mul3A_371, %add3A_372 : vector<16xi32>
    %swap3A_374 = arith.constant 4 : i32
    %swap3A_375 = arith.index_cast %swap3A_374 : i32 to index
    %swap3A_376 = arith.constant 32 : index
    %swap3A_377 = tpu.vector_load %arg8[%swap3A_375, %swap3A_376] {strides = array<i32>} : memref<10x80xi32, #tpu.memory_space<vmem>>, vector<1x16xi32>,
    %swap3A_378 = vector.shape_cast %swap3A_377 : vector<1x16xi32> to vector<16xi32>
    %swap3A_379 = vector.shape_cast %add3A_373 : vector<16xi32> to vector<1x16xi32>
    tpu.vector_store %arg8[%swap3A_375, %swap3A_376], %swap3A_379 {strides = array<i32>} : memref<10x80xi32, #tpu.memory_space<vmem>>, vector<1x16xi32>,
    %get3A_380 = arith.constant 4 : i32
    %get3A_381 = arith.index_cast %get3A_380 : i32 to index
    %get3A_382 = arith.constant 48 : index
    %get3A_383 = tpu.vector_load %arg6[%get3A_381, %get3A_382] {strides = array<i32>} : memref<10x80xi32, #tpu.memory_space<vmem>>, vector<1x16xi32>,
    %get3A_384 = vector.shape_cast %get3A_383 : vector<1x16xi32> to vector<16xi32>
    %mul3A_385 = arith.constant 2 : i32
    %mul3A_386 = vector.broadcast %mul3A_385 : i32 to vector<16xi32>
    %mul3A_387 = arith.muli %get3A_384, %mul3A_386 : vector<16xi32>
    %add3A_388 = vector.broadcast %arg0 : i32 to vector<16xi32>
    %add3A_389 = arith.addi %mul3A_387, %add3A_388 : vector<16xi32>
    %swap3A_390 = arith.constant 4 : i32
    %swap3A_391 = arith.index_cast %swap3A_390 : i32 to index
    %swap3A_392 = arith.constant 48 : index
    %swap3A_393 = tpu.vector_load %arg8[%swap3A_391, %swap3A_392] {strides = array<i32>} : memref<10x80xi32, #tpu.memory_space<vmem>>, vector<1x16xi32>,
    %swap3A_394 = vector.shape_cast %swap3A_393 : vector<1x16xi32> to vector<16xi32>
    %swap3A_395 = vector.shape_cast %add3A_389 : vector<16xi32> to vector<1x16xi32>
    tpu.vector_store %arg8[%swap3A_391, %swap3A_392], %swap3A_395 {strides = array<i32>} : memref<10x80xi32, #tpu.memory_space<vmem>>, vector<1x16xi32>,
    %get3A_396 = arith.constant 4 : i32
    %get3A_397 = arith.index_cast %get3A_396 : i32 to index
    %get3A_398 = arith.constant 64 : index
    %get3A_399 = tpu.vector_load %arg6[%get3A_397, %get3A_398] {strides = array<i32>} : memref<10x80xi32, #tpu.memory_space<vmem>>, vector<1x16xi32>,
    %get3A_400 = vector.shape_cast %get3A_399 : vector<1x16xi32> to vector<16xi32>
    %mul3A_401 = arith.constant 2 : i32
    %mul3A_402 = vector.broadcast %mul3A_401 : i32 to vector<16xi32>
    %mul3A_403 = arith.muli %get3A_400, %mul3A_402 : vector<16xi32>
    %add3A_404 = vector.broadcast %arg0 : i32 to vector<16xi32>
    %add3A_405 = arith.addi %mul3A_403, %add3A_404 : vector<16xi32>
    %swap3A_406 = arith.constant 4 : i32
    %swap3A_407 = arith.index_cast %swap3A_406 : i32 to index
    %swap3A_408 = arith.constant 64 : index
    %swap3A_409 = tpu.vector_load %arg8[%swap3A_407, %swap3A_408] {strides = array<i32>} : memref<10x80xi32, #tpu.memory_space<vmem>>, vector<1x16xi32>,
    %swap3A_410 = vector.shape_cast %swap3A_409 : vector<1x16xi32> to vector<16xi32>
    %swap3A_411 = vector.shape_cast %add3A_405 : vector<16xi32> to vector<1x16xi32>
    tpu.vector_store %arg8[%swap3A_407, %swap3A_408], %swap3A_411 {strides = array<i32>} : memref<10x80xi32, #tpu.memory_space<vmem>>, vector<1x16xi32>,
    %dma_start3A = arith.constant 0 : i32
    %dma_start3A_412 = arith.constant 0 : i32
    %dma_start3A_413 = arith.constant 0 : i32
    %dma_start3A_414 = arith.constant 0 : i32
    %dma_start3A_415 = tpu.memref_slice %arg9[%dma_start3A_412, %dma_start3A_413, %dma_start3A_414] : memref<10x80x64xf32, #tpu.memory_space<vmem>> -> memref<1x80x64xf32, #tpu.memory_space<vmem>>
    %dma_start3A_416 = tpu.memref_squeeze %dma_start3A_415 : memref<1x80x64xf32, #tpu.memory_space<vmem>> -> memref<80x64xf32, #tpu.memory_space<vmem>>
    %dma_start3A_417 = arith.constant 0 : i32
    %dma_start3A_418 = tpu.memref_slice %arg8[%dma_start3A, %dma_start3A_417] : memref<10x80xi32, #tpu.memory_space<vmem>> -> memref<1x80xi32, #tpu.memory_space<vmem>>
    %dma_start3A_419 = tpu.memref_squeeze %dma_start3A_418 : memref<1x80xi32, #tpu.memory_space<vmem>> -> memref<80xi32, #tpu.memory_space<vmem>>
    %dma_start3A_420 = arith.constant 0 : i32
    %dma_start3A_421 = arith.constant 0 : i32
    %dma_start3A_422 = tpu.memref_slice %arg2[%dma_start3A_420, %dma_start3A_421] : memref<100000x64xf32, #tpu.memory_space<hbm>> -> memref<100000x64xf32, #tpu.memory_space<hbm>>
    tpu.enqueue_indirect_dma source(%dma_start3A_422 : memref<100000x64xf32, #tpu.memory_space<hbm>>) target(%dma_start3A_416 : memref<80x64xf32, #tpu.memory_space<vmem>>) offsets(%dma_start3A_419 : memref<80xi32, #tpu.memory_space<vmem>>) semaphore(%arg12 : memref<!tpu.dma_semaphore, #tpu.memory_space<semaphore_mem>>)
    %dma_start3A_423 = arith.constant 1 : i32
    %dma_start3A_424 = arith.constant 1 : i32
    %dma_start3A_425 = arith.constant 0 : i32
    %dma_start3A_426 = arith.constant 0 : i32
    %dma_start3A_427 = tpu.memref_slice %arg9[%dma_start3A_424, %dma_start3A_425, %dma_start3A_426] : memref<10x80x64xf32, #tpu.memory_space<vmem>> -> memref<1x80x64xf32, #tpu.memory_space<vmem>>
    %dma_start3A_428 = tpu.memref_squeeze %dma_start3A_427 : memref<1x80x64xf32, #tpu.memory_space<vmem>> -> memref<80x64xf32, #tpu.memory_space<vmem>>
    %dma_start3A_429 = arith.constant 0 : i32
    %dma_start3A_430 = tpu.memref_slice %arg8[%dma_start3A_423, %dma_start3A_429] : memref<10x80xi32, #tpu.memory_space<vmem>> -> memref<1x80xi32, #tpu.memory_space<vmem>>
    %dma_start3A_431 = tpu.memref_squeeze %dma_start3A_430 : memref<1x80xi32, #tpu.memory_space<vmem>> -> memref<80xi32, #tpu.memory_space<vmem>>
    %dma_start3A_432 = arith.constant 0 : i32
    %dma_start3A_433 = arith.constant 0 : i32
    %dma_start3A_434 = tpu.memref_slice %arg2[%dma_start3A_432, %dma_start3A_433] : memref<100000x64xf32, #tpu.memory_space<hbm>> -> memref<100000x64xf32, #tpu.memory_space<hbm>>
    tpu.enqueue_indirect_dma source(%dma_start3A_434 : memref<100000x64xf32, #tpu.memory_space<hbm>>) target(%dma_start3A_428 : memref<80x64xf32, #tpu.memory_space<vmem>>) offsets(%dma_start3A_431 : memref<80xi32, #tpu.memory_space<vmem>>) semaphore(%arg12 : memref<!tpu.dma_semaphore, #tpu.memory_space<semaphore_mem>>)
    %dma_start3A_435 = arith.constant 2 : i32
    %dma_start3A_436 = arith.constant 2 : i32
    %dma_start3A_437 = arith.constant 0 : i32
    %dma_start3A_438 = arith.constant 0 : i32
    %dma_start3A_439 = tpu.memref_slice %arg9[%dma_start3A_436, %dma_start3A_437, %dma_start3A_438] : memref<10x80x64xf32, #tpu.memory_space<vmem>> -> memref<1x80x64xf32, #tpu.memory_space<vmem>>
    %dma_start3A_440 = tpu.memref_squeeze %dma_start3A_439 : memref<1x80x64xf32, #tpu.memory_space<vmem>> -> memref<80x64xf32, #tpu.memory_space<vmem>>
    %dma_start3A_441 = arith.constant 0 : i32
    %dma_start3A_442 = tpu.memref_slice %arg8[%dma_start3A_435, %dma_start3A_441] : memref<10x80xi32, #tpu.memory_space<vmem>> -> memref<1x80xi32, #tpu.memory_space<vmem>>
    %dma_start3A_443 = tpu.memref_squeeze %dma_start3A_442 : memref<1x80xi32, #tpu.memory_space<vmem>> -> memref<80xi32, #tpu.memory_space<vmem>>
    %dma_start3A_444 = arith.constant 0 : i32
    %dma_start3A_445 = arith.constant 0 : i32
    %dma_start3A_446 = tpu.memref_slice %arg2[%dma_start3A_444, %dma_start3A_445] : memref<100000x64xf32, #tpu.memory_space<hbm>> -> memref<100000x64xf32, #tpu.memory_space<hbm>>
    tpu.enqueue_indirect_dma source(%dma_start3A_446 : memref<100000x64xf32, #tpu.memory_space<hbm>>) target(%dma_start3A_440 : memref<80x64xf32, #tpu.memory_space<vmem>>) offsets(%dma_start3A_443 : memref<80xi32, #tpu.memory_space<vmem>>) semaphore(%arg12 : memref<!tpu.dma_semaphore, #tpu.memory_space<semaphore_mem>>)
    %dma_start3A_447 = arith.constant 3 : i32
    %dma_start3A_448 = arith.constant 3 : i32
    %dma_start3A_449 = arith.constant 0 : i32
    %dma_start3A_450 = arith.constant 0 : i32
    %dma_start3A_451 = tpu.memref_slice %arg9[%dma_start3A_448, %dma_start3A_449, %dma_start3A_450] : memref<10x80x64xf32, #tpu.memory_space<vmem>> -> memref<1x80x64xf32, #tpu.memory_space<vmem>>
    %dma_start3A_452 = tpu.memref_squeeze %dma_start3A_451 : memref<1x80x64xf32, #tpu.memory_space<vmem>> -> memref<80x64xf32, #tpu.memory_space<vmem>>
    %dma_start3A_453 = arith.constant 0 : i32
    %dma_start3A_454 = tpu.memref_slice %arg8[%dma_start3A_447, %dma_start3A_453] : memref<10x80xi32, #tpu.memory_space<vmem>> -> memref<1x80xi32, #tpu.memory_space<vmem>>
    %dma_start3A_455 = tpu.memref_squeeze %dma_start3A_454 : memref<1x80xi32, #tpu.memory_space<vmem>> -> memref<80xi32, #tpu.memory_space<vmem>>
    %dma_start3A_456 = arith.constant 0 : i32
    %dma_start3A_457 = arith.constant 0 : i32
    %dma_start3A_458 = tpu.memref_slice %arg2[%dma_start3A_456, %dma_start3A_457] : memref<100000x64xf32, #tpu.memory_space<hbm>> -> memref<100000x64xf32, #tpu.memory_space<hbm>>
    tpu.enqueue_indirect_dma source(%dma_start3A_458 : memref<100000x64xf32, #tpu.memory_space<hbm>>) target(%dma_start3A_452 : memref<80x64xf32, #tpu.memory_space<vmem>>) offsets(%dma_start3A_455 : memref<80xi32, #tpu.memory_space<vmem>>) semaphore(%arg12 : memref<!tpu.dma_semaphore, #tpu.memory_space<semaphore_mem>>)
    %dma_start3A_459 = arith.constant 4 : i32
    %dma_start3A_460 = arith.constant 4 : i32
    %dma_start3A_461 = arith.constant 0 : i32
    %dma_start3A_462 = arith.constant 0 : i32
    %dma_start3A_463 = tpu.memref_slice %arg9[%dma_start3A_460, %dma_start3A_461, %dma_start3A_462] : memref<10x80x64xf32, #tpu.memory_space<vmem>> -> memref<1x80x64xf32, #tpu.memory_space<vmem>>
    %dma_start3A_464 = tpu.memref_squeeze %dma_start3A_463 : memref<1x80x64xf32, #tpu.memory_space<vmem>> -> memref<80x64xf32, #tpu.memory_space<vmem>>
    %dma_start3A_465 = arith.constant 0 : i32
    %dma_start3A_466 = tpu.memref_slice %arg8[%dma_start3A_459, %dma_start3A_465] : memref<10x80xi32, #tpu.memory_space<vmem>> -> memref<1x80xi32, #tpu.memory_space<vmem>>
    %dma_start3A_467 = tpu.memref_squeeze %dma_start3A_466 : memref<1x80xi32, #tpu.memory_space<vmem>> -> memref<80xi32, #tpu.memory_space<vmem>>
    %dma_start3A_468 = arith.constant 0 : i32
    %dma_start3A_469 = arith.constant 0 : i32
    %dma_start3A_470 = tpu.memref_slice %arg2[%dma_start3A_468, %dma_start3A_469] : memref<100000x64xf32, #tpu.memory_space<hbm>> -> memref<100000x64xf32, #tpu.memory_space<hbm>>
    tpu.enqueue_indirect_dma source(%dma_start3A_470 : memref<100000x64xf32, #tpu.memory_space<hbm>>) target(%dma_start3A_464 : memref<80x64xf32, #tpu.memory_space<vmem>>) offsets(%dma_start3A_467 : memref<80xi32, #tpu.memory_space<vmem>>) semaphore(%arg12 : memref<!tpu.dma_semaphore, #tpu.memory_space<semaphore_mem>>)
    %scan3A_471 = arith.constant 0 : i32
    %scan3A_472 = arith.constant 0 : i32
    %scan3A_473 = arith.constant 50 : i32
    %scan3A_474 = arith.addi %scan3A_472, %scan3A_473 : i32
    %scan3A_475 = arith.constant 1 : i32
    scf.for %scan3A_544 = %scan3A_472 to %scan3A_474 step %scan3A_475  : i32 {
      %rem3A = arith.constant 2 : i32
      %rem3A_545 = arith.remsi %scan3A_544, %rem3A : i32
      %mul3A_546 = arith.constant 5 : i32
      %mul3A_547 = arith.muli %rem3A_545, %mul3A_546 : i32
      %rem3A_548 = arith.constant 2 : i32
      %rem3A_549 = arith.remsi %scan3A_544, %rem3A_548 : i32
      %sub3A = arith.constant 1 : i32
      %sub3A_550 = arith.subi %sub3A, %rem3A_549 : i32
      %mul3A_551 = arith.constant 5 : i32
      %mul3A_552 = arith.muli %sub3A_550, %mul3A_551 : i32
      %add3A_553 = arith.constant 1 : i32
      %add3A_554 = arith.addi %scan3A_544, %add3A_553 : i32
      %mul3A_555 = arith.constant 5 : i32
      %mul3A_556 = arith.muli %add3A_554, %mul3A_555 : i32
      %add3A_557 = arith.addi %mul3A_13, %mul3A_556 : i32
      %ge3A = arith.constant 1 : i32
      %ge3A_558 = arith.cmpi sge, %scan3A_544, %ge3A : i32
      %convert_element_type3A = arith.extui %ge3A_558 : i1 to i32
      %cond3A = arith.constant 0 : i32
      %cond3A_559 = arith.cmpi ne, %convert_element_type3A, %cond3A : i32
      scf.if %cond3A_559 {
        %add3A_683 = arith.constant 0 : i32
        %add3A_684 = arith.addi %mul3A_552, %add3A_683 : i32
        %dma_wait3A_685 = arith.constant 0 : i32
        %dma_wait3A_686 = arith.constant 0 : i32
        %dma_wait3A_687 = tpu.memref_slice %arg9[%add3A_684, %dma_wait3A_685, %dma_wait3A_686] : memref<10x80x64xf32, #tpu.memory_space<vmem>> -> memref<1x80x64xf32, #tpu.memory_space<vmem>>
        %dma_wait3A_688 = tpu.memref_squeeze %dma_wait3A_687 : memref<1x80x64xf32, #tpu.memory_space<vmem>> -> memref<80x64xf32, #tpu.memory_space<vmem>>
        %dma_wait3A_689 = arith.constant 0 : i32
        %dma_wait3A_690 = tpu.memref_slice %arg7[%add3A_684, %dma_wait3A_689] : memref<10x80xi32, #tpu.memory_space<vmem>> -> memref<1x80xi32, #tpu.memory_space<vmem>>
        %dma_wait3A_691 = tpu.memref_squeeze %dma_wait3A_690 : memref<1x80xi32, #tpu.memory_space<vmem>> -> memref<80xi32, #tpu.memory_space<vmem>>
        %dma_wait3A_692 = arith.constant 0 : i32
        %dma_wait3A_693 = arith.constant 0 : i32
        %dma_wait3A_694 = tpu.memref_slice %arg11[%dma_wait3A_692, %dma_wait3A_693] : memref<10112x64xf32, #tpu.memory_space<vmem_shared>> -> memref<10112x64xf32, #tpu.memory_space<vmem_shared>>
        tpu.wait_indirect_dma semaphore(%arg13 : memref<!tpu.dma_semaphore, #tpu.memory_space<semaphore_mem>>) src(%dma_wait3A_688 : memref<80x64xf32, #tpu.memory_space<vmem>>) dst(%dma_wait3A_694 : memref<10112x64xf32, #tpu.memory_space<vmem_shared>>)
        %add3A_695 = arith.constant 1 : i32
        %add3A_696 = arith.addi %mul3A_552, %add3A_695 : i32
        %dma_wait3A_697 = arith.constant 0 : i32
        %dma_wait3A_698 = arith.constant 0 : i32
        %dma_wait3A_699 = tpu.memref_slice %arg9[%add3A_696, %dma_wait3A_697, %dma_wait3A_698] : memref<10x80x64xf32, #tpu.memory_space<vmem>> -> memref<1x80x64xf32, #tpu.memory_space<vmem>>
        %dma_wait3A_700 = tpu.memref_squeeze %dma_wait3A_699 : memref<1x80x64xf32, #tpu.memory_space<vmem>> -> memref<80x64xf32, #tpu.memory_space<vmem>>
        %dma_wait3A_701 = arith.constant 0 : i32
        %dma_wait3A_702 = tpu.memref_slice %arg7[%add3A_696, %dma_wait3A_701] : memref<10x80xi32, #tpu.memory_space<vmem>> -> memref<1x80xi32, #tpu.memory_space<vmem>>
        %dma_wait3A_703 = tpu.memref_squeeze %dma_wait3A_702 : memref<1x80xi32, #tpu.memory_space<vmem>> -> memref<80xi32, #tpu.memory_space<vmem>>
        %dma_wait3A_704 = arith.constant 0 : i32
        %dma_wait3A_705 = arith.constant 0 : i32
        %dma_wait3A_706 = tpu.memref_slice %arg11[%dma_wait3A_704, %dma_wait3A_705] : memref<10112x64xf32, #tpu.memory_space<vmem_shared>> -> memref<10112x64xf32, #tpu.memory_space<vmem_shared>>
        tpu.wait_indirect_dma semaphore(%arg13 : memref<!tpu.dma_semaphore, #tpu.memory_space<semaphore_mem>>) src(%dma_wait3A_700 : memref<80x64xf32, #tpu.memory_space<vmem>>) dst(%dma_wait3A_706 : memref<10112x64xf32, #tpu.memory_space<vmem_shared>>)
        %add3A_707 = arith.constant 2 : i32
        %add3A_708 = arith.addi %mul3A_552, %add3A_707 : i32
        %dma_wait3A_709 = arith.constant 0 : i32
        %dma_wait3A_710 = arith.constant 0 : i32
        %dma_wait3A_711 = tpu.memref_slice %arg9[%add3A_708, %dma_wait3A_709, %dma_wait3A_710] : memref<10x80x64xf32, #tpu.memory_space<vmem>> -> memref<1x80x64xf32, #tpu.memory_space<vmem>>
        %dma_wait3A_712 = tpu.memref_squeeze %dma_wait3A_711 : memref<1x80x64xf32, #tpu.memory_space<vmem>> -> memref<80x64xf32, #tpu.memory_space<vmem>>
        %dma_wait3A_713 = arith.constant 0 : i32
        %dma_wait3A_714 = tpu.memref_slice %arg7[%add3A_708, %dma_wait3A_713] : memref<10x80xi32, #tpu.memory_space<vmem>> -> memref<1x80xi32, #tpu.memory_space<vmem>>
        %dma_wait3A_715 = tpu.memref_squeeze %dma_wait3A_714 : memref<1x80xi32, #tpu.memory_space<vmem>> -> memref<80xi32, #tpu.memory_space<vmem>>
        %dma_wait3A_716 = arith.constant 0 : i32
        %dma_wait3A_717 = arith.constant 0 : i32
        %dma_wait3A_718 = tpu.memref_slice %arg11[%dma_wait3A_716, %dma_wait3A_717] : memref<10112x64xf32, #tpu.memory_space<vmem_shared>> -> memref<10112x64xf32, #tpu.memory_space<vmem_shared>>
        tpu.wait_indirect_dma semaphore(%arg13 : memref<!tpu.dma_semaphore, #tpu.memory_space<semaphore_mem>>) src(%dma_wait3A_712 : memref<80x64xf32, #tpu.memory_space<vmem>>) dst(%dma_wait3A_718 : memref<10112x64xf32, #tpu.memory_space<vmem_shared>>)
        %add3A_719 = arith.constant 3 : i32
        %add3A_720 = arith.addi %mul3A_552, %add3A_719 : i32
        %dma_wait3A_721 = arith.constant 0 : i32
        %dma_wait3A_722 = arith.constant 0 : i32
        %dma_wait3A_723 = tpu.memref_slice %arg9[%add3A_720, %dma_wait3A_721, %dma_wait3A_722] : memref<10x80x64xf32, #tpu.memory_space<vmem>> -> memref<1x80x64xf32, #tpu.memory_space<vmem>>
        %dma_wait3A_724 = tpu.memref_squeeze %dma_wait3A_723 : memref<1x80x64xf32, #tpu.memory_space<vmem>> -> memref<80x64xf32, #tpu.memory_space<vmem>>
        %dma_wait3A_725 = arith.constant 0 : i32
        %dma_wait3A_726 = tpu.memref_slice %arg7[%add3A_720, %dma_wait3A_725] : memref<10x80xi32, #tpu.memory_space<vmem>> -> memref<1x80xi32, #tpu.memory_space<vmem>>
        %dma_wait3A_727 = tpu.memref_squeeze %dma_wait3A_726 : memref<1x80xi32, #tpu.memory_space<vmem>> -> memref<80xi32, #tpu.memory_space<vmem>>
        %dma_wait3A_728 = arith.constant 0 : i32
        %dma_wait3A_729 = arith.constant 0 : i32
        %dma_wait3A_730 = tpu.memref_slice %arg11[%dma_wait3A_728, %dma_wait3A_729] : memref<10112x64xf32, #tpu.memory_space<vmem_shared>> -> memref<10112x64xf32, #tpu.memory_space<vmem_shared>>
        tpu.wait_indirect_dma semaphore(%arg13 : memref<!tpu.dma_semaphore, #tpu.memory_space<semaphore_mem>>) src(%dma_wait3A_724 : memref<80x64xf32, #tpu.memory_space<vmem>>) dst(%dma_wait3A_730 : memref<10112x64xf32, #tpu.memory_space<vmem_shared>>)
        %add3A_731 = arith.constant 4 : i32
        %add3A_732 = arith.addi %mul3A_552, %add3A_731 : i32
        %dma_wait3A_733 = arith.constant 0 : i32
        %dma_wait3A_734 = arith.constant 0 : i32
        %dma_wait3A_735 = tpu.memref_slice %arg9[%add3A_732, %dma_wait3A_733, %dma_wait3A_734] : memref<10x80x64xf32, #tpu.memory_space<vmem>> -> memref<1x80x64xf32, #tpu.memory_space<vmem>>
        %dma_wait3A_736 = tpu.memref_squeeze %dma_wait3A_735 : memref<1x80x64xf32, #tpu.memory_space<vmem>> -> memref<80x64xf32, #tpu.memory_space<vmem>>
        %dma_wait3A_737 = arith.constant 0 : i32
        %dma_wait3A_738 = tpu.memref_slice %arg7[%add3A_732, %dma_wait3A_737] : memref<10x80xi32, #tpu.memory_space<vmem>> -> memref<1x80xi32, #tpu.memory_space<vmem>>
        %dma_wait3A_739 = tpu.memref_squeeze %dma_wait3A_738 : memref<1x80xi32, #tpu.memory_space<vmem>> -> memref<80xi32, #tpu.memory_space<vmem>>
        %dma_wait3A_740 = arith.constant 0 : i32
        %dma_wait3A_741 = arith.constant 0 : i32
        %dma_wait3A_742 = tpu.memref_slice %arg11[%dma_wait3A_740, %dma_wait3A_741] : memref<10112x64xf32, #tpu.memory_space<vmem_shared>> -> memref<10112x64xf32, #tpu.memory_space<vmem_shared>>
        tpu.wait_indirect_dma semaphore(%arg13 : memref<!tpu.dma_semaphore, #tpu.memory_space<semaphore_mem>>) src(%dma_wait3A_736 : memref<80x64xf32, #tpu.memory_space<vmem>>) dst(%dma_wait3A_742 : memref<10112x64xf32, #tpu.memory_space<vmem_shared>>)
      } else {
      }
      %add3A_560 = arith.constant 1 : i32
      %add3A_561 = arith.addi %scan3A_544, %add3A_560 : i32
      %lt3A = arith.constant 50 : i32
      %lt3A_562 = arith.cmpi slt, %add3A_561, %lt3A : i32
      %convert_element_type3A_563 = arith.extui %lt3A_562 : i1 to i32
      %cond3A_564 = arith.constant 0 : i32
      %cond3A_565 = arith.cmpi ne, %convert_element_type3A_563, %cond3A_564 : i32
      scf.if %cond3A_565 {
        %dma_start3A_683 = arith.constant 0 : i32
        %dma_start3A_684 = tpu.memref_slice %arg6[%mul3A_552, %dma_start3A_683] : memref<10x80xi32, #tpu.memory_space<vmem>> -> memref<5x80xi32, #tpu.memory_space<vmem>>
        %dma_start3A_685 = arith.constant 0 : i32
        %dma_start3A_686 = tpu.memref_slice %arg3[%add3A_557, %dma_start3A_685] : memref<4000x80xi32, #tpu.memory_space<hbm>> -> memref<5x80xi32, #tpu.memory_space<hbm>>
        %dma_start3A_687 = arith.constant 0 : i32
        %dma_start3A_688 = tpu.memref_slice %arg6[%mul3A_552, %dma_start3A_687] : memref<10x80xi32, #tpu.memory_space<vmem>> -> memref<5x80xi32, #tpu.memory_space<vmem>>
        %dma_start3A_689 = arith.constant 0 : i32
        %dma_start3A_690 = tpu.memref_slice %arg3[%add3A_557, %dma_start3A_689] : memref<4000x80xi32, #tpu.memory_space<hbm>> -> memref<5x80xi32, #tpu.memory_space<hbm>>
        tpu.enqueue_dma source(%dma_start3A_690 : memref<5x80xi32, #tpu.memory_space<hbm>>) target(%dma_start3A_688 : memref<5x80xi32, #tpu.memory_space<vmem>>) target_semaphore(%arg14 : memref<!tpu.dma_semaphore, #tpu.memory_space<semaphore_mem>>)
        %dma_start3A_691 = arith.constant 0 : i32
        %dma_start3A_692 = tpu.memref_slice %arg7[%mul3A_552, %dma_start3A_691] : memref<10x80xi32, #tpu.memory_space<vmem>> -> memref<5x80xi32, #tpu.memory_space<vmem>>
        %dma_start3A_693 = arith.constant 0 : i32
        %dma_start3A_694 = tpu.memref_slice %arg4[%add3A_557, %dma_start3A_693] : memref<4000x80xi32, #tpu.memory_space<hbm>> -> memref<5x80xi32, #tpu.memory_space<hbm>>
        %dma_start3A_695 = arith.constant 0 : i32
        %dma_start3A_696 = tpu.memref_slice %arg7[%mul3A_552, %dma_start3A_695] : memref<10x80xi32, #tpu.memory_space<vmem>> -> memref<5x80xi32, #tpu.memory_space<vmem>>
        %dma_start3A_697 = arith.constant 0 : i32
        %dma_start3A_698 = tpu.memref_slice %arg4[%add3A_557, %dma_start3A_697] : memref<4000x80xi32, #tpu.memory_space<hbm>> -> memref<5x80xi32, #tpu.memory_space<hbm>>
        tpu.enqueue_dma source(%dma_start3A_698 : memref<5x80xi32, #tpu.memory_space<hbm>>) target(%dma_start3A_696 : memref<5x80xi32, #tpu.memory_space<vmem>>) target_semaphore(%arg14 : memref<!tpu.dma_semaphore, #tpu.memory_space<semaphore_mem>>)
      } else {
      }
      %add3A_566 = arith.constant 0 : i32
      %add3A_567 = arith.addi %mul3A_547, %add3A_566 : i32
      %dma_wait3A_568 = arith.constant 0 : i32
      %dma_wait3A_569 = arith.constant 0 : i32
      %dma_wait3A_570 = tpu.memref_slice %arg9[%add3A_567, %dma_wait3A_568, %dma_wait3A_569] : memref<10x80x64xf32, #tpu.memory_space<vmem>> -> memref<1x80x64xf32, #tpu.memory_space<vmem>>
      %dma_wait3A_571 = tpu.memref_squeeze %dma_wait3A_570 : memref<1x80x64xf32, #tpu.memory_space<vmem>> -> memref<80x64xf32, #tpu.memory_space<vmem>>
      %dma_wait3A_572 = arith.constant 0 : i32
      %dma_wait3A_573 = tpu.memref_slice %arg8[%add3A_567, %dma_wait3A_572] : memref<10x80xi32, #tpu.memory_space<vmem>> -> memref<1x80xi32, #tpu.memory_space<vmem>>
      %dma_wait3A_574 = tpu.memref_squeeze %dma_wait3A_573 : memref<1x80xi32, #tpu.memory_space<vmem>> -> memref<80xi32, #tpu.memory_space<vmem>>
      %dma_wait3A_575 = arith.constant 0 : i32
      %dma_wait3A_576 = arith.constant 0 : i32
      %dma_wait3A_577 = tpu.memref_slice %arg2[%dma_wait3A_575, %dma_wait3A_576] : memref<100000x64xf32, #tpu.memory_space<hbm>> -> memref<100000x64xf32, #tpu.memory_space<hbm>>
      tpu.wait_indirect_dma semaphore(%arg12 : memref<!tpu.dma_semaphore, #tpu.memory_space<semaphore_mem>>) src(%dma_wait3A_577 : memref<100000x64xf32, #tpu.memory_space<hbm>>) dst(%dma_wait3A_571 : memref<80x64xf32, #tpu.memory_space<vmem>>)
      %dma_start3A_578 = arith.constant 0 : i32
      %dma_start3A_579 = arith.constant 0 : i32
      %dma_start3A_580 = tpu.memref_slice %arg9[%add3A_567, %dma_start3A_578, %dma_start3A_579] : memref<10x80x64xf32, #tpu.memory_space<vmem>> -> memref<1x80x64xf32, #tpu.memory_space<vmem>>
      %dma_start3A_581 = tpu.memref_squeeze %dma_start3A_580 : memref<1x80x64xf32, #tpu.memory_space<vmem>> -> memref<80x64xf32, #tpu.memory_space<vmem>>
      %dma_start3A_582 = arith.constant 0 : i32
      %dma_start3A_583 = tpu.memref_slice %arg7[%add3A_567, %dma_start3A_582] : memref<10x80xi32, #tpu.memory_space<vmem>> -> memref<1x80xi32, #tpu.memory_space<vmem>>
      %dma_start3A_584 = tpu.memref_squeeze %dma_start3A_583 : memref<1x80xi32, #tpu.memory_space<vmem>> -> memref<80xi32, #tpu.memory_space<vmem>>
      %dma_start3A_585 = arith.constant 0 : i32
      %dma_start3A_586 = arith.constant 0 : i32
      %dma_start3A_587 = tpu.memref_slice %arg11[%dma_start3A_585, %dma_start3A_586] : memref<10112x64xf32, #tpu.memory_space<vmem_shared>> -> memref<10112x64xf32, #tpu.memory_space<vmem_shared>>
      tpu.enqueue_indirect_dma source(%dma_start3A_581 : memref<80x64xf32, #tpu.memory_space<vmem>>) target(%dma_start3A_587 : memref<10112x64xf32, #tpu.memory_space<vmem_shared>>) offsets(%dma_start3A_584 : memref<80xi32, #tpu.memory_space<vmem>>) semaphore(%arg13 : memref<!tpu.dma_semaphore, #tpu.memory_space<semaphore_mem>>) {add = true}
      %add3A_588 = arith.constant 1 : i32
      %add3A_589 = arith.addi %mul3A_547, %add3A_588 : i32
      %dma_wait3A_590 = arith.constant 0 : i32
      %dma_wait3A_591 = arith.constant 0 : i32
      %dma_wait3A_592 = tpu.memref_slice %arg9[%add3A_589, %dma_wait3A_590, %dma_wait3A_591] : memref<10x80x64xf32, #tpu.memory_space<vmem>> -> memref<1x80x64xf32, #tpu.memory_space<vmem>>
      %dma_wait3A_593 = tpu.memref_squeeze %dma_wait3A_592 : memref<1x80x64xf32, #tpu.memory_space<vmem>> -> memref<80x64xf32, #tpu.memory_space<vmem>>
      %dma_wait3A_594 = arith.constant 0 : i32
      %dma_wait3A_595 = tpu.memref_slice %arg8[%add3A_589, %dma_wait3A_594] : memref<10x80xi32, #tpu.memory_space<vmem>> -> memref<1x80xi32, #tpu.memory_space<vmem>>
      %dma_wait3A_596 = tpu.memref_squeeze %dma_wait3A_595 : memref<1x80xi32, #tpu.memory_space<vmem>> -> memref<80xi32, #tpu.memory_space<vmem>>
      %dma_wait3A_597 = arith.constant 0 : i32
      %dma_wait3A_598 = arith.constant 0 : i32
      %dma_wait3A_599 = tpu.memref_slice %arg2[%dma_wait3A_597, %dma_wait3A_598] : memref<100000x64xf32, #tpu.memory_space<hbm>> -> memref<100000x64xf32, #tpu.memory_space<hbm>>
      tpu.wait_indirect_dma semaphore(%arg12 : memref<!tpu.dma_semaphore, #tpu.memory_space<semaphore_mem>>) src(%dma_wait3A_599 : memref<100000x64xf32, #tpu.memory_space<hbm>>) dst(%dma_wait3A_593 : memref<80x64xf32, #tpu.memory_space<vmem>>)
      %dma_start3A_600 = arith.constant 0 : i32
      %dma_start3A_601 = arith.constant 0 : i32
      %dma_start3A_602 = tpu.memref_slice %arg9[%add3A_589, %dma_start3A_600, %dma_start3A_601] : memref<10x80x64xf32, #tpu.memory_space<vmem>> -> memref<1x80x64xf32, #tpu.memory_space<vmem>>
      %dma_start3A_603 = tpu.memref_squeeze %dma_start3A_602 : memref<1x80x64xf32, #tpu.memory_space<vmem>> -> memref<80x64xf32, #tpu.memory_space<vmem>>
      %dma_start3A_604 = arith.constant 0 : i32
      %dma_start3A_605 = tpu.memref_slice %arg7[%add3A_589, %dma_start3A_604] : memref<10x80xi32, #tpu.memory_space<vmem>> -> memref<1x80xi32, #tpu.memory_space<vmem>>
      %dma_start3A_606 = tpu.memref_squeeze %dma_start3A_605 : memref<1x80xi32, #tpu.memory_space<vmem>> -> memref<80xi32, #tpu.memory_space<vmem>>
      %dma_start3A_607 = arith.constant 0 : i32
      %dma_start3A_608 = arith.constant 0 : i32
      %dma_start3A_609 = tpu.memref_slice %arg11[%dma_start3A_607, %dma_start3A_608] : memref<10112x64xf32, #tpu.memory_space<vmem_shared>> -> memref<10112x64xf32, #tpu.memory_space<vmem_shared>>
      tpu.enqueue_indirect_dma source(%dma_start3A_603 : memref<80x64xf32, #tpu.memory_space<vmem>>) target(%dma_start3A_609 : memref<10112x64xf32, #tpu.memory_space<vmem_shared>>) offsets(%dma_start3A_606 : memref<80xi32, #tpu.memory_space<vmem>>) semaphore(%arg13 : memref<!tpu.dma_semaphore, #tpu.memory_space<semaphore_mem>>) {add = true}
      %add3A_610 = arith.constant 2 : i32
      %add3A_611 = arith.addi %mul3A_547, %add3A_610 : i32
      %dma_wait3A_612 = arith.constant 0 : i32
      %dma_wait3A_613 = arith.constant 0 : i32
      %dma_wait3A_614 = tpu.memref_slice %arg9[%add3A_611, %dma_wait3A_612, %dma_wait3A_613] : memref<10x80x64xf32, #tpu.memory_space<vmem>> -> memref<1x80x64xf32, #tpu.memory_space<vmem>>
      %dma_wait3A_615 = tpu.memref_squeeze %dma_wait3A_614 : memref<1x80x64xf32, #tpu.memory_space<vmem>> -> memref<80x64xf32, #tpu.memory_space<vmem>>
      %dma_wait3A_616 = arith.constant 0 : i32
      %dma_wait3A_617 = tpu.memref_slice %arg8[%add3A_611, %dma_wait3A_616] : memref<10x80xi32, #tpu.memory_space<vmem>> -> memref<1x80xi32, #tpu.memory_space<vmem>>
      %dma_wait3A_618 = tpu.memref_squeeze %dma_wait3A_617 : memref<1x80xi32, #tpu.memory_space<vmem>> -> memref<80xi32, #tpu.memory_space<vmem>>
      %dma_wait3A_619 = arith.constant 0 : i32
      %dma_wait3A_620 = arith.constant 0 : i32
      %dma_wait3A_621 = tpu.memref_slice %arg2[%dma_wait3A_619, %dma_wait3A_620] : memref<100000x64xf32, #tpu.memory_space<hbm>> -> memref<100000x64xf32, #tpu.memory_space<hbm>>
      tpu.wait_indirect_dma semaphore(%arg12 : memref<!tpu.dma_semaphore, #tpu.memory_space<semaphore_mem>>) src(%dma_wait3A_621 : memref<100000x64xf32, #tpu.memory_space<hbm>>) dst(%dma_wait3A_615 : memref<80x64xf32, #tpu.memory_space<vmem>>)
      %dma_start3A_622 = arith.constant 0 : i32
      %dma_start3A_623 = arith.constant 0 : i32
      %dma_start3A_624 = tpu.memref_slice %arg9[%add3A_611, %dma_start3A_622, %dma_start3A_623] : memref<10x80x64xf32, #tpu.memory_space<vmem>> -> memref<1x80x64xf32, #tpu.memory_space<vmem>>
      %dma_start3A_625 = tpu.memref_squeeze %dma_start3A_624 : memref<1x80x64xf32, #tpu.memory_space<vmem>> -> memref<80x64xf32, #tpu.memory_space<vmem>>
      %dma_start3A_626 = arith.constant 0 : i32
      %dma_start3A_627 = tpu.memref_slice %arg7[%add3A_611, %dma_start3A_626] : memref<10x80xi32, #tpu.memory_space<vmem>> -> memref<1x80xi32, #tpu.memory_space<vmem>>
      %dma_start3A_628 = tpu.memref_squeeze %dma_start3A_627 : memref<1x80xi32, #tpu.memory_space<vmem>> -> memref<80xi32, #tpu.memory_space<vmem>>
      %dma_start3A_629 = arith.constant 0 : i32
      %dma_start3A_630 = arith.constant 0 : i32
      %dma_start3A_631 = tpu.memref_slice %arg11[%dma_start3A_629, %dma_start3A_630] : memref<10112x64xf32, #tpu.memory_space<vmem_shared>> -> memref<10112x64xf32, #tpu.memory_space<vmem_shared>>
      tpu.enqueue_indirect_dma source(%dma_start3A_625 : memref<80x64xf32, #tpu.memory_space<vmem>>) target(%dma_start3A_631 : memref<10112x64xf32, #tpu.memory_space<vmem_shared>>) offsets(%dma_start3A_628 : memref<80xi32, #tpu.memory_space<vmem>>) semaphore(%arg13 : memref<!tpu.dma_semaphore, #tpu.memory_space<semaphore_mem>>) {add = true}
      %add3A_632 = arith.constant 3 : i32
      %add3A_633 = arith.addi %mul3A_547, %add3A_632 : i32
      %dma_wait3A_634 = arith.constant 0 : i32
      %dma_wait3A_635 = arith.constant 0 : i32
      %dma_wait3A_636 = tpu.memref_slice %arg9[%add3A_633, %dma_wait3A_634, %dma_wait3A_635] : memref<10x80x64xf32, #tpu.memory_space<vmem>> -> memref<1x80x64xf32, #tpu.memory_space<vmem>>
      %dma_wait3A_637 = tpu.memref_squeeze %dma_wait3A_636 : memref<1x80x64xf32, #tpu.memory_space<vmem>> -> memref<80x64xf32, #tpu.memory_space<vmem>>
      %dma_wait3A_638 = arith.constant 0 : i32
      %dma_wait3A_639 = tpu.memref_slice %arg8[%add3A_633, %dma_wait3A_638] : memref<10x80xi32, #tpu.memory_space<vmem>> -> memref<1x80xi32, #tpu.memory_space<vmem>>
      %dma_wait3A_640 = tpu.memref_squeeze %dma_wait3A_639 : memref<1x80xi32, #tpu.memory_space<vmem>> -> memref<80xi32, #tpu.memory_space<vmem>>
      %dma_wait3A_641 = arith.constant 0 : i32
      %dma_wait3A_642 = arith.constant 0 : i32
      %dma_wait3A_643 = tpu.memref_slice %arg2[%dma_wait3A_641, %dma_wait3A_642] : memref<100000x64xf32, #tpu.memory_space<hbm>> -> memref<100000x64xf32, #tpu.memory_space<hbm>>
      tpu.wait_indirect_dma semaphore(%arg12 : memref<!tpu.dma_semaphore, #tpu.memory_space<semaphore_mem>>) src(%dma_wait3A_643 : memref<100000x64xf32, #tpu.memory_space<hbm>>) dst(%dma_wait3A_637 : memref<80x64xf32, #tpu.memory_space<vmem>>)
      %dma_start3A_644 = arith.constant 0 : i32
      %dma_start3A_645 = arith.constant 0 : i32
      %dma_start3A_646 = tpu.memref_slice %arg9[%add3A_633, %dma_start3A_644, %dma_start3A_645] : memref<10x80x64xf32, #tpu.memory_space<vmem>> -> memref<1x80x64xf32, #tpu.memory_space<vmem>>
      %dma_start3A_647 = tpu.memref_squeeze %dma_start3A_646 : memref<1x80x64xf32, #tpu.memory_space<vmem>> -> memref<80x64xf32, #tpu.memory_space<vmem>>
      %dma_start3A_648 = arith.constant 0 : i32
      %dma_start3A_649 = tpu.memref_slice %arg7[%add3A_633, %dma_start3A_648] : memref<10x80xi32, #tpu.memory_space<vmem>> -> memref<1x80xi32, #tpu.memory_space<vmem>>
      %dma_start3A_650 = tpu.memref_squeeze %dma_start3A_649 : memref<1x80xi32, #tpu.memory_space<vmem>> -> memref<80xi32, #tpu.memory_space<vmem>>
      %dma_start3A_651 = arith.constant 0 : i32
      %dma_start3A_652 = arith.constant 0 : i32
      %dma_start3A_653 = tpu.memref_slice %arg11[%dma_start3A_651, %dma_start3A_652] : memref<10112x64xf32, #tpu.memory_space<vmem_shared>> -> memref<10112x64xf32, #tpu.memory_space<vmem_shared>>
      tpu.enqueue_indirect_dma source(%dma_start3A_647 : memref<80x64xf32, #tpu.memory_space<vmem>>) target(%dma_start3A_653 : memref<10112x64xf32, #tpu.memory_space<vmem_shared>>) offsets(%dma_start3A_650 : memref<80xi32, #tpu.memory_space<vmem>>) semaphore(%arg13 : memref<!tpu.dma_semaphore, #tpu.memory_space<semaphore_mem>>) {add = true}
      %add3A_654 = arith.constant 4 : i32
      %add3A_655 = arith.addi %mul3A_547, %add3A_654 : i32
      %dma_wait3A_656 = arith.constant 0 : i32
      %dma_wait3A_657 = arith.constant 0 : i32
      %dma_wait3A_658 = tpu.memref_slice %arg9[%add3A_655, %dma_wait3A_656, %dma_wait3A_657] : memref<10x80x64xf32, #tpu.memory_space<vmem>> -> memref<1x80x64xf32, #tpu.memory_space<vmem>>
      %dma_wait3A_659 = tpu.memref_squeeze %dma_wait3A_658 : memref<1x80x64xf32, #tpu.memory_space<vmem>> -> memref<80x64xf32, #tpu.memory_space<vmem>>
      %dma_wait3A_660 = arith.constant 0 : i32
      %dma_wait3A_661 = tpu.memref_slice %arg8[%add3A_655, %dma_wait3A_660] : memref<10x80xi32, #tpu.memory_space<vmem>> -> memref<1x80xi32, #tpu.memory_space<vmem>>
      %dma_wait3A_662 = tpu.memref_squeeze %dma_wait3A_661 : memref<1x80xi32, #tpu.memory_space<vmem>> -> memref<80xi32, #tpu.memory_space<vmem>>
      %dma_wait3A_663 = arith.constant 0 : i32
      %dma_wait3A_664 = arith.constant 0 : i32
      %dma_wait3A_665 = tpu.memref_slice %arg2[%dma_wait3A_663, %dma_wait3A_664] : memref<100000x64xf32, #tpu.memory_space<hbm>> -> memref<100000x64xf32, #tpu.memory_space<hbm>>
      tpu.wait_indirect_dma semaphore(%arg12 : memref<!tpu.dma_semaphore, #tpu.memory_space<semaphore_mem>>) src(%dma_wait3A_665 : memref<100000x64xf32, #tpu.memory_space<hbm>>) dst(%dma_wait3A_659 : memref<80x64xf32, #tpu.memory_space<vmem>>)
      %dma_start3A_666 = arith.constant 0 : i32
      %dma_start3A_667 = arith.constant 0 : i32
      %dma_start3A_668 = tpu.memref_slice %arg9[%add3A_655, %dma_start3A_666, %dma_start3A_667] : memref<10x80x64xf32, #tpu.memory_space<vmem>> -> memref<1x80x64xf32, #tpu.memory_space<vmem>>
      %dma_start3A_669 = tpu.memref_squeeze %dma_start3A_668 : memref<1x80x64xf32, #tpu.memory_space<vmem>> -> memref<80x64xf32, #tpu.memory_space<vmem>>
      %dma_start3A_670 = arith.constant 0 : i32
      %dma_start3A_671 = tpu.memref_slice %arg7[%add3A_655, %dma_start3A_670] : memref<10x80xi32, #tpu.memory_space<vmem>> -> memref<1x80xi32, #tpu.memory_space<vmem>>
      %dma_start3A_672 = tpu.memref_squeeze %dma_start3A_671 : memref<1x80xi32, #tpu.memory_space<vmem>> -> memref<80xi32, #tpu.memory_space<vmem>>
      %dma_start3A_673 = arith.constant 0 : i32
      %dma_start3A_674 = arith.constant 0 : i32
      %dma_start3A_675 = tpu.memref_slice %arg11[%dma_start3A_673, %dma_start3A_674] : memref<10112x64xf32, #tpu.memory_space<vmem_shared>> -> memref<10112x64xf32, #tpu.memory_space<vmem_shared>>
      tpu.enqueue_indirect_dma source(%dma_start3A_669 : memref<80x64xf32, #tpu.memory_space<vmem>>) target(%dma_start3A_675 : memref<10112x64xf32, #tpu.memory_space<vmem_shared>>) offsets(%dma_start3A_672 : memref<80xi32, #tpu.memory_space<vmem>>) semaphore(%arg13 : memref<!tpu.dma_semaphore, #tpu.memory_space<semaphore_mem>>) {add = true}
      %add3A_676 = arith.constant 1 : i32
      %add3A_677 = arith.addi %scan3A_544, %add3A_676 : i32
      %lt3A_678 = arith.constant 50 : i32
      %lt3A_679 = arith.cmpi slt, %add3A_677, %lt3A_678 : i32
      %convert_element_type3A_680 = arith.extui %lt3A_679 : i1 to i32
      %cond3A_681 = arith.constant 0 : i32
      %cond3A_682 = arith.cmpi ne, %convert_element_type3A_680, %cond3A_681 : i32
      scf.if %cond3A_682 {
        %dma_wait3A_683 = arith.constant 0 : i32
        %dma_wait3A_684 = tpu.memref_slice %arg6[%mul3A_552, %dma_wait3A_683] : memref<10x80xi32, #tpu.memory_space<vmem>> -> memref<5x80xi32, #tpu.memory_space<vmem>>
        %dma_wait3A_685 = arith.constant 0 : i32
        %dma_wait3A_686 = tpu.memref_slice %arg3[%add3A_557, %dma_wait3A_685] : memref<4000x80xi32, #tpu.memory_space<hbm>> -> memref<5x80xi32, #tpu.memory_space<hbm>>
        %dma_wait3A_687 = arith.constant 0 : i32
        %dma_wait3A_688 = tpu.memref_slice %arg6[%mul3A_552, %dma_wait3A_687] : memref<10x80xi32, #tpu.memory_space<vmem>> -> memref<5x80xi32, #tpu.memory_space<vmem>>
        %dma_wait3A_689 = arith.constant 0 : i32
        %dma_wait3A_690 = tpu.memref_slice %arg3[%add3A_557, %dma_wait3A_689] : memref<4000x80xi32, #tpu.memory_space<hbm>> -> memref<5x80xi32, #tpu.memory_space<hbm>>
        tpu.wait_dma2 semaphore(%arg14 : memref<!tpu.dma_semaphore, #tpu.memory_space<semaphore_mem>>) src(%dma_wait3A_690 : memref<5x80xi32, #tpu.memory_space<hbm>>) dst(%dma_wait3A_688 : memref<5x80xi32, #tpu.memory_space<vmem>>)
        %dma_wait3A_691 = arith.constant 0 : i32
        %dma_wait3A_692 = tpu.memref_slice %arg7[%mul3A_552, %dma_wait3A_691] : memref<10x80xi32, #tpu.memory_space<vmem>> -> memref<5x80xi32, #tpu.memory_space<vmem>>
        %dma_wait3A_693 = arith.constant 0 : i32
        %dma_wait3A_694 = tpu.memref_slice %arg4[%add3A_557, %dma_wait3A_693] : memref<4000x80xi32, #tpu.memory_space<hbm>> -> memref<5x80xi32, #tpu.memory_space<hbm>>
        %dma_wait3A_695 = arith.constant 0 : i32
        %dma_wait3A_696 = tpu.memref_slice %arg7[%mul3A_552, %dma_wait3A_695] : memref<10x80xi32, #tpu.memory_space<vmem>> -> memref<5x80xi32, #tpu.memory_space<vmem>>
        %dma_wait3A_697 = arith.constant 0 : i32
        %dma_wait3A_698 = tpu.memref_slice %arg4[%add3A_557, %dma_wait3A_697] : memref<4000x80xi32, #tpu.memory_space<hbm>> -> memref<5x80xi32, #tpu.memory_space<hbm>>
        tpu.wait_dma2 semaphore(%arg14 : memref<!tpu.dma_semaphore, #tpu.memory_space<semaphore_mem>>) src(%dma_wait3A_698 : memref<5x80xi32, #tpu.memory_space<hbm>>) dst(%dma_wait3A_696 : memref<5x80xi32, #tpu.memory_space<vmem>>)
        %add3A_699 = arith.constant 0 : i32
        %add3A_700 = arith.addi %mul3A_552, %add3A_699 : i32
        %get3A_701 = arith.index_cast %add3A_700 : i32 to index
        %get3A_702 = arith.constant 0 : index
        %get3A_703 = tpu.vector_load %arg6[%get3A_701, %get3A_702] {strides = array<i32>} : memref<10x80xi32, #tpu.memory_space<vmem>>, vector<1x16xi32>,
        %get3A_704 = vector.shape_cast %get3A_703 : vector<1x16xi32> to vector<16xi32>
        %mul3A_705 = arith.constant 2 : i32
        %mul3A_706 = vector.broadcast %mul3A_705 : i32 to vector<16xi32>
        %mul3A_707 = arith.muli %get3A_704, %mul3A_706 : vector<16xi32>
        %add3A_708 = vector.broadcast %arg0 : i32 to vector<16xi32>
        %add3A_709 = arith.addi %mul3A_707, %add3A_708 : vector<16xi32>
        %swap3A_710 = arith.index_cast %add3A_700 : i32 to index
        %swap3A_711 = arith.constant 0 : index
        %swap3A_712 = tpu.vector_load %arg8[%swap3A_710, %swap3A_711] {strides = array<i32>} : memref<10x80xi32, #tpu.memory_space<vmem>>, vector<1x16xi32>,
        %swap3A_713 = vector.shape_cast %swap3A_712 : vector<1x16xi32> to vector<16xi32>
        %swap3A_714 = vector.shape_cast %add3A_709 : vector<16xi32> to vector<1x16xi32>
        tpu.vector_store %arg8[%swap3A_710, %swap3A_711], %swap3A_714 {strides = array<i32>} : memref<10x80xi32, #tpu.memory_space<vmem>>, vector<1x16xi32>,
        %get3A_715 = arith.index_cast %add3A_700 : i32 to index
        %get3A_716 = arith.constant 16 : index
        %get3A_717 = tpu.vector_load %arg6[%get3A_715, %get3A_716] {strides = array<i32>} : memref<10x80xi32, #tpu.memory_space<vmem>>, vector<1x16xi32>,
        %get3A_718 = vector.shape_cast %get3A_717 : vector<1x16xi32> to vector<16xi32>
        %mul3A_719 = arith.constant 2 : i32
        %mul3A_720 = vector.broadcast %mul3A_719 : i32 to vector<16xi32>
        %mul3A_721 = arith.muli %get3A_718, %mul3A_720 : vector<16xi32>
        %add3A_722 = vector.broadcast %arg0 : i32 to vector<16xi32>
        %add3A_723 = arith.addi %mul3A_721, %add3A_722 : vector<16xi32>
        %swap3A_724 = arith.index_cast %add3A_700 : i32 to index
        %swap3A_725 = arith.constant 16 : index
        %swap3A_726 = tpu.vector_load %arg8[%swap3A_724, %swap3A_725] {strides = array<i32>} : memref<10x80xi32, #tpu.memory_space<vmem>>, vector<1x16xi32>,
        %swap3A_727 = vector.shape_cast %swap3A_726 : vector<1x16xi32> to vector<16xi32>
        %swap3A_728 = vector.shape_cast %add3A_723 : vector<16xi32> to vector<1x16xi32>
        tpu.vector_store %arg8[%swap3A_724, %swap3A_725], %swap3A_728 {strides = array<i32>} : memref<10x80xi32, #tpu.memory_space<vmem>>, vector<1x16xi32>,
        %get3A_729 = arith.index_cast %add3A_700 : i32 to index
        %get3A_730 = arith.constant 32 : index
        %get3A_731 = tpu.vector_load %arg6[%get3A_729, %get3A_730] {strides = array<i32>} : memref<10x80xi32, #tpu.memory_space<vmem>>, vector<1x16xi32>,
        %get3A_732 = vector.shape_cast %get3A_731 : vector<1x16xi32> to vector<16xi32>
        %mul3A_733 = arith.constant 2 : i32
        %mul3A_734 = vector.broadcast %mul3A_733 : i32 to vector<16xi32>
        %mul3A_735 = arith.muli %get3A_732, %mul3A_734 : vector<16xi32>
        %add3A_736 = vector.broadcast %arg0 : i32 to vector<16xi32>
        %add3A_737 = arith.addi %mul3A_735, %add3A_736 : vector<16xi32>
        %swap3A_738 = arith.index_cast %add3A_700 : i32 to index
        %swap3A_739 = arith.constant 32 : index
        %swap3A_740 = tpu.vector_load %arg8[%swap3A_738, %swap3A_739] {strides = array<i32>} : memref<10x80xi32, #tpu.memory_space<vmem>>, vector<1x16xi32>,
        %swap3A_741 = vector.shape_cast %swap3A_740 : vector<1x16xi32> to vector<16xi32>
        %swap3A_742 = vector.shape_cast %add3A_737 : vector<16xi32> to vector<1x16xi32>
        tpu.vector_store %arg8[%swap3A_738, %swap3A_739], %swap3A_742 {strides = array<i32>} : memref<10x80xi32, #tpu.memory_space<vmem>>, vector<1x16xi32>,
        %get3A_743 = arith.index_cast %add3A_700 : i32 to index
        %get3A_744 = arith.constant 48 : index
        %get3A_745 = tpu.vector_load %arg6[%get3A_743, %get3A_744] {strides = array<i32>} : memref<10x80xi32, #tpu.memory_space<vmem>>, vector<1x16xi32>,
        %get3A_746 = vector.shape_cast %get3A_745 : vector<1x16xi32> to vector<16xi32>
        %mul3A_747 = arith.constant 2 : i32
        %mul3A_748 = vector.broadcast %mul3A_747 : i32 to vector<16xi32>
        %mul3A_749 = arith.muli %get3A_746, %mul3A_748 : vector<16xi32>
        %add3A_750 = vector.broadcast %arg0 : i32 to vector<16xi32>
        %add3A_751 = arith.addi %mul3A_749, %add3A_750 : vector<16xi32>
        %swap3A_752 = arith.index_cast %add3A_700 : i32 to index
        %swap3A_753 = arith.constant 48 : index
        %swap3A_754 = tpu.vector_load %arg8[%swap3A_752, %swap3A_753] {strides = array<i32>} : memref<10x80xi32, #tpu.memory_space<vmem>>, vector<1x16xi32>,
        %swap3A_755 = vector.shape_cast %swap3A_754 : vector<1x16xi32> to vector<16xi32>
        %swap3A_756 = vector.shape_cast %add3A_751 : vector<16xi32> to vector<1x16xi32>
        tpu.vector_store %arg8[%swap3A_752, %swap3A_753], %swap3A_756 {strides = array<i32>} : memref<10x80xi32, #tpu.memory_space<vmem>>, vector<1x16xi32>,
        %get3A_757 = arith.index_cast %add3A_700 : i32 to index
        %get3A_758 = arith.constant 64 : index
        %get3A_759 = tpu.vector_load %arg6[%get3A_757, %get3A_758] {strides = array<i32>} : memref<10x80xi32, #tpu.memory_space<vmem>>, vector<1x16xi32>,
        %get3A_760 = vector.shape_cast %get3A_759 : vector<1x16xi32> to vector<16xi32>
        %mul3A_761 = arith.constant 2 : i32
        %mul3A_762 = vector.broadcast %mul3A_761 : i32 to vector<16xi32>
        %mul3A_763 = arith.muli %get3A_760, %mul3A_762 : vector<16xi32>
        %add3A_764 = vector.broadcast %arg0 : i32 to vector<16xi32>
        %add3A_765 = arith.addi %mul3A_763, %add3A_764 : vector<16xi32>
        %swap3A_766 = arith.index_cast %add3A_700 : i32 to index
        %swap3A_767 = arith.constant 64 : index
        %swap3A_768 = tpu.vector_load %arg8[%swap3A_766, %swap3A_767] {strides = array<i32>} : memref<10x80xi32, #tpu.memory_space<vmem>>, vector<1x16xi32>,
        %swap3A_769 = vector.shape_cast %swap3A_768 : vector<1x16xi32> to vector<16xi32>
        %swap3A_770 = vector.shape_cast %add3A_765 : vector<16xi32> to vector<1x16xi32>
        tpu.vector_store %arg8[%swap3A_766, %swap3A_767], %swap3A_770 {strides = array<i32>} : memref<10x80xi32, #tpu.memory_space<vmem>>, vector<1x16xi32>,
        %add3A_771 = arith.constant 1 : i32
        %add3A_772 = arith.addi %mul3A_552, %add3A_771 : i32
        %get3A_773 = arith.index_cast %add3A_772 : i32 to index
        %get3A_774 = arith.constant 0 : index
        %get3A_775 = tpu.vector_load %arg6[%get3A_773, %get3A_774] {strides = array<i32>} : memref<10x80xi32, #tpu.memory_space<vmem>>, vector<1x16xi32>,
        %get3A_776 = vector.shape_cast %get3A_775 : vector<1x16xi32> to vector<16xi32>
        %mul3A_777 = arith.constant 2 : i32
        %mul3A_778 = vector.broadcast %mul3A_777 : i32 to vector<16xi32>
        %mul3A_779 = arith.muli %get3A_776, %mul3A_778 : vector<16xi32>
        %add3A_780 = vector.broadcast %arg0 : i32 to vector<16xi32>
        %add3A_781 = arith.addi %mul3A_779, %add3A_780 : vector<16xi32>
        %swap3A_782 = arith.index_cast %add3A_772 : i32 to index
        %swap3A_783 = arith.constant 0 : index
        %swap3A_784 = tpu.vector_load %arg8[%swap3A_782, %swap3A_783] {strides = array<i32>} : memref<10x80xi32, #tpu.memory_space<vmem>>, vector<1x16xi32>,
        %swap3A_785 = vector.shape_cast %swap3A_784 : vector<1x16xi32> to vector<16xi32>
        %swap3A_786 = vector.shape_cast %add3A_781 : vector<16xi32> to vector<1x16xi32>
        tpu.vector_store %arg8[%swap3A_782, %swap3A_783], %swap3A_786 {strides = array<i32>} : memref<10x80xi32, #tpu.memory_space<vmem>>, vector<1x16xi32>,
        %get3A_787 = arith.index_cast %add3A_772 : i32 to index
        %get3A_788 = arith.constant 16 : index
        %get3A_789 = tpu.vector_load %arg6[%get3A_787, %get3A_788] {strides = array<i32>} : memref<10x80xi32, #tpu.memory_space<vmem>>, vector<1x16xi32>,
        %get3A_790 = vector.shape_cast %get3A_789 : vector<1x16xi32> to vector<16xi32>
        %mul3A_791 = arith.constant 2 : i32
        %mul3A_792 = vector.broadcast %mul3A_791 : i32 to vector<16xi32>
        %mul3A_793 = arith.muli %get3A_790, %mul3A_792 : vector<16xi32>
        %add3A_794 = vector.broadcast %arg0 : i32 to vector<16xi32>
        %add3A_795 = arith.addi %mul3A_793, %add3A_794 : vector<16xi32>
        %swap3A_796 = arith.index_cast %add3A_772 : i32 to index
        %swap3A_797 = arith.constant 16 : index
        %swap3A_798 = tpu.vector_load %arg8[%swap3A_796, %swap3A_797] {strides = array<i32>} : memref<10x80xi32, #tpu.memory_space<vmem>>, vector<1x16xi32>,
        %swap3A_799 = vector.shape_cast %swap3A_798 : vector<1x16xi32> to vector<16xi32>
        %swap3A_800 = vector.shape_cast %add3A_795 : vector<16xi32> to vector<1x16xi32>
        tpu.vector_store %arg8[%swap3A_796, %swap3A_797], %swap3A_800 {strides = array<i32>} : memref<10x80xi32, #tpu.memory_space<vmem>>, vector<1x16xi32>,
        %get3A_801 = arith.index_cast %add3A_772 : i32 to index
        %get3A_802 = arith.constant 32 : index
        %get3A_803 = tpu.vector_load %arg6[%get3A_801, %get3A_802] {strides = array<i32>} : memref<10x80xi32, #tpu.memory_space<vmem>>, vector<1x16xi32>,
        %get3A_804 = vector.shape_cast %get3A_803 : vector<1x16xi32> to vector<16xi32>
        %mul3A_805 = arith.constant 2 : i32
        %mul3A_806 = vector.broadcast %mul3A_805 : i32 to vector<16xi32>
        %mul3A_807 = arith.muli %get3A_804, %mul3A_806 : vector<16xi32>
        %add3A_808 = vector.broadcast %arg0 : i32 to vector<16xi32>
        %add3A_809 = arith.addi %mul3A_807, %add3A_808 : vector<16xi32>
        %swap3A_810 = arith.index_cast %add3A_772 : i32 to index
        %swap3A_811 = arith.constant 32 : index
        %swap3A_812 = tpu.vector_load %arg8[%swap3A_810, %swap3A_811] {strides = array<i32>} : memref<10x80xi32, #tpu.memory_space<vmem>>, vector<1x16xi32>,
        %swap3A_813 = vector.shape_cast %swap3A_812 : vector<1x16xi32> to vector<16xi32>
        %swap3A_814 = vector.shape_cast %add3A_809 : vector<16xi32> to vector<1x16xi32>
        tpu.vector_store %arg8[%swap3A_810, %swap3A_811], %swap3A_814 {strides = array<i32>} : memref<10x80xi32, #tpu.memory_space<vmem>>, vector<1x16xi32>,
        %get3A_815 = arith.index_cast %add3A_772 : i32 to index
        %get3A_816 = arith.constant 48 : index
        %get3A_817 = tpu.vector_load %arg6[%get3A_815, %get3A_816] {strides = array<i32>} : memref<10x80xi32, #tpu.memory_space<vmem>>, vector<1x16xi32>,
        %get3A_818 = vector.shape_cast %get3A_817 : vector<1x16xi32> to vector<16xi32>
        %mul3A_819 = arith.constant 2 : i32
        %mul3A_820 = vector.broadcast %mul3A_819 : i32 to vector<16xi32>
        %mul3A_821 = arith.muli %get3A_818, %mul3A_820 : vector<16xi32>
        %add3A_822 = vector.broadcast %arg0 : i32 to vector<16xi32>
        %add3A_823 = arith.addi %mul3A_821, %add3A_822 : vector<16xi32>
        %swap3A_824 = arith.index_cast %add3A_772 : i32 to index
        %swap3A_825 = arith.constant 48 : index
        %swap3A_826 = tpu.vector_load %arg8[%swap3A_824, %swap3A_825] {strides = array<i32>} : memref<10x80xi32, #tpu.memory_space<vmem>>, vector<1x16xi32>,
        %swap3A_827 = vector.shape_cast %swap3A_826 : vector<1x16xi32> to vector<16xi32>
        %swap3A_828 = vector.shape_cast %add3A_823 : vector<16xi32> to vector<1x16xi32>
        tpu.vector_store %arg8[%swap3A_824, %swap3A_825], %swap3A_828 {strides = array<i32>} : memref<10x80xi32, #tpu.memory_space<vmem>>, vector<1x16xi32>,
        %get3A_829 = arith.index_cast %add3A_772 : i32 to index
        %get3A_830 = arith.constant 64 : index
        %get3A_831 = tpu.vector_load %arg6[%get3A_829, %get3A_830] {strides = array<i32>} : memref<10x80xi32, #tpu.memory_space<vmem>>, vector<1x16xi32>,
        %get3A_832 = vector.shape_cast %get3A_831 : vector<1x16xi32> to vector<16xi32>
        %mul3A_833 = arith.constant 2 : i32
        %mul3A_834 = vector.broadcast %mul3A_833 : i32 to vector<16xi32>
        %mul3A_835 = arith.muli %get3A_832, %mul3A_834 : vector<16xi32>
        %add3A_836 = vector.broadcast %arg0 : i32 to vector<16xi32>
        %add3A_837 = arith.addi %mul3A_835, %add3A_836 : vector<16xi32>
        %swap3A_838 = arith.index_cast %add3A_772 : i32 to index
        %swap3A_839 = arith.constant 64 : index
        %swap3A_840 = tpu.vector_load %arg8[%swap3A_838, %swap3A_839] {strides = array<i32>} : memref<10x80xi32, #tpu.memory_space<vmem>>, vector<1x16xi32>,
        %swap3A_841 = vector.shape_cast %swap3A_840 : vector<1x16xi32> to vector<16xi32>
        %swap3A_842 = vector.shape_cast %add3A_837 : vector<16xi32> to vector<1x16xi32>
        tpu.vector_store %arg8[%swap3A_838, %swap3A_839], %swap3A_842 {strides = array<i32>} : memref<10x80xi32, #tpu.memory_space<vmem>>, vector<1x16xi32>,
        %add3A_843 = arith.constant 2 : i32
        %add3A_844 = arith.addi %mul3A_552, %add3A_843 : i32
        %get3A_845 = arith.index_cast %add3A_844 : i32 to index
        %get3A_846 = arith.constant 0 : index
        %get3A_847 = tpu.vector_load %arg6[%get3A_845, %get3A_846] {strides = array<i32>} : memref<10x80xi32, #tpu.memory_space<vmem>>, vector<1x16xi32>,
        %get3A_848 = vector.shape_cast %get3A_847 : vector<1x16xi32> to vector<16xi32>
        %mul3A_849 = arith.constant 2 : i32
        %mul3A_850 = vector.broadcast %mul3A_849 : i32 to vector<16xi32>
        %mul3A_851 = arith.muli %get3A_848, %mul3A_850 : vector<16xi32>
        %add3A_852 = vector.broadcast %arg0 : i32 to vector<16xi32>
        %add3A_853 = arith.addi %mul3A_851, %add3A_852 : vector<16xi32>
        %swap3A_854 = arith.index_cast %add3A_844 : i32 to index
        %swap3A_855 = arith.constant 0 : index
        %swap3A_856 = tpu.vector_load %arg8[%swap3A_854, %swap3A_855] {strides = array<i32>} : memref<10x80xi32, #tpu.memory_space<vmem>>, vector<1x16xi32>,
        %swap3A_857 = vector.shape_cast %swap3A_856 : vector<1x16xi32> to vector<16xi32>
        %swap3A_858 = vector.shape_cast %add3A_853 : vector<16xi32> to vector<1x16xi32>
        tpu.vector_store %arg8[%swap3A_854, %swap3A_855], %swap3A_858 {strides = array<i32>} : memref<10x80xi32, #tpu.memory_space<vmem>>, vector<1x16xi32>,
        %get3A_859 = arith.index_cast %add3A_844 : i32 to index
        %get3A_860 = arith.constant 16 : index
        %get3A_861 = tpu.vector_load %arg6[%get3A_859, %get3A_860] {strides = array<i32>} : memref<10x80xi32, #tpu.memory_space<vmem>>, vector<1x16xi32>,
        %get3A_862 = vector.shape_cast %get3A_861 : vector<1x16xi32> to vector<16xi32>
        %mul3A_863 = arith.constant 2 : i32
        %mul3A_864 = vector.broadcast %mul3A_863 : i32 to vector<16xi32>
        %mul3A_865 = arith.muli %get3A_862, %mul3A_864 : vector<16xi32>
        %add3A_866 = vector.broadcast %arg0 : i32 to vector<16xi32>
        %add3A_867 = arith.addi %mul3A_865, %add3A_866 : vector<16xi32>
        %swap3A_868 = arith.index_cast %add3A_844 : i32 to index
        %swap3A_869 = arith.constant 16 : index
        %swap3A_870 = tpu.vector_load %arg8[%swap3A_868, %swap3A_869] {strides = array<i32>} : memref<10x80xi32, #tpu.memory_space<vmem>>, vector<1x16xi32>,
        %swap3A_871 = vector.shape_cast %swap3A_870 : vector<1x16xi32> to vector<16xi32>
        %swap3A_872 = vector.shape_cast %add3A_867 : vector<16xi32> to vector<1x16xi32>
        tpu.vector_store %arg8[%swap3A_868, %swap3A_869], %swap3A_872 {strides = array<i32>} : memref<10x80xi32, #tpu.memory_space<vmem>>, vector<1x16xi32>,
        %get3A_873 = arith.index_cast %add3A_844 : i32 to index
        %get3A_874 = arith.constant 32 : index
        %get3A_875 = tpu.vector_load %arg6[%get3A_873, %get3A_874] {strides = array<i32>} : memref<10x80xi32, #tpu.memory_space<vmem>>, vector<1x16xi32>,
        %get3A_876 = vector.shape_cast %get3A_875 : vector<1x16xi32> to vector<16xi32>
        %mul3A_877 = arith.constant 2 : i32
        %mul3A_878 = vector.broadcast %mul3A_877 : i32 to vector<16xi32>
        %mul3A_879 = arith.muli %get3A_876, %mul3A_878 : vector<16xi32>
        %add3A_880 = vector.broadcast %arg0 : i32 to vector<16xi32>
        %add3A_881 = arith.addi %mul3A_879, %add3A_880 : vector<16xi32>
        %swap3A_882 = arith.index_cast %add3A_844 : i32 to index
        %swap3A_883 = arith.constant 32 : index
        %swap3A_884 = tpu.vector_load %arg8[%swap3A_882, %swap3A_883] {strides = array<i32>} : memref<10x80xi32, #tpu.memory_space<vmem>>, vector<1x16xi32>,
        %swap3A_885 = vector.shape_cast %swap3A_884 : vector<1x16xi32> to vector<16xi32>
        %swap3A_886 = vector.shape_cast %add3A_881 : vector<16xi32> to vector<1x16xi32>
        tpu.vector_store %arg8[%swap3A_882, %swap3A_883], %swap3A_886 {strides = array<i32>} : memref<10x80xi32, #tpu.memory_space<vmem>>, vector<1x16xi32>,
        %get3A_887 = arith.index_cast %add3A_844 : i32 to index
        %get3A_888 = arith.constant 48 : index
        %get3A_889 = tpu.vector_load %arg6[%get3A_887, %get3A_888] {strides = array<i32>} : memref<10x80xi32, #tpu.memory_space<vmem>>, vector<1x16xi32>,
        %get3A_890 = vector.shape_cast %get3A_889 : vector<1x16xi32> to vector<16xi32>
        %mul3A_891 = arith.constant 2 : i32
        %mul3A_892 = vector.broadcast %mul3A_891 : i32 to vector<16xi32>
        %mul3A_893 = arith.muli %get3A_890, %mul3A_892 : vector<16xi32>
        %add3A_894 = vector.broadcast %arg0 : i32 to vector<16xi32>
        %add3A_895 = arith.addi %mul3A_893, %add3A_894 : vector<16xi32>
        %swap3A_896 = arith.index_cast %add3A_844 : i32 to index
        %swap3A_897 = arith.constant 48 : index
        %swap3A_898 = tpu.vector_load %arg8[%swap3A_896, %swap3A_897] {strides = array<i32>} : memref<10x80xi32, #tpu.memory_space<vmem>>, vector<1x16xi32>,
        %swap3A_899 = vector.shape_cast %swap3A_898 : vector<1x16xi32> to vector<16xi32>
        %swap3A_900 = vector.shape_cast %add3A_895 : vector<16xi32> to vector<1x16xi32>
        tpu.vector_store %arg8[%swap3A_896, %swap3A_897], %swap3A_900 {strides = array<i32>} : memref<10x80xi32, #tpu.memory_space<vmem>>, vector<1x16xi32>,
        %get3A_901 = arith.index_cast %add3A_844 : i32 to index
        %get3A_902 = arith.constant 64 : index
        %get3A_903 = tpu.vector_load %arg6[%get3A_901, %get3A_902] {strides = array<i32>} : memref<10x80xi32, #tpu.memory_space<vmem>>, vector<1x16xi32>,
        %get3A_904 = vector.shape_cast %get3A_903 : vector<1x16xi32> to vector<16xi32>
        %mul3A_905 = arith.constant 2 : i32
        %mul3A_906 = vector.broadcast %mul3A_905 : i32 to vector<16xi32>
        %mul3A_907 = arith.muli %get3A_904, %mul3A_906 : vector<16xi32>
        %add3A_908 = vector.broadcast %arg0 : i32 to vector<16xi32>
        %add3A_909 = arith.addi %mul3A_907, %add3A_908 : vector<16xi32>
        %swap3A_910 = arith.index_cast %add3A_844 : i32 to index
        %swap3A_911 = arith.constant 64 : index
        %swap3A_912 = tpu.vector_load %arg8[%swap3A_910, %swap3A_911] {strides = array<i32>} : memref<10x80xi32, #tpu.memory_space<vmem>>, vector<1x16xi32>,
        %swap3A_913 = vector.shape_cast %swap3A_912 : vector<1x16xi32> to vector<16xi32>
        %swap3A_914 = vector.shape_cast %add3A_909 : vector<16xi32> to vector<1x16xi32>
        tpu.vector_store %arg8[%swap3A_910, %swap3A_911], %swap3A_914 {strides = array<i32>} : memref<10x80xi32, #tpu.memory_space<vmem>>, vector<1x16xi32>,
        %add3A_915 = arith.constant 3 : i32
        %add3A_916 = arith.addi %mul3A_552, %add3A_915 : i32
        %get3A_917 = arith.index_cast %add3A_916 : i32 to index
        %get3A_918 = arith.constant 0 : index
        %get3A_919 = tpu.vector_load %arg6[%get3A_917, %get3A_918] {strides = array<i32>} : memref<10x80xi32, #tpu.memory_space<vmem>>, vector<1x16xi32>,
        %get3A_920 = vector.shape_cast %get3A_919 : vector<1x16xi32> to vector<16xi32>
        %mul3A_921 = arith.constant 2 : i32
        %mul3A_922 = vector.broadcast %mul3A_921 : i32 to vector<16xi32>
        %mul3A_923 = arith.muli %get3A_920, %mul3A_922 : vector<16xi32>
        %add3A_924 = vector.broadcast %arg0 : i32 to vector<16xi32>
        %add3A_925 = arith.addi %mul3A_923, %add3A_924 : vector<16xi32>
        %swap3A_926 = arith.index_cast %add3A_916 : i32 to index
        %swap3A_927 = arith.constant 0 : index
        %swap3A_928 = tpu.vector_load %arg8[%swap3A_926, %swap3A_927] {strides = array<i32>} : memref<10x80xi32, #tpu.memory_space<vmem>>, vector<1x16xi32>,
        %swap3A_929 = vector.shape_cast %swap3A_928 : vector<1x16xi32> to vector<16xi32>
        %swap3A_930 = vector.shape_cast %add3A_925 : vector<16xi32> to vector<1x16xi32>
        tpu.vector_store %arg8[%swap3A_926, %swap3A_927], %swap3A_930 {strides = array<i32>} : memref<10x80xi32, #tpu.memory_space<vmem>>, vector<1x16xi32>,
        %get3A_931 = arith.index_cast %add3A_916 : i32 to index
        %get3A_932 = arith.constant 16 : index
        %get3A_933 = tpu.vector_load %arg6[%get3A_931, %get3A_932] {strides = array<i32>} : memref<10x80xi32, #tpu.memory_space<vmem>>, vector<1x16xi32>,
        %get3A_934 = vector.shape_cast %get3A_933 : vector<1x16xi32> to vector<16xi32>
        %mul3A_935 = arith.constant 2 : i32
        %mul3A_936 = vector.broadcast %mul3A_935 : i32 to vector<16xi32>
        %mul3A_937 = arith.muli %get3A_934, %mul3A_936 : vector<16xi32>
        %add3A_938 = vector.broadcast %arg0 : i32 to vector<16xi32>
        %add3A_939 = arith.addi %mul3A_937, %add3A_938 : vector<16xi32>
        %swap3A_940 = arith.index_cast %add3A_916 : i32 to index
        %swap3A_941 = arith.constant 16 : index
        %swap3A_942 = tpu.vector_load %arg8[%swap3A_940, %swap3A_941] {strides = array<i32>} : memref<10x80xi32, #tpu.memory_space<vmem>>, vector<1x16xi32>,
        %swap3A_943 = vector.shape_cast %swap3A_942 : vector<1x16xi32> to vector<16xi32>
        %swap3A_944 = vector.shape_cast %add3A_939 : vector<16xi32> to vector<1x16xi32>
        tpu.vector_store %arg8[%swap3A_940, %swap3A_941], %swap3A_944 {strides = array<i32>} : memref<10x80xi32, #tpu.memory_space<vmem>>, vector<1x16xi32>,
        %get3A_945 = arith.index_cast %add3A_916 : i32 to index
        %get3A_946 = arith.constant 32 : index
        %get3A_947 = tpu.vector_load %arg6[%get3A_945, %get3A_946] {strides = array<i32>} : memref<10x80xi32, #tpu.memory_space<vmem>>, vector<1x16xi32>,
        %get3A_948 = vector.shape_cast %get3A_947 : vector<1x16xi32> to vector<16xi32>
        %mul3A_949 = arith.constant 2 : i32
        %mul3A_950 = vector.broadcast %mul3A_949 : i32 to vector<16xi32>
        %mul3A_951 = arith.muli %get3A_948, %mul3A_950 : vector<16xi32>
        %add3A_952 = vector.broadcast %arg0 : i32 to vector<16xi32>
        %add3A_953 = arith.addi %mul3A_951, %add3A_952 : vector<16xi32>
        %swap3A_954 = arith.index_cast %add3A_916 : i32 to index
        %swap3A_955 = arith.constant 32 : index
        %swap3A_956 = tpu.vector_load %arg8[%swap3A_954, %swap3A_955] {strides = array<i32>} : memref<10x80xi32, #tpu.memory_space<vmem>>, vector<1x16xi32>,
        %swap3A_957 = vector.shape_cast %swap3A_956 : vector<1x16xi32> to vector<16xi32>
        %swap3A_958 = vector.shape_cast %add3A_953 : vector<16xi32> to vector<1x16xi32>
        tpu.vector_store %arg8[%swap3A_954, %swap3A_955], %swap3A_958 {strides = array<i32>} : memref<10x80xi32, #tpu.memory_space<vmem>>, vector<1x16xi32>,
        %get3A_959 = arith.index_cast %add3A_916 : i32 to index
        %get3A_960 = arith.constant 48 : index
        %get3A_961 = tpu.vector_load %arg6[%get3A_959, %get3A_960] {strides = array<i32>} : memref<10x80xi32, #tpu.memory_space<vmem>>, vector<1x16xi32>,
        %get3A_962 = vector.shape_cast %get3A_961 : vector<1x16xi32> to vector<16xi32>
        %mul3A_963 = arith.constant 2 : i32
        %mul3A_964 = vector.broadcast %mul3A_963 : i32 to vector<16xi32>
        %mul3A_965 = arith.muli %get3A_962, %mul3A_964 : vector<16xi32>
        %add3A_966 = vector.broadcast %arg0 : i32 to vector<16xi32>
        %add3A_967 = arith.addi %mul3A_965, %add3A_966 : vector<16xi32>
        %swap3A_968 = arith.index_cast %add3A_916 : i32 to index
        %swap3A_969 = arith.constant 48 : index
        %swap3A_970 = tpu.vector_load %arg8[%swap3A_968, %swap3A_969] {strides = array<i32>} : memref<10x80xi32, #tpu.memory_space<vmem>>, vector<1x16xi32>,
        %swap3A_971 = vector.shape_cast %swap3A_970 : vector<1x16xi32> to vector<16xi32>
        %swap3A_972 = vector.shape_cast %add3A_967 : vector<16xi32> to vector<1x16xi32>
        tpu.vector_store %arg8[%swap3A_968, %swap3A_969], %swap3A_972 {strides = array<i32>} : memref<10x80xi32, #tpu.memory_space<vmem>>, vector<1x16xi32>,
        %get3A_973 = arith.index_cast %add3A_916 : i32 to index
        %get3A_974 = arith.constant 64 : index
        %get3A_975 = tpu.vector_load %arg6[%get3A_973, %get3A_974] {strides = array<i32>} : memref<10x80xi32, #tpu.memory_space<vmem>>, vector<1x16xi32>,
        %get3A_976 = vector.shape_cast %get3A_975 : vector<1x16xi32> to vector<16xi32>
        %mul3A_977 = arith.constant 2 : i32
        %mul3A_978 = vector.broadcast %mul3A_977 : i32 to vector<16xi32>
        %mul3A_979 = arith.muli %get3A_976, %mul3A_978 : vector<16xi32>
        %add3A_980 = vector.broadcast %arg0 : i32 to vector<16xi32>
        %add3A_981 = arith.addi %mul3A_979, %add3A_980 : vector<16xi32>
        %swap3A_982 = arith.index_cast %add3A_916 : i32 to index
        %swap3A_983 = arith.constant 64 : index
        %swap3A_984 = tpu.vector_load %arg8[%swap3A_982, %swap3A_983] {strides = array<i32>} : memref<10x80xi32, #tpu.memory_space<vmem>>, vector<1x16xi32>,
        %swap3A_985 = vector.shape_cast %swap3A_984 : vector<1x16xi32> to vector<16xi32>
        %swap3A_986 = vector.shape_cast %add3A_981 : vector<16xi32> to vector<1x16xi32>
        tpu.vector_store %arg8[%swap3A_982, %swap3A_983], %swap3A_986 {strides = array<i32>} : memref<10x80xi32, #tpu.memory_space<vmem>>, vector<1x16xi32>,
        %add3A_987 = arith.constant 4 : i32
        %add3A_988 = arith.addi %mul3A_552, %add3A_987 : i32
        %get3A_989 = arith.index_cast %add3A_988 : i32 to index
        %get3A_990 = arith.constant 0 : index
        %get3A_991 = tpu.vector_load %arg6[%get3A_989, %get3A_990] {strides = array<i32>} : memref<10x80xi32, #tpu.memory_space<vmem>>, vector<1x16xi32>,
        %get3A_992 = vector.shape_cast %get3A_991 : vector<1x16xi32> to vector<16xi32>
        %mul3A_993 = arith.constant 2 : i32
        %mul3A_994 = vector.broadcast %mul3A_993 : i32 to vector<16xi32>
        %mul3A_995 = arith.muli %get3A_992, %mul3A_994 : vector<16xi32>
        %add3A_996 = vector.broadcast %arg0 : i32 to vector<16xi32>
        %add3A_997 = arith.addi %mul3A_995, %add3A_996 : vector<16xi32>
        %swap3A_998 = arith.index_cast %add3A_988 : i32 to index
        %swap3A_999 = arith.constant 0 : index
        %swap3A_1000 = tpu.vector_load %arg8[%swap3A_998, %swap3A_999] {strides = array<i32>} : memref<10x80xi32, #tpu.memory_space<vmem>>, vector<1x16xi32>,
        %swap3A_1001 = vector.shape_cast %swap3A_1000 : vector<1x16xi32> to vector<16xi32>
        %swap3A_1002 = vector.shape_cast %add3A_997 : vector<16xi32> to vector<1x16xi32>
        tpu.vector_store %arg8[%swap3A_998, %swap3A_999], %swap3A_1002 {strides = array<i32>} : memref<10x80xi32, #tpu.memory_space<vmem>>, vector<1x16xi32>,
        %get3A_1003 = arith.index_cast %add3A_988 : i32 to index
        %get3A_1004 = arith.constant 16 : index
        %get3A_1005 = tpu.vector_load %arg6[%get3A_1003, %get3A_1004] {strides = array<i32>} : memref<10x80xi32, #tpu.memory_space<vmem>>, vector<1x16xi32>,
        %get3A_1006 = vector.shape_cast %get3A_1005 : vector<1x16xi32> to vector<16xi32>
        %mul3A_1007 = arith.constant 2 : i32
        %mul3A_1008 = vector.broadcast %mul3A_1007 : i32 to vector<16xi32>
        %mul3A_1009 = arith.muli %get3A_1006, %mul3A_1008 : vector<16xi32>
        %add3A_1010 = vector.broadcast %arg0 : i32 to vector<16xi32>
        %add3A_1011 = arith.addi %mul3A_1009, %add3A_1010 : vector<16xi32>
        %swap3A_1012 = arith.index_cast %add3A_988 : i32 to index
        %swap3A_1013 = arith.constant 16 : index
        %swap3A_1014 = tpu.vector_load %arg8[%swap3A_1012, %swap3A_1013] {strides = array<i32>} : memref<10x80xi32, #tpu.memory_space<vmem>>, vector<1x16xi32>,
        %swap3A_1015 = vector.shape_cast %swap3A_1014 : vector<1x16xi32> to vector<16xi32>
        %swap3A_1016 = vector.shape_cast %add3A_1011 : vector<16xi32> to vector<1x16xi32>
        tpu.vector_store %arg8[%swap3A_1012, %swap3A_1013], %swap3A_1016 {strides = array<i32>} : memref<10x80xi32, #tpu.memory_space<vmem>>, vector<1x16xi32>,
        %get3A_1017 = arith.index_cast %add3A_988 : i32 to index
        %get3A_1018 = arith.constant 32 : index
        %get3A_1019 = tpu.vector_load %arg6[%get3A_1017, %get3A_1018] {strides = array<i32>} : memref<10x80xi32, #tpu.memory_space<vmem>>, vector<1x16xi32>,
        %get3A_1020 = vector.shape_cast %get3A_1019 : vector<1x16xi32> to vector<16xi32>
        %mul3A_1021 = arith.constant 2 : i32
        %mul3A_1022 = vector.broadcast %mul3A_1021 : i32 to vector<16xi32>
        %mul3A_1023 = arith.muli %get3A_1020, %mul3A_1022 : vector<16xi32>
        %add3A_1024 = vector.broadcast %arg0 : i32 to vector<16xi32>
        %add3A_1025 = arith.addi %mul3A_1023, %add3A_1024 : vector<16xi32>
        %swap3A_1026 = arith.index_cast %add3A_988 : i32 to index
        %swap3A_1027 = arith.constant 32 : index
        %swap3A_1028 = tpu.vector_load %arg8[%swap3A_1026, %swap3A_1027] {strides = array<i32>} : memref<10x80xi32, #tpu.memory_space<vmem>>, vector<1x16xi32>,
        %swap3A_1029 = vector.shape_cast %swap3A_1028 : vector<1x16xi32> to vector<16xi32>
        %swap3A_1030 = vector.shape_cast %add3A_1025 : vector<16xi32> to vector<1x16xi32>
        tpu.vector_store %arg8[%swap3A_1026, %swap3A_1027], %swap3A_1030 {strides = array<i32>} : memref<10x80xi32, #tpu.memory_space<vmem>>, vector<1x16xi32>,
        %get3A_1031 = arith.index_cast %add3A_988 : i32 to index
        %get3A_1032 = arith.constant 48 : index
        %get3A_1033 = tpu.vector_load %arg6[%get3A_1031, %get3A_1032] {strides = array<i32>} : memref<10x80xi32, #tpu.memory_space<vmem>>, vector<1x16xi32>,
        %get3A_1034 = vector.shape_cast %get3A_1033 : vector<1x16xi32> to vector<16xi32>
        %mul3A_1035 = arith.constant 2 : i32
        %mul3A_1036 = vector.broadcast %mul3A_1035 : i32 to vector<16xi32>
        %mul3A_1037 = arith.muli %get3A_1034, %mul3A_1036 : vector<16xi32>
        %add3A_1038 = vector.broadcast %arg0 : i32 to vector<16xi32>
        %add3A_1039 = arith.addi %mul3A_1037, %add3A_1038 : vector<16xi32>
        %swap3A_1040 = arith.index_cast %add3A_988 : i32 to index
        %swap3A_1041 = arith.constant 48 : index
        %swap3A_1042 = tpu.vector_load %arg8[%swap3A_1040, %swap3A_1041] {strides = array<i32>} : memref<10x80xi32, #tpu.memory_space<vmem>>, vector<1x16xi32>,
        %swap3A_1043 = vector.shape_cast %swap3A_1042 : vector<1x16xi32> to vector<16xi32>
        %swap3A_1044 = vector.shape_cast %add3A_1039 : vector<16xi32> to vector<1x16xi32>
        tpu.vector_store %arg8[%swap3A_1040, %swap3A_1041], %swap3A_1044 {strides = array<i32>} : memref<10x80xi32, #tpu.memory_space<vmem>>, vector<1x16xi32>,
        %get3A_1045 = arith.index_cast %add3A_988 : i32 to index
        %get3A_1046 = arith.constant 64 : index
        %get3A_1047 = tpu.vector_load %arg6[%get3A_1045, %get3A_1046] {strides = array<i32>} : memref<10x80xi32, #tpu.memory_space<vmem>>, vector<1x16xi32>,
        %get3A_1048 = vector.shape_cast %get3A_1047 : vector<1x16xi32> to vector<16xi32>
        %mul3A_1049 = arith.constant 2 : i32
        %mul3A_1050 = vector.broadcast %mul3A_1049 : i32 to vector<16xi32>
        %mul3A_1051 = arith.muli %get3A_1048, %mul3A_1050 : vector<16xi32>
        %add3A_1052 = vector.broadcast %arg0 : i32 to vector<16xi32>
        %add3A_1053 = arith.addi %mul3A_1051, %add3A_1052 : vector<16xi32>
        %swap3A_1054 = arith.index_cast %add3A_988 : i32 to index
        %swap3A_1055 = arith.constant 64 : index
        %swap3A_1056 = tpu.vector_load %arg8[%swap3A_1054, %swap3A_1055] {strides = array<i32>} : memref<10x80xi32, #tpu.memory_space<vmem>>, vector<1x16xi32>,
        %swap3A_1057 = vector.shape_cast %swap3A_1056 : vector<1x16xi32> to vector<16xi32>
        %swap3A_1058 = vector.shape_cast %add3A_1053 : vector<16xi32> to vector<1x16xi32>
        tpu.vector_store %arg8[%swap3A_1054, %swap3A_1055], %swap3A_1058 {strides = array<i32>} : memref<10x80xi32, #tpu.memory_space<vmem>>, vector<1x16xi32>,
        %add3A_1059 = arith.constant 0 : i32
        %add3A_1060 = arith.addi %mul3A_552, %add3A_1059 : i32
        %dma_start3A_1061 = arith.constant 0 : i32
        %dma_start3A_1062 = arith.constant 0 : i32
        %dma_start3A_1063 = tpu.memref_slice %arg9[%add3A_1060, %dma_start3A_1061, %dma_start3A_1062] : memref<10x80x64xf32, #tpu.memory_space<vmem>> -> memref<1x80x64xf32, #tpu.memory_space<vmem>>
        %dma_start3A_1064 = tpu.memref_squeeze %dma_start3A_1063 : memref<1x80x64xf32, #tpu.memory_space<vmem>> -> memref<80x64xf32, #tpu.memory_space<vmem>>
        %dma_start3A_1065 = arith.constant 0 : i32
        %dma_start3A_1066 = tpu.memref_slice %arg8[%add3A_1060, %dma_start3A_1065] : memref<10x80xi32, #tpu.memory_space<vmem>> -> memref<1x80xi32, #tpu.memory_space<vmem>>
        %dma_start3A_1067 = tpu.memref_squeeze %dma_start3A_1066 : memref<1x80xi32, #tpu.memory_space<vmem>> -> memref<80xi32, #tpu.memory_space<vmem>>
        %dma_start3A_1068 = arith.constant 0 : i32
        %dma_start3A_1069 = arith.constant 0 : i32
        %dma_start3A_1070 = tpu.memref_slice %arg2[%dma_start3A_1068, %dma_start3A_1069] : memref<100000x64xf32, #tpu.memory_space<hbm>> -> memref<100000x64xf32, #tpu.memory_space<hbm>>
        tpu.enqueue_indirect_dma source(%dma_start3A_1070 : memref<100000x64xf32, #tpu.memory_space<hbm>>) target(%dma_start3A_1064 : memref<80x64xf32, #tpu.memory_space<vmem>>) offsets(%dma_start3A_1067 : memref<80xi32, #tpu.memory_space<vmem>>) semaphore(%arg12 : memref<!tpu.dma_semaphore, #tpu.memory_space<semaphore_mem>>)
        %add3A_1071 = arith.constant 1 : i32
        %add3A_1072 = arith.addi %mul3A_552, %add3A_1071 : i32
        %dma_start3A_1073 = arith.constant 0 : i32
        %dma_start3A_1074 = arith.constant 0 : i32
        %dma_start3A_1075 = tpu.memref_slice %arg9[%add3A_1072, %dma_start3A_1073, %dma_start3A_1074] : memref<10x80x64xf32, #tpu.memory_space<vmem>> -> memref<1x80x64xf32, #tpu.memory_space<vmem>>
        %dma_start3A_1076 = tpu.memref_squeeze %dma_start3A_1075 : memref<1x80x64xf32, #tpu.memory_space<vmem>> -> memref<80x64xf32, #tpu.memory_space<vmem>>
        %dma_start3A_1077 = arith.constant 0 : i32
        %dma_start3A_1078 = tpu.memref_slice %arg8[%add3A_1072, %dma_start3A_1077] : memref<10x80xi32, #tpu.memory_space<vmem>> -> memref<1x80xi32, #tpu.memory_space<vmem>>
        %dma_start3A_1079 = tpu.memref_squeeze %dma_start3A_1078 : memref<1x80xi32, #tpu.memory_space<vmem>> -> memref<80xi32, #tpu.memory_space<vmem>>
        %dma_start3A_1080 = arith.constant 0 : i32
        %dma_start3A_1081 = arith.constant 0 : i32
        %dma_start3A_1082 = tpu.memref_slice %arg2[%dma_start3A_1080, %dma_start3A_1081] : memref<100000x64xf32, #tpu.memory_space<hbm>> -> memref<100000x64xf32, #tpu.memory_space<hbm>>
        tpu.enqueue_indirect_dma source(%dma_start3A_1082 : memref<100000x64xf32, #tpu.memory_space<hbm>>) target(%dma_start3A_1076 : memref<80x64xf32, #tpu.memory_space<vmem>>) offsets(%dma_start3A_1079 : memref<80xi32, #tpu.memory_space<vmem>>) semaphore(%arg12 : memref<!tpu.dma_semaphore, #tpu.memory_space<semaphore_mem>>)
        %add3A_1083 = arith.constant 2 : i32
        %add3A_1084 = arith.addi %mul3A_552, %add3A_1083 : i32
        %dma_start3A_1085 = arith.constant 0 : i32
        %dma_start3A_1086 = arith.constant 0 : i32
        %dma_start3A_1087 = tpu.memref_slice %arg9[%add3A_1084, %dma_start3A_1085, %dma_start3A_1086] : memref<10x80x64xf32, #tpu.memory_space<vmem>> -> memref<1x80x64xf32, #tpu.memory_space<vmem>>
        %dma_start3A_1088 = tpu.memref_squeeze %dma_start3A_1087 : memref<1x80x64xf32, #tpu.memory_space<vmem>> -> memref<80x64xf32, #tpu.memory_space<vmem>>
        %dma_start3A_1089 = arith.constant 0 : i32
        %dma_start3A_1090 = tpu.memref_slice %arg8[%add3A_1084, %dma_start3A_1089] : memref<10x80xi32, #tpu.memory_space<vmem>> -> memref<1x80xi32, #tpu.memory_space<vmem>>
        %dma_start3A_1091 = tpu.memref_squeeze %dma_start3A_1090 : memref<1x80xi32, #tpu.memory_space<vmem>> -> memref<80xi32, #tpu.memory_space<vmem>>
        %dma_start3A_1092 = arith.constant 0 : i32
        %dma_start3A_1093 = arith.constant 0 : i32
        %dma_start3A_1094 = tpu.memref_slice %arg2[%dma_start3A_1092, %dma_start3A_1093] : memref<100000x64xf32, #tpu.memory_space<hbm>> -> memref<100000x64xf32, #tpu.memory_space<hbm>>
        tpu.enqueue_indirect_dma source(%dma_start3A_1094 : memref<100000x64xf32, #tpu.memory_space<hbm>>) target(%dma_start3A_1088 : memref<80x64xf32, #tpu.memory_space<vmem>>) offsets(%dma_start3A_1091 : memref<80xi32, #tpu.memory_space<vmem>>) semaphore(%arg12 : memref<!tpu.dma_semaphore, #tpu.memory_space<semaphore_mem>>)
        %add3A_1095 = arith.constant 3 : i32
        %add3A_1096 = arith.addi %mul3A_552, %add3A_1095 : i32
        %dma_start3A_1097 = arith.constant 0 : i32
        %dma_start3A_1098 = arith.constant 0 : i32
        %dma_start3A_1099 = tpu.memref_slice %arg9[%add3A_1096, %dma_start3A_1097, %dma_start3A_1098] : memref<10x80x64xf32, #tpu.memory_space<vmem>> -> memref<1x80x64xf32, #tpu.memory_space<vmem>>
        %dma_start3A_1100 = tpu.memref_squeeze %dma_start3A_1099 : memref<1x80x64xf32, #tpu.memory_space<vmem>> -> memref<80x64xf32, #tpu.memory_space<vmem>>
        %dma_start3A_1101 = arith.constant 0 : i32
        %dma_start3A_1102 = tpu.memref_slice %arg8[%add3A_1096, %dma_start3A_1101] : memref<10x80xi32, #tpu.memory_space<vmem>> -> memref<1x80xi32, #tpu.memory_space<vmem>>
        %dma_start3A_1103 = tpu.memref_squeeze %dma_start3A_1102 : memref<1x80xi32, #tpu.memory_space<vmem>> -> memref<80xi32, #tpu.memory_space<vmem>>
        %dma_start3A_1104 = arith.constant 0 : i32
        %dma_start3A_1105 = arith.constant 0 : i32
        %dma_start3A_1106 = tpu.memref_slice %arg2[%dma_start3A_1104, %dma_start3A_1105] : memref<100000x64xf32, #tpu.memory_space<hbm>> -> memref<100000x64xf32, #tpu.memory_space<hbm>>
        tpu.enqueue_indirect_dma source(%dma_start3A_1106 : memref<100000x64xf32, #tpu.memory_space<hbm>>) target(%dma_start3A_1100 : memref<80x64xf32, #tpu.memory_space<vmem>>) offsets(%dma_start3A_1103 : memref<80xi32, #tpu.memory_space<vmem>>) semaphore(%arg12 : memref<!tpu.dma_semaphore, #tpu.memory_space<semaphore_mem>>)
        %add3A_1107 = arith.constant 4 : i32
        %add3A_1108 = arith.addi %mul3A_552, %add3A_1107 : i32
        %dma_start3A_1109 = arith.constant 0 : i32
        %dma_start3A_1110 = arith.constant 0 : i32
        %dma_start3A_1111 = tpu.memref_slice %arg9[%add3A_1108, %dma_start3A_1109, %dma_start3A_1110] : memref<10x80x64xf32, #tpu.memory_space<vmem>> -> memref<1x80x64xf32, #tpu.memory_space<vmem>>
        %dma_start3A_1112 = tpu.memref_squeeze %dma_start3A_1111 : memref<1x80x64xf32, #tpu.memory_space<vmem>> -> memref<80x64xf32, #tpu.memory_space<vmem>>
        %dma_start3A_1113 = arith.constant 0 : i32
        %dma_start3A_1114 = tpu.memref_slice %arg8[%add3A_1108, %dma_start3A_1113] : memref<10x80xi32, #tpu.memory_space<vmem>> -> memref<1x80xi32, #tpu.memory_space<vmem>>
        %dma_start3A_1115 = tpu.memref_squeeze %dma_start3A_1114 : memref<1x80xi32, #tpu.memory_space<vmem>> -> memref<80xi32, #tpu.memory_space<vmem>>
        %dma_start3A_1116 = arith.constant 0 : i32
        %dma_start3A_1117 = arith.constant 0 : i32
        %dma_start3A_1118 = tpu.memref_slice %arg2[%dma_start3A_1116, %dma_start3A_1117] : memref<100000x64xf32, #tpu.memory_space<hbm>> -> memref<100000x64xf32, #tpu.memory_space<hbm>>
        tpu.enqueue_indirect_dma source(%dma_start3A_1118 : memref<100000x64xf32, #tpu.memory_space<hbm>>) target(%dma_start3A_1112 : memref<80x64xf32, #tpu.memory_space<vmem>>) offsets(%dma_start3A_1115 : memref<80xi32, #tpu.memory_space<vmem>>) semaphore(%arg12 : memref<!tpu.dma_semaphore, #tpu.memory_space<semaphore_mem>>)
      } else {
      }
    }
    %scan3A_476 = arith.constant 50 : i32
    %dma_wait3A = arith.constant 5 : i32
    %dma_wait3A_477 = arith.constant 5 : i32
    %dma_wait3A_478 = arith.constant 0 : i32
    %dma_wait3A_479 = arith.constant 0 : i32
    %dma_wait3A_480 = tpu.memref_slice %arg9[%dma_wait3A, %dma_wait3A_478, %dma_wait3A_479] : memref<10x80x64xf32, #tpu.memory_space<vmem>> -> memref<1x80x64xf32, #tpu.memory_space<vmem>>
    %dma_wait3A_481 = tpu.memref_squeeze %dma_wait3A_480 : memref<1x80x64xf32, #tpu.memory_space<vmem>> -> memref<80x64xf32, #tpu.memory_space<vmem>>
    %dma_wait3A_482 = arith.constant 0 : i32
    %dma_wait3A_483 = tpu.memref_slice %arg7[%dma_wait3A_477, %dma_wait3A_482] : memref<10x80xi32, #tpu.memory_space<vmem>> -> memref<1x80xi32, #tpu.memory_space<vmem>>
    %dma_wait3A_484 = tpu.memref_squeeze %dma_wait3A_483 : memref<1x80xi32, #tpu.memory_space<vmem>> -> memref<80xi32, #tpu.memory_space<vmem>>
    %dma_wait3A_485 = arith.constant 0 : i32
    %dma_wait3A_486 = arith.constant 0 : i32
    %dma_wait3A_487 = tpu.memref_slice %arg11[%dma_wait3A_485, %dma_wait3A_486] : memref<10112x64xf32, #tpu.memory_space<vmem_shared>> -> memref<10112x64xf32, #tpu.memory_space<vmem_shared>>
    tpu.wait_indirect_dma semaphore(%arg13 : memref<!tpu.dma_semaphore, #tpu.memory_space<semaphore_mem>>) src(%dma_wait3A_481 : memref<80x64xf32, #tpu.memory_space<vmem>>) dst(%dma_wait3A_487 : memref<10112x64xf32, #tpu.memory_space<vmem_shared>>)
    %dma_wait3A_488 = arith.constant 6 : i32
    %dma_wait3A_489 = arith.constant 6 : i32
    %dma_wait3A_490 = arith.constant 0 : i32
    %dma_wait3A_491 = arith.constant 0 : i32
    %dma_wait3A_492 = tpu.memref_slice %arg9[%dma_wait3A_488, %dma_wait3A_490, %dma_wait3A_491] : memref<10x80x64xf32, #tpu.memory_space<vmem>> -> memref<1x80x64xf32, #tpu.memory_space<vmem>>
    %dma_wait3A_493 = tpu.memref_squeeze %dma_wait3A_492 : memref<1x80x64xf32, #tpu.memory_space<vmem>> -> memref<80x64xf32, #tpu.memory_space<vmem>>
    %dma_wait3A_494 = arith.constant 0 : i32
    %dma_wait3A_495 = tpu.memref_slice %arg7[%dma_wait3A_489, %dma_wait3A_494] : memref<10x80xi32, #tpu.memory_space<vmem>> -> memref<1x80xi32, #tpu.memory_space<vmem>>
    %dma_wait3A_496 = tpu.memref_squeeze %dma_wait3A_495 : memref<1x80xi32, #tpu.memory_space<vmem>> -> memref<80xi32, #tpu.memory_space<vmem>>
    %dma_wait3A_497 = arith.constant 0 : i32
    %dma_wait3A_498 = arith.constant 0 : i32
    %dma_wait3A_499 = tpu.memref_slice %arg11[%dma_wait3A_497, %dma_wait3A_498] : memref<10112x64xf32, #tpu.memory_space<vmem_shared>> -> memref<10112x64xf32, #tpu.memory_space<vmem_shared>>
    tpu.wait_indirect_dma semaphore(%arg13 : memref<!tpu.dma_semaphore, #tpu.memory_space<semaphore_mem>>) src(%dma_wait3A_493 : memref<80x64xf32, #tpu.memory_space<vmem>>) dst(%dma_wait3A_499 : memref<10112x64xf32, #tpu.memory_space<vmem_shared>>)
    %dma_wait3A_500 = arith.constant 7 : i32
    %dma_wait3A_501 = arith.constant 7 : i32
    %dma_wait3A_502 = arith.constant 0 : i32
    %dma_wait3A_503 = arith.constant 0 : i32
    %dma_wait3A_504 = tpu.memref_slice %arg9[%dma_wait3A_500, %dma_wait3A_502, %dma_wait3A_503] : memref<10x80x64xf32, #tpu.memory_space<vmem>> -> memref<1x80x64xf32, #tpu.memory_space<vmem>>
    %dma_wait3A_505 = tpu.memref_squeeze %dma_wait3A_504 : memref<1x80x64xf32, #tpu.memory_space<vmem>> -> memref<80x64xf32, #tpu.memory_space<vmem>>
    %dma_wait3A_506 = arith.constant 0 : i32
    %dma_wait3A_507 = tpu.memref_slice %arg7[%dma_wait3A_501, %dma_wait3A_506] : memref<10x80xi32, #tpu.memory_space<vmem>> -> memref<1x80xi32, #tpu.memory_space<vmem>>
    %dma_wait3A_508 = tpu.memref_squeeze %dma_wait3A_507 : memref<1x80xi32, #tpu.memory_space<vmem>> -> memref<80xi32, #tpu.memory_space<vmem>>
    %dma_wait3A_509 = arith.constant 0 : i32
    %dma_wait3A_510 = arith.constant 0 : i32
    %dma_wait3A_511 = tpu.memref_slice %arg11[%dma_wait3A_509, %dma_wait3A_510] : memref<10112x64xf32, #tpu.memory_space<vmem_shared>> -> memref<10112x64xf32, #tpu.memory_space<vmem_shared>>
    tpu.wait_indirect_dma semaphore(%arg13 : memref<!tpu.dma_semaphore, #tpu.memory_space<semaphore_mem>>) src(%dma_wait3A_505 : memref<80x64xf32, #tpu.memory_space<vmem>>) dst(%dma_wait3A_511 : memref<10112x64xf32, #tpu.memory_space<vmem_shared>>)
    %dma_wait3A_512 = arith.constant 8 : i32
    %dma_wait3A_513 = arith.constant 8 : i32
    %dma_wait3A_514 = arith.constant 0 : i32
    %dma_wait3A_515 = arith.constant 0 : i32
    %dma_wait3A_516 = tpu.memref_slice %arg9[%dma_wait3A_512, %dma_wait3A_514, %dma_wait3A_515] : memref<10x80x64xf32, #tpu.memory_space<vmem>> -> memref<1x80x64xf32, #tpu.memory_space<vmem>>
    %dma_wait3A_517 = tpu.memref_squeeze %dma_wait3A_516 : memref<1x80x64xf32, #tpu.memory_space<vmem>> -> memref<80x64xf32, #tpu.memory_space<vmem>>
    %dma_wait3A_518 = arith.constant 0 : i32
    %dma_wait3A_519 = tpu.memref_slice %arg7[%dma_wait3A_513, %dma_wait3A_518] : memref<10x80xi32, #tpu.memory_space<vmem>> -> memref<1x80xi32, #tpu.memory_space<vmem>>
    %dma_wait3A_520 = tpu.memref_squeeze %dma_wait3A_519 : memref<1x80xi32, #tpu.memory_space<vmem>> -> memref<80xi32, #tpu.memory_space<vmem>>
    %dma_wait3A_521 = arith.constant 0 : i32
    %dma_wait3A_522 = arith.constant 0 : i32
    %dma_wait3A_523 = tpu.memref_slice %arg11[%dma_wait3A_521, %dma_wait3A_522] : memref<10112x64xf32, #tpu.memory_space<vmem_shared>> -> memref<10112x64xf32, #tpu.memory_space<vmem_shared>>
    tpu.wait_indirect_dma semaphore(%arg13 : memref<!tpu.dma_semaphore, #tpu.memory_space<semaphore_mem>>) src(%dma_wait3A_517 : memref<80x64xf32, #tpu.memory_space<vmem>>) dst(%dma_wait3A_523 : memref<10112x64xf32, #tpu.memory_space<vmem_shared>>)
    %dma_wait3A_524 = arith.constant 9 : i32
    %dma_wait3A_525 = arith.constant 9 : i32
    %dma_wait3A_526 = arith.constant 0 : i32
    %dma_wait3A_527 = arith.constant 0 : i32
    %dma_wait3A_528 = tpu.memref_slice %arg9[%dma_wait3A_524, %dma_wait3A_526, %dma_wait3A_527] : memref<10x80x64xf32, #tpu.memory_space<vmem>> -> memref<1x80x64xf32, #tpu.memory_space<vmem>>
    %dma_wait3A_529 = tpu.memref_squeeze %dma_wait3A_528 : memref<1x80x64xf32, #tpu.memory_space<vmem>> -> memref<80x64xf32, #tpu.memory_space<vmem>>
    %dma_wait3A_530 = arith.constant 0 : i32
    %dma_wait3A_531 = tpu.memref_slice %arg7[%dma_wait3A_525, %dma_wait3A_530] : memref<10x80xi32, #tpu.memory_space<vmem>> -> memref<1x80xi32, #tpu.memory_space<vmem>>
    %dma_wait3A_532 = tpu.memref_squeeze %dma_wait3A_531 : memref<1x80xi32, #tpu.memory_space<vmem>> -> memref<80xi32, #tpu.memory_space<vmem>>
    %dma_wait3A_533 = arith.constant 0 : i32
    %dma_wait3A_534 = arith.constant 0 : i32
    %dma_wait3A_535 = tpu.memref_slice %arg11[%dma_wait3A_533, %dma_wait3A_534] : memref<10112x64xf32, #tpu.memory_space<vmem_shared>> -> memref<10112x64xf32, #tpu.memory_space<vmem_shared>>
    tpu.wait_indirect_dma semaphore(%arg13 : memref<!tpu.dma_semaphore, #tpu.memory_space<semaphore_mem>>) src(%dma_wait3A_529 : memref<80x64xf32, #tpu.memory_space<vmem>>) dst(%dma_wait3A_535 : memref<10112x64xf32, #tpu.memory_space<vmem_shared>>)
    %barrier3A_536 = arith.constant 0 : index
    tpu.barrier barrier_id(%barrier3A_536)
    %mul3A_537 = arith.constant 632 : i32
    %mul3A_538 = arith.muli %arg1, %mul3A_537 : i32
    %mul3A_539 = arith.constant 10112 : i32
    %mul3A_540 = arith.muli %arg0, %mul3A_539 : i32
    %mul3A_541 = arith.constant 632 : i32
    %mul3A_542 = arith.muli %arg1, %mul3A_541 : i32
    %add3A_543 = arith.addi %mul3A_540, %mul3A_542 : i32
    "tpu.region"() ({
      %run_scoped3A = tpu.sem_alloc : memref<!tpu.dma_semaphore, #tpu.memory_space<semaphore_mem>>
      %dma_start3A_544 = arith.constant 0 : i32
      %dma_start3A_545 = tpu.memref_slice %arg5[%add3A_543, %dma_start3A_544] : memref<20224x64xf32, #tpu.memory_space<hbm>> -> memref<632x64xf32, #tpu.memory_space<hbm>>
      %dma_start3A_546 = arith.constant 0 : i32
      %dma_start3A_547 = tpu.memref_slice %arg11[%mul3A_538, %dma_start3A_546] : memref<10112x64xf32, #tpu.memory_space<vmem_shared>> -> memref<632x64xf32, #tpu.memory_space<vmem_shared>>
      tpu.enqueue_dma source(%dma_start3A_547 : memref<632x64xf32, #tpu.memory_space<vmem_shared>>) target(%dma_start3A_545 : memref<632x64xf32, #tpu.memory_space<hbm>>) target_semaphore(%run_scoped3A : memref<!tpu.dma_semaphore, #tpu.memory_space<semaphore_mem>>)
      %dma_wait3A_548 = arith.constant 0 : i32
      %dma_wait3A_549 = tpu.memref_slice %arg5[%add3A_543, %dma_wait3A_548] : memref<20224x64xf32, #tpu.memory_space<hbm>> -> memref<632x64xf32, #tpu.memory_space<hbm>>
      %dma_wait3A_550 = arith.constant 0 : i32
      %dma_wait3A_551 = tpu.memref_slice %arg11[%mul3A_538, %dma_wait3A_550] : memref<10112x64xf32, #tpu.memory_space<vmem_shared>> -> memref<632x64xf32, #tpu.memory_space<vmem_shared>>
      tpu.wait_dma2 semaphore(%run_scoped3A : memref<!tpu.dma_semaphore, #tpu.memory_space<semaphore_mem>>) src(%dma_wait3A_551 : memref<632x64xf32, #tpu.memory_space<vmem_shared>>) dst(%dma_wait3A_549 : memref<632x64xf32, #tpu.memory_space<hbm>>)
      tpu.yield
    }) : () -> ()
    return
  }
}

#map = affine_map<(d0, d1) -> (0, 0)>
module attributes {stable_mosaic.version = 14 : i64} {
  func.func @agg(%arg0: i32, %arg1: i32, %arg2: memref<20224x64xf32, #tpu.memory_space<hbm>>, %arg3: memref<2016x80xi32, #tpu.memory_space<hbm>>, %arg4: memref<2016x80xi32, #tpu.memory_space<hbm>>, %arg5: memref<4096x64xf32, #tpu.memory_space<hbm>>, %arg6: memref<14x80xi32, #tpu.memory_space<vmem>>, %arg7: memref<14x80xi32, #tpu.memory_space<vmem>>, %arg8: memref<14x80xi32, #tpu.memory_space<vmem>>, %arg9: memref<14x80x64xf32, #tpu.memory_space<vmem>>, %arg10: memref<64x64xf32, #tpu.memory_space<vmem>>, %arg11: memref<2048x64xf32, #tpu.memory_space<vmem_shared>>, %arg12: memref<!tpu.dma_semaphore, #tpu.memory_space<semaphore_mem>>, %arg13: memref<!tpu.dma_semaphore, #tpu.memory_space<semaphore_mem>>, %arg14: memref<!tpu.dma_semaphore, #tpu.memory_space<semaphore_mem>>) attributes {dimension_semantics = [#tpu.dimension_semantics<core_parallel>, #tpu.dimension_semantics<subcore_parallel>], iteration_bounds = array<i64: 2, 16>, scalar_prefetch = 0 : i64, scratch_operands = 9 : i64, tpu.core_type = #tpu.core_type<sc_vector_subcore>, window_params = [{transform_indices = #map}, {transform_indices = #map}, {transform_indices = #map}, {transform_indices = #map}]} {
    %broadcast_in_dim3A = arith.constant 0.000000e+00 : f32
    %broadcast_in_dim3A_0 = vector.broadcast %broadcast_in_dim3A : f32 to vector<16xf32>
    %scan3A = arith.constant 0 : i32
    %scan3A_1 = arith.constant 0 : i32
    %scan3A_2 = arith.constant 256 : i32
    %scan3A_3 = arith.addi %scan3A_1, %scan3A_2 : i32
    %scan3A_4 = arith.constant 1 : i32
    scf.for %scan3A_752 = %scan3A_1 to %scan3A_3 step %scan3A_4  : i32 {
      %jit3A = arith.constant 4 : i32
      %div3A = arith.divsi %scan3A_752, %jit3A : i32
      %sign3A = arith.constant 0 : i32
      %sign3A_753 = arith.cmpi sgt, %scan3A_752, %sign3A : i32
      %sign3A_754 = arith.extui %sign3A_753 : i1 to i32
      %sign3A_755 = arith.constant 0 : i32
      %sign3A_756 = arith.cmpi slt, %scan3A_752, %sign3A_755 : i32
      %sign3A_757 = arith.extui %sign3A_756 : i1 to i32
      %sign3A_758 = arith.subi %sign3A_754, %sign3A_757 : i32
      %sign3A_759 = arith.constant 0 : i32
      %sign3A_760 = arith.cmpi sgt, %jit3A, %sign3A_759 : i32
      %sign3A_761 = arith.extui %sign3A_760 : i1 to i32
      %sign3A_762 = arith.constant 0 : i32
      %sign3A_763 = arith.cmpi slt, %jit3A, %sign3A_762 : i32
      %sign3A_764 = arith.extui %sign3A_763 : i1 to i32
      %sign3A_765 = arith.subi %sign3A_761, %sign3A_764 : i32
      %ne3A = arith.cmpi ne, %sign3A_758, %sign3A_765 : i32
      %rem3A = arith.remsi %scan3A_752, %jit3A : i32
      %ne3A_766 = arith.constant 0 : i32
      %ne3A_767 = arith.cmpi ne, %rem3A, %ne3A_766 : i32
      %and3A = arith.andi %ne3A, %ne3A_767 : i1
      %sub3A = arith.constant 1 : i32
      %sub3A_768 = arith.subi %div3A, %sub3A : i32
      %select_n3A = arith.select %and3A, %sub3A_768, %div3A : i32
      %jit3A_769 = arith.constant 4 : i32
      %eq3A = arith.constant 0 : i32
      %eq3A_770 = arith.cmpi eq, %jit3A_769, %eq3A : i32
      %jit3A_771 = arith.constant 1 : i32
      %select_n3A_772 = arith.select %eq3A_770, %jit3A_771, %jit3A_769 : i32
      %rem3A_773 = arith.remsi %scan3A_752, %select_n3A_772 : i32
      %ne3A_774 = arith.constant 0 : i32
      %ne3A_775 = arith.cmpi ne, %rem3A_773, %ne3A_774 : i32
      %lt3A = arith.constant 0 : i32
      %lt3A_776 = arith.cmpi slt, %rem3A_773, %lt3A : i32
      %lt3A_777 = arith.constant 0 : i32
      %lt3A_778 = arith.cmpi slt, %select_n3A_772, %lt3A_777 : i32
      %ne3A_779 = arith.xori %lt3A_776, %lt3A_778 : i1
      %and3A_780 = arith.andi %ne3A_779, %ne3A_775 : i1
      %add3A_781 = arith.addi %rem3A_773, %select_n3A_772 : i32
      %select_n3A_782 = arith.select %and3A_780, %add3A_781, %rem3A_773 : i32
      %mul3A_783 = arith.constant 16 : i32
      %mul3A_784 = arith.muli %select_n3A_782, %mul3A_783 : i32
      %swap3A_785 = arith.index_cast %select_n3A : i32 to index
      %swap3A_786 = arith.index_cast %mul3A_784 : i32 to index
      %swap3A_787 = tpu.vector_load %arg10[%swap3A_785, %swap3A_786] {strides = array<i32>} : memref<64x64xf32, #tpu.memory_space<vmem>>, vector<1x16xf32>,
      %swap3A_788 = vector.shape_cast %swap3A_787 : vector<1x16xf32> to vector<16xf32>
      %swap3A_789 = vector.shape_cast %broadcast_in_dim3A_0 : vector<16xf32> to vector<1x16xf32>
      tpu.vector_store %arg10[%swap3A_785, %swap3A_786], %swap3A_789 {strides = array<i32>} : memref<64x64xf32, #tpu.memory_space<vmem>>, vector<1x16xf32>,
    }
    %scan3A_5 = arith.constant 256 : i32
    %mul3A = arith.constant 128 : i32
    %mul3A_6 = arith.muli %arg1, %mul3A : i32
    %add3A = arith.constant 0 : i32
    %add3A_7 = arith.addi %mul3A_6, %add3A : i32
    "tpu.region"() ({
      %run_scoped3A = tpu.sem_alloc : memref<!tpu.dma_semaphore, #tpu.memory_space<semaphore_mem>>
      %dma_start3A_752 = arith.constant 0 : i32
      %dma_start3A_753 = tpu.memref_slice %arg11[%add3A_7, %dma_start3A_752] : memref<2048x64xf32, #tpu.memory_space<vmem_shared>> -> memref<64x64xf32, #tpu.memory_space<vmem_shared>>
      %dma_start3A_754 = arith.constant 0 : i32
      %dma_start3A_755 = tpu.memref_slice %arg11[%add3A_7, %dma_start3A_754] : memref<2048x64xf32, #tpu.memory_space<vmem_shared>> -> memref<64x64xf32, #tpu.memory_space<vmem_shared>>
      tpu.enqueue_dma source(%arg10 : memref<64x64xf32, #tpu.memory_space<vmem>>) target(%dma_start3A_755 : memref<64x64xf32, #tpu.memory_space<vmem_shared>>) target_semaphore(%run_scoped3A : memref<!tpu.dma_semaphore, #tpu.memory_space<semaphore_mem>>)
      %dma_wait3A_756 = arith.constant 0 : i32
      %dma_wait3A_757 = tpu.memref_slice %arg11[%add3A_7, %dma_wait3A_756] : memref<2048x64xf32, #tpu.memory_space<vmem_shared>> -> memref<64x64xf32, #tpu.memory_space<vmem_shared>>
      %dma_wait3A_758 = arith.constant 0 : i32
      %dma_wait3A_759 = tpu.memref_slice %arg11[%add3A_7, %dma_wait3A_758] : memref<2048x64xf32, #tpu.memory_space<vmem_shared>> -> memref<64x64xf32, #tpu.memory_space<vmem_shared>>
      tpu.wait_dma2 semaphore(%run_scoped3A : memref<!tpu.dma_semaphore, #tpu.memory_space<semaphore_mem>>) src(%arg10 : memref<64x64xf32, #tpu.memory_space<vmem>>) dst(%dma_wait3A_759 : memref<64x64xf32, #tpu.memory_space<vmem_shared>>)
      tpu.yield
    }) : () -> ()
    %mul3A_8 = arith.constant 128 : i32
    %mul3A_9 = arith.muli %arg1, %mul3A_8 : i32
    %add3A_10 = arith.constant 64 : i32
    %add3A_11 = arith.addi %mul3A_9, %add3A_10 : i32
    "tpu.region"() ({
      %run_scoped3A = tpu.sem_alloc : memref<!tpu.dma_semaphore, #tpu.memory_space<semaphore_mem>>
      %dma_start3A_752 = arith.constant 0 : i32
      %dma_start3A_753 = tpu.memref_slice %arg11[%add3A_11, %dma_start3A_752] : memref<2048x64xf32, #tpu.memory_space<vmem_shared>> -> memref<64x64xf32, #tpu.memory_space<vmem_shared>>
      %dma_start3A_754 = arith.constant 0 : i32
      %dma_start3A_755 = tpu.memref_slice %arg11[%add3A_11, %dma_start3A_754] : memref<2048x64xf32, #tpu.memory_space<vmem_shared>> -> memref<64x64xf32, #tpu.memory_space<vmem_shared>>
      tpu.enqueue_dma source(%arg10 : memref<64x64xf32, #tpu.memory_space<vmem>>) target(%dma_start3A_755 : memref<64x64xf32, #tpu.memory_space<vmem_shared>>) target_semaphore(%run_scoped3A : memref<!tpu.dma_semaphore, #tpu.memory_space<semaphore_mem>>)
      %dma_wait3A_756 = arith.constant 0 : i32
      %dma_wait3A_757 = tpu.memref_slice %arg11[%add3A_11, %dma_wait3A_756] : memref<2048x64xf32, #tpu.memory_space<vmem_shared>> -> memref<64x64xf32, #tpu.memory_space<vmem_shared>>
      %dma_wait3A_758 = arith.constant 0 : i32
      %dma_wait3A_759 = tpu.memref_slice %arg11[%add3A_11, %dma_wait3A_758] : memref<2048x64xf32, #tpu.memory_space<vmem_shared>> -> memref<64x64xf32, #tpu.memory_space<vmem_shared>>
      tpu.wait_dma2 semaphore(%run_scoped3A : memref<!tpu.dma_semaphore, #tpu.memory_space<semaphore_mem>>) src(%arg10 : memref<64x64xf32, #tpu.memory_space<vmem>>) dst(%dma_wait3A_759 : memref<64x64xf32, #tpu.memory_space<vmem_shared>>)
      tpu.yield
    }) : () -> ()
    %barrier3A = arith.constant 0 : index
    tpu.barrier barrier_id(%barrier3A)
    %mul3A_12 = arith.constant 126 : i32
    %mul3A_13 = arith.muli %arg1, %mul3A_12 : i32
    "tpu.region"() ({
      %run_scoped3A = tpu.sem_alloc : memref<!tpu.dma_semaphore, #tpu.memory_space<semaphore_mem>>
      %dma_start3A_752 = arith.constant 0 : i32
      %dma_start3A_753 = arith.constant 0 : i32
      %dma_start3A_754 = tpu.memref_slice %arg6[%dma_start3A_752, %dma_start3A_753] : memref<14x80xi32, #tpu.memory_space<vmem>> -> memref<7x80xi32, #tpu.memory_space<vmem>>
      %dma_start3A_755 = arith.constant 0 : i32
      %dma_start3A_756 = tpu.memref_slice %arg3[%mul3A_13, %dma_start3A_755] : memref<2016x80xi32, #tpu.memory_space<hbm>> -> memref<7x80xi32, #tpu.memory_space<hbm>>
      %dma_start3A_757 = arith.constant 0 : i32
      %dma_start3A_758 = arith.constant 0 : i32
      %dma_start3A_759 = tpu.memref_slice %arg6[%dma_start3A_757, %dma_start3A_758] : memref<14x80xi32, #tpu.memory_space<vmem>> -> memref<7x80xi32, #tpu.memory_space<vmem>>
      %dma_start3A_760 = arith.constant 0 : i32
      %dma_start3A_761 = tpu.memref_slice %arg3[%mul3A_13, %dma_start3A_760] : memref<2016x80xi32, #tpu.memory_space<hbm>> -> memref<7x80xi32, #tpu.memory_space<hbm>>
      tpu.enqueue_dma source(%dma_start3A_761 : memref<7x80xi32, #tpu.memory_space<hbm>>) target(%dma_start3A_759 : memref<7x80xi32, #tpu.memory_space<vmem>>) target_semaphore(%run_scoped3A : memref<!tpu.dma_semaphore, #tpu.memory_space<semaphore_mem>>)
      %dma_wait3A_762 = arith.constant 0 : i32
      %dma_wait3A_763 = arith.constant 0 : i32
      %dma_wait3A_764 = tpu.memref_slice %arg6[%dma_wait3A_762, %dma_wait3A_763] : memref<14x80xi32, #tpu.memory_space<vmem>> -> memref<7x80xi32, #tpu.memory_space<vmem>>
      %dma_wait3A_765 = arith.constant 0 : i32
      %dma_wait3A_766 = tpu.memref_slice %arg3[%mul3A_13, %dma_wait3A_765] : memref<2016x80xi32, #tpu.memory_space<hbm>> -> memref<7x80xi32, #tpu.memory_space<hbm>>
      %dma_wait3A_767 = arith.constant 0 : i32
      %dma_wait3A_768 = arith.constant 0 : i32
      %dma_wait3A_769 = tpu.memref_slice %arg6[%dma_wait3A_767, %dma_wait3A_768] : memref<14x80xi32, #tpu.memory_space<vmem>> -> memref<7x80xi32, #tpu.memory_space<vmem>>
      %dma_wait3A_770 = arith.constant 0 : i32
      %dma_wait3A_771 = tpu.memref_slice %arg3[%mul3A_13, %dma_wait3A_770] : memref<2016x80xi32, #tpu.memory_space<hbm>> -> memref<7x80xi32, #tpu.memory_space<hbm>>
      tpu.wait_dma2 semaphore(%run_scoped3A : memref<!tpu.dma_semaphore, #tpu.memory_space<semaphore_mem>>) src(%dma_wait3A_771 : memref<7x80xi32, #tpu.memory_space<hbm>>) dst(%dma_wait3A_769 : memref<7x80xi32, #tpu.memory_space<vmem>>)
      tpu.yield
    }) : () -> ()
    "tpu.region"() ({
      %run_scoped3A = tpu.sem_alloc : memref<!tpu.dma_semaphore, #tpu.memory_space<semaphore_mem>>
      %dma_start3A_752 = arith.constant 0 : i32
      %dma_start3A_753 = arith.constant 0 : i32
      %dma_start3A_754 = tpu.memref_slice %arg7[%dma_start3A_752, %dma_start3A_753] : memref<14x80xi32, #tpu.memory_space<vmem>> -> memref<7x80xi32, #tpu.memory_space<vmem>>
      %dma_start3A_755 = arith.constant 0 : i32
      %dma_start3A_756 = tpu.memref_slice %arg4[%mul3A_13, %dma_start3A_755] : memref<2016x80xi32, #tpu.memory_space<hbm>> -> memref<7x80xi32, #tpu.memory_space<hbm>>
      %dma_start3A_757 = arith.constant 0 : i32
      %dma_start3A_758 = arith.constant 0 : i32
      %dma_start3A_759 = tpu.memref_slice %arg7[%dma_start3A_757, %dma_start3A_758] : memref<14x80xi32, #tpu.memory_space<vmem>> -> memref<7x80xi32, #tpu.memory_space<vmem>>
      %dma_start3A_760 = arith.constant 0 : i32
      %dma_start3A_761 = tpu.memref_slice %arg4[%mul3A_13, %dma_start3A_760] : memref<2016x80xi32, #tpu.memory_space<hbm>> -> memref<7x80xi32, #tpu.memory_space<hbm>>
      tpu.enqueue_dma source(%dma_start3A_761 : memref<7x80xi32, #tpu.memory_space<hbm>>) target(%dma_start3A_759 : memref<7x80xi32, #tpu.memory_space<vmem>>) target_semaphore(%run_scoped3A : memref<!tpu.dma_semaphore, #tpu.memory_space<semaphore_mem>>)
      %dma_wait3A_762 = arith.constant 0 : i32
      %dma_wait3A_763 = arith.constant 0 : i32
      %dma_wait3A_764 = tpu.memref_slice %arg7[%dma_wait3A_762, %dma_wait3A_763] : memref<14x80xi32, #tpu.memory_space<vmem>> -> memref<7x80xi32, #tpu.memory_space<vmem>>
      %dma_wait3A_765 = arith.constant 0 : i32
      %dma_wait3A_766 = tpu.memref_slice %arg4[%mul3A_13, %dma_wait3A_765] : memref<2016x80xi32, #tpu.memory_space<hbm>> -> memref<7x80xi32, #tpu.memory_space<hbm>>
      %dma_wait3A_767 = arith.constant 0 : i32
      %dma_wait3A_768 = arith.constant 0 : i32
      %dma_wait3A_769 = tpu.memref_slice %arg7[%dma_wait3A_767, %dma_wait3A_768] : memref<14x80xi32, #tpu.memory_space<vmem>> -> memref<7x80xi32, #tpu.memory_space<vmem>>
      %dma_wait3A_770 = arith.constant 0 : i32
      %dma_wait3A_771 = tpu.memref_slice %arg4[%mul3A_13, %dma_wait3A_770] : memref<2016x80xi32, #tpu.memory_space<hbm>> -> memref<7x80xi32, #tpu.memory_space<hbm>>
      tpu.wait_dma2 semaphore(%run_scoped3A : memref<!tpu.dma_semaphore, #tpu.memory_space<semaphore_mem>>) src(%dma_wait3A_771 : memref<7x80xi32, #tpu.memory_space<hbm>>) dst(%dma_wait3A_769 : memref<7x80xi32, #tpu.memory_space<vmem>>)
      tpu.yield
    }) : () -> ()
    %get3A = arith.constant 0 : i32
    %get3A_14 = arith.index_cast %get3A : i32 to index
    %get3A_15 = arith.constant 0 : index
    %get3A_16 = tpu.vector_load %arg6[%get3A_14, %get3A_15] {strides = array<i32>} : memref<14x80xi32, #tpu.memory_space<vmem>>, vector<1x16xi32>,
    %get3A_17 = vector.shape_cast %get3A_16 : vector<1x16xi32> to vector<16xi32>
    %mul3A_18 = arith.constant 2 : i32
    %mul3A_19 = vector.broadcast %mul3A_18 : i32 to vector<16xi32>
    %mul3A_20 = arith.muli %get3A_17, %mul3A_19 : vector<16xi32>
    %add3A_21 = vector.broadcast %arg0 : i32 to vector<16xi32>
    %add3A_22 = arith.addi %mul3A_20, %add3A_21 : vector<16xi32>
    %swap3A = arith.constant 0 : i32
    %swap3A_23 = arith.index_cast %swap3A : i32 to index
    %swap3A_24 = arith.constant 0 : index
    %swap3A_25 = tpu.vector_load %arg8[%swap3A_23, %swap3A_24] {strides = array<i32>} : memref<14x80xi32, #tpu.memory_space<vmem>>, vector<1x16xi32>,
    %swap3A_26 = vector.shape_cast %swap3A_25 : vector<1x16xi32> to vector<16xi32>
    %swap3A_27 = vector.shape_cast %add3A_22 : vector<16xi32> to vector<1x16xi32>
    tpu.vector_store %arg8[%swap3A_23, %swap3A_24], %swap3A_27 {strides = array<i32>} : memref<14x80xi32, #tpu.memory_space<vmem>>, vector<1x16xi32>,
    %get3A_28 = arith.constant 0 : i32
    %get3A_29 = arith.index_cast %get3A_28 : i32 to index
    %get3A_30 = arith.constant 16 : index
    %get3A_31 = tpu.vector_load %arg6[%get3A_29, %get3A_30] {strides = array<i32>} : memref<14x80xi32, #tpu.memory_space<vmem>>, vector<1x16xi32>,
    %get3A_32 = vector.shape_cast %get3A_31 : vector<1x16xi32> to vector<16xi32>
    %mul3A_33 = arith.constant 2 : i32
    %mul3A_34 = vector.broadcast %mul3A_33 : i32 to vector<16xi32>
    %mul3A_35 = arith.muli %get3A_32, %mul3A_34 : vector<16xi32>
    %add3A_36 = vector.broadcast %arg0 : i32 to vector<16xi32>
    %add3A_37 = arith.addi %mul3A_35, %add3A_36 : vector<16xi32>
    %swap3A_38 = arith.constant 0 : i32
    %swap3A_39 = arith.index_cast %swap3A_38 : i32 to index
    %swap3A_40 = arith.constant 16 : index
    %swap3A_41 = tpu.vector_load %arg8[%swap3A_39, %swap3A_40] {strides = array<i32>} : memref<14x80xi32, #tpu.memory_space<vmem>>, vector<1x16xi32>,
    %swap3A_42 = vector.shape_cast %swap3A_41 : vector<1x16xi32> to vector<16xi32>
    %swap3A_43 = vector.shape_cast %add3A_37 : vector<16xi32> to vector<1x16xi32>
    tpu.vector_store %arg8[%swap3A_39, %swap3A_40], %swap3A_43 {strides = array<i32>} : memref<14x80xi32, #tpu.memory_space<vmem>>, vector<1x16xi32>,
    %get3A_44 = arith.constant 0 : i32
    %get3A_45 = arith.index_cast %get3A_44 : i32 to index
    %get3A_46 = arith.constant 32 : index
    %get3A_47 = tpu.vector_load %arg6[%get3A_45, %get3A_46] {strides = array<i32>} : memref<14x80xi32, #tpu.memory_space<vmem>>, vector<1x16xi32>,
    %get3A_48 = vector.shape_cast %get3A_47 : vector<1x16xi32> to vector<16xi32>
    %mul3A_49 = arith.constant 2 : i32
    %mul3A_50 = vector.broadcast %mul3A_49 : i32 to vector<16xi32>
    %mul3A_51 = arith.muli %get3A_48, %mul3A_50 : vector<16xi32>
    %add3A_52 = vector.broadcast %arg0 : i32 to vector<16xi32>
    %add3A_53 = arith.addi %mul3A_51, %add3A_52 : vector<16xi32>
    %swap3A_54 = arith.constant 0 : i32
    %swap3A_55 = arith.index_cast %swap3A_54 : i32 to index
    %swap3A_56 = arith.constant 32 : index
    %swap3A_57 = tpu.vector_load %arg8[%swap3A_55, %swap3A_56] {strides = array<i32>} : memref<14x80xi32, #tpu.memory_space<vmem>>, vector<1x16xi32>,
    %swap3A_58 = vector.shape_cast %swap3A_57 : vector<1x16xi32> to vector<16xi32>
    %swap3A_59 = vector.shape_cast %add3A_53 : vector<16xi32> to vector<1x16xi32>
    tpu.vector_store %arg8[%swap3A_55, %swap3A_56], %swap3A_59 {strides = array<i32>} : memref<14x80xi32, #tpu.memory_space<vmem>>, vector<1x16xi32>,
    %get3A_60 = arith.constant 0 : i32
    %get3A_61 = arith.index_cast %get3A_60 : i32 to index
    %get3A_62 = arith.constant 48 : index
    %get3A_63 = tpu.vector_load %arg6[%get3A_61, %get3A_62] {strides = array<i32>} : memref<14x80xi32, #tpu.memory_space<vmem>>, vector<1x16xi32>,
    %get3A_64 = vector.shape_cast %get3A_63 : vector<1x16xi32> to vector<16xi32>
    %mul3A_65 = arith.constant 2 : i32
    %mul3A_66 = vector.broadcast %mul3A_65 : i32 to vector<16xi32>
    %mul3A_67 = arith.muli %get3A_64, %mul3A_66 : vector<16xi32>
    %add3A_68 = vector.broadcast %arg0 : i32 to vector<16xi32>
    %add3A_69 = arith.addi %mul3A_67, %add3A_68 : vector<16xi32>
    %swap3A_70 = arith.constant 0 : i32
    %swap3A_71 = arith.index_cast %swap3A_70 : i32 to index
    %swap3A_72 = arith.constant 48 : index
    %swap3A_73 = tpu.vector_load %arg8[%swap3A_71, %swap3A_72] {strides = array<i32>} : memref<14x80xi32, #tpu.memory_space<vmem>>, vector<1x16xi32>,
    %swap3A_74 = vector.shape_cast %swap3A_73 : vector<1x16xi32> to vector<16xi32>
    %swap3A_75 = vector.shape_cast %add3A_69 : vector<16xi32> to vector<1x16xi32>
    tpu.vector_store %arg8[%swap3A_71, %swap3A_72], %swap3A_75 {strides = array<i32>} : memref<14x80xi32, #tpu.memory_space<vmem>>, vector<1x16xi32>,
    %get3A_76 = arith.constant 0 : i32
    %get3A_77 = arith.index_cast %get3A_76 : i32 to index
    %get3A_78 = arith.constant 64 : index
    %get3A_79 = tpu.vector_load %arg6[%get3A_77, %get3A_78] {strides = array<i32>} : memref<14x80xi32, #tpu.memory_space<vmem>>, vector<1x16xi32>,
    %get3A_80 = vector.shape_cast %get3A_79 : vector<1x16xi32> to vector<16xi32>
    %mul3A_81 = arith.constant 2 : i32
    %mul3A_82 = vector.broadcast %mul3A_81 : i32 to vector<16xi32>
    %mul3A_83 = arith.muli %get3A_80, %mul3A_82 : vector<16xi32>
    %add3A_84 = vector.broadcast %arg0 : i32 to vector<16xi32>
    %add3A_85 = arith.addi %mul3A_83, %add3A_84 : vector<16xi32>
    %swap3A_86 = arith.constant 0 : i32
    %swap3A_87 = arith.index_cast %swap3A_86 : i32 to index
    %swap3A_88 = arith.constant 64 : index
    %swap3A_89 = tpu.vector_load %arg8[%swap3A_87, %swap3A_88] {strides = array<i32>} : memref<14x80xi32, #tpu.memory_space<vmem>>, vector<1x16xi32>,
    %swap3A_90 = vector.shape_cast %swap3A_89 : vector<1x16xi32> to vector<16xi32>
    %swap3A_91 = vector.shape_cast %add3A_85 : vector<16xi32> to vector<1x16xi32>
    tpu.vector_store %arg8[%swap3A_87, %swap3A_88], %swap3A_91 {strides = array<i32>} : memref<14x80xi32, #tpu.memory_space<vmem>>, vector<1x16xi32>,
    %get3A_92 = arith.constant 1 : i32
    %get3A_93 = arith.index_cast %get3A_92 : i32 to index
    %get3A_94 = arith.constant 0 : index
    %get3A_95 = tpu.vector_load %arg6[%get3A_93, %get3A_94] {strides = array<i32>} : memref<14x80xi32, #tpu.memory_space<vmem>>, vector<1x16xi32>,
    %get3A_96 = vector.shape_cast %get3A_95 : vector<1x16xi32> to vector<16xi32>
    %mul3A_97 = arith.constant 2 : i32
    %mul3A_98 = vector.broadcast %mul3A_97 : i32 to vector<16xi32>
    %mul3A_99 = arith.muli %get3A_96, %mul3A_98 : vector<16xi32>
    %add3A_100 = vector.broadcast %arg0 : i32 to vector<16xi32>
    %add3A_101 = arith.addi %mul3A_99, %add3A_100 : vector<16xi32>
    %swap3A_102 = arith.constant 1 : i32
    %swap3A_103 = arith.index_cast %swap3A_102 : i32 to index
    %swap3A_104 = arith.constant 0 : index
    %swap3A_105 = tpu.vector_load %arg8[%swap3A_103, %swap3A_104] {strides = array<i32>} : memref<14x80xi32, #tpu.memory_space<vmem>>, vector<1x16xi32>,
    %swap3A_106 = vector.shape_cast %swap3A_105 : vector<1x16xi32> to vector<16xi32>
    %swap3A_107 = vector.shape_cast %add3A_101 : vector<16xi32> to vector<1x16xi32>
    tpu.vector_store %arg8[%swap3A_103, %swap3A_104], %swap3A_107 {strides = array<i32>} : memref<14x80xi32, #tpu.memory_space<vmem>>, vector<1x16xi32>,
    %get3A_108 = arith.constant 1 : i32
    %get3A_109 = arith.index_cast %get3A_108 : i32 to index
    %get3A_110 = arith.constant 16 : index
    %get3A_111 = tpu.vector_load %arg6[%get3A_109, %get3A_110] {strides = array<i32>} : memref<14x80xi32, #tpu.memory_space<vmem>>, vector<1x16xi32>,
    %get3A_112 = vector.shape_cast %get3A_111 : vector<1x16xi32> to vector<16xi32>
    %mul3A_113 = arith.constant 2 : i32
    %mul3A_114 = vector.broadcast %mul3A_113 : i32 to vector<16xi32>
    %mul3A_115 = arith.muli %get3A_112, %mul3A_114 : vector<16xi32>
    %add3A_116 = vector.broadcast %arg0 : i32 to vector<16xi32>
    %add3A_117 = arith.addi %mul3A_115, %add3A_116 : vector<16xi32>
    %swap3A_118 = arith.constant 1 : i32
    %swap3A_119 = arith.index_cast %swap3A_118 : i32 to index
    %swap3A_120 = arith.constant 16 : index
    %swap3A_121 = tpu.vector_load %arg8[%swap3A_119, %swap3A_120] {strides = array<i32>} : memref<14x80xi32, #tpu.memory_space<vmem>>, vector<1x16xi32>,
    %swap3A_122 = vector.shape_cast %swap3A_121 : vector<1x16xi32> to vector<16xi32>
    %swap3A_123 = vector.shape_cast %add3A_117 : vector<16xi32> to vector<1x16xi32>
    tpu.vector_store %arg8[%swap3A_119, %swap3A_120], %swap3A_123 {strides = array<i32>} : memref<14x80xi32, #tpu.memory_space<vmem>>, vector<1x16xi32>,
    %get3A_124 = arith.constant 1 : i32
    %get3A_125 = arith.index_cast %get3A_124 : i32 to index
    %get3A_126 = arith.constant 32 : index
    %get3A_127 = tpu.vector_load %arg6[%get3A_125, %get3A_126] {strides = array<i32>} : memref<14x80xi32, #tpu.memory_space<vmem>>, vector<1x16xi32>,
    %get3A_128 = vector.shape_cast %get3A_127 : vector<1x16xi32> to vector<16xi32>
    %mul3A_129 = arith.constant 2 : i32
    %mul3A_130 = vector.broadcast %mul3A_129 : i32 to vector<16xi32>
    %mul3A_131 = arith.muli %get3A_128, %mul3A_130 : vector<16xi32>
    %add3A_132 = vector.broadcast %arg0 : i32 to vector<16xi32>
    %add3A_133 = arith.addi %mul3A_131, %add3A_132 : vector<16xi32>
    %swap3A_134 = arith.constant 1 : i32
    %swap3A_135 = arith.index_cast %swap3A_134 : i32 to index
    %swap3A_136 = arith.constant 32 : index
    %swap3A_137 = tpu.vector_load %arg8[%swap3A_135, %swap3A_136] {strides = array<i32>} : memref<14x80xi32, #tpu.memory_space<vmem>>, vector<1x16xi32>,
    %swap3A_138 = vector.shape_cast %swap3A_137 : vector<1x16xi32> to vector<16xi32>
    %swap3A_139 = vector.shape_cast %add3A_133 : vector<16xi32> to vector<1x16xi32>
    tpu.vector_store %arg8[%swap3A_135, %swap3A_136], %swap3A_139 {strides = array<i32>} : memref<14x80xi32, #tpu.memory_space<vmem>>, vector<1x16xi32>,
    %get3A_140 = arith.constant 1 : i32
    %get3A_141 = arith.index_cast %get3A_140 : i32 to index
    %get3A_142 = arith.constant 48 : index
    %get3A_143 = tpu.vector_load %arg6[%get3A_141, %get3A_142] {strides = array<i32>} : memref<14x80xi32, #tpu.memory_space<vmem>>, vector<1x16xi32>,
    %get3A_144 = vector.shape_cast %get3A_143 : vector<1x16xi32> to vector<16xi32>
    %mul3A_145 = arith.constant 2 : i32
    %mul3A_146 = vector.broadcast %mul3A_145 : i32 to vector<16xi32>
    %mul3A_147 = arith.muli %get3A_144, %mul3A_146 : vector<16xi32>
    %add3A_148 = vector.broadcast %arg0 : i32 to vector<16xi32>
    %add3A_149 = arith.addi %mul3A_147, %add3A_148 : vector<16xi32>
    %swap3A_150 = arith.constant 1 : i32
    %swap3A_151 = arith.index_cast %swap3A_150 : i32 to index
    %swap3A_152 = arith.constant 48 : index
    %swap3A_153 = tpu.vector_load %arg8[%swap3A_151, %swap3A_152] {strides = array<i32>} : memref<14x80xi32, #tpu.memory_space<vmem>>, vector<1x16xi32>,
    %swap3A_154 = vector.shape_cast %swap3A_153 : vector<1x16xi32> to vector<16xi32>
    %swap3A_155 = vector.shape_cast %add3A_149 : vector<16xi32> to vector<1x16xi32>
    tpu.vector_store %arg8[%swap3A_151, %swap3A_152], %swap3A_155 {strides = array<i32>} : memref<14x80xi32, #tpu.memory_space<vmem>>, vector<1x16xi32>,
    %get3A_156 = arith.constant 1 : i32
    %get3A_157 = arith.index_cast %get3A_156 : i32 to index
    %get3A_158 = arith.constant 64 : index
    %get3A_159 = tpu.vector_load %arg6[%get3A_157, %get3A_158] {strides = array<i32>} : memref<14x80xi32, #tpu.memory_space<vmem>>, vector<1x16xi32>,
    %get3A_160 = vector.shape_cast %get3A_159 : vector<1x16xi32> to vector<16xi32>
    %mul3A_161 = arith.constant 2 : i32
    %mul3A_162 = vector.broadcast %mul3A_161 : i32 to vector<16xi32>
    %mul3A_163 = arith.muli %get3A_160, %mul3A_162 : vector<16xi32>
    %add3A_164 = vector.broadcast %arg0 : i32 to vector<16xi32>
    %add3A_165 = arith.addi %mul3A_163, %add3A_164 : vector<16xi32>
    %swap3A_166 = arith.constant 1 : i32
    %swap3A_167 = arith.index_cast %swap3A_166 : i32 to index
    %swap3A_168 = arith.constant 64 : index
    %swap3A_169 = tpu.vector_load %arg8[%swap3A_167, %swap3A_168] {strides = array<i32>} : memref<14x80xi32, #tpu.memory_space<vmem>>, vector<1x16xi32>,
    %swap3A_170 = vector.shape_cast %swap3A_169 : vector<1x16xi32> to vector<16xi32>
    %swap3A_171 = vector.shape_cast %add3A_165 : vector<16xi32> to vector<1x16xi32>
    tpu.vector_store %arg8[%swap3A_167, %swap3A_168], %swap3A_171 {strides = array<i32>} : memref<14x80xi32, #tpu.memory_space<vmem>>, vector<1x16xi32>,
    %get3A_172 = arith.constant 2 : i32
    %get3A_173 = arith.index_cast %get3A_172 : i32 to index
    %get3A_174 = arith.constant 0 : index
    %get3A_175 = tpu.vector_load %arg6[%get3A_173, %get3A_174] {strides = array<i32>} : memref<14x80xi32, #tpu.memory_space<vmem>>, vector<1x16xi32>,
    %get3A_176 = vector.shape_cast %get3A_175 : vector<1x16xi32> to vector<16xi32>
    %mul3A_177 = arith.constant 2 : i32
    %mul3A_178 = vector.broadcast %mul3A_177 : i32 to vector<16xi32>
    %mul3A_179 = arith.muli %get3A_176, %mul3A_178 : vector<16xi32>
    %add3A_180 = vector.broadcast %arg0 : i32 to vector<16xi32>
    %add3A_181 = arith.addi %mul3A_179, %add3A_180 : vector<16xi32>
    %swap3A_182 = arith.constant 2 : i32
    %swap3A_183 = arith.index_cast %swap3A_182 : i32 to index
    %swap3A_184 = arith.constant 0 : index
    %swap3A_185 = tpu.vector_load %arg8[%swap3A_183, %swap3A_184] {strides = array<i32>} : memref<14x80xi32, #tpu.memory_space<vmem>>, vector<1x16xi32>,
    %swap3A_186 = vector.shape_cast %swap3A_185 : vector<1x16xi32> to vector<16xi32>
    %swap3A_187 = vector.shape_cast %add3A_181 : vector<16xi32> to vector<1x16xi32>
    tpu.vector_store %arg8[%swap3A_183, %swap3A_184], %swap3A_187 {strides = array<i32>} : memref<14x80xi32, #tpu.memory_space<vmem>>, vector<1x16xi32>,
    %get3A_188 = arith.constant 2 : i32
    %get3A_189 = arith.index_cast %get3A_188 : i32 to index
    %get3A_190 = arith.constant 16 : index
    %get3A_191 = tpu.vector_load %arg6[%get3A_189, %get3A_190] {strides = array<i32>} : memref<14x80xi32, #tpu.memory_space<vmem>>, vector<1x16xi32>,
    %get3A_192 = vector.shape_cast %get3A_191 : vector<1x16xi32> to vector<16xi32>
    %mul3A_193 = arith.constant 2 : i32
    %mul3A_194 = vector.broadcast %mul3A_193 : i32 to vector<16xi32>
    %mul3A_195 = arith.muli %get3A_192, %mul3A_194 : vector<16xi32>
    %add3A_196 = vector.broadcast %arg0 : i32 to vector<16xi32>
    %add3A_197 = arith.addi %mul3A_195, %add3A_196 : vector<16xi32>
    %swap3A_198 = arith.constant 2 : i32
    %swap3A_199 = arith.index_cast %swap3A_198 : i32 to index
    %swap3A_200 = arith.constant 16 : index
    %swap3A_201 = tpu.vector_load %arg8[%swap3A_199, %swap3A_200] {strides = array<i32>} : memref<14x80xi32, #tpu.memory_space<vmem>>, vector<1x16xi32>,
    %swap3A_202 = vector.shape_cast %swap3A_201 : vector<1x16xi32> to vector<16xi32>
    %swap3A_203 = vector.shape_cast %add3A_197 : vector<16xi32> to vector<1x16xi32>
    tpu.vector_store %arg8[%swap3A_199, %swap3A_200], %swap3A_203 {strides = array<i32>} : memref<14x80xi32, #tpu.memory_space<vmem>>, vector<1x16xi32>,
    %get3A_204 = arith.constant 2 : i32
    %get3A_205 = arith.index_cast %get3A_204 : i32 to index
    %get3A_206 = arith.constant 32 : index
    %get3A_207 = tpu.vector_load %arg6[%get3A_205, %get3A_206] {strides = array<i32>} : memref<14x80xi32, #tpu.memory_space<vmem>>, vector<1x16xi32>,
    %get3A_208 = vector.shape_cast %get3A_207 : vector<1x16xi32> to vector<16xi32>
    %mul3A_209 = arith.constant 2 : i32
    %mul3A_210 = vector.broadcast %mul3A_209 : i32 to vector<16xi32>
    %mul3A_211 = arith.muli %get3A_208, %mul3A_210 : vector<16xi32>
    %add3A_212 = vector.broadcast %arg0 : i32 to vector<16xi32>
    %add3A_213 = arith.addi %mul3A_211, %add3A_212 : vector<16xi32>
    %swap3A_214 = arith.constant 2 : i32
    %swap3A_215 = arith.index_cast %swap3A_214 : i32 to index
    %swap3A_216 = arith.constant 32 : index
    %swap3A_217 = tpu.vector_load %arg8[%swap3A_215, %swap3A_216] {strides = array<i32>} : memref<14x80xi32, #tpu.memory_space<vmem>>, vector<1x16xi32>,
    %swap3A_218 = vector.shape_cast %swap3A_217 : vector<1x16xi32> to vector<16xi32>
    %swap3A_219 = vector.shape_cast %add3A_213 : vector<16xi32> to vector<1x16xi32>
    tpu.vector_store %arg8[%swap3A_215, %swap3A_216], %swap3A_219 {strides = array<i32>} : memref<14x80xi32, #tpu.memory_space<vmem>>, vector<1x16xi32>,
    %get3A_220 = arith.constant 2 : i32
    %get3A_221 = arith.index_cast %get3A_220 : i32 to index
    %get3A_222 = arith.constant 48 : index
    %get3A_223 = tpu.vector_load %arg6[%get3A_221, %get3A_222] {strides = array<i32>} : memref<14x80xi32, #tpu.memory_space<vmem>>, vector<1x16xi32>,
    %get3A_224 = vector.shape_cast %get3A_223 : vector<1x16xi32> to vector<16xi32>
    %mul3A_225 = arith.constant 2 : i32
    %mul3A_226 = vector.broadcast %mul3A_225 : i32 to vector<16xi32>
    %mul3A_227 = arith.muli %get3A_224, %mul3A_226 : vector<16xi32>
    %add3A_228 = vector.broadcast %arg0 : i32 to vector<16xi32>
    %add3A_229 = arith.addi %mul3A_227, %add3A_228 : vector<16xi32>
    %swap3A_230 = arith.constant 2 : i32
    %swap3A_231 = arith.index_cast %swap3A_230 : i32 to index
    %swap3A_232 = arith.constant 48 : index
    %swap3A_233 = tpu.vector_load %arg8[%swap3A_231, %swap3A_232] {strides = array<i32>} : memref<14x80xi32, #tpu.memory_space<vmem>>, vector<1x16xi32>,
    %swap3A_234 = vector.shape_cast %swap3A_233 : vector<1x16xi32> to vector<16xi32>
    %swap3A_235 = vector.shape_cast %add3A_229 : vector<16xi32> to vector<1x16xi32>
    tpu.vector_store %arg8[%swap3A_231, %swap3A_232], %swap3A_235 {strides = array<i32>} : memref<14x80xi32, #tpu.memory_space<vmem>>, vector<1x16xi32>,
    %get3A_236 = arith.constant 2 : i32
    %get3A_237 = arith.index_cast %get3A_236 : i32 to index
    %get3A_238 = arith.constant 64 : index
    %get3A_239 = tpu.vector_load %arg6[%get3A_237, %get3A_238] {strides = array<i32>} : memref<14x80xi32, #tpu.memory_space<vmem>>, vector<1x16xi32>,
    %get3A_240 = vector.shape_cast %get3A_239 : vector<1x16xi32> to vector<16xi32>
    %mul3A_241 = arith.constant 2 : i32
    %mul3A_242 = vector.broadcast %mul3A_241 : i32 to vector<16xi32>
    %mul3A_243 = arith.muli %get3A_240, %mul3A_242 : vector<16xi32>
    %add3A_244 = vector.broadcast %arg0 : i32 to vector<16xi32>
    %add3A_245 = arith.addi %mul3A_243, %add3A_244 : vector<16xi32>
    %swap3A_246 = arith.constant 2 : i32
    %swap3A_247 = arith.index_cast %swap3A_246 : i32 to index
    %swap3A_248 = arith.constant 64 : index
    %swap3A_249 = tpu.vector_load %arg8[%swap3A_247, %swap3A_248] {strides = array<i32>} : memref<14x80xi32, #tpu.memory_space<vmem>>, vector<1x16xi32>,
    %swap3A_250 = vector.shape_cast %swap3A_249 : vector<1x16xi32> to vector<16xi32>
    %swap3A_251 = vector.shape_cast %add3A_245 : vector<16xi32> to vector<1x16xi32>
    tpu.vector_store %arg8[%swap3A_247, %swap3A_248], %swap3A_251 {strides = array<i32>} : memref<14x80xi32, #tpu.memory_space<vmem>>, vector<1x16xi32>,
    %get3A_252 = arith.constant 3 : i32
    %get3A_253 = arith.index_cast %get3A_252 : i32 to index
    %get3A_254 = arith.constant 0 : index
    %get3A_255 = tpu.vector_load %arg6[%get3A_253, %get3A_254] {strides = array<i32>} : memref<14x80xi32, #tpu.memory_space<vmem>>, vector<1x16xi32>,
    %get3A_256 = vector.shape_cast %get3A_255 : vector<1x16xi32> to vector<16xi32>
    %mul3A_257 = arith.constant 2 : i32
    %mul3A_258 = vector.broadcast %mul3A_257 : i32 to vector<16xi32>
    %mul3A_259 = arith.muli %get3A_256, %mul3A_258 : vector<16xi32>
    %add3A_260 = vector.broadcast %arg0 : i32 to vector<16xi32>
    %add3A_261 = arith.addi %mul3A_259, %add3A_260 : vector<16xi32>
    %swap3A_262 = arith.constant 3 : i32
    %swap3A_263 = arith.index_cast %swap3A_262 : i32 to index
    %swap3A_264 = arith.constant 0 : index
    %swap3A_265 = tpu.vector_load %arg8[%swap3A_263, %swap3A_264] {strides = array<i32>} : memref<14x80xi32, #tpu.memory_space<vmem>>, vector<1x16xi32>,
    %swap3A_266 = vector.shape_cast %swap3A_265 : vector<1x16xi32> to vector<16xi32>
    %swap3A_267 = vector.shape_cast %add3A_261 : vector<16xi32> to vector<1x16xi32>
    tpu.vector_store %arg8[%swap3A_263, %swap3A_264], %swap3A_267 {strides = array<i32>} : memref<14x80xi32, #tpu.memory_space<vmem>>, vector<1x16xi32>,
    %get3A_268 = arith.constant 3 : i32
    %get3A_269 = arith.index_cast %get3A_268 : i32 to index
    %get3A_270 = arith.constant 16 : index
    %get3A_271 = tpu.vector_load %arg6[%get3A_269, %get3A_270] {strides = array<i32>} : memref<14x80xi32, #tpu.memory_space<vmem>>, vector<1x16xi32>,
    %get3A_272 = vector.shape_cast %get3A_271 : vector<1x16xi32> to vector<16xi32>
    %mul3A_273 = arith.constant 2 : i32
    %mul3A_274 = vector.broadcast %mul3A_273 : i32 to vector<16xi32>
    %mul3A_275 = arith.muli %get3A_272, %mul3A_274 : vector<16xi32>
    %add3A_276 = vector.broadcast %arg0 : i32 to vector<16xi32>
    %add3A_277 = arith.addi %mul3A_275, %add3A_276 : vector<16xi32>
    %swap3A_278 = arith.constant 3 : i32
    %swap3A_279 = arith.index_cast %swap3A_278 : i32 to index
    %swap3A_280 = arith.constant 16 : index
    %swap3A_281 = tpu.vector_load %arg8[%swap3A_279, %swap3A_280] {strides = array<i32>} : memref<14x80xi32, #tpu.memory_space<vmem>>, vector<1x16xi32>,
    %swap3A_282 = vector.shape_cast %swap3A_281 : vector<1x16xi32> to vector<16xi32>
    %swap3A_283 = vector.shape_cast %add3A_277 : vector<16xi32> to vector<1x16xi32>
    tpu.vector_store %arg8[%swap3A_279, %swap3A_280], %swap3A_283 {strides = array<i32>} : memref<14x80xi32, #tpu.memory_space<vmem>>, vector<1x16xi32>,
    %get3A_284 = arith.constant 3 : i32
    %get3A_285 = arith.index_cast %get3A_284 : i32 to index
    %get3A_286 = arith.constant 32 : index
    %get3A_287 = tpu.vector_load %arg6[%get3A_285, %get3A_286] {strides = array<i32>} : memref<14x80xi32, #tpu.memory_space<vmem>>, vector<1x16xi32>,
    %get3A_288 = vector.shape_cast %get3A_287 : vector<1x16xi32> to vector<16xi32>
    %mul3A_289 = arith.constant 2 : i32
    %mul3A_290 = vector.broadcast %mul3A_289 : i32 to vector<16xi32>
    %mul3A_291 = arith.muli %get3A_288, %mul3A_290 : vector<16xi32>
    %add3A_292 = vector.broadcast %arg0 : i32 to vector<16xi32>
    %add3A_293 = arith.addi %mul3A_291, %add3A_292 : vector<16xi32>
    %swap3A_294 = arith.constant 3 : i32
    %swap3A_295 = arith.index_cast %swap3A_294 : i32 to index
    %swap3A_296 = arith.constant 32 : index
    %swap3A_297 = tpu.vector_load %arg8[%swap3A_295, %swap3A_296] {strides = array<i32>} : memref<14x80xi32, #tpu.memory_space<vmem>>, vector<1x16xi32>,
    %swap3A_298 = vector.shape_cast %swap3A_297 : vector<1x16xi32> to vector<16xi32>
    %swap3A_299 = vector.shape_cast %add3A_293 : vector<16xi32> to vector<1x16xi32>
    tpu.vector_store %arg8[%swap3A_295, %swap3A_296], %swap3A_299 {strides = array<i32>} : memref<14x80xi32, #tpu.memory_space<vmem>>, vector<1x16xi32>,
    %get3A_300 = arith.constant 3 : i32
    %get3A_301 = arith.index_cast %get3A_300 : i32 to index
    %get3A_302 = arith.constant 48 : index
    %get3A_303 = tpu.vector_load %arg6[%get3A_301, %get3A_302] {strides = array<i32>} : memref<14x80xi32, #tpu.memory_space<vmem>>, vector<1x16xi32>,
    %get3A_304 = vector.shape_cast %get3A_303 : vector<1x16xi32> to vector<16xi32>
    %mul3A_305 = arith.constant 2 : i32
    %mul3A_306 = vector.broadcast %mul3A_305 : i32 to vector<16xi32>
    %mul3A_307 = arith.muli %get3A_304, %mul3A_306 : vector<16xi32>
    %add3A_308 = vector.broadcast %arg0 : i32 to vector<16xi32>
    %add3A_309 = arith.addi %mul3A_307, %add3A_308 : vector<16xi32>
    %swap3A_310 = arith.constant 3 : i32
    %swap3A_311 = arith.index_cast %swap3A_310 : i32 to index
    %swap3A_312 = arith.constant 48 : index
    %swap3A_313 = tpu.vector_load %arg8[%swap3A_311, %swap3A_312] {strides = array<i32>} : memref<14x80xi32, #tpu.memory_space<vmem>>, vector<1x16xi32>,
    %swap3A_314 = vector.shape_cast %swap3A_313 : vector<1x16xi32> to vector<16xi32>
    %swap3A_315 = vector.shape_cast %add3A_309 : vector<16xi32> to vector<1x16xi32>
    tpu.vector_store %arg8[%swap3A_311, %swap3A_312], %swap3A_315 {strides = array<i32>} : memref<14x80xi32, #tpu.memory_space<vmem>>, vector<1x16xi32>,
    %get3A_316 = arith.constant 3 : i32
    %get3A_317 = arith.index_cast %get3A_316 : i32 to index
    %get3A_318 = arith.constant 64 : index
    %get3A_319 = tpu.vector_load %arg6[%get3A_317, %get3A_318] {strides = array<i32>} : memref<14x80xi32, #tpu.memory_space<vmem>>, vector<1x16xi32>,
    %get3A_320 = vector.shape_cast %get3A_319 : vector<1x16xi32> to vector<16xi32>
    %mul3A_321 = arith.constant 2 : i32
    %mul3A_322 = vector.broadcast %mul3A_321 : i32 to vector<16xi32>
    %mul3A_323 = arith.muli %get3A_320, %mul3A_322 : vector<16xi32>
    %add3A_324 = vector.broadcast %arg0 : i32 to vector<16xi32>
    %add3A_325 = arith.addi %mul3A_323, %add3A_324 : vector<16xi32>
    %swap3A_326 = arith.constant 3 : i32
    %swap3A_327 = arith.index_cast %swap3A_326 : i32 to index
    %swap3A_328 = arith.constant 64 : index
    %swap3A_329 = tpu.vector_load %arg8[%swap3A_327, %swap3A_328] {strides = array<i32>} : memref<14x80xi32, #tpu.memory_space<vmem>>, vector<1x16xi32>,
    %swap3A_330 = vector.shape_cast %swap3A_329 : vector<1x16xi32> to vector<16xi32>
    %swap3A_331 = vector.shape_cast %add3A_325 : vector<16xi32> to vector<1x16xi32>
    tpu.vector_store %arg8[%swap3A_327, %swap3A_328], %swap3A_331 {strides = array<i32>} : memref<14x80xi32, #tpu.memory_space<vmem>>, vector<1x16xi32>,
    %get3A_332 = arith.constant 4 : i32
    %get3A_333 = arith.index_cast %get3A_332 : i32 to index
    %get3A_334 = arith.constant 0 : index
    %get3A_335 = tpu.vector_load %arg6[%get3A_333, %get3A_334] {strides = array<i32>} : memref<14x80xi32, #tpu.memory_space<vmem>>, vector<1x16xi32>,
    %get3A_336 = vector.shape_cast %get3A_335 : vector<1x16xi32> to vector<16xi32>
    %mul3A_337 = arith.constant 2 : i32
    %mul3A_338 = vector.broadcast %mul3A_337 : i32 to vector<16xi32>
    %mul3A_339 = arith.muli %get3A_336, %mul3A_338 : vector<16xi32>
    %add3A_340 = vector.broadcast %arg0 : i32 to vector<16xi32>
    %add3A_341 = arith.addi %mul3A_339, %add3A_340 : vector<16xi32>
    %swap3A_342 = arith.constant 4 : i32
    %swap3A_343 = arith.index_cast %swap3A_342 : i32 to index
    %swap3A_344 = arith.constant 0 : index
    %swap3A_345 = tpu.vector_load %arg8[%swap3A_343, %swap3A_344] {strides = array<i32>} : memref<14x80xi32, #tpu.memory_space<vmem>>, vector<1x16xi32>,
    %swap3A_346 = vector.shape_cast %swap3A_345 : vector<1x16xi32> to vector<16xi32>
    %swap3A_347 = vector.shape_cast %add3A_341 : vector<16xi32> to vector<1x16xi32>
    tpu.vector_store %arg8[%swap3A_343, %swap3A_344], %swap3A_347 {strides = array<i32>} : memref<14x80xi32, #tpu.memory_space<vmem>>, vector<1x16xi32>,
    %get3A_348 = arith.constant 4 : i32
    %get3A_349 = arith.index_cast %get3A_348 : i32 to index
    %get3A_350 = arith.constant 16 : index
    %get3A_351 = tpu.vector_load %arg6[%get3A_349, %get3A_350] {strides = array<i32>} : memref<14x80xi32, #tpu.memory_space<vmem>>, vector<1x16xi32>,
    %get3A_352 = vector.shape_cast %get3A_351 : vector<1x16xi32> to vector<16xi32>
    %mul3A_353 = arith.constant 2 : i32
    %mul3A_354 = vector.broadcast %mul3A_353 : i32 to vector<16xi32>
    %mul3A_355 = arith.muli %get3A_352, %mul3A_354 : vector<16xi32>
    %add3A_356 = vector.broadcast %arg0 : i32 to vector<16xi32>
    %add3A_357 = arith.addi %mul3A_355, %add3A_356 : vector<16xi32>
    %swap3A_358 = arith.constant 4 : i32
    %swap3A_359 = arith.index_cast %swap3A_358 : i32 to index
    %swap3A_360 = arith.constant 16 : index
    %swap3A_361 = tpu.vector_load %arg8[%swap3A_359, %swap3A_360] {strides = array<i32>} : memref<14x80xi32, #tpu.memory_space<vmem>>, vector<1x16xi32>,
    %swap3A_362 = vector.shape_cast %swap3A_361 : vector<1x16xi32> to vector<16xi32>
    %swap3A_363 = vector.shape_cast %add3A_357 : vector<16xi32> to vector<1x16xi32>
    tpu.vector_store %arg8[%swap3A_359, %swap3A_360], %swap3A_363 {strides = array<i32>} : memref<14x80xi32, #tpu.memory_space<vmem>>, vector<1x16xi32>,
    %get3A_364 = arith.constant 4 : i32
    %get3A_365 = arith.index_cast %get3A_364 : i32 to index
    %get3A_366 = arith.constant 32 : index
    %get3A_367 = tpu.vector_load %arg6[%get3A_365, %get3A_366] {strides = array<i32>} : memref<14x80xi32, #tpu.memory_space<vmem>>, vector<1x16xi32>,
    %get3A_368 = vector.shape_cast %get3A_367 : vector<1x16xi32> to vector<16xi32>
    %mul3A_369 = arith.constant 2 : i32
    %mul3A_370 = vector.broadcast %mul3A_369 : i32 to vector<16xi32>
    %mul3A_371 = arith.muli %get3A_368, %mul3A_370 : vector<16xi32>
    %add3A_372 = vector.broadcast %arg0 : i32 to vector<16xi32>
    %add3A_373 = arith.addi %mul3A_371, %add3A_372 : vector<16xi32>
    %swap3A_374 = arith.constant 4 : i32
    %swap3A_375 = arith.index_cast %swap3A_374 : i32 to index
    %swap3A_376 = arith.constant 32 : index
    %swap3A_377 = tpu.vector_load %arg8[%swap3A_375, %swap3A_376] {strides = array<i32>} : memref<14x80xi32, #tpu.memory_space<vmem>>, vector<1x16xi32>,
    %swap3A_378 = vector.shape_cast %swap3A_377 : vector<1x16xi32> to vector<16xi32>
    %swap3A_379 = vector.shape_cast %add3A_373 : vector<16xi32> to vector<1x16xi32>
    tpu.vector_store %arg8[%swap3A_375, %swap3A_376], %swap3A_379 {strides = array<i32>} : memref<14x80xi32, #tpu.memory_space<vmem>>, vector<1x16xi32>,
    %get3A_380 = arith.constant 4 : i32
    %get3A_381 = arith.index_cast %get3A_380 : i32 to index
    %get3A_382 = arith.constant 48 : index
    %get3A_383 = tpu.vector_load %arg6[%get3A_381, %get3A_382] {strides = array<i32>} : memref<14x80xi32, #tpu.memory_space<vmem>>, vector<1x16xi32>,
    %get3A_384 = vector.shape_cast %get3A_383 : vector<1x16xi32> to vector<16xi32>
    %mul3A_385 = arith.constant 2 : i32
    %mul3A_386 = vector.broadcast %mul3A_385 : i32 to vector<16xi32>
    %mul3A_387 = arith.muli %get3A_384, %mul3A_386 : vector<16xi32>
    %add3A_388 = vector.broadcast %arg0 : i32 to vector<16xi32>
    %add3A_389 = arith.addi %mul3A_387, %add3A_388 : vector<16xi32>
    %swap3A_390 = arith.constant 4 : i32
    %swap3A_391 = arith.index_cast %swap3A_390 : i32 to index
    %swap3A_392 = arith.constant 48 : index
    %swap3A_393 = tpu.vector_load %arg8[%swap3A_391, %swap3A_392] {strides = array<i32>} : memref<14x80xi32, #tpu.memory_space<vmem>>, vector<1x16xi32>,
    %swap3A_394 = vector.shape_cast %swap3A_393 : vector<1x16xi32> to vector<16xi32>
    %swap3A_395 = vector.shape_cast %add3A_389 : vector<16xi32> to vector<1x16xi32>
    tpu.vector_store %arg8[%swap3A_391, %swap3A_392], %swap3A_395 {strides = array<i32>} : memref<14x80xi32, #tpu.memory_space<vmem>>, vector<1x16xi32>,
    %get3A_396 = arith.constant 4 : i32
    %get3A_397 = arith.index_cast %get3A_396 : i32 to index
    %get3A_398 = arith.constant 64 : index
    %get3A_399 = tpu.vector_load %arg6[%get3A_397, %get3A_398] {strides = array<i32>} : memref<14x80xi32, #tpu.memory_space<vmem>>, vector<1x16xi32>,
    %get3A_400 = vector.shape_cast %get3A_399 : vector<1x16xi32> to vector<16xi32>
    %mul3A_401 = arith.constant 2 : i32
    %mul3A_402 = vector.broadcast %mul3A_401 : i32 to vector<16xi32>
    %mul3A_403 = arith.muli %get3A_400, %mul3A_402 : vector<16xi32>
    %add3A_404 = vector.broadcast %arg0 : i32 to vector<16xi32>
    %add3A_405 = arith.addi %mul3A_403, %add3A_404 : vector<16xi32>
    %swap3A_406 = arith.constant 4 : i32
    %swap3A_407 = arith.index_cast %swap3A_406 : i32 to index
    %swap3A_408 = arith.constant 64 : index
    %swap3A_409 = tpu.vector_load %arg8[%swap3A_407, %swap3A_408] {strides = array<i32>} : memref<14x80xi32, #tpu.memory_space<vmem>>, vector<1x16xi32>,
    %swap3A_410 = vector.shape_cast %swap3A_409 : vector<1x16xi32> to vector<16xi32>
    %swap3A_411 = vector.shape_cast %add3A_405 : vector<16xi32> to vector<1x16xi32>
    tpu.vector_store %arg8[%swap3A_407, %swap3A_408], %swap3A_411 {strides = array<i32>} : memref<14x80xi32, #tpu.memory_space<vmem>>, vector<1x16xi32>,
    %get3A_412 = arith.constant 5 : i32
    %get3A_413 = arith.index_cast %get3A_412 : i32 to index
    %get3A_414 = arith.constant 0 : index
    %get3A_415 = tpu.vector_load %arg6[%get3A_413, %get3A_414] {strides = array<i32>} : memref<14x80xi32, #tpu.memory_space<vmem>>, vector<1x16xi32>,
    %get3A_416 = vector.shape_cast %get3A_415 : vector<1x16xi32> to vector<16xi32>
    %mul3A_417 = arith.constant 2 : i32
    %mul3A_418 = vector.broadcast %mul3A_417 : i32 to vector<16xi32>
    %mul3A_419 = arith.muli %get3A_416, %mul3A_418 : vector<16xi32>
    %add3A_420 = vector.broadcast %arg0 : i32 to vector<16xi32>
    %add3A_421 = arith.addi %mul3A_419, %add3A_420 : vector<16xi32>
    %swap3A_422 = arith.constant 5 : i32
    %swap3A_423 = arith.index_cast %swap3A_422 : i32 to index
    %swap3A_424 = arith.constant 0 : index
    %swap3A_425 = tpu.vector_load %arg8[%swap3A_423, %swap3A_424] {strides = array<i32>} : memref<14x80xi32, #tpu.memory_space<vmem>>, vector<1x16xi32>,
    %swap3A_426 = vector.shape_cast %swap3A_425 : vector<1x16xi32> to vector<16xi32>
    %swap3A_427 = vector.shape_cast %add3A_421 : vector<16xi32> to vector<1x16xi32>
    tpu.vector_store %arg8[%swap3A_423, %swap3A_424], %swap3A_427 {strides = array<i32>} : memref<14x80xi32, #tpu.memory_space<vmem>>, vector<1x16xi32>,
    %get3A_428 = arith.constant 5 : i32
    %get3A_429 = arith.index_cast %get3A_428 : i32 to index
    %get3A_430 = arith.constant 16 : index
    %get3A_431 = tpu.vector_load %arg6[%get3A_429, %get3A_430] {strides = array<i32>} : memref<14x80xi32, #tpu.memory_space<vmem>>, vector<1x16xi32>,
    %get3A_432 = vector.shape_cast %get3A_431 : vector<1x16xi32> to vector<16xi32>
    %mul3A_433 = arith.constant 2 : i32
    %mul3A_434 = vector.broadcast %mul3A_433 : i32 to vector<16xi32>
    %mul3A_435 = arith.muli %get3A_432, %mul3A_434 : vector<16xi32>
    %add3A_436 = vector.broadcast %arg0 : i32 to vector<16xi32>
    %add3A_437 = arith.addi %mul3A_435, %add3A_436 : vector<16xi32>
    %swap3A_438 = arith.constant 5 : i32
    %swap3A_439 = arith.index_cast %swap3A_438 : i32 to index
    %swap3A_440 = arith.constant 16 : index
    %swap3A_441 = tpu.vector_load %arg8[%swap3A_439, %swap3A_440] {strides = array<i32>} : memref<14x80xi32, #tpu.memory_space<vmem>>, vector<1x16xi32>,
    %swap3A_442 = vector.shape_cast %swap3A_441 : vector<1x16xi32> to vector<16xi32>
    %swap3A_443 = vector.shape_cast %add3A_437 : vector<16xi32> to vector<1x16xi32>
    tpu.vector_store %arg8[%swap3A_439, %swap3A_440], %swap3A_443 {strides = array<i32>} : memref<14x80xi32, #tpu.memory_space<vmem>>, vector<1x16xi32>,
    %get3A_444 = arith.constant 5 : i32
    %get3A_445 = arith.index_cast %get3A_444 : i32 to index
    %get3A_446 = arith.constant 32 : index
    %get3A_447 = tpu.vector_load %arg6[%get3A_445, %get3A_446] {strides = array<i32>} : memref<14x80xi32, #tpu.memory_space<vmem>>, vector<1x16xi32>,
    %get3A_448 = vector.shape_cast %get3A_447 : vector<1x16xi32> to vector<16xi32>
    %mul3A_449 = arith.constant 2 : i32
    %mul3A_450 = vector.broadcast %mul3A_449 : i32 to vector<16xi32>
    %mul3A_451 = arith.muli %get3A_448, %mul3A_450 : vector<16xi32>
    %add3A_452 = vector.broadcast %arg0 : i32 to vector<16xi32>
    %add3A_453 = arith.addi %mul3A_451, %add3A_452 : vector<16xi32>
    %swap3A_454 = arith.constant 5 : i32
    %swap3A_455 = arith.index_cast %swap3A_454 : i32 to index
    %swap3A_456 = arith.constant 32 : index
    %swap3A_457 = tpu.vector_load %arg8[%swap3A_455, %swap3A_456] {strides = array<i32>} : memref<14x80xi32, #tpu.memory_space<vmem>>, vector<1x16xi32>,
    %swap3A_458 = vector.shape_cast %swap3A_457 : vector<1x16xi32> to vector<16xi32>
    %swap3A_459 = vector.shape_cast %add3A_453 : vector<16xi32> to vector<1x16xi32>
    tpu.vector_store %arg8[%swap3A_455, %swap3A_456], %swap3A_459 {strides = array<i32>} : memref<14x80xi32, #tpu.memory_space<vmem>>, vector<1x16xi32>,
    %get3A_460 = arith.constant 5 : i32
    %get3A_461 = arith.index_cast %get3A_460 : i32 to index
    %get3A_462 = arith.constant 48 : index
    %get3A_463 = tpu.vector_load %arg6[%get3A_461, %get3A_462] {strides = array<i32>} : memref<14x80xi32, #tpu.memory_space<vmem>>, vector<1x16xi32>,
    %get3A_464 = vector.shape_cast %get3A_463 : vector<1x16xi32> to vector<16xi32>
    %mul3A_465 = arith.constant 2 : i32
    %mul3A_466 = vector.broadcast %mul3A_465 : i32 to vector<16xi32>
    %mul3A_467 = arith.muli %get3A_464, %mul3A_466 : vector<16xi32>
    %add3A_468 = vector.broadcast %arg0 : i32 to vector<16xi32>
    %add3A_469 = arith.addi %mul3A_467, %add3A_468 : vector<16xi32>
    %swap3A_470 = arith.constant 5 : i32
    %swap3A_471 = arith.index_cast %swap3A_470 : i32 to index
    %swap3A_472 = arith.constant 48 : index
    %swap3A_473 = tpu.vector_load %arg8[%swap3A_471, %swap3A_472] {strides = array<i32>} : memref<14x80xi32, #tpu.memory_space<vmem>>, vector<1x16xi32>,
    %swap3A_474 = vector.shape_cast %swap3A_473 : vector<1x16xi32> to vector<16xi32>
    %swap3A_475 = vector.shape_cast %add3A_469 : vector<16xi32> to vector<1x16xi32>
    tpu.vector_store %arg8[%swap3A_471, %swap3A_472], %swap3A_475 {strides = array<i32>} : memref<14x80xi32, #tpu.memory_space<vmem>>, vector<1x16xi32>,
    %get3A_476 = arith.constant 5 : i32
    %get3A_477 = arith.index_cast %get3A_476 : i32 to index
    %get3A_478 = arith.constant 64 : index
    %get3A_479 = tpu.vector_load %arg6[%get3A_477, %get3A_478] {strides = array<i32>} : memref<14x80xi32, #tpu.memory_space<vmem>>, vector<1x16xi32>,
    %get3A_480 = vector.shape_cast %get3A_479 : vector<1x16xi32> to vector<16xi32>
    %mul3A_481 = arith.constant 2 : i32
    %mul3A_482 = vector.broadcast %mul3A_481 : i32 to vector<16xi32>
    %mul3A_483 = arith.muli %get3A_480, %mul3A_482 : vector<16xi32>
    %add3A_484 = vector.broadcast %arg0 : i32 to vector<16xi32>
    %add3A_485 = arith.addi %mul3A_483, %add3A_484 : vector<16xi32>
    %swap3A_486 = arith.constant 5 : i32
    %swap3A_487 = arith.index_cast %swap3A_486 : i32 to index
    %swap3A_488 = arith.constant 64 : index
    %swap3A_489 = tpu.vector_load %arg8[%swap3A_487, %swap3A_488] {strides = array<i32>} : memref<14x80xi32, #tpu.memory_space<vmem>>, vector<1x16xi32>,
    %swap3A_490 = vector.shape_cast %swap3A_489 : vector<1x16xi32> to vector<16xi32>
    %swap3A_491 = vector.shape_cast %add3A_485 : vector<16xi32> to vector<1x16xi32>
    tpu.vector_store %arg8[%swap3A_487, %swap3A_488], %swap3A_491 {strides = array<i32>} : memref<14x80xi32, #tpu.memory_space<vmem>>, vector<1x16xi32>,
    %get3A_492 = arith.constant 6 : i32
    %get3A_493 = arith.index_cast %get3A_492 : i32 to index
    %get3A_494 = arith.constant 0 : index
    %get3A_495 = tpu.vector_load %arg6[%get3A_493, %get3A_494] {strides = array<i32>} : memref<14x80xi32, #tpu.memory_space<vmem>>, vector<1x16xi32>,
    %get3A_496 = vector.shape_cast %get3A_495 : vector<1x16xi32> to vector<16xi32>
    %mul3A_497 = arith.constant 2 : i32
    %mul3A_498 = vector.broadcast %mul3A_497 : i32 to vector<16xi32>
    %mul3A_499 = arith.muli %get3A_496, %mul3A_498 : vector<16xi32>
    %add3A_500 = vector.broadcast %arg0 : i32 to vector<16xi32>
    %add3A_501 = arith.addi %mul3A_499, %add3A_500 : vector<16xi32>
    %swap3A_502 = arith.constant 6 : i32
    %swap3A_503 = arith.index_cast %swap3A_502 : i32 to index
    %swap3A_504 = arith.constant 0 : index
    %swap3A_505 = tpu.vector_load %arg8[%swap3A_503, %swap3A_504] {strides = array<i32>} : memref<14x80xi32, #tpu.memory_space<vmem>>, vector<1x16xi32>,
    %swap3A_506 = vector.shape_cast %swap3A_505 : vector<1x16xi32> to vector<16xi32>
    %swap3A_507 = vector.shape_cast %add3A_501 : vector<16xi32> to vector<1x16xi32>
    tpu.vector_store %arg8[%swap3A_503, %swap3A_504], %swap3A_507 {strides = array<i32>} : memref<14x80xi32, #tpu.memory_space<vmem>>, vector<1x16xi32>,
    %get3A_508 = arith.constant 6 : i32
    %get3A_509 = arith.index_cast %get3A_508 : i32 to index
    %get3A_510 = arith.constant 16 : index
    %get3A_511 = tpu.vector_load %arg6[%get3A_509, %get3A_510] {strides = array<i32>} : memref<14x80xi32, #tpu.memory_space<vmem>>, vector<1x16xi32>,
    %get3A_512 = vector.shape_cast %get3A_511 : vector<1x16xi32> to vector<16xi32>
    %mul3A_513 = arith.constant 2 : i32
    %mul3A_514 = vector.broadcast %mul3A_513 : i32 to vector<16xi32>
    %mul3A_515 = arith.muli %get3A_512, %mul3A_514 : vector<16xi32>
    %add3A_516 = vector.broadcast %arg0 : i32 to vector<16xi32>
    %add3A_517 = arith.addi %mul3A_515, %add3A_516 : vector<16xi32>
    %swap3A_518 = arith.constant 6 : i32
    %swap3A_519 = arith.index_cast %swap3A_518 : i32 to index
    %swap3A_520 = arith.constant 16 : index
    %swap3A_521 = tpu.vector_load %arg8[%swap3A_519, %swap3A_520] {strides = array<i32>} : memref<14x80xi32, #tpu.memory_space<vmem>>, vector<1x16xi32>,
    %swap3A_522 = vector.shape_cast %swap3A_521 : vector<1x16xi32> to vector<16xi32>
    %swap3A_523 = vector.shape_cast %add3A_517 : vector<16xi32> to vector<1x16xi32>
    tpu.vector_store %arg8[%swap3A_519, %swap3A_520], %swap3A_523 {strides = array<i32>} : memref<14x80xi32, #tpu.memory_space<vmem>>, vector<1x16xi32>,
    %get3A_524 = arith.constant 6 : i32
    %get3A_525 = arith.index_cast %get3A_524 : i32 to index
    %get3A_526 = arith.constant 32 : index
    %get3A_527 = tpu.vector_load %arg6[%get3A_525, %get3A_526] {strides = array<i32>} : memref<14x80xi32, #tpu.memory_space<vmem>>, vector<1x16xi32>,
    %get3A_528 = vector.shape_cast %get3A_527 : vector<1x16xi32> to vector<16xi32>
    %mul3A_529 = arith.constant 2 : i32
    %mul3A_530 = vector.broadcast %mul3A_529 : i32 to vector<16xi32>
    %mul3A_531 = arith.muli %get3A_528, %mul3A_530 : vector<16xi32>
    %add3A_532 = vector.broadcast %arg0 : i32 to vector<16xi32>
    %add3A_533 = arith.addi %mul3A_531, %add3A_532 : vector<16xi32>
    %swap3A_534 = arith.constant 6 : i32
    %swap3A_535 = arith.index_cast %swap3A_534 : i32 to index
    %swap3A_536 = arith.constant 32 : index
    %swap3A_537 = tpu.vector_load %arg8[%swap3A_535, %swap3A_536] {strides = array<i32>} : memref<14x80xi32, #tpu.memory_space<vmem>>, vector<1x16xi32>,
    %swap3A_538 = vector.shape_cast %swap3A_537 : vector<1x16xi32> to vector<16xi32>
    %swap3A_539 = vector.shape_cast %add3A_533 : vector<16xi32> to vector<1x16xi32>
    tpu.vector_store %arg8[%swap3A_535, %swap3A_536], %swap3A_539 {strides = array<i32>} : memref<14x80xi32, #tpu.memory_space<vmem>>, vector<1x16xi32>,
    %get3A_540 = arith.constant 6 : i32
    %get3A_541 = arith.index_cast %get3A_540 : i32 to index
    %get3A_542 = arith.constant 48 : index
    %get3A_543 = tpu.vector_load %arg6[%get3A_541, %get3A_542] {strides = array<i32>} : memref<14x80xi32, #tpu.memory_space<vmem>>, vector<1x16xi32>,
    %get3A_544 = vector.shape_cast %get3A_543 : vector<1x16xi32> to vector<16xi32>
    %mul3A_545 = arith.constant 2 : i32
    %mul3A_546 = vector.broadcast %mul3A_545 : i32 to vector<16xi32>
    %mul3A_547 = arith.muli %get3A_544, %mul3A_546 : vector<16xi32>
    %add3A_548 = vector.broadcast %arg0 : i32 to vector<16xi32>
    %add3A_549 = arith.addi %mul3A_547, %add3A_548 : vector<16xi32>
    %swap3A_550 = arith.constant 6 : i32
    %swap3A_551 = arith.index_cast %swap3A_550 : i32 to index
    %swap3A_552 = arith.constant 48 : index
    %swap3A_553 = tpu.vector_load %arg8[%swap3A_551, %swap3A_552] {strides = array<i32>} : memref<14x80xi32, #tpu.memory_space<vmem>>, vector<1x16xi32>,
    %swap3A_554 = vector.shape_cast %swap3A_553 : vector<1x16xi32> to vector<16xi32>
    %swap3A_555 = vector.shape_cast %add3A_549 : vector<16xi32> to vector<1x16xi32>
    tpu.vector_store %arg8[%swap3A_551, %swap3A_552], %swap3A_555 {strides = array<i32>} : memref<14x80xi32, #tpu.memory_space<vmem>>, vector<1x16xi32>,
    %get3A_556 = arith.constant 6 : i32
    %get3A_557 = arith.index_cast %get3A_556 : i32 to index
    %get3A_558 = arith.constant 64 : index
    %get3A_559 = tpu.vector_load %arg6[%get3A_557, %get3A_558] {strides = array<i32>} : memref<14x80xi32, #tpu.memory_space<vmem>>, vector<1x16xi32>,
    %get3A_560 = vector.shape_cast %get3A_559 : vector<1x16xi32> to vector<16xi32>
    %mul3A_561 = arith.constant 2 : i32
    %mul3A_562 = vector.broadcast %mul3A_561 : i32 to vector<16xi32>
    %mul3A_563 = arith.muli %get3A_560, %mul3A_562 : vector<16xi32>
    %add3A_564 = vector.broadcast %arg0 : i32 to vector<16xi32>
    %add3A_565 = arith.addi %mul3A_563, %add3A_564 : vector<16xi32>
    %swap3A_566 = arith.constant 6 : i32
    %swap3A_567 = arith.index_cast %swap3A_566 : i32 to index
    %swap3A_568 = arith.constant 64 : index
    %swap3A_569 = tpu.vector_load %arg8[%swap3A_567, %swap3A_568] {strides = array<i32>} : memref<14x80xi32, #tpu.memory_space<vmem>>, vector<1x16xi32>,
    %swap3A_570 = vector.shape_cast %swap3A_569 : vector<1x16xi32> to vector<16xi32>
    %swap3A_571 = vector.shape_cast %add3A_565 : vector<16xi32> to vector<1x16xi32>
    tpu.vector_store %arg8[%swap3A_567, %swap3A_568], %swap3A_571 {strides = array<i32>} : memref<14x80xi32, #tpu.memory_space<vmem>>, vector<1x16xi32>,
    %dma_start3A = arith.constant 0 : i32
    %dma_start3A_572 = arith.constant 0 : i32
    %dma_start3A_573 = arith.constant 0 : i32
    %dma_start3A_574 = arith.constant 0 : i32
    %dma_start3A_575 = tpu.memref_slice %arg9[%dma_start3A_572, %dma_start3A_573, %dma_start3A_574] : memref<14x80x64xf32, #tpu.memory_space<vmem>> -> memref<1x80x64xf32, #tpu.memory_space<vmem>>
    %dma_start3A_576 = tpu.memref_squeeze %dma_start3A_575 : memref<1x80x64xf32, #tpu.memory_space<vmem>> -> memref<80x64xf32, #tpu.memory_space<vmem>>
    %dma_start3A_577 = arith.constant 0 : i32
    %dma_start3A_578 = tpu.memref_slice %arg8[%dma_start3A, %dma_start3A_577] : memref<14x80xi32, #tpu.memory_space<vmem>> -> memref<1x80xi32, #tpu.memory_space<vmem>>
    %dma_start3A_579 = tpu.memref_squeeze %dma_start3A_578 : memref<1x80xi32, #tpu.memory_space<vmem>> -> memref<80xi32, #tpu.memory_space<vmem>>
    %dma_start3A_580 = arith.constant 0 : i32
    %dma_start3A_581 = arith.constant 0 : i32
    %dma_start3A_582 = tpu.memref_slice %arg2[%dma_start3A_580, %dma_start3A_581] : memref<20224x64xf32, #tpu.memory_space<hbm>> -> memref<20224x64xf32, #tpu.memory_space<hbm>>
    tpu.enqueue_indirect_dma source(%dma_start3A_582 : memref<20224x64xf32, #tpu.memory_space<hbm>>) target(%dma_start3A_576 : memref<80x64xf32, #tpu.memory_space<vmem>>) offsets(%dma_start3A_579 : memref<80xi32, #tpu.memory_space<vmem>>) semaphore(%arg12 : memref<!tpu.dma_semaphore, #tpu.memory_space<semaphore_mem>>)
    %dma_start3A_583 = arith.constant 1 : i32
    %dma_start3A_584 = arith.constant 1 : i32
    %dma_start3A_585 = arith.constant 0 : i32
    %dma_start3A_586 = arith.constant 0 : i32
    %dma_start3A_587 = tpu.memref_slice %arg9[%dma_start3A_584, %dma_start3A_585, %dma_start3A_586] : memref<14x80x64xf32, #tpu.memory_space<vmem>> -> memref<1x80x64xf32, #tpu.memory_space<vmem>>
    %dma_start3A_588 = tpu.memref_squeeze %dma_start3A_587 : memref<1x80x64xf32, #tpu.memory_space<vmem>> -> memref<80x64xf32, #tpu.memory_space<vmem>>
    %dma_start3A_589 = arith.constant 0 : i32
    %dma_start3A_590 = tpu.memref_slice %arg8[%dma_start3A_583, %dma_start3A_589] : memref<14x80xi32, #tpu.memory_space<vmem>> -> memref<1x80xi32, #tpu.memory_space<vmem>>
    %dma_start3A_591 = tpu.memref_squeeze %dma_start3A_590 : memref<1x80xi32, #tpu.memory_space<vmem>> -> memref<80xi32, #tpu.memory_space<vmem>>
    %dma_start3A_592 = arith.constant 0 : i32
    %dma_start3A_593 = arith.constant 0 : i32
    %dma_start3A_594 = tpu.memref_slice %arg2[%dma_start3A_592, %dma_start3A_593] : memref<20224x64xf32, #tpu.memory_space<hbm>> -> memref<20224x64xf32, #tpu.memory_space<hbm>>
    tpu.enqueue_indirect_dma source(%dma_start3A_594 : memref<20224x64xf32, #tpu.memory_space<hbm>>) target(%dma_start3A_588 : memref<80x64xf32, #tpu.memory_space<vmem>>) offsets(%dma_start3A_591 : memref<80xi32, #tpu.memory_space<vmem>>) semaphore(%arg12 : memref<!tpu.dma_semaphore, #tpu.memory_space<semaphore_mem>>)
    %dma_start3A_595 = arith.constant 2 : i32
    %dma_start3A_596 = arith.constant 2 : i32
    %dma_start3A_597 = arith.constant 0 : i32
    %dma_start3A_598 = arith.constant 0 : i32
    %dma_start3A_599 = tpu.memref_slice %arg9[%dma_start3A_596, %dma_start3A_597, %dma_start3A_598] : memref<14x80x64xf32, #tpu.memory_space<vmem>> -> memref<1x80x64xf32, #tpu.memory_space<vmem>>
    %dma_start3A_600 = tpu.memref_squeeze %dma_start3A_599 : memref<1x80x64xf32, #tpu.memory_space<vmem>> -> memref<80x64xf32, #tpu.memory_space<vmem>>
    %dma_start3A_601 = arith.constant 0 : i32
    %dma_start3A_602 = tpu.memref_slice %arg8[%dma_start3A_595, %dma_start3A_601] : memref<14x80xi32, #tpu.memory_space<vmem>> -> memref<1x80xi32, #tpu.memory_space<vmem>>
    %dma_start3A_603 = tpu.memref_squeeze %dma_start3A_602 : memref<1x80xi32, #tpu.memory_space<vmem>> -> memref<80xi32, #tpu.memory_space<vmem>>
    %dma_start3A_604 = arith.constant 0 : i32
    %dma_start3A_605 = arith.constant 0 : i32
    %dma_start3A_606 = tpu.memref_slice %arg2[%dma_start3A_604, %dma_start3A_605] : memref<20224x64xf32, #tpu.memory_space<hbm>> -> memref<20224x64xf32, #tpu.memory_space<hbm>>
    tpu.enqueue_indirect_dma source(%dma_start3A_606 : memref<20224x64xf32, #tpu.memory_space<hbm>>) target(%dma_start3A_600 : memref<80x64xf32, #tpu.memory_space<vmem>>) offsets(%dma_start3A_603 : memref<80xi32, #tpu.memory_space<vmem>>) semaphore(%arg12 : memref<!tpu.dma_semaphore, #tpu.memory_space<semaphore_mem>>)
    %dma_start3A_607 = arith.constant 3 : i32
    %dma_start3A_608 = arith.constant 3 : i32
    %dma_start3A_609 = arith.constant 0 : i32
    %dma_start3A_610 = arith.constant 0 : i32
    %dma_start3A_611 = tpu.memref_slice %arg9[%dma_start3A_608, %dma_start3A_609, %dma_start3A_610] : memref<14x80x64xf32, #tpu.memory_space<vmem>> -> memref<1x80x64xf32, #tpu.memory_space<vmem>>
    %dma_start3A_612 = tpu.memref_squeeze %dma_start3A_611 : memref<1x80x64xf32, #tpu.memory_space<vmem>> -> memref<80x64xf32, #tpu.memory_space<vmem>>
    %dma_start3A_613 = arith.constant 0 : i32
    %dma_start3A_614 = tpu.memref_slice %arg8[%dma_start3A_607, %dma_start3A_613] : memref<14x80xi32, #tpu.memory_space<vmem>> -> memref<1x80xi32, #tpu.memory_space<vmem>>
    %dma_start3A_615 = tpu.memref_squeeze %dma_start3A_614 : memref<1x80xi32, #tpu.memory_space<vmem>> -> memref<80xi32, #tpu.memory_space<vmem>>
    %dma_start3A_616 = arith.constant 0 : i32
    %dma_start3A_617 = arith.constant 0 : i32
    %dma_start3A_618 = tpu.memref_slice %arg2[%dma_start3A_616, %dma_start3A_617] : memref<20224x64xf32, #tpu.memory_space<hbm>> -> memref<20224x64xf32, #tpu.memory_space<hbm>>
    tpu.enqueue_indirect_dma source(%dma_start3A_618 : memref<20224x64xf32, #tpu.memory_space<hbm>>) target(%dma_start3A_612 : memref<80x64xf32, #tpu.memory_space<vmem>>) offsets(%dma_start3A_615 : memref<80xi32, #tpu.memory_space<vmem>>) semaphore(%arg12 : memref<!tpu.dma_semaphore, #tpu.memory_space<semaphore_mem>>)
    %dma_start3A_619 = arith.constant 4 : i32
    %dma_start3A_620 = arith.constant 4 : i32
    %dma_start3A_621 = arith.constant 0 : i32
    %dma_start3A_622 = arith.constant 0 : i32
    %dma_start3A_623 = tpu.memref_slice %arg9[%dma_start3A_620, %dma_start3A_621, %dma_start3A_622] : memref<14x80x64xf32, #tpu.memory_space<vmem>> -> memref<1x80x64xf32, #tpu.memory_space<vmem>>
    %dma_start3A_624 = tpu.memref_squeeze %dma_start3A_623 : memref<1x80x64xf32, #tpu.memory_space<vmem>> -> memref<80x64xf32, #tpu.memory_space<vmem>>
    %dma_start3A_625 = arith.constant 0 : i32
    %dma_start3A_626 = tpu.memref_slice %arg8[%dma_start3A_619, %dma_start3A_625] : memref<14x80xi32, #tpu.memory_space<vmem>> -> memref<1x80xi32, #tpu.memory_space<vmem>>
    %dma_start3A_627 = tpu.memref_squeeze %dma_start3A_626 : memref<1x80xi32, #tpu.memory_space<vmem>> -> memref<80xi32, #tpu.memory_space<vmem>>
    %dma_start3A_628 = arith.constant 0 : i32
    %dma_start3A_629 = arith.constant 0 : i32
    %dma_start3A_630 = tpu.memref_slice %arg2[%dma_start3A_628, %dma_start3A_629] : memref<20224x64xf32, #tpu.memory_space<hbm>> -> memref<20224x64xf32, #tpu.memory_space<hbm>>
    tpu.enqueue_indirect_dma source(%dma_start3A_630 : memref<20224x64xf32, #tpu.memory_space<hbm>>) target(%dma_start3A_624 : memref<80x64xf32, #tpu.memory_space<vmem>>) offsets(%dma_start3A_627 : memref<80xi32, #tpu.memory_space<vmem>>) semaphore(%arg12 : memref<!tpu.dma_semaphore, #tpu.memory_space<semaphore_mem>>)
    %dma_start3A_631 = arith.constant 5 : i32
    %dma_start3A_632 = arith.constant 5 : i32
    %dma_start3A_633 = arith.constant 0 : i32
    %dma_start3A_634 = arith.constant 0 : i32
    %dma_start3A_635 = tpu.memref_slice %arg9[%dma_start3A_632, %dma_start3A_633, %dma_start3A_634] : memref<14x80x64xf32, #tpu.memory_space<vmem>> -> memref<1x80x64xf32, #tpu.memory_space<vmem>>
    %dma_start3A_636 = tpu.memref_squeeze %dma_start3A_635 : memref<1x80x64xf32, #tpu.memory_space<vmem>> -> memref<80x64xf32, #tpu.memory_space<vmem>>
    %dma_start3A_637 = arith.constant 0 : i32
    %dma_start3A_638 = tpu.memref_slice %arg8[%dma_start3A_631, %dma_start3A_637] : memref<14x80xi32, #tpu.memory_space<vmem>> -> memref<1x80xi32, #tpu.memory_space<vmem>>
    %dma_start3A_639 = tpu.memref_squeeze %dma_start3A_638 : memref<1x80xi32, #tpu.memory_space<vmem>> -> memref<80xi32, #tpu.memory_space<vmem>>
    %dma_start3A_640 = arith.constant 0 : i32
    %dma_start3A_641 = arith.constant 0 : i32
    %dma_start3A_642 = tpu.memref_slice %arg2[%dma_start3A_640, %dma_start3A_641] : memref<20224x64xf32, #tpu.memory_space<hbm>> -> memref<20224x64xf32, #tpu.memory_space<hbm>>
    tpu.enqueue_indirect_dma source(%dma_start3A_642 : memref<20224x64xf32, #tpu.memory_space<hbm>>) target(%dma_start3A_636 : memref<80x64xf32, #tpu.memory_space<vmem>>) offsets(%dma_start3A_639 : memref<80xi32, #tpu.memory_space<vmem>>) semaphore(%arg12 : memref<!tpu.dma_semaphore, #tpu.memory_space<semaphore_mem>>)
    %dma_start3A_643 = arith.constant 6 : i32
    %dma_start3A_644 = arith.constant 6 : i32
    %dma_start3A_645 = arith.constant 0 : i32
    %dma_start3A_646 = arith.constant 0 : i32
    %dma_start3A_647 = tpu.memref_slice %arg9[%dma_start3A_644, %dma_start3A_645, %dma_start3A_646] : memref<14x80x64xf32, #tpu.memory_space<vmem>> -> memref<1x80x64xf32, #tpu.memory_space<vmem>>
    %dma_start3A_648 = tpu.memref_squeeze %dma_start3A_647 : memref<1x80x64xf32, #tpu.memory_space<vmem>> -> memref<80x64xf32, #tpu.memory_space<vmem>>
    %dma_start3A_649 = arith.constant 0 : i32
    %dma_start3A_650 = tpu.memref_slice %arg8[%dma_start3A_643, %dma_start3A_649] : memref<14x80xi32, #tpu.memory_space<vmem>> -> memref<1x80xi32, #tpu.memory_space<vmem>>
    %dma_start3A_651 = tpu.memref_squeeze %dma_start3A_650 : memref<1x80xi32, #tpu.memory_space<vmem>> -> memref<80xi32, #tpu.memory_space<vmem>>
    %dma_start3A_652 = arith.constant 0 : i32
    %dma_start3A_653 = arith.constant 0 : i32
    %dma_start3A_654 = tpu.memref_slice %arg2[%dma_start3A_652, %dma_start3A_653] : memref<20224x64xf32, #tpu.memory_space<hbm>> -> memref<20224x64xf32, #tpu.memory_space<hbm>>
    tpu.enqueue_indirect_dma source(%dma_start3A_654 : memref<20224x64xf32, #tpu.memory_space<hbm>>) target(%dma_start3A_648 : memref<80x64xf32, #tpu.memory_space<vmem>>) offsets(%dma_start3A_651 : memref<80xi32, #tpu.memory_space<vmem>>) semaphore(%arg12 : memref<!tpu.dma_semaphore, #tpu.memory_space<semaphore_mem>>)
    %scan3A_655 = arith.constant 0 : i32
    %scan3A_656 = arith.constant 0 : i32
    %scan3A_657 = arith.constant 18 : i32
    %scan3A_658 = arith.addi %scan3A_656, %scan3A_657 : i32
    %scan3A_659 = arith.constant 1 : i32
    scf.for %scan3A_752 = %scan3A_656 to %scan3A_658 step %scan3A_659  : i32 {
      %rem3A = arith.constant 2 : i32
      %rem3A_753 = arith.remsi %scan3A_752, %rem3A : i32
      %mul3A_754 = arith.constant 7 : i32
      %mul3A_755 = arith.muli %rem3A_753, %mul3A_754 : i32
      %rem3A_756 = arith.constant 2 : i32
      %rem3A_757 = arith.remsi %scan3A_752, %rem3A_756 : i32
      %sub3A = arith.constant 1 : i32
      %sub3A_758 = arith.subi %sub3A, %rem3A_757 : i32
      %mul3A_759 = arith.constant 7 : i32
      %mul3A_760 = arith.muli %sub3A_758, %mul3A_759 : i32
      %add3A_761 = arith.constant 1 : i32
      %add3A_762 = arith.addi %scan3A_752, %add3A_761 : i32
      %mul3A_763 = arith.constant 7 : i32
      %mul3A_764 = arith.muli %add3A_762, %mul3A_763 : i32
      %add3A_765 = arith.addi %mul3A_13, %mul3A_764 : i32
      %ge3A = arith.constant 1 : i32
      %ge3A_766 = arith.cmpi sge, %scan3A_752, %ge3A : i32
      %convert_element_type3A = arith.extui %ge3A_766 : i1 to i32
      %cond3A = arith.constant 0 : i32
      %cond3A_767 = arith.cmpi ne, %convert_element_type3A, %cond3A : i32
      scf.if %cond3A_767 {
        %add3A_935 = arith.constant 0 : i32
        %add3A_936 = arith.addi %mul3A_760, %add3A_935 : i32
        %dma_wait3A_937 = arith.constant 0 : i32
        %dma_wait3A_938 = arith.constant 0 : i32
        %dma_wait3A_939 = tpu.memref_slice %arg9[%add3A_936, %dma_wait3A_937, %dma_wait3A_938] : memref<14x80x64xf32, #tpu.memory_space<vmem>> -> memref<1x80x64xf32, #tpu.memory_space<vmem>>
        %dma_wait3A_940 = tpu.memref_squeeze %dma_wait3A_939 : memref<1x80x64xf32, #tpu.memory_space<vmem>> -> memref<80x64xf32, #tpu.memory_space<vmem>>
        %dma_wait3A_941 = arith.constant 0 : i32
        %dma_wait3A_942 = tpu.memref_slice %arg7[%add3A_936, %dma_wait3A_941] : memref<14x80xi32, #tpu.memory_space<vmem>> -> memref<1x80xi32, #tpu.memory_space<vmem>>
        %dma_wait3A_943 = tpu.memref_squeeze %dma_wait3A_942 : memref<1x80xi32, #tpu.memory_space<vmem>> -> memref<80xi32, #tpu.memory_space<vmem>>
        %dma_wait3A_944 = arith.constant 0 : i32
        %dma_wait3A_945 = arith.constant 0 : i32
        %dma_wait3A_946 = tpu.memref_slice %arg11[%dma_wait3A_944, %dma_wait3A_945] : memref<2048x64xf32, #tpu.memory_space<vmem_shared>> -> memref<2048x64xf32, #tpu.memory_space<vmem_shared>>
        tpu.wait_indirect_dma semaphore(%arg13 : memref<!tpu.dma_semaphore, #tpu.memory_space<semaphore_mem>>) src(%dma_wait3A_940 : memref<80x64xf32, #tpu.memory_space<vmem>>) dst(%dma_wait3A_946 : memref<2048x64xf32, #tpu.memory_space<vmem_shared>>)
        %add3A_947 = arith.constant 1 : i32
        %add3A_948 = arith.addi %mul3A_760, %add3A_947 : i32
        %dma_wait3A_949 = arith.constant 0 : i32
        %dma_wait3A_950 = arith.constant 0 : i32
        %dma_wait3A_951 = tpu.memref_slice %arg9[%add3A_948, %dma_wait3A_949, %dma_wait3A_950] : memref<14x80x64xf32, #tpu.memory_space<vmem>> -> memref<1x80x64xf32, #tpu.memory_space<vmem>>
        %dma_wait3A_952 = tpu.memref_squeeze %dma_wait3A_951 : memref<1x80x64xf32, #tpu.memory_space<vmem>> -> memref<80x64xf32, #tpu.memory_space<vmem>>
        %dma_wait3A_953 = arith.constant 0 : i32
        %dma_wait3A_954 = tpu.memref_slice %arg7[%add3A_948, %dma_wait3A_953] : memref<14x80xi32, #tpu.memory_space<vmem>> -> memref<1x80xi32, #tpu.memory_space<vmem>>
        %dma_wait3A_955 = tpu.memref_squeeze %dma_wait3A_954 : memref<1x80xi32, #tpu.memory_space<vmem>> -> memref<80xi32, #tpu.memory_space<vmem>>
        %dma_wait3A_956 = arith.constant 0 : i32
        %dma_wait3A_957 = arith.constant 0 : i32
        %dma_wait3A_958 = tpu.memref_slice %arg11[%dma_wait3A_956, %dma_wait3A_957] : memref<2048x64xf32, #tpu.memory_space<vmem_shared>> -> memref<2048x64xf32, #tpu.memory_space<vmem_shared>>
        tpu.wait_indirect_dma semaphore(%arg13 : memref<!tpu.dma_semaphore, #tpu.memory_space<semaphore_mem>>) src(%dma_wait3A_952 : memref<80x64xf32, #tpu.memory_space<vmem>>) dst(%dma_wait3A_958 : memref<2048x64xf32, #tpu.memory_space<vmem_shared>>)
        %add3A_959 = arith.constant 2 : i32
        %add3A_960 = arith.addi %mul3A_760, %add3A_959 : i32
        %dma_wait3A_961 = arith.constant 0 : i32
        %dma_wait3A_962 = arith.constant 0 : i32
        %dma_wait3A_963 = tpu.memref_slice %arg9[%add3A_960, %dma_wait3A_961, %dma_wait3A_962] : memref<14x80x64xf32, #tpu.memory_space<vmem>> -> memref<1x80x64xf32, #tpu.memory_space<vmem>>
        %dma_wait3A_964 = tpu.memref_squeeze %dma_wait3A_963 : memref<1x80x64xf32, #tpu.memory_space<vmem>> -> memref<80x64xf32, #tpu.memory_space<vmem>>
        %dma_wait3A_965 = arith.constant 0 : i32
        %dma_wait3A_966 = tpu.memref_slice %arg7[%add3A_960, %dma_wait3A_965] : memref<14x80xi32, #tpu.memory_space<vmem>> -> memref<1x80xi32, #tpu.memory_space<vmem>>
        %dma_wait3A_967 = tpu.memref_squeeze %dma_wait3A_966 : memref<1x80xi32, #tpu.memory_space<vmem>> -> memref<80xi32, #tpu.memory_space<vmem>>
        %dma_wait3A_968 = arith.constant 0 : i32
        %dma_wait3A_969 = arith.constant 0 : i32
        %dma_wait3A_970 = tpu.memref_slice %arg11[%dma_wait3A_968, %dma_wait3A_969] : memref<2048x64xf32, #tpu.memory_space<vmem_shared>> -> memref<2048x64xf32, #tpu.memory_space<vmem_shared>>
        tpu.wait_indirect_dma semaphore(%arg13 : memref<!tpu.dma_semaphore, #tpu.memory_space<semaphore_mem>>) src(%dma_wait3A_964 : memref<80x64xf32, #tpu.memory_space<vmem>>) dst(%dma_wait3A_970 : memref<2048x64xf32, #tpu.memory_space<vmem_shared>>)
        %add3A_971 = arith.constant 3 : i32
        %add3A_972 = arith.addi %mul3A_760, %add3A_971 : i32
        %dma_wait3A_973 = arith.constant 0 : i32
        %dma_wait3A_974 = arith.constant 0 : i32
        %dma_wait3A_975 = tpu.memref_slice %arg9[%add3A_972, %dma_wait3A_973, %dma_wait3A_974] : memref<14x80x64xf32, #tpu.memory_space<vmem>> -> memref<1x80x64xf32, #tpu.memory_space<vmem>>
        %dma_wait3A_976 = tpu.memref_squeeze %dma_wait3A_975 : memref<1x80x64xf32, #tpu.memory_space<vmem>> -> memref<80x64xf32, #tpu.memory_space<vmem>>
        %dma_wait3A_977 = arith.constant 0 : i32
        %dma_wait3A_978 = tpu.memref_slice %arg7[%add3A_972, %dma_wait3A_977] : memref<14x80xi32, #tpu.memory_space<vmem>> -> memref<1x80xi32, #tpu.memory_space<vmem>>
        %dma_wait3A_979 = tpu.memref_squeeze %dma_wait3A_978 : memref<1x80xi32, #tpu.memory_space<vmem>> -> memref<80xi32, #tpu.memory_space<vmem>>
        %dma_wait3A_980 = arith.constant 0 : i32
        %dma_wait3A_981 = arith.constant 0 : i32
        %dma_wait3A_982 = tpu.memref_slice %arg11[%dma_wait3A_980, %dma_wait3A_981] : memref<2048x64xf32, #tpu.memory_space<vmem_shared>> -> memref<2048x64xf32, #tpu.memory_space<vmem_shared>>
        tpu.wait_indirect_dma semaphore(%arg13 : memref<!tpu.dma_semaphore, #tpu.memory_space<semaphore_mem>>) src(%dma_wait3A_976 : memref<80x64xf32, #tpu.memory_space<vmem>>) dst(%dma_wait3A_982 : memref<2048x64xf32, #tpu.memory_space<vmem_shared>>)
        %add3A_983 = arith.constant 4 : i32
        %add3A_984 = arith.addi %mul3A_760, %add3A_983 : i32
        %dma_wait3A_985 = arith.constant 0 : i32
        %dma_wait3A_986 = arith.constant 0 : i32
        %dma_wait3A_987 = tpu.memref_slice %arg9[%add3A_984, %dma_wait3A_985, %dma_wait3A_986] : memref<14x80x64xf32, #tpu.memory_space<vmem>> -> memref<1x80x64xf32, #tpu.memory_space<vmem>>
        %dma_wait3A_988 = tpu.memref_squeeze %dma_wait3A_987 : memref<1x80x64xf32, #tpu.memory_space<vmem>> -> memref<80x64xf32, #tpu.memory_space<vmem>>
        %dma_wait3A_989 = arith.constant 0 : i32
        %dma_wait3A_990 = tpu.memref_slice %arg7[%add3A_984, %dma_wait3A_989] : memref<14x80xi32, #tpu.memory_space<vmem>> -> memref<1x80xi32, #tpu.memory_space<vmem>>
        %dma_wait3A_991 = tpu.memref_squeeze %dma_wait3A_990 : memref<1x80xi32, #tpu.memory_space<vmem>> -> memref<80xi32, #tpu.memory_space<vmem>>
        %dma_wait3A_992 = arith.constant 0 : i32
        %dma_wait3A_993 = arith.constant 0 : i32
        %dma_wait3A_994 = tpu.memref_slice %arg11[%dma_wait3A_992, %dma_wait3A_993] : memref<2048x64xf32, #tpu.memory_space<vmem_shared>> -> memref<2048x64xf32, #tpu.memory_space<vmem_shared>>
        tpu.wait_indirect_dma semaphore(%arg13 : memref<!tpu.dma_semaphore, #tpu.memory_space<semaphore_mem>>) src(%dma_wait3A_988 : memref<80x64xf32, #tpu.memory_space<vmem>>) dst(%dma_wait3A_994 : memref<2048x64xf32, #tpu.memory_space<vmem_shared>>)
        %add3A_995 = arith.constant 5 : i32
        %add3A_996 = arith.addi %mul3A_760, %add3A_995 : i32
        %dma_wait3A_997 = arith.constant 0 : i32
        %dma_wait3A_998 = arith.constant 0 : i32
        %dma_wait3A_999 = tpu.memref_slice %arg9[%add3A_996, %dma_wait3A_997, %dma_wait3A_998] : memref<14x80x64xf32, #tpu.memory_space<vmem>> -> memref<1x80x64xf32, #tpu.memory_space<vmem>>
        %dma_wait3A_1000 = tpu.memref_squeeze %dma_wait3A_999 : memref<1x80x64xf32, #tpu.memory_space<vmem>> -> memref<80x64xf32, #tpu.memory_space<vmem>>
        %dma_wait3A_1001 = arith.constant 0 : i32
        %dma_wait3A_1002 = tpu.memref_slice %arg7[%add3A_996, %dma_wait3A_1001] : memref<14x80xi32, #tpu.memory_space<vmem>> -> memref<1x80xi32, #tpu.memory_space<vmem>>
        %dma_wait3A_1003 = tpu.memref_squeeze %dma_wait3A_1002 : memref<1x80xi32, #tpu.memory_space<vmem>> -> memref<80xi32, #tpu.memory_space<vmem>>
        %dma_wait3A_1004 = arith.constant 0 : i32
        %dma_wait3A_1005 = arith.constant 0 : i32
        %dma_wait3A_1006 = tpu.memref_slice %arg11[%dma_wait3A_1004, %dma_wait3A_1005] : memref<2048x64xf32, #tpu.memory_space<vmem_shared>> -> memref<2048x64xf32, #tpu.memory_space<vmem_shared>>
        tpu.wait_indirect_dma semaphore(%arg13 : memref<!tpu.dma_semaphore, #tpu.memory_space<semaphore_mem>>) src(%dma_wait3A_1000 : memref<80x64xf32, #tpu.memory_space<vmem>>) dst(%dma_wait3A_1006 : memref<2048x64xf32, #tpu.memory_space<vmem_shared>>)
        %add3A_1007 = arith.constant 6 : i32
        %add3A_1008 = arith.addi %mul3A_760, %add3A_1007 : i32
        %dma_wait3A_1009 = arith.constant 0 : i32
        %dma_wait3A_1010 = arith.constant 0 : i32
        %dma_wait3A_1011 = tpu.memref_slice %arg9[%add3A_1008, %dma_wait3A_1009, %dma_wait3A_1010] : memref<14x80x64xf32, #tpu.memory_space<vmem>> -> memref<1x80x64xf32, #tpu.memory_space<vmem>>
        %dma_wait3A_1012 = tpu.memref_squeeze %dma_wait3A_1011 : memref<1x80x64xf32, #tpu.memory_space<vmem>> -> memref<80x64xf32, #tpu.memory_space<vmem>>
        %dma_wait3A_1013 = arith.constant 0 : i32
        %dma_wait3A_1014 = tpu.memref_slice %arg7[%add3A_1008, %dma_wait3A_1013] : memref<14x80xi32, #tpu.memory_space<vmem>> -> memref<1x80xi32, #tpu.memory_space<vmem>>
        %dma_wait3A_1015 = tpu.memref_squeeze %dma_wait3A_1014 : memref<1x80xi32, #tpu.memory_space<vmem>> -> memref<80xi32, #tpu.memory_space<vmem>>
        %dma_wait3A_1016 = arith.constant 0 : i32
        %dma_wait3A_1017 = arith.constant 0 : i32
        %dma_wait3A_1018 = tpu.memref_slice %arg11[%dma_wait3A_1016, %dma_wait3A_1017] : memref<2048x64xf32, #tpu.memory_space<vmem_shared>> -> memref<2048x64xf32, #tpu.memory_space<vmem_shared>>
        tpu.wait_indirect_dma semaphore(%arg13 : memref<!tpu.dma_semaphore, #tpu.memory_space<semaphore_mem>>) src(%dma_wait3A_1012 : memref<80x64xf32, #tpu.memory_space<vmem>>) dst(%dma_wait3A_1018 : memref<2048x64xf32, #tpu.memory_space<vmem_shared>>)
      } else {
      }
      %add3A_768 = arith.constant 1 : i32
      %add3A_769 = arith.addi %scan3A_752, %add3A_768 : i32
      %lt3A = arith.constant 18 : i32
      %lt3A_770 = arith.cmpi slt, %add3A_769, %lt3A : i32
      %convert_element_type3A_771 = arith.extui %lt3A_770 : i1 to i32
      %cond3A_772 = arith.constant 0 : i32
      %cond3A_773 = arith.cmpi ne, %convert_element_type3A_771, %cond3A_772 : i32
      scf.if %cond3A_773 {
        %dma_start3A_935 = arith.constant 0 : i32
        %dma_start3A_936 = tpu.memref_slice %arg6[%mul3A_760, %dma_start3A_935] : memref<14x80xi32, #tpu.memory_space<vmem>> -> memref<7x80xi32, #tpu.memory_space<vmem>>
        %dma_start3A_937 = arith.constant 0 : i32
        %dma_start3A_938 = tpu.memref_slice %arg3[%add3A_765, %dma_start3A_937] : memref<2016x80xi32, #tpu.memory_space<hbm>> -> memref<7x80xi32, #tpu.memory_space<hbm>>
        %dma_start3A_939 = arith.constant 0 : i32
        %dma_start3A_940 = tpu.memref_slice %arg6[%mul3A_760, %dma_start3A_939] : memref<14x80xi32, #tpu.memory_space<vmem>> -> memref<7x80xi32, #tpu.memory_space<vmem>>
        %dma_start3A_941 = arith.constant 0 : i32
        %dma_start3A_942 = tpu.memref_slice %arg3[%add3A_765, %dma_start3A_941] : memref<2016x80xi32, #tpu.memory_space<hbm>> -> memref<7x80xi32, #tpu.memory_space<hbm>>
        tpu.enqueue_dma source(%dma_start3A_942 : memref<7x80xi32, #tpu.memory_space<hbm>>) target(%dma_start3A_940 : memref<7x80xi32, #tpu.memory_space<vmem>>) target_semaphore(%arg14 : memref<!tpu.dma_semaphore, #tpu.memory_space<semaphore_mem>>)
        %dma_start3A_943 = arith.constant 0 : i32
        %dma_start3A_944 = tpu.memref_slice %arg7[%mul3A_760, %dma_start3A_943] : memref<14x80xi32, #tpu.memory_space<vmem>> -> memref<7x80xi32, #tpu.memory_space<vmem>>
        %dma_start3A_945 = arith.constant 0 : i32
        %dma_start3A_946 = tpu.memref_slice %arg4[%add3A_765, %dma_start3A_945] : memref<2016x80xi32, #tpu.memory_space<hbm>> -> memref<7x80xi32, #tpu.memory_space<hbm>>
        %dma_start3A_947 = arith.constant 0 : i32
        %dma_start3A_948 = tpu.memref_slice %arg7[%mul3A_760, %dma_start3A_947] : memref<14x80xi32, #tpu.memory_space<vmem>> -> memref<7x80xi32, #tpu.memory_space<vmem>>
        %dma_start3A_949 = arith.constant 0 : i32
        %dma_start3A_950 = tpu.memref_slice %arg4[%add3A_765, %dma_start3A_949] : memref<2016x80xi32, #tpu.memory_space<hbm>> -> memref<7x80xi32, #tpu.memory_space<hbm>>
        tpu.enqueue_dma source(%dma_start3A_950 : memref<7x80xi32, #tpu.memory_space<hbm>>) target(%dma_start3A_948 : memref<7x80xi32, #tpu.memory_space<vmem>>) target_semaphore(%arg14 : memref<!tpu.dma_semaphore, #tpu.memory_space<semaphore_mem>>)
      } else {
      }
      %add3A_774 = arith.constant 0 : i32
      %add3A_775 = arith.addi %mul3A_755, %add3A_774 : i32
      %dma_wait3A_776 = arith.constant 0 : i32
      %dma_wait3A_777 = arith.constant 0 : i32
      %dma_wait3A_778 = tpu.memref_slice %arg9[%add3A_775, %dma_wait3A_776, %dma_wait3A_777] : memref<14x80x64xf32, #tpu.memory_space<vmem>> -> memref<1x80x64xf32, #tpu.memory_space<vmem>>
      %dma_wait3A_779 = tpu.memref_squeeze %dma_wait3A_778 : memref<1x80x64xf32, #tpu.memory_space<vmem>> -> memref<80x64xf32, #tpu.memory_space<vmem>>
      %dma_wait3A_780 = arith.constant 0 : i32
      %dma_wait3A_781 = tpu.memref_slice %arg8[%add3A_775, %dma_wait3A_780] : memref<14x80xi32, #tpu.memory_space<vmem>> -> memref<1x80xi32, #tpu.memory_space<vmem>>
      %dma_wait3A_782 = tpu.memref_squeeze %dma_wait3A_781 : memref<1x80xi32, #tpu.memory_space<vmem>> -> memref<80xi32, #tpu.memory_space<vmem>>
      %dma_wait3A_783 = arith.constant 0 : i32
      %dma_wait3A_784 = arith.constant 0 : i32
      %dma_wait3A_785 = tpu.memref_slice %arg2[%dma_wait3A_783, %dma_wait3A_784] : memref<20224x64xf32, #tpu.memory_space<hbm>> -> memref<20224x64xf32, #tpu.memory_space<hbm>>
      tpu.wait_indirect_dma semaphore(%arg12 : memref<!tpu.dma_semaphore, #tpu.memory_space<semaphore_mem>>) src(%dma_wait3A_785 : memref<20224x64xf32, #tpu.memory_space<hbm>>) dst(%dma_wait3A_779 : memref<80x64xf32, #tpu.memory_space<vmem>>)
      %dma_start3A_786 = arith.constant 0 : i32
      %dma_start3A_787 = arith.constant 0 : i32
      %dma_start3A_788 = tpu.memref_slice %arg9[%add3A_775, %dma_start3A_786, %dma_start3A_787] : memref<14x80x64xf32, #tpu.memory_space<vmem>> -> memref<1x80x64xf32, #tpu.memory_space<vmem>>
      %dma_start3A_789 = tpu.memref_squeeze %dma_start3A_788 : memref<1x80x64xf32, #tpu.memory_space<vmem>> -> memref<80x64xf32, #tpu.memory_space<vmem>>
      %dma_start3A_790 = arith.constant 0 : i32
      %dma_start3A_791 = tpu.memref_slice %arg7[%add3A_775, %dma_start3A_790] : memref<14x80xi32, #tpu.memory_space<vmem>> -> memref<1x80xi32, #tpu.memory_space<vmem>>
      %dma_start3A_792 = tpu.memref_squeeze %dma_start3A_791 : memref<1x80xi32, #tpu.memory_space<vmem>> -> memref<80xi32, #tpu.memory_space<vmem>>
      %dma_start3A_793 = arith.constant 0 : i32
      %dma_start3A_794 = arith.constant 0 : i32
      %dma_start3A_795 = tpu.memref_slice %arg11[%dma_start3A_793, %dma_start3A_794] : memref<2048x64xf32, #tpu.memory_space<vmem_shared>> -> memref<2048x64xf32, #tpu.memory_space<vmem_shared>>
      tpu.enqueue_indirect_dma source(%dma_start3A_789 : memref<80x64xf32, #tpu.memory_space<vmem>>) target(%dma_start3A_795 : memref<2048x64xf32, #tpu.memory_space<vmem_shared>>) offsets(%dma_start3A_792 : memref<80xi32, #tpu.memory_space<vmem>>) semaphore(%arg13 : memref<!tpu.dma_semaphore, #tpu.memory_space<semaphore_mem>>) {add = true}
      %add3A_796 = arith.constant 1 : i32
      %add3A_797 = arith.addi %mul3A_755, %add3A_796 : i32
      %dma_wait3A_798 = arith.constant 0 : i32
      %dma_wait3A_799 = arith.constant 0 : i32
      %dma_wait3A_800 = tpu.memref_slice %arg9[%add3A_797, %dma_wait3A_798, %dma_wait3A_799] : memref<14x80x64xf32, #tpu.memory_space<vmem>> -> memref<1x80x64xf32, #tpu.memory_space<vmem>>
      %dma_wait3A_801 = tpu.memref_squeeze %dma_wait3A_800 : memref<1x80x64xf32, #tpu.memory_space<vmem>> -> memref<80x64xf32, #tpu.memory_space<vmem>>
      %dma_wait3A_802 = arith.constant 0 : i32
      %dma_wait3A_803 = tpu.memref_slice %arg8[%add3A_797, %dma_wait3A_802] : memref<14x80xi32, #tpu.memory_space<vmem>> -> memref<1x80xi32, #tpu.memory_space<vmem>>
      %dma_wait3A_804 = tpu.memref_squeeze %dma_wait3A_803 : memref<1x80xi32, #tpu.memory_space<vmem>> -> memref<80xi32, #tpu.memory_space<vmem>>
      %dma_wait3A_805 = arith.constant 0 : i32
      %dma_wait3A_806 = arith.constant 0 : i32
      %dma_wait3A_807 = tpu.memref_slice %arg2[%dma_wait3A_805, %dma_wait3A_806] : memref<20224x64xf32, #tpu.memory_space<hbm>> -> memref<20224x64xf32, #tpu.memory_space<hbm>>
      tpu.wait_indirect_dma semaphore(%arg12 : memref<!tpu.dma_semaphore, #tpu.memory_space<semaphore_mem>>) src(%dma_wait3A_807 : memref<20224x64xf32, #tpu.memory_space<hbm>>) dst(%dma_wait3A_801 : memref<80x64xf32, #tpu.memory_space<vmem>>)
      %dma_start3A_808 = arith.constant 0 : i32
      %dma_start3A_809 = arith.constant 0 : i32
      %dma_start3A_810 = tpu.memref_slice %arg9[%add3A_797, %dma_start3A_808, %dma_start3A_809] : memref<14x80x64xf32, #tpu.memory_space<vmem>> -> memref<1x80x64xf32, #tpu.memory_space<vmem>>
      %dma_start3A_811 = tpu.memref_squeeze %dma_start3A_810 : memref<1x80x64xf32, #tpu.memory_space<vmem>> -> memref<80x64xf32, #tpu.memory_space<vmem>>
      %dma_start3A_812 = arith.constant 0 : i32
      %dma_start3A_813 = tpu.memref_slice %arg7[%add3A_797, %dma_start3A_812] : memref<14x80xi32, #tpu.memory_space<vmem>> -> memref<1x80xi32, #tpu.memory_space<vmem>>
      %dma_start3A_814 = tpu.memref_squeeze %dma_start3A_813 : memref<1x80xi32, #tpu.memory_space<vmem>> -> memref<80xi32, #tpu.memory_space<vmem>>
      %dma_start3A_815 = arith.constant 0 : i32
      %dma_start3A_816 = arith.constant 0 : i32
      %dma_start3A_817 = tpu.memref_slice %arg11[%dma_start3A_815, %dma_start3A_816] : memref<2048x64xf32, #tpu.memory_space<vmem_shared>> -> memref<2048x64xf32, #tpu.memory_space<vmem_shared>>
      tpu.enqueue_indirect_dma source(%dma_start3A_811 : memref<80x64xf32, #tpu.memory_space<vmem>>) target(%dma_start3A_817 : memref<2048x64xf32, #tpu.memory_space<vmem_shared>>) offsets(%dma_start3A_814 : memref<80xi32, #tpu.memory_space<vmem>>) semaphore(%arg13 : memref<!tpu.dma_semaphore, #tpu.memory_space<semaphore_mem>>) {add = true}
      %add3A_818 = arith.constant 2 : i32
      %add3A_819 = arith.addi %mul3A_755, %add3A_818 : i32
      %dma_wait3A_820 = arith.constant 0 : i32
      %dma_wait3A_821 = arith.constant 0 : i32
      %dma_wait3A_822 = tpu.memref_slice %arg9[%add3A_819, %dma_wait3A_820, %dma_wait3A_821] : memref<14x80x64xf32, #tpu.memory_space<vmem>> -> memref<1x80x64xf32, #tpu.memory_space<vmem>>
      %dma_wait3A_823 = tpu.memref_squeeze %dma_wait3A_822 : memref<1x80x64xf32, #tpu.memory_space<vmem>> -> memref<80x64xf32, #tpu.memory_space<vmem>>
      %dma_wait3A_824 = arith.constant 0 : i32
      %dma_wait3A_825 = tpu.memref_slice %arg8[%add3A_819, %dma_wait3A_824] : memref<14x80xi32, #tpu.memory_space<vmem>> -> memref<1x80xi32, #tpu.memory_space<vmem>>
      %dma_wait3A_826 = tpu.memref_squeeze %dma_wait3A_825 : memref<1x80xi32, #tpu.memory_space<vmem>> -> memref<80xi32, #tpu.memory_space<vmem>>
      %dma_wait3A_827 = arith.constant 0 : i32
      %dma_wait3A_828 = arith.constant 0 : i32
      %dma_wait3A_829 = tpu.memref_slice %arg2[%dma_wait3A_827, %dma_wait3A_828] : memref<20224x64xf32, #tpu.memory_space<hbm>> -> memref<20224x64xf32, #tpu.memory_space<hbm>>
      tpu.wait_indirect_dma semaphore(%arg12 : memref<!tpu.dma_semaphore, #tpu.memory_space<semaphore_mem>>) src(%dma_wait3A_829 : memref<20224x64xf32, #tpu.memory_space<hbm>>) dst(%dma_wait3A_823 : memref<80x64xf32, #tpu.memory_space<vmem>>)
      %dma_start3A_830 = arith.constant 0 : i32
      %dma_start3A_831 = arith.constant 0 : i32
      %dma_start3A_832 = tpu.memref_slice %arg9[%add3A_819, %dma_start3A_830, %dma_start3A_831] : memref<14x80x64xf32, #tpu.memory_space<vmem>> -> memref<1x80x64xf32, #tpu.memory_space<vmem>>
      %dma_start3A_833 = tpu.memref_squeeze %dma_start3A_832 : memref<1x80x64xf32, #tpu.memory_space<vmem>> -> memref<80x64xf32, #tpu.memory_space<vmem>>
      %dma_start3A_834 = arith.constant 0 : i32
      %dma_start3A_835 = tpu.memref_slice %arg7[%add3A_819, %dma_start3A_834] : memref<14x80xi32, #tpu.memory_space<vmem>> -> memref<1x80xi32, #tpu.memory_space<vmem>>
      %dma_start3A_836 = tpu.memref_squeeze %dma_start3A_835 : memref<1x80xi32, #tpu.memory_space<vmem>> -> memref<80xi32, #tpu.memory_space<vmem>>
      %dma_start3A_837 = arith.constant 0 : i32
      %dma_start3A_838 = arith.constant 0 : i32
      %dma_start3A_839 = tpu.memref_slice %arg11[%dma_start3A_837, %dma_start3A_838] : memref<2048x64xf32, #tpu.memory_space<vmem_shared>> -> memref<2048x64xf32, #tpu.memory_space<vmem_shared>>
      tpu.enqueue_indirect_dma source(%dma_start3A_833 : memref<80x64xf32, #tpu.memory_space<vmem>>) target(%dma_start3A_839 : memref<2048x64xf32, #tpu.memory_space<vmem_shared>>) offsets(%dma_start3A_836 : memref<80xi32, #tpu.memory_space<vmem>>) semaphore(%arg13 : memref<!tpu.dma_semaphore, #tpu.memory_space<semaphore_mem>>) {add = true}
      %add3A_840 = arith.constant 3 : i32
      %add3A_841 = arith.addi %mul3A_755, %add3A_840 : i32
      %dma_wait3A_842 = arith.constant 0 : i32
      %dma_wait3A_843 = arith.constant 0 : i32
      %dma_wait3A_844 = tpu.memref_slice %arg9[%add3A_841, %dma_wait3A_842, %dma_wait3A_843] : memref<14x80x64xf32, #tpu.memory_space<vmem>> -> memref<1x80x64xf32, #tpu.memory_space<vmem>>
      %dma_wait3A_845 = tpu.memref_squeeze %dma_wait3A_844 : memref<1x80x64xf32, #tpu.memory_space<vmem>> -> memref<80x64xf32, #tpu.memory_space<vmem>>
      %dma_wait3A_846 = arith.constant 0 : i32
      %dma_wait3A_847 = tpu.memref_slice %arg8[%add3A_841, %dma_wait3A_846] : memref<14x80xi32, #tpu.memory_space<vmem>> -> memref<1x80xi32, #tpu.memory_space<vmem>>
      %dma_wait3A_848 = tpu.memref_squeeze %dma_wait3A_847 : memref<1x80xi32, #tpu.memory_space<vmem>> -> memref<80xi32, #tpu.memory_space<vmem>>
      %dma_wait3A_849 = arith.constant 0 : i32
      %dma_wait3A_850 = arith.constant 0 : i32
      %dma_wait3A_851 = tpu.memref_slice %arg2[%dma_wait3A_849, %dma_wait3A_850] : memref<20224x64xf32, #tpu.memory_space<hbm>> -> memref<20224x64xf32, #tpu.memory_space<hbm>>
      tpu.wait_indirect_dma semaphore(%arg12 : memref<!tpu.dma_semaphore, #tpu.memory_space<semaphore_mem>>) src(%dma_wait3A_851 : memref<20224x64xf32, #tpu.memory_space<hbm>>) dst(%dma_wait3A_845 : memref<80x64xf32, #tpu.memory_space<vmem>>)
      %dma_start3A_852 = arith.constant 0 : i32
      %dma_start3A_853 = arith.constant 0 : i32
      %dma_start3A_854 = tpu.memref_slice %arg9[%add3A_841, %dma_start3A_852, %dma_start3A_853] : memref<14x80x64xf32, #tpu.memory_space<vmem>> -> memref<1x80x64xf32, #tpu.memory_space<vmem>>
      %dma_start3A_855 = tpu.memref_squeeze %dma_start3A_854 : memref<1x80x64xf32, #tpu.memory_space<vmem>> -> memref<80x64xf32, #tpu.memory_space<vmem>>
      %dma_start3A_856 = arith.constant 0 : i32
      %dma_start3A_857 = tpu.memref_slice %arg7[%add3A_841, %dma_start3A_856] : memref<14x80xi32, #tpu.memory_space<vmem>> -> memref<1x80xi32, #tpu.memory_space<vmem>>
      %dma_start3A_858 = tpu.memref_squeeze %dma_start3A_857 : memref<1x80xi32, #tpu.memory_space<vmem>> -> memref<80xi32, #tpu.memory_space<vmem>>
      %dma_start3A_859 = arith.constant 0 : i32
      %dma_start3A_860 = arith.constant 0 : i32
      %dma_start3A_861 = tpu.memref_slice %arg11[%dma_start3A_859, %dma_start3A_860] : memref<2048x64xf32, #tpu.memory_space<vmem_shared>> -> memref<2048x64xf32, #tpu.memory_space<vmem_shared>>
      tpu.enqueue_indirect_dma source(%dma_start3A_855 : memref<80x64xf32, #tpu.memory_space<vmem>>) target(%dma_start3A_861 : memref<2048x64xf32, #tpu.memory_space<vmem_shared>>) offsets(%dma_start3A_858 : memref<80xi32, #tpu.memory_space<vmem>>) semaphore(%arg13 : memref<!tpu.dma_semaphore, #tpu.memory_space<semaphore_mem>>) {add = true}
      %add3A_862 = arith.constant 4 : i32
      %add3A_863 = arith.addi %mul3A_755, %add3A_862 : i32
      %dma_wait3A_864 = arith.constant 0 : i32
      %dma_wait3A_865 = arith.constant 0 : i32
      %dma_wait3A_866 = tpu.memref_slice %arg9[%add3A_863, %dma_wait3A_864, %dma_wait3A_865] : memref<14x80x64xf32, #tpu.memory_space<vmem>> -> memref<1x80x64xf32, #tpu.memory_space<vmem>>
      %dma_wait3A_867 = tpu.memref_squeeze %dma_wait3A_866 : memref<1x80x64xf32, #tpu.memory_space<vmem>> -> memref<80x64xf32, #tpu.memory_space<vmem>>
      %dma_wait3A_868 = arith.constant 0 : i32
      %dma_wait3A_869 = tpu.memref_slice %arg8[%add3A_863, %dma_wait3A_868] : memref<14x80xi32, #tpu.memory_space<vmem>> -> memref<1x80xi32, #tpu.memory_space<vmem>>
      %dma_wait3A_870 = tpu.memref_squeeze %dma_wait3A_869 : memref<1x80xi32, #tpu.memory_space<vmem>> -> memref<80xi32, #tpu.memory_space<vmem>>
      %dma_wait3A_871 = arith.constant 0 : i32
      %dma_wait3A_872 = arith.constant 0 : i32
      %dma_wait3A_873 = tpu.memref_slice %arg2[%dma_wait3A_871, %dma_wait3A_872] : memref<20224x64xf32, #tpu.memory_space<hbm>> -> memref<20224x64xf32, #tpu.memory_space<hbm>>
      tpu.wait_indirect_dma semaphore(%arg12 : memref<!tpu.dma_semaphore, #tpu.memory_space<semaphore_mem>>) src(%dma_wait3A_873 : memref<20224x64xf32, #tpu.memory_space<hbm>>) dst(%dma_wait3A_867 : memref<80x64xf32, #tpu.memory_space<vmem>>)
      %dma_start3A_874 = arith.constant 0 : i32
      %dma_start3A_875 = arith.constant 0 : i32
      %dma_start3A_876 = tpu.memref_slice %arg9[%add3A_863, %dma_start3A_874, %dma_start3A_875] : memref<14x80x64xf32, #tpu.memory_space<vmem>> -> memref<1x80x64xf32, #tpu.memory_space<vmem>>
      %dma_start3A_877 = tpu.memref_squeeze %dma_start3A_876 : memref<1x80x64xf32, #tpu.memory_space<vmem>> -> memref<80x64xf32, #tpu.memory_space<vmem>>
      %dma_start3A_878 = arith.constant 0 : i32
      %dma_start3A_879 = tpu.memref_slice %arg7[%add3A_863, %dma_start3A_878] : memref<14x80xi32, #tpu.memory_space<vmem>> -> memref<1x80xi32, #tpu.memory_space<vmem>>
      %dma_start3A_880 = tpu.memref_squeeze %dma_start3A_879 : memref<1x80xi32, #tpu.memory_space<vmem>> -> memref<80xi32, #tpu.memory_space<vmem>>
      %dma_start3A_881 = arith.constant 0 : i32
      %dma_start3A_882 = arith.constant 0 : i32
      %dma_start3A_883 = tpu.memref_slice %arg11[%dma_start3A_881, %dma_start3A_882] : memref<2048x64xf32, #tpu.memory_space<vmem_shared>> -> memref<2048x64xf32, #tpu.memory_space<vmem_shared>>
      tpu.enqueue_indirect_dma source(%dma_start3A_877 : memref<80x64xf32, #tpu.memory_space<vmem>>) target(%dma_start3A_883 : memref<2048x64xf32, #tpu.memory_space<vmem_shared>>) offsets(%dma_start3A_880 : memref<80xi32, #tpu.memory_space<vmem>>) semaphore(%arg13 : memref<!tpu.dma_semaphore, #tpu.memory_space<semaphore_mem>>) {add = true}
      %add3A_884 = arith.constant 5 : i32
      %add3A_885 = arith.addi %mul3A_755, %add3A_884 : i32
      %dma_wait3A_886 = arith.constant 0 : i32
      %dma_wait3A_887 = arith.constant 0 : i32
      %dma_wait3A_888 = tpu.memref_slice %arg9[%add3A_885, %dma_wait3A_886, %dma_wait3A_887] : memref<14x80x64xf32, #tpu.memory_space<vmem>> -> memref<1x80x64xf32, #tpu.memory_space<vmem>>
      %dma_wait3A_889 = tpu.memref_squeeze %dma_wait3A_888 : memref<1x80x64xf32, #tpu.memory_space<vmem>> -> memref<80x64xf32, #tpu.memory_space<vmem>>
      %dma_wait3A_890 = arith.constant 0 : i32
      %dma_wait3A_891 = tpu.memref_slice %arg8[%add3A_885, %dma_wait3A_890] : memref<14x80xi32, #tpu.memory_space<vmem>> -> memref<1x80xi32, #tpu.memory_space<vmem>>
      %dma_wait3A_892 = tpu.memref_squeeze %dma_wait3A_891 : memref<1x80xi32, #tpu.memory_space<vmem>> -> memref<80xi32, #tpu.memory_space<vmem>>
      %dma_wait3A_893 = arith.constant 0 : i32
      %dma_wait3A_894 = arith.constant 0 : i32
      %dma_wait3A_895 = tpu.memref_slice %arg2[%dma_wait3A_893, %dma_wait3A_894] : memref<20224x64xf32, #tpu.memory_space<hbm>> -> memref<20224x64xf32, #tpu.memory_space<hbm>>
      tpu.wait_indirect_dma semaphore(%arg12 : memref<!tpu.dma_semaphore, #tpu.memory_space<semaphore_mem>>) src(%dma_wait3A_895 : memref<20224x64xf32, #tpu.memory_space<hbm>>) dst(%dma_wait3A_889 : memref<80x64xf32, #tpu.memory_space<vmem>>)
      %dma_start3A_896 = arith.constant 0 : i32
      %dma_start3A_897 = arith.constant 0 : i32
      %dma_start3A_898 = tpu.memref_slice %arg9[%add3A_885, %dma_start3A_896, %dma_start3A_897] : memref<14x80x64xf32, #tpu.memory_space<vmem>> -> memref<1x80x64xf32, #tpu.memory_space<vmem>>
      %dma_start3A_899 = tpu.memref_squeeze %dma_start3A_898 : memref<1x80x64xf32, #tpu.memory_space<vmem>> -> memref<80x64xf32, #tpu.memory_space<vmem>>
      %dma_start3A_900 = arith.constant 0 : i32
      %dma_start3A_901 = tpu.memref_slice %arg7[%add3A_885, %dma_start3A_900] : memref<14x80xi32, #tpu.memory_space<vmem>> -> memref<1x80xi32, #tpu.memory_space<vmem>>
      %dma_start3A_902 = tpu.memref_squeeze %dma_start3A_901 : memref<1x80xi32, #tpu.memory_space<vmem>> -> memref<80xi32, #tpu.memory_space<vmem>>
      %dma_start3A_903 = arith.constant 0 : i32
      %dma_start3A_904 = arith.constant 0 : i32
      %dma_start3A_905 = tpu.memref_slice %arg11[%dma_start3A_903, %dma_start3A_904] : memref<2048x64xf32, #tpu.memory_space<vmem_shared>> -> memref<2048x64xf32, #tpu.memory_space<vmem_shared>>
      tpu.enqueue_indirect_dma source(%dma_start3A_899 : memref<80x64xf32, #tpu.memory_space<vmem>>) target(%dma_start3A_905 : memref<2048x64xf32, #tpu.memory_space<vmem_shared>>) offsets(%dma_start3A_902 : memref<80xi32, #tpu.memory_space<vmem>>) semaphore(%arg13 : memref<!tpu.dma_semaphore, #tpu.memory_space<semaphore_mem>>) {add = true}
      %add3A_906 = arith.constant 6 : i32
      %add3A_907 = arith.addi %mul3A_755, %add3A_906 : i32
      %dma_wait3A_908 = arith.constant 0 : i32
      %dma_wait3A_909 = arith.constant 0 : i32
      %dma_wait3A_910 = tpu.memref_slice %arg9[%add3A_907, %dma_wait3A_908, %dma_wait3A_909] : memref<14x80x64xf32, #tpu.memory_space<vmem>> -> memref<1x80x64xf32, #tpu.memory_space<vmem>>
      %dma_wait3A_911 = tpu.memref_squeeze %dma_wait3A_910 : memref<1x80x64xf32, #tpu.memory_space<vmem>> -> memref<80x64xf32, #tpu.memory_space<vmem>>
      %dma_wait3A_912 = arith.constant 0 : i32
      %dma_wait3A_913 = tpu.memref_slice %arg8[%add3A_907, %dma_wait3A_912] : memref<14x80xi32, #tpu.memory_space<vmem>> -> memref<1x80xi32, #tpu.memory_space<vmem>>
      %dma_wait3A_914 = tpu.memref_squeeze %dma_wait3A_913 : memref<1x80xi32, #tpu.memory_space<vmem>> -> memref<80xi32, #tpu.memory_space<vmem>>
      %dma_wait3A_915 = arith.constant 0 : i32
      %dma_wait3A_916 = arith.constant 0 : i32
      %dma_wait3A_917 = tpu.memref_slice %arg2[%dma_wait3A_915, %dma_wait3A_916] : memref<20224x64xf32, #tpu.memory_space<hbm>> -> memref<20224x64xf32, #tpu.memory_space<hbm>>
      tpu.wait_indirect_dma semaphore(%arg12 : memref<!tpu.dma_semaphore, #tpu.memory_space<semaphore_mem>>) src(%dma_wait3A_917 : memref<20224x64xf32, #tpu.memory_space<hbm>>) dst(%dma_wait3A_911 : memref<80x64xf32, #tpu.memory_space<vmem>>)
      %dma_start3A_918 = arith.constant 0 : i32
      %dma_start3A_919 = arith.constant 0 : i32
      %dma_start3A_920 = tpu.memref_slice %arg9[%add3A_907, %dma_start3A_918, %dma_start3A_919] : memref<14x80x64xf32, #tpu.memory_space<vmem>> -> memref<1x80x64xf32, #tpu.memory_space<vmem>>
      %dma_start3A_921 = tpu.memref_squeeze %dma_start3A_920 : memref<1x80x64xf32, #tpu.memory_space<vmem>> -> memref<80x64xf32, #tpu.memory_space<vmem>>
      %dma_start3A_922 = arith.constant 0 : i32
      %dma_start3A_923 = tpu.memref_slice %arg7[%add3A_907, %dma_start3A_922] : memref<14x80xi32, #tpu.memory_space<vmem>> -> memref<1x80xi32, #tpu.memory_space<vmem>>
      %dma_start3A_924 = tpu.memref_squeeze %dma_start3A_923 : memref<1x80xi32, #tpu.memory_space<vmem>> -> memref<80xi32, #tpu.memory_space<vmem>>
      %dma_start3A_925 = arith.constant 0 : i32
      %dma_start3A_926 = arith.constant 0 : i32
      %dma_start3A_927 = tpu.memref_slice %arg11[%dma_start3A_925, %dma_start3A_926] : memref<2048x64xf32, #tpu.memory_space<vmem_shared>> -> memref<2048x64xf32, #tpu.memory_space<vmem_shared>>
      tpu.enqueue_indirect_dma source(%dma_start3A_921 : memref<80x64xf32, #tpu.memory_space<vmem>>) target(%dma_start3A_927 : memref<2048x64xf32, #tpu.memory_space<vmem_shared>>) offsets(%dma_start3A_924 : memref<80xi32, #tpu.memory_space<vmem>>) semaphore(%arg13 : memref<!tpu.dma_semaphore, #tpu.memory_space<semaphore_mem>>) {add = true}
      %add3A_928 = arith.constant 1 : i32
      %add3A_929 = arith.addi %scan3A_752, %add3A_928 : i32
      %lt3A_930 = arith.constant 18 : i32
      %lt3A_931 = arith.cmpi slt, %add3A_929, %lt3A_930 : i32
      %convert_element_type3A_932 = arith.extui %lt3A_931 : i1 to i32
      %cond3A_933 = arith.constant 0 : i32
      %cond3A_934 = arith.cmpi ne, %convert_element_type3A_932, %cond3A_933 : i32
      scf.if %cond3A_934 {
        %dma_wait3A_935 = arith.constant 0 : i32
        %dma_wait3A_936 = tpu.memref_slice %arg6[%mul3A_760, %dma_wait3A_935] : memref<14x80xi32, #tpu.memory_space<vmem>> -> memref<7x80xi32, #tpu.memory_space<vmem>>
        %dma_wait3A_937 = arith.constant 0 : i32
        %dma_wait3A_938 = tpu.memref_slice %arg3[%add3A_765, %dma_wait3A_937] : memref<2016x80xi32, #tpu.memory_space<hbm>> -> memref<7x80xi32, #tpu.memory_space<hbm>>
        %dma_wait3A_939 = arith.constant 0 : i32
        %dma_wait3A_940 = tpu.memref_slice %arg6[%mul3A_760, %dma_wait3A_939] : memref<14x80xi32, #tpu.memory_space<vmem>> -> memref<7x80xi32, #tpu.memory_space<vmem>>
        %dma_wait3A_941 = arith.constant 0 : i32
        %dma_wait3A_942 = tpu.memref_slice %arg3[%add3A_765, %dma_wait3A_941] : memref<2016x80xi32, #tpu.memory_space<hbm>> -> memref<7x80xi32, #tpu.memory_space<hbm>>
        tpu.wait_dma2 semaphore(%arg14 : memref<!tpu.dma_semaphore, #tpu.memory_space<semaphore_mem>>) src(%dma_wait3A_942 : memref<7x80xi32, #tpu.memory_space<hbm>>) dst(%dma_wait3A_940 : memref<7x80xi32, #tpu.memory_space<vmem>>)
        %dma_wait3A_943 = arith.constant 0 : i32
        %dma_wait3A_944 = tpu.memref_slice %arg7[%mul3A_760, %dma_wait3A_943] : memref<14x80xi32, #tpu.memory_space<vmem>> -> memref<7x80xi32, #tpu.memory_space<vmem>>
        %dma_wait3A_945 = arith.constant 0 : i32
        %dma_wait3A_946 = tpu.memref_slice %arg4[%add3A_765, %dma_wait3A_945] : memref<2016x80xi32, #tpu.memory_space<hbm>> -> memref<7x80xi32, #tpu.memory_space<hbm>>
        %dma_wait3A_947 = arith.constant 0 : i32
        %dma_wait3A_948 = tpu.memref_slice %arg7[%mul3A_760, %dma_wait3A_947] : memref<14x80xi32, #tpu.memory_space<vmem>> -> memref<7x80xi32, #tpu.memory_space<vmem>>
        %dma_wait3A_949 = arith.constant 0 : i32
        %dma_wait3A_950 = tpu.memref_slice %arg4[%add3A_765, %dma_wait3A_949] : memref<2016x80xi32, #tpu.memory_space<hbm>> -> memref<7x80xi32, #tpu.memory_space<hbm>>
        tpu.wait_dma2 semaphore(%arg14 : memref<!tpu.dma_semaphore, #tpu.memory_space<semaphore_mem>>) src(%dma_wait3A_950 : memref<7x80xi32, #tpu.memory_space<hbm>>) dst(%dma_wait3A_948 : memref<7x80xi32, #tpu.memory_space<vmem>>)
        %add3A_951 = arith.constant 0 : i32
        %add3A_952 = arith.addi %mul3A_760, %add3A_951 : i32
        %get3A_953 = arith.index_cast %add3A_952 : i32 to index
        %get3A_954 = arith.constant 0 : index
        %get3A_955 = tpu.vector_load %arg6[%get3A_953, %get3A_954] {strides = array<i32>} : memref<14x80xi32, #tpu.memory_space<vmem>>, vector<1x16xi32>,
        %get3A_956 = vector.shape_cast %get3A_955 : vector<1x16xi32> to vector<16xi32>
        %mul3A_957 = arith.constant 2 : i32
        %mul3A_958 = vector.broadcast %mul3A_957 : i32 to vector<16xi32>
        %mul3A_959 = arith.muli %get3A_956, %mul3A_958 : vector<16xi32>
        %add3A_960 = vector.broadcast %arg0 : i32 to vector<16xi32>
        %add3A_961 = arith.addi %mul3A_959, %add3A_960 : vector<16xi32>
        %swap3A_962 = arith.index_cast %add3A_952 : i32 to index
        %swap3A_963 = arith.constant 0 : index
        %swap3A_964 = tpu.vector_load %arg8[%swap3A_962, %swap3A_963] {strides = array<i32>} : memref<14x80xi32, #tpu.memory_space<vmem>>, vector<1x16xi32>,
        %swap3A_965 = vector.shape_cast %swap3A_964 : vector<1x16xi32> to vector<16xi32>
        %swap3A_966 = vector.shape_cast %add3A_961 : vector<16xi32> to vector<1x16xi32>
        tpu.vector_store %arg8[%swap3A_962, %swap3A_963], %swap3A_966 {strides = array<i32>} : memref<14x80xi32, #tpu.memory_space<vmem>>, vector<1x16xi32>,
        %get3A_967 = arith.index_cast %add3A_952 : i32 to index
        %get3A_968 = arith.constant 16 : index
        %get3A_969 = tpu.vector_load %arg6[%get3A_967, %get3A_968] {strides = array<i32>} : memref<14x80xi32, #tpu.memory_space<vmem>>, vector<1x16xi32>,
        %get3A_970 = vector.shape_cast %get3A_969 : vector<1x16xi32> to vector<16xi32>
        %mul3A_971 = arith.constant 2 : i32
        %mul3A_972 = vector.broadcast %mul3A_971 : i32 to vector<16xi32>
        %mul3A_973 = arith.muli %get3A_970, %mul3A_972 : vector<16xi32>
        %add3A_974 = vector.broadcast %arg0 : i32 to vector<16xi32>
        %add3A_975 = arith.addi %mul3A_973, %add3A_974 : vector<16xi32>
        %swap3A_976 = arith.index_cast %add3A_952 : i32 to index
        %swap3A_977 = arith.constant 16 : index
        %swap3A_978 = tpu.vector_load %arg8[%swap3A_976, %swap3A_977] {strides = array<i32>} : memref<14x80xi32, #tpu.memory_space<vmem>>, vector<1x16xi32>,
        %swap3A_979 = vector.shape_cast %swap3A_978 : vector<1x16xi32> to vector<16xi32>
        %swap3A_980 = vector.shape_cast %add3A_975 : vector<16xi32> to vector<1x16xi32>
        tpu.vector_store %arg8[%swap3A_976, %swap3A_977], %swap3A_980 {strides = array<i32>} : memref<14x80xi32, #tpu.memory_space<vmem>>, vector<1x16xi32>,
        %get3A_981 = arith.index_cast %add3A_952 : i32 to index
        %get3A_982 = arith.constant 32 : index
        %get3A_983 = tpu.vector_load %arg6[%get3A_981, %get3A_982] {strides = array<i32>} : memref<14x80xi32, #tpu.memory_space<vmem>>, vector<1x16xi32>,
        %get3A_984 = vector.shape_cast %get3A_983 : vector<1x16xi32> to vector<16xi32>
        %mul3A_985 = arith.constant 2 : i32
        %mul3A_986 = vector.broadcast %mul3A_985 : i32 to vector<16xi32>
        %mul3A_987 = arith.muli %get3A_984, %mul3A_986 : vector<16xi32>
        %add3A_988 = vector.broadcast %arg0 : i32 to vector<16xi32>
        %add3A_989 = arith.addi %mul3A_987, %add3A_988 : vector<16xi32>
        %swap3A_990 = arith.index_cast %add3A_952 : i32 to index
        %swap3A_991 = arith.constant 32 : index
        %swap3A_992 = tpu.vector_load %arg8[%swap3A_990, %swap3A_991] {strides = array<i32>} : memref<14x80xi32, #tpu.memory_space<vmem>>, vector<1x16xi32>,
        %swap3A_993 = vector.shape_cast %swap3A_992 : vector<1x16xi32> to vector<16xi32>
        %swap3A_994 = vector.shape_cast %add3A_989 : vector<16xi32> to vector<1x16xi32>
        tpu.vector_store %arg8[%swap3A_990, %swap3A_991], %swap3A_994 {strides = array<i32>} : memref<14x80xi32, #tpu.memory_space<vmem>>, vector<1x16xi32>,
        %get3A_995 = arith.index_cast %add3A_952 : i32 to index
        %get3A_996 = arith.constant 48 : index
        %get3A_997 = tpu.vector_load %arg6[%get3A_995, %get3A_996] {strides = array<i32>} : memref<14x80xi32, #tpu.memory_space<vmem>>, vector<1x16xi32>,
        %get3A_998 = vector.shape_cast %get3A_997 : vector<1x16xi32> to vector<16xi32>
        %mul3A_999 = arith.constant 2 : i32
        %mul3A_1000 = vector.broadcast %mul3A_999 : i32 to vector<16xi32>
        %mul3A_1001 = arith.muli %get3A_998, %mul3A_1000 : vector<16xi32>
        %add3A_1002 = vector.broadcast %arg0 : i32 to vector<16xi32>
        %add3A_1003 = arith.addi %mul3A_1001, %add3A_1002 : vector<16xi32>
        %swap3A_1004 = arith.index_cast %add3A_952 : i32 to index
        %swap3A_1005 = arith.constant 48 : index
        %swap3A_1006 = tpu.vector_load %arg8[%swap3A_1004, %swap3A_1005] {strides = array<i32>} : memref<14x80xi32, #tpu.memory_space<vmem>>, vector<1x16xi32>,
        %swap3A_1007 = vector.shape_cast %swap3A_1006 : vector<1x16xi32> to vector<16xi32>
        %swap3A_1008 = vector.shape_cast %add3A_1003 : vector<16xi32> to vector<1x16xi32>
        tpu.vector_store %arg8[%swap3A_1004, %swap3A_1005], %swap3A_1008 {strides = array<i32>} : memref<14x80xi32, #tpu.memory_space<vmem>>, vector<1x16xi32>,
        %get3A_1009 = arith.index_cast %add3A_952 : i32 to index
        %get3A_1010 = arith.constant 64 : index
        %get3A_1011 = tpu.vector_load %arg6[%get3A_1009, %get3A_1010] {strides = array<i32>} : memref<14x80xi32, #tpu.memory_space<vmem>>, vector<1x16xi32>,
        %get3A_1012 = vector.shape_cast %get3A_1011 : vector<1x16xi32> to vector<16xi32>
        %mul3A_1013 = arith.constant 2 : i32
        %mul3A_1014 = vector.broadcast %mul3A_1013 : i32 to vector<16xi32>
        %mul3A_1015 = arith.muli %get3A_1012, %mul3A_1014 : vector<16xi32>
        %add3A_1016 = vector.broadcast %arg0 : i32 to vector<16xi32>
        %add3A_1017 = arith.addi %mul3A_1015, %add3A_1016 : vector<16xi32>
        %swap3A_1018 = arith.index_cast %add3A_952 : i32 to index
        %swap3A_1019 = arith.constant 64 : index
        %swap3A_1020 = tpu.vector_load %arg8[%swap3A_1018, %swap3A_1019] {strides = array<i32>} : memref<14x80xi32, #tpu.memory_space<vmem>>, vector<1x16xi32>,
        %swap3A_1021 = vector.shape_cast %swap3A_1020 : vector<1x16xi32> to vector<16xi32>
        %swap3A_1022 = vector.shape_cast %add3A_1017 : vector<16xi32> to vector<1x16xi32>
        tpu.vector_store %arg8[%swap3A_1018, %swap3A_1019], %swap3A_1022 {strides = array<i32>} : memref<14x80xi32, #tpu.memory_space<vmem>>, vector<1x16xi32>,
        %add3A_1023 = arith.constant 1 : i32
        %add3A_1024 = arith.addi %mul3A_760, %add3A_1023 : i32
        %get3A_1025 = arith.index_cast %add3A_1024 : i32 to index
        %get3A_1026 = arith.constant 0 : index
        %get3A_1027 = tpu.vector_load %arg6[%get3A_1025, %get3A_1026] {strides = array<i32>} : memref<14x80xi32, #tpu.memory_space<vmem>>, vector<1x16xi32>,
        %get3A_1028 = vector.shape_cast %get3A_1027 : vector<1x16xi32> to vector<16xi32>
        %mul3A_1029 = arith.constant 2 : i32
        %mul3A_1030 = vector.broadcast %mul3A_1029 : i32 to vector<16xi32>
        %mul3A_1031 = arith.muli %get3A_1028, %mul3A_1030 : vector<16xi32>
        %add3A_1032 = vector.broadcast %arg0 : i32 to vector<16xi32>
        %add3A_1033 = arith.addi %mul3A_1031, %add3A_1032 : vector<16xi32>
        %swap3A_1034 = arith.index_cast %add3A_1024 : i32 to index
        %swap3A_1035 = arith.constant 0 : index
        %swap3A_1036 = tpu.vector_load %arg8[%swap3A_1034, %swap3A_1035] {strides = array<i32>} : memref<14x80xi32, #tpu.memory_space<vmem>>, vector<1x16xi32>,
        %swap3A_1037 = vector.shape_cast %swap3A_1036 : vector<1x16xi32> to vector<16xi32>
        %swap3A_1038 = vector.shape_cast %add3A_1033 : vector<16xi32> to vector<1x16xi32>
        tpu.vector_store %arg8[%swap3A_1034, %swap3A_1035], %swap3A_1038 {strides = array<i32>} : memref<14x80xi32, #tpu.memory_space<vmem>>, vector<1x16xi32>,
        %get3A_1039 = arith.index_cast %add3A_1024 : i32 to index
        %get3A_1040 = arith.constant 16 : index
        %get3A_1041 = tpu.vector_load %arg6[%get3A_1039, %get3A_1040] {strides = array<i32>} : memref<14x80xi32, #tpu.memory_space<vmem>>, vector<1x16xi32>,
        %get3A_1042 = vector.shape_cast %get3A_1041 : vector<1x16xi32> to vector<16xi32>
        %mul3A_1043 = arith.constant 2 : i32
        %mul3A_1044 = vector.broadcast %mul3A_1043 : i32 to vector<16xi32>
        %mul3A_1045 = arith.muli %get3A_1042, %mul3A_1044 : vector<16xi32>
        %add3A_1046 = vector.broadcast %arg0 : i32 to vector<16xi32>
        %add3A_1047 = arith.addi %mul3A_1045, %add3A_1046 : vector<16xi32>
        %swap3A_1048 = arith.index_cast %add3A_1024 : i32 to index
        %swap3A_1049 = arith.constant 16 : index
        %swap3A_1050 = tpu.vector_load %arg8[%swap3A_1048, %swap3A_1049] {strides = array<i32>} : memref<14x80xi32, #tpu.memory_space<vmem>>, vector<1x16xi32>,
        %swap3A_1051 = vector.shape_cast %swap3A_1050 : vector<1x16xi32> to vector<16xi32>
        %swap3A_1052 = vector.shape_cast %add3A_1047 : vector<16xi32> to vector<1x16xi32>
        tpu.vector_store %arg8[%swap3A_1048, %swap3A_1049], %swap3A_1052 {strides = array<i32>} : memref<14x80xi32, #tpu.memory_space<vmem>>, vector<1x16xi32>,
        %get3A_1053 = arith.index_cast %add3A_1024 : i32 to index
        %get3A_1054 = arith.constant 32 : index
        %get3A_1055 = tpu.vector_load %arg6[%get3A_1053, %get3A_1054] {strides = array<i32>} : memref<14x80xi32, #tpu.memory_space<vmem>>, vector<1x16xi32>,
        %get3A_1056 = vector.shape_cast %get3A_1055 : vector<1x16xi32> to vector<16xi32>
        %mul3A_1057 = arith.constant 2 : i32
        %mul3A_1058 = vector.broadcast %mul3A_1057 : i32 to vector<16xi32>
        %mul3A_1059 = arith.muli %get3A_1056, %mul3A_1058 : vector<16xi32>
        %add3A_1060 = vector.broadcast %arg0 : i32 to vector<16xi32>
        %add3A_1061 = arith.addi %mul3A_1059, %add3A_1060 : vector<16xi32>
        %swap3A_1062 = arith.index_cast %add3A_1024 : i32 to index
        %swap3A_1063 = arith.constant 32 : index
        %swap3A_1064 = tpu.vector_load %arg8[%swap3A_1062, %swap3A_1063] {strides = array<i32>} : memref<14x80xi32, #tpu.memory_space<vmem>>, vector<1x16xi32>,
        %swap3A_1065 = vector.shape_cast %swap3A_1064 : vector<1x16xi32> to vector<16xi32>
        %swap3A_1066 = vector.shape_cast %add3A_1061 : vector<16xi32> to vector<1x16xi32>
        tpu.vector_store %arg8[%swap3A_1062, %swap3A_1063], %swap3A_1066 {strides = array<i32>} : memref<14x80xi32, #tpu.memory_space<vmem>>, vector<1x16xi32>,
        %get3A_1067 = arith.index_cast %add3A_1024 : i32 to index
        %get3A_1068 = arith.constant 48 : index
        %get3A_1069 = tpu.vector_load %arg6[%get3A_1067, %get3A_1068] {strides = array<i32>} : memref<14x80xi32, #tpu.memory_space<vmem>>, vector<1x16xi32>,
        %get3A_1070 = vector.shape_cast %get3A_1069 : vector<1x16xi32> to vector<16xi32>
        %mul3A_1071 = arith.constant 2 : i32
        %mul3A_1072 = vector.broadcast %mul3A_1071 : i32 to vector<16xi32>
        %mul3A_1073 = arith.muli %get3A_1070, %mul3A_1072 : vector<16xi32>
        %add3A_1074 = vector.broadcast %arg0 : i32 to vector<16xi32>
        %add3A_1075 = arith.addi %mul3A_1073, %add3A_1074 : vector<16xi32>
        %swap3A_1076 = arith.index_cast %add3A_1024 : i32 to index
        %swap3A_1077 = arith.constant 48 : index
        %swap3A_1078 = tpu.vector_load %arg8[%swap3A_1076, %swap3A_1077] {strides = array<i32>} : memref<14x80xi32, #tpu.memory_space<vmem>>, vector<1x16xi32>,
        %swap3A_1079 = vector.shape_cast %swap3A_1078 : vector<1x16xi32> to vector<16xi32>
        %swap3A_1080 = vector.shape_cast %add3A_1075 : vector<16xi32> to vector<1x16xi32>
        tpu.vector_store %arg8[%swap3A_1076, %swap3A_1077], %swap3A_1080 {strides = array<i32>} : memref<14x80xi32, #tpu.memory_space<vmem>>, vector<1x16xi32>,
        %get3A_1081 = arith.index_cast %add3A_1024 : i32 to index
        %get3A_1082 = arith.constant 64 : index
        %get3A_1083 = tpu.vector_load %arg6[%get3A_1081, %get3A_1082] {strides = array<i32>} : memref<14x80xi32, #tpu.memory_space<vmem>>, vector<1x16xi32>,
        %get3A_1084 = vector.shape_cast %get3A_1083 : vector<1x16xi32> to vector<16xi32>
        %mul3A_1085 = arith.constant 2 : i32
        %mul3A_1086 = vector.broadcast %mul3A_1085 : i32 to vector<16xi32>
        %mul3A_1087 = arith.muli %get3A_1084, %mul3A_1086 : vector<16xi32>
        %add3A_1088 = vector.broadcast %arg0 : i32 to vector<16xi32>
        %add3A_1089 = arith.addi %mul3A_1087, %add3A_1088 : vector<16xi32>
        %swap3A_1090 = arith.index_cast %add3A_1024 : i32 to index
        %swap3A_1091 = arith.constant 64 : index
        %swap3A_1092 = tpu.vector_load %arg8[%swap3A_1090, %swap3A_1091] {strides = array<i32>} : memref<14x80xi32, #tpu.memory_space<vmem>>, vector<1x16xi32>,
        %swap3A_1093 = vector.shape_cast %swap3A_1092 : vector<1x16xi32> to vector<16xi32>
        %swap3A_1094 = vector.shape_cast %add3A_1089 : vector<16xi32> to vector<1x16xi32>
        tpu.vector_store %arg8[%swap3A_1090, %swap3A_1091], %swap3A_1094 {strides = array<i32>} : memref<14x80xi32, #tpu.memory_space<vmem>>, vector<1x16xi32>,
        %add3A_1095 = arith.constant 2 : i32
        %add3A_1096 = arith.addi %mul3A_760, %add3A_1095 : i32
        %get3A_1097 = arith.index_cast %add3A_1096 : i32 to index
        %get3A_1098 = arith.constant 0 : index
        %get3A_1099 = tpu.vector_load %arg6[%get3A_1097, %get3A_1098] {strides = array<i32>} : memref<14x80xi32, #tpu.memory_space<vmem>>, vector<1x16xi32>,
        %get3A_1100 = vector.shape_cast %get3A_1099 : vector<1x16xi32> to vector<16xi32>
        %mul3A_1101 = arith.constant 2 : i32
        %mul3A_1102 = vector.broadcast %mul3A_1101 : i32 to vector<16xi32>
        %mul3A_1103 = arith.muli %get3A_1100, %mul3A_1102 : vector<16xi32>
        %add3A_1104 = vector.broadcast %arg0 : i32 to vector<16xi32>
        %add3A_1105 = arith.addi %mul3A_1103, %add3A_1104 : vector<16xi32>
        %swap3A_1106 = arith.index_cast %add3A_1096 : i32 to index
        %swap3A_1107 = arith.constant 0 : index
        %swap3A_1108 = tpu.vector_load %arg8[%swap3A_1106, %swap3A_1107] {strides = array<i32>} : memref<14x80xi32, #tpu.memory_space<vmem>>, vector<1x16xi32>,
        %swap3A_1109 = vector.shape_cast %swap3A_1108 : vector<1x16xi32> to vector<16xi32>
        %swap3A_1110 = vector.shape_cast %add3A_1105 : vector<16xi32> to vector<1x16xi32>
        tpu.vector_store %arg8[%swap3A_1106, %swap3A_1107], %swap3A_1110 {strides = array<i32>} : memref<14x80xi32, #tpu.memory_space<vmem>>, vector<1x16xi32>,
        %get3A_1111 = arith.index_cast %add3A_1096 : i32 to index
        %get3A_1112 = arith.constant 16 : index
        %get3A_1113 = tpu.vector_load %arg6[%get3A_1111, %get3A_1112] {strides = array<i32>} : memref<14x80xi32, #tpu.memory_space<vmem>>, vector<1x16xi32>,
        %get3A_1114 = vector.shape_cast %get3A_1113 : vector<1x16xi32> to vector<16xi32>
        %mul3A_1115 = arith.constant 2 : i32
        %mul3A_1116 = vector.broadcast %mul3A_1115 : i32 to vector<16xi32>
        %mul3A_1117 = arith.muli %get3A_1114, %mul3A_1116 : vector<16xi32>
        %add3A_1118 = vector.broadcast %arg0 : i32 to vector<16xi32>
        %add3A_1119 = arith.addi %mul3A_1117, %add3A_1118 : vector<16xi32>
        %swap3A_1120 = arith.index_cast %add3A_1096 : i32 to index
        %swap3A_1121 = arith.constant 16 : index
        %swap3A_1122 = tpu.vector_load %arg8[%swap3A_1120, %swap3A_1121] {strides = array<i32>} : memref<14x80xi32, #tpu.memory_space<vmem>>, vector<1x16xi32>,
        %swap3A_1123 = vector.shape_cast %swap3A_1122 : vector<1x16xi32> to vector<16xi32>
        %swap3A_1124 = vector.shape_cast %add3A_1119 : vector<16xi32> to vector<1x16xi32>
        tpu.vector_store %arg8[%swap3A_1120, %swap3A_1121], %swap3A_1124 {strides = array<i32>} : memref<14x80xi32, #tpu.memory_space<vmem>>, vector<1x16xi32>,
        %get3A_1125 = arith.index_cast %add3A_1096 : i32 to index
        %get3A_1126 = arith.constant 32 : index
        %get3A_1127 = tpu.vector_load %arg6[%get3A_1125, %get3A_1126] {strides = array<i32>} : memref<14x80xi32, #tpu.memory_space<vmem>>, vector<1x16xi32>,
        %get3A_1128 = vector.shape_cast %get3A_1127 : vector<1x16xi32> to vector<16xi32>
        %mul3A_1129 = arith.constant 2 : i32
        %mul3A_1130 = vector.broadcast %mul3A_1129 : i32 to vector<16xi32>
        %mul3A_1131 = arith.muli %get3A_1128, %mul3A_1130 : vector<16xi32>
        %add3A_1132 = vector.broadcast %arg0 : i32 to vector<16xi32>
        %add3A_1133 = arith.addi %mul3A_1131, %add3A_1132 : vector<16xi32>
        %swap3A_1134 = arith.index_cast %add3A_1096 : i32 to index
        %swap3A_1135 = arith.constant 32 : index
        %swap3A_1136 = tpu.vector_load %arg8[%swap3A_1134, %swap3A_1135] {strides = array<i32>} : memref<14x80xi32, #tpu.memory_space<vmem>>, vector<1x16xi32>,
        %swap3A_1137 = vector.shape_cast %swap3A_1136 : vector<1x16xi32> to vector<16xi32>
        %swap3A_1138 = vector.shape_cast %add3A_1133 : vector<16xi32> to vector<1x16xi32>
        tpu.vector_store %arg8[%swap3A_1134, %swap3A_1135], %swap3A_1138 {strides = array<i32>} : memref<14x80xi32, #tpu.memory_space<vmem>>, vector<1x16xi32>,
        %get3A_1139 = arith.index_cast %add3A_1096 : i32 to index
        %get3A_1140 = arith.constant 48 : index
        %get3A_1141 = tpu.vector_load %arg6[%get3A_1139, %get3A_1140] {strides = array<i32>} : memref<14x80xi32, #tpu.memory_space<vmem>>, vector<1x16xi32>,
        %get3A_1142 = vector.shape_cast %get3A_1141 : vector<1x16xi32> to vector<16xi32>
        %mul3A_1143 = arith.constant 2 : i32
        %mul3A_1144 = vector.broadcast %mul3A_1143 : i32 to vector<16xi32>
        %mul3A_1145 = arith.muli %get3A_1142, %mul3A_1144 : vector<16xi32>
        %add3A_1146 = vector.broadcast %arg0 : i32 to vector<16xi32>
        %add3A_1147 = arith.addi %mul3A_1145, %add3A_1146 : vector<16xi32>
        %swap3A_1148 = arith.index_cast %add3A_1096 : i32 to index
        %swap3A_1149 = arith.constant 48 : index
        %swap3A_1150 = tpu.vector_load %arg8[%swap3A_1148, %swap3A_1149] {strides = array<i32>} : memref<14x80xi32, #tpu.memory_space<vmem>>, vector<1x16xi32>,
        %swap3A_1151 = vector.shape_cast %swap3A_1150 : vector<1x16xi32> to vector<16xi32>
        %swap3A_1152 = vector.shape_cast %add3A_1147 : vector<16xi32> to vector<1x16xi32>
        tpu.vector_store %arg8[%swap3A_1148, %swap3A_1149], %swap3A_1152 {strides = array<i32>} : memref<14x80xi32, #tpu.memory_space<vmem>>, vector<1x16xi32>,
        %get3A_1153 = arith.index_cast %add3A_1096 : i32 to index
        %get3A_1154 = arith.constant 64 : index
        %get3A_1155 = tpu.vector_load %arg6[%get3A_1153, %get3A_1154] {strides = array<i32>} : memref<14x80xi32, #tpu.memory_space<vmem>>, vector<1x16xi32>,
        %get3A_1156 = vector.shape_cast %get3A_1155 : vector<1x16xi32> to vector<16xi32>
        %mul3A_1157 = arith.constant 2 : i32
        %mul3A_1158 = vector.broadcast %mul3A_1157 : i32 to vector<16xi32>
        %mul3A_1159 = arith.muli %get3A_1156, %mul3A_1158 : vector<16xi32>
        %add3A_1160 = vector.broadcast %arg0 : i32 to vector<16xi32>
        %add3A_1161 = arith.addi %mul3A_1159, %add3A_1160 : vector<16xi32>
        %swap3A_1162 = arith.index_cast %add3A_1096 : i32 to index
        %swap3A_1163 = arith.constant 64 : index
        %swap3A_1164 = tpu.vector_load %arg8[%swap3A_1162, %swap3A_1163] {strides = array<i32>} : memref<14x80xi32, #tpu.memory_space<vmem>>, vector<1x16xi32>,
        %swap3A_1165 = vector.shape_cast %swap3A_1164 : vector<1x16xi32> to vector<16xi32>
        %swap3A_1166 = vector.shape_cast %add3A_1161 : vector<16xi32> to vector<1x16xi32>
        tpu.vector_store %arg8[%swap3A_1162, %swap3A_1163], %swap3A_1166 {strides = array<i32>} : memref<14x80xi32, #tpu.memory_space<vmem>>, vector<1x16xi32>,
        %add3A_1167 = arith.constant 3 : i32
        %add3A_1168 = arith.addi %mul3A_760, %add3A_1167 : i32
        %get3A_1169 = arith.index_cast %add3A_1168 : i32 to index
        %get3A_1170 = arith.constant 0 : index
        %get3A_1171 = tpu.vector_load %arg6[%get3A_1169, %get3A_1170] {strides = array<i32>} : memref<14x80xi32, #tpu.memory_space<vmem>>, vector<1x16xi32>,
        %get3A_1172 = vector.shape_cast %get3A_1171 : vector<1x16xi32> to vector<16xi32>
        %mul3A_1173 = arith.constant 2 : i32
        %mul3A_1174 = vector.broadcast %mul3A_1173 : i32 to vector<16xi32>
        %mul3A_1175 = arith.muli %get3A_1172, %mul3A_1174 : vector<16xi32>
        %add3A_1176 = vector.broadcast %arg0 : i32 to vector<16xi32>
        %add3A_1177 = arith.addi %mul3A_1175, %add3A_1176 : vector<16xi32>
        %swap3A_1178 = arith.index_cast %add3A_1168 : i32 to index
        %swap3A_1179 = arith.constant 0 : index
        %swap3A_1180 = tpu.vector_load %arg8[%swap3A_1178, %swap3A_1179] {strides = array<i32>} : memref<14x80xi32, #tpu.memory_space<vmem>>, vector<1x16xi32>,
        %swap3A_1181 = vector.shape_cast %swap3A_1180 : vector<1x16xi32> to vector<16xi32>
        %swap3A_1182 = vector.shape_cast %add3A_1177 : vector<16xi32> to vector<1x16xi32>
        tpu.vector_store %arg8[%swap3A_1178, %swap3A_1179], %swap3A_1182 {strides = array<i32>} : memref<14x80xi32, #tpu.memory_space<vmem>>, vector<1x16xi32>,
        %get3A_1183 = arith.index_cast %add3A_1168 : i32 to index
        %get3A_1184 = arith.constant 16 : index
        %get3A_1185 = tpu.vector_load %arg6[%get3A_1183, %get3A_1184] {strides = array<i32>} : memref<14x80xi32, #tpu.memory_space<vmem>>, vector<1x16xi32>,
        %get3A_1186 = vector.shape_cast %get3A_1185 : vector<1x16xi32> to vector<16xi32>
        %mul3A_1187 = arith.constant 2 : i32
        %mul3A_1188 = vector.broadcast %mul3A_1187 : i32 to vector<16xi32>
        %mul3A_1189 = arith.muli %get3A_1186, %mul3A_1188 : vector<16xi32>
        %add3A_1190 = vector.broadcast %arg0 : i32 to vector<16xi32>
        %add3A_1191 = arith.addi %mul3A_1189, %add3A_1190 : vector<16xi32>
        %swap3A_1192 = arith.index_cast %add3A_1168 : i32 to index
        %swap3A_1193 = arith.constant 16 : index
        %swap3A_1194 = tpu.vector_load %arg8[%swap3A_1192, %swap3A_1193] {strides = array<i32>} : memref<14x80xi32, #tpu.memory_space<vmem>>, vector<1x16xi32>,
        %swap3A_1195 = vector.shape_cast %swap3A_1194 : vector<1x16xi32> to vector<16xi32>
        %swap3A_1196 = vector.shape_cast %add3A_1191 : vector<16xi32> to vector<1x16xi32>
        tpu.vector_store %arg8[%swap3A_1192, %swap3A_1193], %swap3A_1196 {strides = array<i32>} : memref<14x80xi32, #tpu.memory_space<vmem>>, vector<1x16xi32>,
        %get3A_1197 = arith.index_cast %add3A_1168 : i32 to index
        %get3A_1198 = arith.constant 32 : index
        %get3A_1199 = tpu.vector_load %arg6[%get3A_1197, %get3A_1198] {strides = array<i32>} : memref<14x80xi32, #tpu.memory_space<vmem>>, vector<1x16xi32>,
        %get3A_1200 = vector.shape_cast %get3A_1199 : vector<1x16xi32> to vector<16xi32>
        %mul3A_1201 = arith.constant 2 : i32
        %mul3A_1202 = vector.broadcast %mul3A_1201 : i32 to vector<16xi32>
        %mul3A_1203 = arith.muli %get3A_1200, %mul3A_1202 : vector<16xi32>
        %add3A_1204 = vector.broadcast %arg0 : i32 to vector<16xi32>
        %add3A_1205 = arith.addi %mul3A_1203, %add3A_1204 : vector<16xi32>
        %swap3A_1206 = arith.index_cast %add3A_1168 : i32 to index
        %swap3A_1207 = arith.constant 32 : index
        %swap3A_1208 = tpu.vector_load %arg8[%swap3A_1206, %swap3A_1207] {strides = array<i32>} : memref<14x80xi32, #tpu.memory_space<vmem>>, vector<1x16xi32>,
        %swap3A_1209 = vector.shape_cast %swap3A_1208 : vector<1x16xi32> to vector<16xi32>
        %swap3A_1210 = vector.shape_cast %add3A_1205 : vector<16xi32> to vector<1x16xi32>
        tpu.vector_store %arg8[%swap3A_1206, %swap3A_1207], %swap3A_1210 {strides = array<i32>} : memref<14x80xi32, #tpu.memory_space<vmem>>, vector<1x16xi32>,
        %get3A_1211 = arith.index_cast %add3A_1168 : i32 to index
        %get3A_1212 = arith.constant 48 : index
        %get3A_1213 = tpu.vector_load %arg6[%get3A_1211, %get3A_1212] {strides = array<i32>} : memref<14x80xi32, #tpu.memory_space<vmem>>, vector<1x16xi32>,
        %get3A_1214 = vector.shape_cast %get3A_1213 : vector<1x16xi32> to vector<16xi32>
        %mul3A_1215 = arith.constant 2 : i32
        %mul3A_1216 = vector.broadcast %mul3A_1215 : i32 to vector<16xi32>
        %mul3A_1217 = arith.muli %get3A_1214, %mul3A_1216 : vector<16xi32>
        %add3A_1218 = vector.broadcast %arg0 : i32 to vector<16xi32>
        %add3A_1219 = arith.addi %mul3A_1217, %add3A_1218 : vector<16xi32>
        %swap3A_1220 = arith.index_cast %add3A_1168 : i32 to index
        %swap3A_1221 = arith.constant 48 : index
        %swap3A_1222 = tpu.vector_load %arg8[%swap3A_1220, %swap3A_1221] {strides = array<i32>} : memref<14x80xi32, #tpu.memory_space<vmem>>, vector<1x16xi32>,
        %swap3A_1223 = vector.shape_cast %swap3A_1222 : vector<1x16xi32> to vector<16xi32>
        %swap3A_1224 = vector.shape_cast %add3A_1219 : vector<16xi32> to vector<1x16xi32>
        tpu.vector_store %arg8[%swap3A_1220, %swap3A_1221], %swap3A_1224 {strides = array<i32>} : memref<14x80xi32, #tpu.memory_space<vmem>>, vector<1x16xi32>,
        %get3A_1225 = arith.index_cast %add3A_1168 : i32 to index
        %get3A_1226 = arith.constant 64 : index
        %get3A_1227 = tpu.vector_load %arg6[%get3A_1225, %get3A_1226] {strides = array<i32>} : memref<14x80xi32, #tpu.memory_space<vmem>>, vector<1x16xi32>,
        %get3A_1228 = vector.shape_cast %get3A_1227 : vector<1x16xi32> to vector<16xi32>
        %mul3A_1229 = arith.constant 2 : i32
        %mul3A_1230 = vector.broadcast %mul3A_1229 : i32 to vector<16xi32>
        %mul3A_1231 = arith.muli %get3A_1228, %mul3A_1230 : vector<16xi32>
        %add3A_1232 = vector.broadcast %arg0 : i32 to vector<16xi32>
        %add3A_1233 = arith.addi %mul3A_1231, %add3A_1232 : vector<16xi32>
        %swap3A_1234 = arith.index_cast %add3A_1168 : i32 to index
        %swap3A_1235 = arith.constant 64 : index
        %swap3A_1236 = tpu.vector_load %arg8[%swap3A_1234, %swap3A_1235] {strides = array<i32>} : memref<14x80xi32, #tpu.memory_space<vmem>>, vector<1x16xi32>,
        %swap3A_1237 = vector.shape_cast %swap3A_1236 : vector<1x16xi32> to vector<16xi32>
        %swap3A_1238 = vector.shape_cast %add3A_1233 : vector<16xi32> to vector<1x16xi32>
        tpu.vector_store %arg8[%swap3A_1234, %swap3A_1235], %swap3A_1238 {strides = array<i32>} : memref<14x80xi32, #tpu.memory_space<vmem>>, vector<1x16xi32>,
        %add3A_1239 = arith.constant 4 : i32
        %add3A_1240 = arith.addi %mul3A_760, %add3A_1239 : i32
        %get3A_1241 = arith.index_cast %add3A_1240 : i32 to index
        %get3A_1242 = arith.constant 0 : index
        %get3A_1243 = tpu.vector_load %arg6[%get3A_1241, %get3A_1242] {strides = array<i32>} : memref<14x80xi32, #tpu.memory_space<vmem>>, vector<1x16xi32>,
        %get3A_1244 = vector.shape_cast %get3A_1243 : vector<1x16xi32> to vector<16xi32>
        %mul3A_1245 = arith.constant 2 : i32
        %mul3A_1246 = vector.broadcast %mul3A_1245 : i32 to vector<16xi32>
        %mul3A_1247 = arith.muli %get3A_1244, %mul3A_1246 : vector<16xi32>
        %add3A_1248 = vector.broadcast %arg0 : i32 to vector<16xi32>
        %add3A_1249 = arith.addi %mul3A_1247, %add3A_1248 : vector<16xi32>
        %swap3A_1250 = arith.index_cast %add3A_1240 : i32 to index
        %swap3A_1251 = arith.constant 0 : index
        %swap3A_1252 = tpu.vector_load %arg8[%swap3A_1250, %swap3A_1251] {strides = array<i32>} : memref<14x80xi32, #tpu.memory_space<vmem>>, vector<1x16xi32>,
        %swap3A_1253 = vector.shape_cast %swap3A_1252 : vector<1x16xi32> to vector<16xi32>
        %swap3A_1254 = vector.shape_cast %add3A_1249 : vector<16xi32> to vector<1x16xi32>
        tpu.vector_store %arg8[%swap3A_1250, %swap3A_1251], %swap3A_1254 {strides = array<i32>} : memref<14x80xi32, #tpu.memory_space<vmem>>, vector<1x16xi32>,
        %get3A_1255 = arith.index_cast %add3A_1240 : i32 to index
        %get3A_1256 = arith.constant 16 : index
        %get3A_1257 = tpu.vector_load %arg6[%get3A_1255, %get3A_1256] {strides = array<i32>} : memref<14x80xi32, #tpu.memory_space<vmem>>, vector<1x16xi32>,
        %get3A_1258 = vector.shape_cast %get3A_1257 : vector<1x16xi32> to vector<16xi32>
        %mul3A_1259 = arith.constant 2 : i32
        %mul3A_1260 = vector.broadcast %mul3A_1259 : i32 to vector<16xi32>
        %mul3A_1261 = arith.muli %get3A_1258, %mul3A_1260 : vector<16xi32>
        %add3A_1262 = vector.broadcast %arg0 : i32 to vector<16xi32>
        %add3A_1263 = arith.addi %mul3A_1261, %add3A_1262 : vector<16xi32>
        %swap3A_1264 = arith.index_cast %add3A_1240 : i32 to index
        %swap3A_1265 = arith.constant 16 : index
        %swap3A_1266 = tpu.vector_load %arg8[%swap3A_1264, %swap3A_1265] {strides = array<i32>} : memref<14x80xi32, #tpu.memory_space<vmem>>, vector<1x16xi32>,
        %swap3A_1267 = vector.shape_cast %swap3A_1266 : vector<1x16xi32> to vector<16xi32>
        %swap3A_1268 = vector.shape_cast %add3A_1263 : vector<16xi32> to vector<1x16xi32>
        tpu.vector_store %arg8[%swap3A_1264, %swap3A_1265], %swap3A_1268 {strides = array<i32>} : memref<14x80xi32, #tpu.memory_space<vmem>>, vector<1x16xi32>,
        %get3A_1269 = arith.index_cast %add3A_1240 : i32 to index
        %get3A_1270 = arith.constant 32 : index
        %get3A_1271 = tpu.vector_load %arg6[%get3A_1269, %get3A_1270] {strides = array<i32>} : memref<14x80xi32, #tpu.memory_space<vmem>>, vector<1x16xi32>,
        %get3A_1272 = vector.shape_cast %get3A_1271 : vector<1x16xi32> to vector<16xi32>
        %mul3A_1273 = arith.constant 2 : i32
        %mul3A_1274 = vector.broadcast %mul3A_1273 : i32 to vector<16xi32>
        %mul3A_1275 = arith.muli %get3A_1272, %mul3A_1274 : vector<16xi32>
        %add3A_1276 = vector.broadcast %arg0 : i32 to vector<16xi32>
        %add3A_1277 = arith.addi %mul3A_1275, %add3A_1276 : vector<16xi32>
        %swap3A_1278 = arith.index_cast %add3A_1240 : i32 to index
        %swap3A_1279 = arith.constant 32 : index
        %swap3A_1280 = tpu.vector_load %arg8[%swap3A_1278, %swap3A_1279] {strides = array<i32>} : memref<14x80xi32, #tpu.memory_space<vmem>>, vector<1x16xi32>,
        %swap3A_1281 = vector.shape_cast %swap3A_1280 : vector<1x16xi32> to vector<16xi32>
        %swap3A_1282 = vector.shape_cast %add3A_1277 : vector<16xi32> to vector<1x16xi32>
        tpu.vector_store %arg8[%swap3A_1278, %swap3A_1279], %swap3A_1282 {strides = array<i32>} : memref<14x80xi32, #tpu.memory_space<vmem>>, vector<1x16xi32>,
        %get3A_1283 = arith.index_cast %add3A_1240 : i32 to index
        %get3A_1284 = arith.constant 48 : index
        %get3A_1285 = tpu.vector_load %arg6[%get3A_1283, %get3A_1284] {strides = array<i32>} : memref<14x80xi32, #tpu.memory_space<vmem>>, vector<1x16xi32>,
        %get3A_1286 = vector.shape_cast %get3A_1285 : vector<1x16xi32> to vector<16xi32>
        %mul3A_1287 = arith.constant 2 : i32
        %mul3A_1288 = vector.broadcast %mul3A_1287 : i32 to vector<16xi32>
        %mul3A_1289 = arith.muli %get3A_1286, %mul3A_1288 : vector<16xi32>
        %add3A_1290 = vector.broadcast %arg0 : i32 to vector<16xi32>
        %add3A_1291 = arith.addi %mul3A_1289, %add3A_1290 : vector<16xi32>
        %swap3A_1292 = arith.index_cast %add3A_1240 : i32 to index
        %swap3A_1293 = arith.constant 48 : index
        %swap3A_1294 = tpu.vector_load %arg8[%swap3A_1292, %swap3A_1293] {strides = array<i32>} : memref<14x80xi32, #tpu.memory_space<vmem>>, vector<1x16xi32>,
        %swap3A_1295 = vector.shape_cast %swap3A_1294 : vector<1x16xi32> to vector<16xi32>
        %swap3A_1296 = vector.shape_cast %add3A_1291 : vector<16xi32> to vector<1x16xi32>
        tpu.vector_store %arg8[%swap3A_1292, %swap3A_1293], %swap3A_1296 {strides = array<i32>} : memref<14x80xi32, #tpu.memory_space<vmem>>, vector<1x16xi32>,
        %get3A_1297 = arith.index_cast %add3A_1240 : i32 to index
        %get3A_1298 = arith.constant 64 : index
        %get3A_1299 = tpu.vector_load %arg6[%get3A_1297, %get3A_1298] {strides = array<i32>} : memref<14x80xi32, #tpu.memory_space<vmem>>, vector<1x16xi32>,
        %get3A_1300 = vector.shape_cast %get3A_1299 : vector<1x16xi32> to vector<16xi32>
        %mul3A_1301 = arith.constant 2 : i32
        %mul3A_1302 = vector.broadcast %mul3A_1301 : i32 to vector<16xi32>
        %mul3A_1303 = arith.muli %get3A_1300, %mul3A_1302 : vector<16xi32>
        %add3A_1304 = vector.broadcast %arg0 : i32 to vector<16xi32>
        %add3A_1305 = arith.addi %mul3A_1303, %add3A_1304 : vector<16xi32>
        %swap3A_1306 = arith.index_cast %add3A_1240 : i32 to index
        %swap3A_1307 = arith.constant 64 : index
        %swap3A_1308 = tpu.vector_load %arg8[%swap3A_1306, %swap3A_1307] {strides = array<i32>} : memref<14x80xi32, #tpu.memory_space<vmem>>, vector<1x16xi32>,
        %swap3A_1309 = vector.shape_cast %swap3A_1308 : vector<1x16xi32> to vector<16xi32>
        %swap3A_1310 = vector.shape_cast %add3A_1305 : vector<16xi32> to vector<1x16xi32>
        tpu.vector_store %arg8[%swap3A_1306, %swap3A_1307], %swap3A_1310 {strides = array<i32>} : memref<14x80xi32, #tpu.memory_space<vmem>>, vector<1x16xi32>,
        %add3A_1311 = arith.constant 5 : i32
        %add3A_1312 = arith.addi %mul3A_760, %add3A_1311 : i32
        %get3A_1313 = arith.index_cast %add3A_1312 : i32 to index
        %get3A_1314 = arith.constant 0 : index
        %get3A_1315 = tpu.vector_load %arg6[%get3A_1313, %get3A_1314] {strides = array<i32>} : memref<14x80xi32, #tpu.memory_space<vmem>>, vector<1x16xi32>,
        %get3A_1316 = vector.shape_cast %get3A_1315 : vector<1x16xi32> to vector<16xi32>
        %mul3A_1317 = arith.constant 2 : i32
        %mul3A_1318 = vector.broadcast %mul3A_1317 : i32 to vector<16xi32>
        %mul3A_1319 = arith.muli %get3A_1316, %mul3A_1318 : vector<16xi32>
        %add3A_1320 = vector.broadcast %arg0 : i32 to vector<16xi32>
        %add3A_1321 = arith.addi %mul3A_1319, %add3A_1320 : vector<16xi32>
        %swap3A_1322 = arith.index_cast %add3A_1312 : i32 to index
        %swap3A_1323 = arith.constant 0 : index
        %swap3A_1324 = tpu.vector_load %arg8[%swap3A_1322, %swap3A_1323] {strides = array<i32>} : memref<14x80xi32, #tpu.memory_space<vmem>>, vector<1x16xi32>,
        %swap3A_1325 = vector.shape_cast %swap3A_1324 : vector<1x16xi32> to vector<16xi32>
        %swap3A_1326 = vector.shape_cast %add3A_1321 : vector<16xi32> to vector<1x16xi32>
        tpu.vector_store %arg8[%swap3A_1322, %swap3A_1323], %swap3A_1326 {strides = array<i32>} : memref<14x80xi32, #tpu.memory_space<vmem>>, vector<1x16xi32>,
        %get3A_1327 = arith.index_cast %add3A_1312 : i32 to index
        %get3A_1328 = arith.constant 16 : index
        %get3A_1329 = tpu.vector_load %arg6[%get3A_1327, %get3A_1328] {strides = array<i32>} : memref<14x80xi32, #tpu.memory_space<vmem>>, vector<1x16xi32>,
        %get3A_1330 = vector.shape_cast %get3A_1329 : vector<1x16xi32> to vector<16xi32>
        %mul3A_1331 = arith.constant 2 : i32
        %mul3A_1332 = vector.broadcast %mul3A_1331 : i32 to vector<16xi32>
        %mul3A_1333 = arith.muli %get3A_1330, %mul3A_1332 : vector<16xi32>
        %add3A_1334 = vector.broadcast %arg0 : i32 to vector<16xi32>
        %add3A_1335 = arith.addi %mul3A_1333, %add3A_1334 : vector<16xi32>
        %swap3A_1336 = arith.index_cast %add3A_1312 : i32 to index
        %swap3A_1337 = arith.constant 16 : index
        %swap3A_1338 = tpu.vector_load %arg8[%swap3A_1336, %swap3A_1337] {strides = array<i32>} : memref<14x80xi32, #tpu.memory_space<vmem>>, vector<1x16xi32>,
        %swap3A_1339 = vector.shape_cast %swap3A_1338 : vector<1x16xi32> to vector<16xi32>
        %swap3A_1340 = vector.shape_cast %add3A_1335 : vector<16xi32> to vector<1x16xi32>
        tpu.vector_store %arg8[%swap3A_1336, %swap3A_1337], %swap3A_1340 {strides = array<i32>} : memref<14x80xi32, #tpu.memory_space<vmem>>, vector<1x16xi32>,
        %get3A_1341 = arith.index_cast %add3A_1312 : i32 to index
        %get3A_1342 = arith.constant 32 : index
        %get3A_1343 = tpu.vector_load %arg6[%get3A_1341, %get3A_1342] {strides = array<i32>} : memref<14x80xi32, #tpu.memory_space<vmem>>, vector<1x16xi32>,
        %get3A_1344 = vector.shape_cast %get3A_1343 : vector<1x16xi32> to vector<16xi32>
        %mul3A_1345 = arith.constant 2 : i32
        %mul3A_1346 = vector.broadcast %mul3A_1345 : i32 to vector<16xi32>
        %mul3A_1347 = arith.muli %get3A_1344, %mul3A_1346 : vector<16xi32>
        %add3A_1348 = vector.broadcast %arg0 : i32 to vector<16xi32>
        %add3A_1349 = arith.addi %mul3A_1347, %add3A_1348 : vector<16xi32>
        %swap3A_1350 = arith.index_cast %add3A_1312 : i32 to index
        %swap3A_1351 = arith.constant 32 : index
        %swap3A_1352 = tpu.vector_load %arg8[%swap3A_1350, %swap3A_1351] {strides = array<i32>} : memref<14x80xi32, #tpu.memory_space<vmem>>, vector<1x16xi32>,
        %swap3A_1353 = vector.shape_cast %swap3A_1352 : vector<1x16xi32> to vector<16xi32>
        %swap3A_1354 = vector.shape_cast %add3A_1349 : vector<16xi32> to vector<1x16xi32>
        tpu.vector_store %arg8[%swap3A_1350, %swap3A_1351], %swap3A_1354 {strides = array<i32>} : memref<14x80xi32, #tpu.memory_space<vmem>>, vector<1x16xi32>,
        %get3A_1355 = arith.index_cast %add3A_1312 : i32 to index
        %get3A_1356 = arith.constant 48 : index
        %get3A_1357 = tpu.vector_load %arg6[%get3A_1355, %get3A_1356] {strides = array<i32>} : memref<14x80xi32, #tpu.memory_space<vmem>>, vector<1x16xi32>,
        %get3A_1358 = vector.shape_cast %get3A_1357 : vector<1x16xi32> to vector<16xi32>
        %mul3A_1359 = arith.constant 2 : i32
        %mul3A_1360 = vector.broadcast %mul3A_1359 : i32 to vector<16xi32>
        %mul3A_1361 = arith.muli %get3A_1358, %mul3A_1360 : vector<16xi32>
        %add3A_1362 = vector.broadcast %arg0 : i32 to vector<16xi32>
        %add3A_1363 = arith.addi %mul3A_1361, %add3A_1362 : vector<16xi32>
        %swap3A_1364 = arith.index_cast %add3A_1312 : i32 to index
        %swap3A_1365 = arith.constant 48 : index
        %swap3A_1366 = tpu.vector_load %arg8[%swap3A_1364, %swap3A_1365] {strides = array<i32>} : memref<14x80xi32, #tpu.memory_space<vmem>>, vector<1x16xi32>,
        %swap3A_1367 = vector.shape_cast %swap3A_1366 : vector<1x16xi32> to vector<16xi32>
        %swap3A_1368 = vector.shape_cast %add3A_1363 : vector<16xi32> to vector<1x16xi32>
        tpu.vector_store %arg8[%swap3A_1364, %swap3A_1365], %swap3A_1368 {strides = array<i32>} : memref<14x80xi32, #tpu.memory_space<vmem>>, vector<1x16xi32>,
        %get3A_1369 = arith.index_cast %add3A_1312 : i32 to index
        %get3A_1370 = arith.constant 64 : index
        %get3A_1371 = tpu.vector_load %arg6[%get3A_1369, %get3A_1370] {strides = array<i32>} : memref<14x80xi32, #tpu.memory_space<vmem>>, vector<1x16xi32>,
        %get3A_1372 = vector.shape_cast %get3A_1371 : vector<1x16xi32> to vector<16xi32>
        %mul3A_1373 = arith.constant 2 : i32
        %mul3A_1374 = vector.broadcast %mul3A_1373 : i32 to vector<16xi32>
        %mul3A_1375 = arith.muli %get3A_1372, %mul3A_1374 : vector<16xi32>
        %add3A_1376 = vector.broadcast %arg0 : i32 to vector<16xi32>
        %add3A_1377 = arith.addi %mul3A_1375, %add3A_1376 : vector<16xi32>
        %swap3A_1378 = arith.index_cast %add3A_1312 : i32 to index
        %swap3A_1379 = arith.constant 64 : index
        %swap3A_1380 = tpu.vector_load %arg8[%swap3A_1378, %swap3A_1379] {strides = array<i32>} : memref<14x80xi32, #tpu.memory_space<vmem>>, vector<1x16xi32>,
        %swap3A_1381 = vector.shape_cast %swap3A_1380 : vector<1x16xi32> to vector<16xi32>
        %swap3A_1382 = vector.shape_cast %add3A_1377 : vector<16xi32> to vector<1x16xi32>
        tpu.vector_store %arg8[%swap3A_1378, %swap3A_1379], %swap3A_1382 {strides = array<i32>} : memref<14x80xi32, #tpu.memory_space<vmem>>, vector<1x16xi32>,
        %add3A_1383 = arith.constant 6 : i32
        %add3A_1384 = arith.addi %mul3A_760, %add3A_1383 : i32
        %get3A_1385 = arith.index_cast %add3A_1384 : i32 to index
        %get3A_1386 = arith.constant 0 : index
        %get3A_1387 = tpu.vector_load %arg6[%get3A_1385, %get3A_1386] {strides = array<i32>} : memref<14x80xi32, #tpu.memory_space<vmem>>, vector<1x16xi32>,
        %get3A_1388 = vector.shape_cast %get3A_1387 : vector<1x16xi32> to vector<16xi32>
        %mul3A_1389 = arith.constant 2 : i32
        %mul3A_1390 = vector.broadcast %mul3A_1389 : i32 to vector<16xi32>
        %mul3A_1391 = arith.muli %get3A_1388, %mul3A_1390 : vector<16xi32>
        %add3A_1392 = vector.broadcast %arg0 : i32 to vector<16xi32>
        %add3A_1393 = arith.addi %mul3A_1391, %add3A_1392 : vector<16xi32>
        %swap3A_1394 = arith.index_cast %add3A_1384 : i32 to index
        %swap3A_1395 = arith.constant 0 : index
        %swap3A_1396 = tpu.vector_load %arg8[%swap3A_1394, %swap3A_1395] {strides = array<i32>} : memref<14x80xi32, #tpu.memory_space<vmem>>, vector<1x16xi32>,
        %swap3A_1397 = vector.shape_cast %swap3A_1396 : vector<1x16xi32> to vector<16xi32>
        %swap3A_1398 = vector.shape_cast %add3A_1393 : vector<16xi32> to vector<1x16xi32>
        tpu.vector_store %arg8[%swap3A_1394, %swap3A_1395], %swap3A_1398 {strides = array<i32>} : memref<14x80xi32, #tpu.memory_space<vmem>>, vector<1x16xi32>,
        %get3A_1399 = arith.index_cast %add3A_1384 : i32 to index
        %get3A_1400 = arith.constant 16 : index
        %get3A_1401 = tpu.vector_load %arg6[%get3A_1399, %get3A_1400] {strides = array<i32>} : memref<14x80xi32, #tpu.memory_space<vmem>>, vector<1x16xi32>,
        %get3A_1402 = vector.shape_cast %get3A_1401 : vector<1x16xi32> to vector<16xi32>
        %mul3A_1403 = arith.constant 2 : i32
        %mul3A_1404 = vector.broadcast %mul3A_1403 : i32 to vector<16xi32>
        %mul3A_1405 = arith.muli %get3A_1402, %mul3A_1404 : vector<16xi32>
        %add3A_1406 = vector.broadcast %arg0 : i32 to vector<16xi32>
        %add3A_1407 = arith.addi %mul3A_1405, %add3A_1406 : vector<16xi32>
        %swap3A_1408 = arith.index_cast %add3A_1384 : i32 to index
        %swap3A_1409 = arith.constant 16 : index
        %swap3A_1410 = tpu.vector_load %arg8[%swap3A_1408, %swap3A_1409] {strides = array<i32>} : memref<14x80xi32, #tpu.memory_space<vmem>>, vector<1x16xi32>,
        %swap3A_1411 = vector.shape_cast %swap3A_1410 : vector<1x16xi32> to vector<16xi32>
        %swap3A_1412 = vector.shape_cast %add3A_1407 : vector<16xi32> to vector<1x16xi32>
        tpu.vector_store %arg8[%swap3A_1408, %swap3A_1409], %swap3A_1412 {strides = array<i32>} : memref<14x80xi32, #tpu.memory_space<vmem>>, vector<1x16xi32>,
        %get3A_1413 = arith.index_cast %add3A_1384 : i32 to index
        %get3A_1414 = arith.constant 32 : index
        %get3A_1415 = tpu.vector_load %arg6[%get3A_1413, %get3A_1414] {strides = array<i32>} : memref<14x80xi32, #tpu.memory_space<vmem>>, vector<1x16xi32>,
        %get3A_1416 = vector.shape_cast %get3A_1415 : vector<1x16xi32> to vector<16xi32>
        %mul3A_1417 = arith.constant 2 : i32
        %mul3A_1418 = vector.broadcast %mul3A_1417 : i32 to vector<16xi32>
        %mul3A_1419 = arith.muli %get3A_1416, %mul3A_1418 : vector<16xi32>
        %add3A_1420 = vector.broadcast %arg0 : i32 to vector<16xi32>
        %add3A_1421 = arith.addi %mul3A_1419, %add3A_1420 : vector<16xi32>
        %swap3A_1422 = arith.index_cast %add3A_1384 : i32 to index
        %swap3A_1423 = arith.constant 32 : index
        %swap3A_1424 = tpu.vector_load %arg8[%swap3A_1422, %swap3A_1423] {strides = array<i32>} : memref<14x80xi32, #tpu.memory_space<vmem>>, vector<1x16xi32>,
        %swap3A_1425 = vector.shape_cast %swap3A_1424 : vector<1x16xi32> to vector<16xi32>
        %swap3A_1426 = vector.shape_cast %add3A_1421 : vector<16xi32> to vector<1x16xi32>
        tpu.vector_store %arg8[%swap3A_1422, %swap3A_1423], %swap3A_1426 {strides = array<i32>} : memref<14x80xi32, #tpu.memory_space<vmem>>, vector<1x16xi32>,
        %get3A_1427 = arith.index_cast %add3A_1384 : i32 to index
        %get3A_1428 = arith.constant 48 : index
        %get3A_1429 = tpu.vector_load %arg6[%get3A_1427, %get3A_1428] {strides = array<i32>} : memref<14x80xi32, #tpu.memory_space<vmem>>, vector<1x16xi32>,
        %get3A_1430 = vector.shape_cast %get3A_1429 : vector<1x16xi32> to vector<16xi32>
        %mul3A_1431 = arith.constant 2 : i32
        %mul3A_1432 = vector.broadcast %mul3A_1431 : i32 to vector<16xi32>
        %mul3A_1433 = arith.muli %get3A_1430, %mul3A_1432 : vector<16xi32>
        %add3A_1434 = vector.broadcast %arg0 : i32 to vector<16xi32>
        %add3A_1435 = arith.addi %mul3A_1433, %add3A_1434 : vector<16xi32>
        %swap3A_1436 = arith.index_cast %add3A_1384 : i32 to index
        %swap3A_1437 = arith.constant 48 : index
        %swap3A_1438 = tpu.vector_load %arg8[%swap3A_1436, %swap3A_1437] {strides = array<i32>} : memref<14x80xi32, #tpu.memory_space<vmem>>, vector<1x16xi32>,
        %swap3A_1439 = vector.shape_cast %swap3A_1438 : vector<1x16xi32> to vector<16xi32>
        %swap3A_1440 = vector.shape_cast %add3A_1435 : vector<16xi32> to vector<1x16xi32>
        tpu.vector_store %arg8[%swap3A_1436, %swap3A_1437], %swap3A_1440 {strides = array<i32>} : memref<14x80xi32, #tpu.memory_space<vmem>>, vector<1x16xi32>,
        %get3A_1441 = arith.index_cast %add3A_1384 : i32 to index
        %get3A_1442 = arith.constant 64 : index
        %get3A_1443 = tpu.vector_load %arg6[%get3A_1441, %get3A_1442] {strides = array<i32>} : memref<14x80xi32, #tpu.memory_space<vmem>>, vector<1x16xi32>,
        %get3A_1444 = vector.shape_cast %get3A_1443 : vector<1x16xi32> to vector<16xi32>
        %mul3A_1445 = arith.constant 2 : i32
        %mul3A_1446 = vector.broadcast %mul3A_1445 : i32 to vector<16xi32>
        %mul3A_1447 = arith.muli %get3A_1444, %mul3A_1446 : vector<16xi32>
        %add3A_1448 = vector.broadcast %arg0 : i32 to vector<16xi32>
        %add3A_1449 = arith.addi %mul3A_1447, %add3A_1448 : vector<16xi32>
        %swap3A_1450 = arith.index_cast %add3A_1384 : i32 to index
        %swap3A_1451 = arith.constant 64 : index
        %swap3A_1452 = tpu.vector_load %arg8[%swap3A_1450, %swap3A_1451] {strides = array<i32>} : memref<14x80xi32, #tpu.memory_space<vmem>>, vector<1x16xi32>,
        %swap3A_1453 = vector.shape_cast %swap3A_1452 : vector<1x16xi32> to vector<16xi32>
        %swap3A_1454 = vector.shape_cast %add3A_1449 : vector<16xi32> to vector<1x16xi32>
        tpu.vector_store %arg8[%swap3A_1450, %swap3A_1451], %swap3A_1454 {strides = array<i32>} : memref<14x80xi32, #tpu.memory_space<vmem>>, vector<1x16xi32>,
        %add3A_1455 = arith.constant 0 : i32
        %add3A_1456 = arith.addi %mul3A_760, %add3A_1455 : i32
        %dma_start3A_1457 = arith.constant 0 : i32
        %dma_start3A_1458 = arith.constant 0 : i32
        %dma_start3A_1459 = tpu.memref_slice %arg9[%add3A_1456, %dma_start3A_1457, %dma_start3A_1458] : memref<14x80x64xf32, #tpu.memory_space<vmem>> -> memref<1x80x64xf32, #tpu.memory_space<vmem>>
        %dma_start3A_1460 = tpu.memref_squeeze %dma_start3A_1459 : memref<1x80x64xf32, #tpu.memory_space<vmem>> -> memref<80x64xf32, #tpu.memory_space<vmem>>
        %dma_start3A_1461 = arith.constant 0 : i32
        %dma_start3A_1462 = tpu.memref_slice %arg8[%add3A_1456, %dma_start3A_1461] : memref<14x80xi32, #tpu.memory_space<vmem>> -> memref<1x80xi32, #tpu.memory_space<vmem>>
        %dma_start3A_1463 = tpu.memref_squeeze %dma_start3A_1462 : memref<1x80xi32, #tpu.memory_space<vmem>> -> memref<80xi32, #tpu.memory_space<vmem>>
        %dma_start3A_1464 = arith.constant 0 : i32
        %dma_start3A_1465 = arith.constant 0 : i32
        %dma_start3A_1466 = tpu.memref_slice %arg2[%dma_start3A_1464, %dma_start3A_1465] : memref<20224x64xf32, #tpu.memory_space<hbm>> -> memref<20224x64xf32, #tpu.memory_space<hbm>>
        tpu.enqueue_indirect_dma source(%dma_start3A_1466 : memref<20224x64xf32, #tpu.memory_space<hbm>>) target(%dma_start3A_1460 : memref<80x64xf32, #tpu.memory_space<vmem>>) offsets(%dma_start3A_1463 : memref<80xi32, #tpu.memory_space<vmem>>) semaphore(%arg12 : memref<!tpu.dma_semaphore, #tpu.memory_space<semaphore_mem>>)
        %add3A_1467 = arith.constant 1 : i32
        %add3A_1468 = arith.addi %mul3A_760, %add3A_1467 : i32
        %dma_start3A_1469 = arith.constant 0 : i32
        %dma_start3A_1470 = arith.constant 0 : i32
        %dma_start3A_1471 = tpu.memref_slice %arg9[%add3A_1468, %dma_start3A_1469, %dma_start3A_1470] : memref<14x80x64xf32, #tpu.memory_space<vmem>> -> memref<1x80x64xf32, #tpu.memory_space<vmem>>
        %dma_start3A_1472 = tpu.memref_squeeze %dma_start3A_1471 : memref<1x80x64xf32, #tpu.memory_space<vmem>> -> memref<80x64xf32, #tpu.memory_space<vmem>>
        %dma_start3A_1473 = arith.constant 0 : i32
        %dma_start3A_1474 = tpu.memref_slice %arg8[%add3A_1468, %dma_start3A_1473] : memref<14x80xi32, #tpu.memory_space<vmem>> -> memref<1x80xi32, #tpu.memory_space<vmem>>
        %dma_start3A_1475 = tpu.memref_squeeze %dma_start3A_1474 : memref<1x80xi32, #tpu.memory_space<vmem>> -> memref<80xi32, #tpu.memory_space<vmem>>
        %dma_start3A_1476 = arith.constant 0 : i32
        %dma_start3A_1477 = arith.constant 0 : i32
        %dma_start3A_1478 = tpu.memref_slice %arg2[%dma_start3A_1476, %dma_start3A_1477] : memref<20224x64xf32, #tpu.memory_space<hbm>> -> memref<20224x64xf32, #tpu.memory_space<hbm>>
        tpu.enqueue_indirect_dma source(%dma_start3A_1478 : memref<20224x64xf32, #tpu.memory_space<hbm>>) target(%dma_start3A_1472 : memref<80x64xf32, #tpu.memory_space<vmem>>) offsets(%dma_start3A_1475 : memref<80xi32, #tpu.memory_space<vmem>>) semaphore(%arg12 : memref<!tpu.dma_semaphore, #tpu.memory_space<semaphore_mem>>)
        %add3A_1479 = arith.constant 2 : i32
        %add3A_1480 = arith.addi %mul3A_760, %add3A_1479 : i32
        %dma_start3A_1481 = arith.constant 0 : i32
        %dma_start3A_1482 = arith.constant 0 : i32
        %dma_start3A_1483 = tpu.memref_slice %arg9[%add3A_1480, %dma_start3A_1481, %dma_start3A_1482] : memref<14x80x64xf32, #tpu.memory_space<vmem>> -> memref<1x80x64xf32, #tpu.memory_space<vmem>>
        %dma_start3A_1484 = tpu.memref_squeeze %dma_start3A_1483 : memref<1x80x64xf32, #tpu.memory_space<vmem>> -> memref<80x64xf32, #tpu.memory_space<vmem>>
        %dma_start3A_1485 = arith.constant 0 : i32
        %dma_start3A_1486 = tpu.memref_slice %arg8[%add3A_1480, %dma_start3A_1485] : memref<14x80xi32, #tpu.memory_space<vmem>> -> memref<1x80xi32, #tpu.memory_space<vmem>>
        %dma_start3A_1487 = tpu.memref_squeeze %dma_start3A_1486 : memref<1x80xi32, #tpu.memory_space<vmem>> -> memref<80xi32, #tpu.memory_space<vmem>>
        %dma_start3A_1488 = arith.constant 0 : i32
        %dma_start3A_1489 = arith.constant 0 : i32
        %dma_start3A_1490 = tpu.memref_slice %arg2[%dma_start3A_1488, %dma_start3A_1489] : memref<20224x64xf32, #tpu.memory_space<hbm>> -> memref<20224x64xf32, #tpu.memory_space<hbm>>
        tpu.enqueue_indirect_dma source(%dma_start3A_1490 : memref<20224x64xf32, #tpu.memory_space<hbm>>) target(%dma_start3A_1484 : memref<80x64xf32, #tpu.memory_space<vmem>>) offsets(%dma_start3A_1487 : memref<80xi32, #tpu.memory_space<vmem>>) semaphore(%arg12 : memref<!tpu.dma_semaphore, #tpu.memory_space<semaphore_mem>>)
        %add3A_1491 = arith.constant 3 : i32
        %add3A_1492 = arith.addi %mul3A_760, %add3A_1491 : i32
        %dma_start3A_1493 = arith.constant 0 : i32
        %dma_start3A_1494 = arith.constant 0 : i32
        %dma_start3A_1495 = tpu.memref_slice %arg9[%add3A_1492, %dma_start3A_1493, %dma_start3A_1494] : memref<14x80x64xf32, #tpu.memory_space<vmem>> -> memref<1x80x64xf32, #tpu.memory_space<vmem>>
        %dma_start3A_1496 = tpu.memref_squeeze %dma_start3A_1495 : memref<1x80x64xf32, #tpu.memory_space<vmem>> -> memref<80x64xf32, #tpu.memory_space<vmem>>
        %dma_start3A_1497 = arith.constant 0 : i32
        %dma_start3A_1498 = tpu.memref_slice %arg8[%add3A_1492, %dma_start3A_1497] : memref<14x80xi32, #tpu.memory_space<vmem>> -> memref<1x80xi32, #tpu.memory_space<vmem>>
        %dma_start3A_1499 = tpu.memref_squeeze %dma_start3A_1498 : memref<1x80xi32, #tpu.memory_space<vmem>> -> memref<80xi32, #tpu.memory_space<vmem>>
        %dma_start3A_1500 = arith.constant 0 : i32
        %dma_start3A_1501 = arith.constant 0 : i32
        %dma_start3A_1502 = tpu.memref_slice %arg2[%dma_start3A_1500, %dma_start3A_1501] : memref<20224x64xf32, #tpu.memory_space<hbm>> -> memref<20224x64xf32, #tpu.memory_space<hbm>>
        tpu.enqueue_indirect_dma source(%dma_start3A_1502 : memref<20224x64xf32, #tpu.memory_space<hbm>>) target(%dma_start3A_1496 : memref<80x64xf32, #tpu.memory_space<vmem>>) offsets(%dma_start3A_1499 : memref<80xi32, #tpu.memory_space<vmem>>) semaphore(%arg12 : memref<!tpu.dma_semaphore, #tpu.memory_space<semaphore_mem>>)
        %add3A_1503 = arith.constant 4 : i32
        %add3A_1504 = arith.addi %mul3A_760, %add3A_1503 : i32
        %dma_start3A_1505 = arith.constant 0 : i32
        %dma_start3A_1506 = arith.constant 0 : i32
        %dma_start3A_1507 = tpu.memref_slice %arg9[%add3A_1504, %dma_start3A_1505, %dma_start3A_1506] : memref<14x80x64xf32, #tpu.memory_space<vmem>> -> memref<1x80x64xf32, #tpu.memory_space<vmem>>
        %dma_start3A_1508 = tpu.memref_squeeze %dma_start3A_1507 : memref<1x80x64xf32, #tpu.memory_space<vmem>> -> memref<80x64xf32, #tpu.memory_space<vmem>>
        %dma_start3A_1509 = arith.constant 0 : i32
        %dma_start3A_1510 = tpu.memref_slice %arg8[%add3A_1504, %dma_start3A_1509] : memref<14x80xi32, #tpu.memory_space<vmem>> -> memref<1x80xi32, #tpu.memory_space<vmem>>
        %dma_start3A_1511 = tpu.memref_squeeze %dma_start3A_1510 : memref<1x80xi32, #tpu.memory_space<vmem>> -> memref<80xi32, #tpu.memory_space<vmem>>
        %dma_start3A_1512 = arith.constant 0 : i32
        %dma_start3A_1513 = arith.constant 0 : i32
        %dma_start3A_1514 = tpu.memref_slice %arg2[%dma_start3A_1512, %dma_start3A_1513] : memref<20224x64xf32, #tpu.memory_space<hbm>> -> memref<20224x64xf32, #tpu.memory_space<hbm>>
        tpu.enqueue_indirect_dma source(%dma_start3A_1514 : memref<20224x64xf32, #tpu.memory_space<hbm>>) target(%dma_start3A_1508 : memref<80x64xf32, #tpu.memory_space<vmem>>) offsets(%dma_start3A_1511 : memref<80xi32, #tpu.memory_space<vmem>>) semaphore(%arg12 : memref<!tpu.dma_semaphore, #tpu.memory_space<semaphore_mem>>)
        %add3A_1515 = arith.constant 5 : i32
        %add3A_1516 = arith.addi %mul3A_760, %add3A_1515 : i32
        %dma_start3A_1517 = arith.constant 0 : i32
        %dma_start3A_1518 = arith.constant 0 : i32
        %dma_start3A_1519 = tpu.memref_slice %arg9[%add3A_1516, %dma_start3A_1517, %dma_start3A_1518] : memref<14x80x64xf32, #tpu.memory_space<vmem>> -> memref<1x80x64xf32, #tpu.memory_space<vmem>>
        %dma_start3A_1520 = tpu.memref_squeeze %dma_start3A_1519 : memref<1x80x64xf32, #tpu.memory_space<vmem>> -> memref<80x64xf32, #tpu.memory_space<vmem>>
        %dma_start3A_1521 = arith.constant 0 : i32
        %dma_start3A_1522 = tpu.memref_slice %arg8[%add3A_1516, %dma_start3A_1521] : memref<14x80xi32, #tpu.memory_space<vmem>> -> memref<1x80xi32, #tpu.memory_space<vmem>>
        %dma_start3A_1523 = tpu.memref_squeeze %dma_start3A_1522 : memref<1x80xi32, #tpu.memory_space<vmem>> -> memref<80xi32, #tpu.memory_space<vmem>>
        %dma_start3A_1524 = arith.constant 0 : i32
        %dma_start3A_1525 = arith.constant 0 : i32
        %dma_start3A_1526 = tpu.memref_slice %arg2[%dma_start3A_1524, %dma_start3A_1525] : memref<20224x64xf32, #tpu.memory_space<hbm>> -> memref<20224x64xf32, #tpu.memory_space<hbm>>
        tpu.enqueue_indirect_dma source(%dma_start3A_1526 : memref<20224x64xf32, #tpu.memory_space<hbm>>) target(%dma_start3A_1520 : memref<80x64xf32, #tpu.memory_space<vmem>>) offsets(%dma_start3A_1523 : memref<80xi32, #tpu.memory_space<vmem>>) semaphore(%arg12 : memref<!tpu.dma_semaphore, #tpu.memory_space<semaphore_mem>>)
        %add3A_1527 = arith.constant 6 : i32
        %add3A_1528 = arith.addi %mul3A_760, %add3A_1527 : i32
        %dma_start3A_1529 = arith.constant 0 : i32
        %dma_start3A_1530 = arith.constant 0 : i32
        %dma_start3A_1531 = tpu.memref_slice %arg9[%add3A_1528, %dma_start3A_1529, %dma_start3A_1530] : memref<14x80x64xf32, #tpu.memory_space<vmem>> -> memref<1x80x64xf32, #tpu.memory_space<vmem>>
        %dma_start3A_1532 = tpu.memref_squeeze %dma_start3A_1531 : memref<1x80x64xf32, #tpu.memory_space<vmem>> -> memref<80x64xf32, #tpu.memory_space<vmem>>
        %dma_start3A_1533 = arith.constant 0 : i32
        %dma_start3A_1534 = tpu.memref_slice %arg8[%add3A_1528, %dma_start3A_1533] : memref<14x80xi32, #tpu.memory_space<vmem>> -> memref<1x80xi32, #tpu.memory_space<vmem>>
        %dma_start3A_1535 = tpu.memref_squeeze %dma_start3A_1534 : memref<1x80xi32, #tpu.memory_space<vmem>> -> memref<80xi32, #tpu.memory_space<vmem>>
        %dma_start3A_1536 = arith.constant 0 : i32
        %dma_start3A_1537 = arith.constant 0 : i32
        %dma_start3A_1538 = tpu.memref_slice %arg2[%dma_start3A_1536, %dma_start3A_1537] : memref<20224x64xf32, #tpu.memory_space<hbm>> -> memref<20224x64xf32, #tpu.memory_space<hbm>>
        tpu.enqueue_indirect_dma source(%dma_start3A_1538 : memref<20224x64xf32, #tpu.memory_space<hbm>>) target(%dma_start3A_1532 : memref<80x64xf32, #tpu.memory_space<vmem>>) offsets(%dma_start3A_1535 : memref<80xi32, #tpu.memory_space<vmem>>) semaphore(%arg12 : memref<!tpu.dma_semaphore, #tpu.memory_space<semaphore_mem>>)
      } else {
      }
    }
    %scan3A_660 = arith.constant 18 : i32
    %dma_wait3A = arith.constant 7 : i32
    %dma_wait3A_661 = arith.constant 7 : i32
    %dma_wait3A_662 = arith.constant 0 : i32
    %dma_wait3A_663 = arith.constant 0 : i32
    %dma_wait3A_664 = tpu.memref_slice %arg9[%dma_wait3A, %dma_wait3A_662, %dma_wait3A_663] : memref<14x80x64xf32, #tpu.memory_space<vmem>> -> memref<1x80x64xf32, #tpu.memory_space<vmem>>
    %dma_wait3A_665 = tpu.memref_squeeze %dma_wait3A_664 : memref<1x80x64xf32, #tpu.memory_space<vmem>> -> memref<80x64xf32, #tpu.memory_space<vmem>>
    %dma_wait3A_666 = arith.constant 0 : i32
    %dma_wait3A_667 = tpu.memref_slice %arg7[%dma_wait3A_661, %dma_wait3A_666] : memref<14x80xi32, #tpu.memory_space<vmem>> -> memref<1x80xi32, #tpu.memory_space<vmem>>
    %dma_wait3A_668 = tpu.memref_squeeze %dma_wait3A_667 : memref<1x80xi32, #tpu.memory_space<vmem>> -> memref<80xi32, #tpu.memory_space<vmem>>
    %dma_wait3A_669 = arith.constant 0 : i32
    %dma_wait3A_670 = arith.constant 0 : i32
    %dma_wait3A_671 = tpu.memref_slice %arg11[%dma_wait3A_669, %dma_wait3A_670] : memref<2048x64xf32, #tpu.memory_space<vmem_shared>> -> memref<2048x64xf32, #tpu.memory_space<vmem_shared>>
    tpu.wait_indirect_dma semaphore(%arg13 : memref<!tpu.dma_semaphore, #tpu.memory_space<semaphore_mem>>) src(%dma_wait3A_665 : memref<80x64xf32, #tpu.memory_space<vmem>>) dst(%dma_wait3A_671 : memref<2048x64xf32, #tpu.memory_space<vmem_shared>>)
    %dma_wait3A_672 = arith.constant 8 : i32
    %dma_wait3A_673 = arith.constant 8 : i32
    %dma_wait3A_674 = arith.constant 0 : i32
    %dma_wait3A_675 = arith.constant 0 : i32
    %dma_wait3A_676 = tpu.memref_slice %arg9[%dma_wait3A_672, %dma_wait3A_674, %dma_wait3A_675] : memref<14x80x64xf32, #tpu.memory_space<vmem>> -> memref<1x80x64xf32, #tpu.memory_space<vmem>>
    %dma_wait3A_677 = tpu.memref_squeeze %dma_wait3A_676 : memref<1x80x64xf32, #tpu.memory_space<vmem>> -> memref<80x64xf32, #tpu.memory_space<vmem>>
    %dma_wait3A_678 = arith.constant 0 : i32
    %dma_wait3A_679 = tpu.memref_slice %arg7[%dma_wait3A_673, %dma_wait3A_678] : memref<14x80xi32, #tpu.memory_space<vmem>> -> memref<1x80xi32, #tpu.memory_space<vmem>>
    %dma_wait3A_680 = tpu.memref_squeeze %dma_wait3A_679 : memref<1x80xi32, #tpu.memory_space<vmem>> -> memref<80xi32, #tpu.memory_space<vmem>>
    %dma_wait3A_681 = arith.constant 0 : i32
    %dma_wait3A_682 = arith.constant 0 : i32
    %dma_wait3A_683 = tpu.memref_slice %arg11[%dma_wait3A_681, %dma_wait3A_682] : memref<2048x64xf32, #tpu.memory_space<vmem_shared>> -> memref<2048x64xf32, #tpu.memory_space<vmem_shared>>
    tpu.wait_indirect_dma semaphore(%arg13 : memref<!tpu.dma_semaphore, #tpu.memory_space<semaphore_mem>>) src(%dma_wait3A_677 : memref<80x64xf32, #tpu.memory_space<vmem>>) dst(%dma_wait3A_683 : memref<2048x64xf32, #tpu.memory_space<vmem_shared>>)
    %dma_wait3A_684 = arith.constant 9 : i32
    %dma_wait3A_685 = arith.constant 9 : i32
    %dma_wait3A_686 = arith.constant 0 : i32
    %dma_wait3A_687 = arith.constant 0 : i32
    %dma_wait3A_688 = tpu.memref_slice %arg9[%dma_wait3A_684, %dma_wait3A_686, %dma_wait3A_687] : memref<14x80x64xf32, #tpu.memory_space<vmem>> -> memref<1x80x64xf32, #tpu.memory_space<vmem>>
    %dma_wait3A_689 = tpu.memref_squeeze %dma_wait3A_688 : memref<1x80x64xf32, #tpu.memory_space<vmem>> -> memref<80x64xf32, #tpu.memory_space<vmem>>
    %dma_wait3A_690 = arith.constant 0 : i32
    %dma_wait3A_691 = tpu.memref_slice %arg7[%dma_wait3A_685, %dma_wait3A_690] : memref<14x80xi32, #tpu.memory_space<vmem>> -> memref<1x80xi32, #tpu.memory_space<vmem>>
    %dma_wait3A_692 = tpu.memref_squeeze %dma_wait3A_691 : memref<1x80xi32, #tpu.memory_space<vmem>> -> memref<80xi32, #tpu.memory_space<vmem>>
    %dma_wait3A_693 = arith.constant 0 : i32
    %dma_wait3A_694 = arith.constant 0 : i32
    %dma_wait3A_695 = tpu.memref_slice %arg11[%dma_wait3A_693, %dma_wait3A_694] : memref<2048x64xf32, #tpu.memory_space<vmem_shared>> -> memref<2048x64xf32, #tpu.memory_space<vmem_shared>>
    tpu.wait_indirect_dma semaphore(%arg13 : memref<!tpu.dma_semaphore, #tpu.memory_space<semaphore_mem>>) src(%dma_wait3A_689 : memref<80x64xf32, #tpu.memory_space<vmem>>) dst(%dma_wait3A_695 : memref<2048x64xf32, #tpu.memory_space<vmem_shared>>)
    %dma_wait3A_696 = arith.constant 10 : i32
    %dma_wait3A_697 = arith.constant 10 : i32
    %dma_wait3A_698 = arith.constant 0 : i32
    %dma_wait3A_699 = arith.constant 0 : i32
    %dma_wait3A_700 = tpu.memref_slice %arg9[%dma_wait3A_696, %dma_wait3A_698, %dma_wait3A_699] : memref<14x80x64xf32, #tpu.memory_space<vmem>> -> memref<1x80x64xf32, #tpu.memory_space<vmem>>
    %dma_wait3A_701 = tpu.memref_squeeze %dma_wait3A_700 : memref<1x80x64xf32, #tpu.memory_space<vmem>> -> memref<80x64xf32, #tpu.memory_space<vmem>>
    %dma_wait3A_702 = arith.constant 0 : i32
    %dma_wait3A_703 = tpu.memref_slice %arg7[%dma_wait3A_697, %dma_wait3A_702] : memref<14x80xi32, #tpu.memory_space<vmem>> -> memref<1x80xi32, #tpu.memory_space<vmem>>
    %dma_wait3A_704 = tpu.memref_squeeze %dma_wait3A_703 : memref<1x80xi32, #tpu.memory_space<vmem>> -> memref<80xi32, #tpu.memory_space<vmem>>
    %dma_wait3A_705 = arith.constant 0 : i32
    %dma_wait3A_706 = arith.constant 0 : i32
    %dma_wait3A_707 = tpu.memref_slice %arg11[%dma_wait3A_705, %dma_wait3A_706] : memref<2048x64xf32, #tpu.memory_space<vmem_shared>> -> memref<2048x64xf32, #tpu.memory_space<vmem_shared>>
    tpu.wait_indirect_dma semaphore(%arg13 : memref<!tpu.dma_semaphore, #tpu.memory_space<semaphore_mem>>) src(%dma_wait3A_701 : memref<80x64xf32, #tpu.memory_space<vmem>>) dst(%dma_wait3A_707 : memref<2048x64xf32, #tpu.memory_space<vmem_shared>>)
    %dma_wait3A_708 = arith.constant 11 : i32
    %dma_wait3A_709 = arith.constant 11 : i32
    %dma_wait3A_710 = arith.constant 0 : i32
    %dma_wait3A_711 = arith.constant 0 : i32
    %dma_wait3A_712 = tpu.memref_slice %arg9[%dma_wait3A_708, %dma_wait3A_710, %dma_wait3A_711] : memref<14x80x64xf32, #tpu.memory_space<vmem>> -> memref<1x80x64xf32, #tpu.memory_space<vmem>>
    %dma_wait3A_713 = tpu.memref_squeeze %dma_wait3A_712 : memref<1x80x64xf32, #tpu.memory_space<vmem>> -> memref<80x64xf32, #tpu.memory_space<vmem>>
    %dma_wait3A_714 = arith.constant 0 : i32
    %dma_wait3A_715 = tpu.memref_slice %arg7[%dma_wait3A_709, %dma_wait3A_714] : memref<14x80xi32, #tpu.memory_space<vmem>> -> memref<1x80xi32, #tpu.memory_space<vmem>>
    %dma_wait3A_716 = tpu.memref_squeeze %dma_wait3A_715 : memref<1x80xi32, #tpu.memory_space<vmem>> -> memref<80xi32, #tpu.memory_space<vmem>>
    %dma_wait3A_717 = arith.constant 0 : i32
    %dma_wait3A_718 = arith.constant 0 : i32
    %dma_wait3A_719 = tpu.memref_slice %arg11[%dma_wait3A_717, %dma_wait3A_718] : memref<2048x64xf32, #tpu.memory_space<vmem_shared>> -> memref<2048x64xf32, #tpu.memory_space<vmem_shared>>
    tpu.wait_indirect_dma semaphore(%arg13 : memref<!tpu.dma_semaphore, #tpu.memory_space<semaphore_mem>>) src(%dma_wait3A_713 : memref<80x64xf32, #tpu.memory_space<vmem>>) dst(%dma_wait3A_719 : memref<2048x64xf32, #tpu.memory_space<vmem_shared>>)
    %dma_wait3A_720 = arith.constant 12 : i32
    %dma_wait3A_721 = arith.constant 12 : i32
    %dma_wait3A_722 = arith.constant 0 : i32
    %dma_wait3A_723 = arith.constant 0 : i32
    %dma_wait3A_724 = tpu.memref_slice %arg9[%dma_wait3A_720, %dma_wait3A_722, %dma_wait3A_723] : memref<14x80x64xf32, #tpu.memory_space<vmem>> -> memref<1x80x64xf32, #tpu.memory_space<vmem>>
    %dma_wait3A_725 = tpu.memref_squeeze %dma_wait3A_724 : memref<1x80x64xf32, #tpu.memory_space<vmem>> -> memref<80x64xf32, #tpu.memory_space<vmem>>
    %dma_wait3A_726 = arith.constant 0 : i32
    %dma_wait3A_727 = tpu.memref_slice %arg7[%dma_wait3A_721, %dma_wait3A_726] : memref<14x80xi32, #tpu.memory_space<vmem>> -> memref<1x80xi32, #tpu.memory_space<vmem>>
    %dma_wait3A_728 = tpu.memref_squeeze %dma_wait3A_727 : memref<1x80xi32, #tpu.memory_space<vmem>> -> memref<80xi32, #tpu.memory_space<vmem>>
    %dma_wait3A_729 = arith.constant 0 : i32
    %dma_wait3A_730 = arith.constant 0 : i32
    %dma_wait3A_731 = tpu.memref_slice %arg11[%dma_wait3A_729, %dma_wait3A_730] : memref<2048x64xf32, #tpu.memory_space<vmem_shared>> -> memref<2048x64xf32, #tpu.memory_space<vmem_shared>>
    tpu.wait_indirect_dma semaphore(%arg13 : memref<!tpu.dma_semaphore, #tpu.memory_space<semaphore_mem>>) src(%dma_wait3A_725 : memref<80x64xf32, #tpu.memory_space<vmem>>) dst(%dma_wait3A_731 : memref<2048x64xf32, #tpu.memory_space<vmem_shared>>)
    %dma_wait3A_732 = arith.constant 13 : i32
    %dma_wait3A_733 = arith.constant 13 : i32
    %dma_wait3A_734 = arith.constant 0 : i32
    %dma_wait3A_735 = arith.constant 0 : i32
    %dma_wait3A_736 = tpu.memref_slice %arg9[%dma_wait3A_732, %dma_wait3A_734, %dma_wait3A_735] : memref<14x80x64xf32, #tpu.memory_space<vmem>> -> memref<1x80x64xf32, #tpu.memory_space<vmem>>
    %dma_wait3A_737 = tpu.memref_squeeze %dma_wait3A_736 : memref<1x80x64xf32, #tpu.memory_space<vmem>> -> memref<80x64xf32, #tpu.memory_space<vmem>>
    %dma_wait3A_738 = arith.constant 0 : i32
    %dma_wait3A_739 = tpu.memref_slice %arg7[%dma_wait3A_733, %dma_wait3A_738] : memref<14x80xi32, #tpu.memory_space<vmem>> -> memref<1x80xi32, #tpu.memory_space<vmem>>
    %dma_wait3A_740 = tpu.memref_squeeze %dma_wait3A_739 : memref<1x80xi32, #tpu.memory_space<vmem>> -> memref<80xi32, #tpu.memory_space<vmem>>
    %dma_wait3A_741 = arith.constant 0 : i32
    %dma_wait3A_742 = arith.constant 0 : i32
    %dma_wait3A_743 = tpu.memref_slice %arg11[%dma_wait3A_741, %dma_wait3A_742] : memref<2048x64xf32, #tpu.memory_space<vmem_shared>> -> memref<2048x64xf32, #tpu.memory_space<vmem_shared>>
    tpu.wait_indirect_dma semaphore(%arg13 : memref<!tpu.dma_semaphore, #tpu.memory_space<semaphore_mem>>) src(%dma_wait3A_737 : memref<80x64xf32, #tpu.memory_space<vmem>>) dst(%dma_wait3A_743 : memref<2048x64xf32, #tpu.memory_space<vmem_shared>>)
    %barrier3A_744 = arith.constant 0 : index
    tpu.barrier barrier_id(%barrier3A_744)
    %mul3A_745 = arith.constant 128 : i32
    %mul3A_746 = arith.muli %arg1, %mul3A_745 : i32
    %mul3A_747 = arith.constant 2048 : i32
    %mul3A_748 = arith.muli %arg0, %mul3A_747 : i32
    %mul3A_749 = arith.constant 128 : i32
    %mul3A_750 = arith.muli %arg1, %mul3A_749 : i32
    %add3A_751 = arith.addi %mul3A_748, %mul3A_750 : i32
    "tpu.region"() ({
      %run_scoped3A = tpu.sem_alloc : memref<!tpu.dma_semaphore, #tpu.memory_space<semaphore_mem>>
      %dma_start3A_752 = arith.constant 0 : i32
      %dma_start3A_753 = tpu.memref_slice %arg5[%add3A_751, %dma_start3A_752] : memref<4096x64xf32, #tpu.memory_space<hbm>> -> memref<128x64xf32, #tpu.memory_space<hbm>>
      %dma_start3A_754 = arith.constant 0 : i32
      %dma_start3A_755 = tpu.memref_slice %arg11[%mul3A_746, %dma_start3A_754] : memref<2048x64xf32, #tpu.memory_space<vmem_shared>> -> memref<128x64xf32, #tpu.memory_space<vmem_shared>>
      tpu.enqueue_dma source(%dma_start3A_755 : memref<128x64xf32, #tpu.memory_space<vmem_shared>>) target(%dma_start3A_753 : memref<128x64xf32, #tpu.memory_space<hbm>>) target_semaphore(%run_scoped3A : memref<!tpu.dma_semaphore, #tpu.memory_space<semaphore_mem>>)
      %dma_wait3A_756 = arith.constant 0 : i32
      %dma_wait3A_757 = tpu.memref_slice %arg5[%add3A_751, %dma_wait3A_756] : memref<4096x64xf32, #tpu.memory_space<hbm>> -> memref<128x64xf32, #tpu.memory_space<hbm>>
      %dma_wait3A_758 = arith.constant 0 : i32
      %dma_wait3A_759 = tpu.memref_slice %arg11[%mul3A_746, %dma_wait3A_758] : memref<2048x64xf32, #tpu.memory_space<vmem_shared>> -> memref<128x64xf32, #tpu.memory_space<vmem_shared>>
      tpu.wait_dma2 semaphore(%run_scoped3A : memref<!tpu.dma_semaphore, #tpu.memory_space<semaphore_mem>>) src(%dma_wait3A_759 : memref<128x64xf32, #tpu.memory_space<vmem_shared>>) dst(%dma_wait3A_757 : memref<128x64xf32, #tpu.memory_space<hbm>>)
      tpu.yield
    }) : () -> ()
    return
  }
}

#map = affine_map<(d0, d1) -> (0, 0)>
module attributes {stable_mosaic.version = 14 : i64} {
  func.func @cnt(%arg0: i32, %arg1: i32, %arg2: memref<2016x80xi32, #tpu.memory_space<hbm>>, %arg3: memref<4096x32xf32, #tpu.memory_space<hbm>>, %arg4: memref<18x80xi32, #tpu.memory_space<vmem>>, %arg5: memref<80x32xf32, #tpu.memory_space<vmem>>, %arg6: memref<128x32xf32, #tpu.memory_space<vmem>>, %arg7: memref<2048x32xf32, #tpu.memory_space<vmem_shared>>, %arg8: memref<!tpu.dma_semaphore, #tpu.memory_space<semaphore_mem>>, %arg9: memref<!tpu.dma_semaphore, #tpu.memory_space<semaphore_mem>>) attributes {dimension_semantics = [#tpu.dimension_semantics<core_parallel>, #tpu.dimension_semantics<subcore_parallel>], iteration_bounds = array<i64: 2, 16>, scalar_prefetch = 0 : i64, scratch_operands = 6 : i64, tpu.core_type = #tpu.core_type<sc_vector_subcore>, window_params = [{transform_indices = #map}, {transform_indices = #map}]} {
    %mul3A = arith.constant 2 : i32
    %mul3A_0 = arith.muli %arg1, %mul3A : i32
    %add3A = arith.addi %mul3A_0, %arg0 : i32
    %broadcast_in_dim3A = arith.constant 0.000000e+00 : f32
    %broadcast_in_dim3A_1 = vector.broadcast %broadcast_in_dim3A : f32 to vector<16xf32>
    %broadcast_in_dim3A_2 = arith.constant 1.000000e+00 : f32
    %broadcast_in_dim3A_3 = vector.broadcast %broadcast_in_dim3A_2 : f32 to vector<16xf32>
    %scan3A = arith.constant 0 : i32
    %scan3A_4 = arith.constant 0 : i32
    %scan3A_5 = arith.constant 128 : i32
    %scan3A_6 = arith.addi %scan3A_4, %scan3A_5 : i32
    %scan3A_7 = arith.constant 1 : i32
    scf.for %scan3A_95 = %scan3A_4 to %scan3A_6 step %scan3A_7  : i32 {
      %swap3A = arith.index_cast %scan3A_95 : i32 to index
      %swap3A_96 = arith.constant 0 : index
      %swap3A_97 = tpu.vector_load %arg6[%swap3A, %swap3A_96] {strides = array<i32>} : memref<128x32xf32, #tpu.memory_space<vmem>>, vector<1x16xf32>,
      %swap3A_98 = vector.shape_cast %swap3A_97 : vector<1x16xf32> to vector<16xf32>
      %swap3A_99 = vector.shape_cast %broadcast_in_dim3A_1 : vector<16xf32> to vector<1x16xf32>
      tpu.vector_store %arg6[%swap3A, %swap3A_96], %swap3A_99 {strides = array<i32>} : memref<128x32xf32, #tpu.memory_space<vmem>>, vector<1x16xf32>,
      %swap3A_100 = arith.index_cast %scan3A_95 : i32 to index
      %swap3A_101 = arith.constant 16 : index
      %swap3A_102 = tpu.vector_load %arg6[%swap3A_100, %swap3A_101] {strides = array<i32>} : memref<128x32xf32, #tpu.memory_space<vmem>>, vector<1x16xf32>,
      %swap3A_103 = vector.shape_cast %swap3A_102 : vector<1x16xf32> to vector<16xf32>
      %swap3A_104 = vector.shape_cast %broadcast_in_dim3A_1 : vector<16xf32> to vector<1x16xf32>
      tpu.vector_store %arg6[%swap3A_100, %swap3A_101], %swap3A_104 {strides = array<i32>} : memref<128x32xf32, #tpu.memory_space<vmem>>, vector<1x16xf32>,
    }
    %scan3A_8 = arith.constant 128 : i32
    %scan3A_9 = arith.constant 0 : i32
    %scan3A_10 = arith.constant 0 : i32
    %scan3A_11 = arith.constant 80 : i32
    %scan3A_12 = arith.addi %scan3A_10, %scan3A_11 : i32
    %scan3A_13 = arith.constant 1 : i32
    scf.for %scan3A_95 = %scan3A_10 to %scan3A_12 step %scan3A_13  : i32 {
      %swap3A = arith.index_cast %scan3A_95 : i32 to index
      %swap3A_96 = arith.constant 0 : index
      %swap3A_97 = tpu.vector_load %arg5[%swap3A, %swap3A_96] {strides = array<i32>} : memref<80x32xf32, #tpu.memory_space<vmem>>, vector<1x16xf32>,
      %swap3A_98 = vector.shape_cast %swap3A_97 : vector<1x16xf32> to vector<16xf32>
      %swap3A_99 = vector.shape_cast %broadcast_in_dim3A_3 : vector<16xf32> to vector<1x16xf32>
      tpu.vector_store %arg5[%swap3A, %swap3A_96], %swap3A_99 {strides = array<i32>} : memref<80x32xf32, #tpu.memory_space<vmem>>, vector<1x16xf32>,
      %swap3A_100 = arith.index_cast %scan3A_95 : i32 to index
      %swap3A_101 = arith.constant 16 : index
      %swap3A_102 = tpu.vector_load %arg5[%swap3A_100, %swap3A_101] {strides = array<i32>} : memref<80x32xf32, #tpu.memory_space<vmem>>, vector<1x16xf32>,
      %swap3A_103 = vector.shape_cast %swap3A_102 : vector<1x16xf32> to vector<16xf32>
      %swap3A_104 = vector.shape_cast %broadcast_in_dim3A_3 : vector<16xf32> to vector<1x16xf32>
      tpu.vector_store %arg5[%swap3A_100, %swap3A_101], %swap3A_104 {strides = array<i32>} : memref<80x32xf32, #tpu.memory_space<vmem>>, vector<1x16xf32>,
    }
    %scan3A_14 = arith.constant 80 : i32
    %mul3A_15 = arith.constant 128 : i32
    %mul3A_16 = arith.muli %arg1, %mul3A_15 : i32
    "tpu.region"() ({
      %run_scoped3A = tpu.sem_alloc : memref<!tpu.dma_semaphore, #tpu.memory_space<semaphore_mem>>
      %dma_start3A = arith.constant 0 : i32
      %dma_start3A_95 = tpu.memref_slice %arg7[%mul3A_16, %dma_start3A] : memref<2048x32xf32, #tpu.memory_space<vmem_shared>> -> memref<128x32xf32, #tpu.memory_space<vmem_shared>>
      %dma_start3A_96 = arith.constant 0 : i32
      %dma_start3A_97 = tpu.memref_slice %arg7[%mul3A_16, %dma_start3A_96] : memref<2048x32xf32, #tpu.memory_space<vmem_shared>> -> memref<128x32xf32, #tpu.memory_space<vmem_shared>>
      tpu.enqueue_dma source(%arg6 : memref<128x32xf32, #tpu.memory_space<vmem>>) target(%dma_start3A_97 : memref<128x32xf32, #tpu.memory_space<vmem_shared>>) target_semaphore(%run_scoped3A : memref<!tpu.dma_semaphore, #tpu.memory_space<semaphore_mem>>)
      %dma_wait3A_98 = arith.constant 0 : i32
      %dma_wait3A_99 = tpu.memref_slice %arg7[%mul3A_16, %dma_wait3A_98] : memref<2048x32xf32, #tpu.memory_space<vmem_shared>> -> memref<128x32xf32, #tpu.memory_space<vmem_shared>>
      %dma_wait3A_100 = arith.constant 0 : i32
      %dma_wait3A_101 = tpu.memref_slice %arg7[%mul3A_16, %dma_wait3A_100] : memref<2048x32xf32, #tpu.memory_space<vmem_shared>> -> memref<128x32xf32, #tpu.memory_space<vmem_shared>>
      tpu.wait_dma2 semaphore(%run_scoped3A : memref<!tpu.dma_semaphore, #tpu.memory_space<semaphore_mem>>) src(%arg6 : memref<128x32xf32, #tpu.memory_space<vmem>>) dst(%dma_wait3A_101 : memref<128x32xf32, #tpu.memory_space<vmem_shared>>)
      tpu.yield
    }) : () -> ()
    %barrier3A = arith.constant 0 : index
    tpu.barrier barrier_id(%barrier3A)
    %mul3A_17 = arith.constant 63 : i32
    %mul3A_18 = arith.muli %add3A, %mul3A_17 : i32
    "tpu.region"() ({
      %run_scoped3A = tpu.sem_alloc : memref<!tpu.dma_semaphore, #tpu.memory_space<semaphore_mem>>
      %dma_start3A = arith.constant 0 : i32
      %dma_start3A_95 = arith.constant 0 : i32
      %dma_start3A_96 = tpu.memref_slice %arg4[%dma_start3A, %dma_start3A_95] : memref<18x80xi32, #tpu.memory_space<vmem>> -> memref<9x80xi32, #tpu.memory_space<vmem>>
      %dma_start3A_97 = arith.constant 0 : i32
      %dma_start3A_98 = tpu.memref_slice %arg2[%mul3A_18, %dma_start3A_97] : memref<2016x80xi32, #tpu.memory_space<hbm>> -> memref<9x80xi32, #tpu.memory_space<hbm>>
      %dma_start3A_99 = arith.constant 0 : i32
      %dma_start3A_100 = arith.constant 0 : i32
      %dma_start3A_101 = tpu.memref_slice %arg4[%dma_start3A_99, %dma_start3A_100] : memref<18x80xi32, #tpu.memory_space<vmem>> -> memref<9x80xi32, #tpu.memory_space<vmem>>
      %dma_start3A_102 = arith.constant 0 : i32
      %dma_start3A_103 = tpu.memref_slice %arg2[%mul3A_18, %dma_start3A_102] : memref<2016x80xi32, #tpu.memory_space<hbm>> -> memref<9x80xi32, #tpu.memory_space<hbm>>
      tpu.enqueue_dma source(%dma_start3A_103 : memref<9x80xi32, #tpu.memory_space<hbm>>) target(%dma_start3A_101 : memref<9x80xi32, #tpu.memory_space<vmem>>) target_semaphore(%run_scoped3A : memref<!tpu.dma_semaphore, #tpu.memory_space<semaphore_mem>>)
      %dma_wait3A_104 = arith.constant 0 : i32
      %dma_wait3A_105 = arith.constant 0 : i32
      %dma_wait3A_106 = tpu.memref_slice %arg4[%dma_wait3A_104, %dma_wait3A_105] : memref<18x80xi32, #tpu.memory_space<vmem>> -> memref<9x80xi32, #tpu.memory_space<vmem>>
      %dma_wait3A_107 = arith.constant 0 : i32
      %dma_wait3A_108 = tpu.memref_slice %arg2[%mul3A_18, %dma_wait3A_107] : memref<2016x80xi32, #tpu.memory_space<hbm>> -> memref<9x80xi32, #tpu.memory_space<hbm>>
      %dma_wait3A_109 = arith.constant 0 : i32
      %dma_wait3A_110 = arith.constant 0 : i32
      %dma_wait3A_111 = tpu.memref_slice %arg4[%dma_wait3A_109, %dma_wait3A_110] : memref<18x80xi32, #tpu.memory_space<vmem>> -> memref<9x80xi32, #tpu.memory_space<vmem>>
      %dma_wait3A_112 = arith.constant 0 : i32
      %dma_wait3A_113 = tpu.memref_slice %arg2[%mul3A_18, %dma_wait3A_112] : memref<2016x80xi32, #tpu.memory_space<hbm>> -> memref<9x80xi32, #tpu.memory_space<hbm>>
      tpu.wait_dma2 semaphore(%run_scoped3A : memref<!tpu.dma_semaphore, #tpu.memory_space<semaphore_mem>>) src(%dma_wait3A_113 : memref<9x80xi32, #tpu.memory_space<hbm>>) dst(%dma_wait3A_111 : memref<9x80xi32, #tpu.memory_space<vmem>>)
      tpu.yield
    }) : () -> ()
    %scan3A_19 = arith.constant 0 : i32
    %scan3A_20 = arith.constant 0 : i32
    %scan3A_21 = arith.constant 7 : i32
    %scan3A_22 = arith.addi %scan3A_20, %scan3A_21 : i32
    %scan3A_23 = arith.constant 1 : i32
    scf.for %scan3A_95 = %scan3A_20 to %scan3A_22 step %scan3A_23  : i32 {
      %rem3A = arith.constant 2 : i32
      %rem3A_96 = arith.remsi %scan3A_95, %rem3A : i32
      %mul3A_97 = arith.constant 9 : i32
      %mul3A_98 = arith.muli %rem3A_96, %mul3A_97 : i32
      %rem3A_99 = arith.constant 2 : i32
      %rem3A_100 = arith.remsi %scan3A_95, %rem3A_99 : i32
      %sub3A = arith.constant 1 : i32
      %sub3A_101 = arith.subi %sub3A, %rem3A_100 : i32
      %mul3A_102 = arith.constant 9 : i32
      %mul3A_103 = arith.muli %sub3A_101, %mul3A_102 : i32
      %add3A_104 = arith.constant 1 : i32
      %add3A_105 = arith.addi %scan3A_95, %add3A_104 : i32
      %mul3A_106 = arith.constant 9 : i32
      %mul3A_107 = arith.muli %add3A_105, %mul3A_106 : i32
      %add3A_108 = arith.addi %mul3A_18, %mul3A_107 : i32
      %ge3A = arith.constant 1 : i32
      %ge3A_109 = arith.cmpi sge, %scan3A_95, %ge3A : i32
      %convert_element_type3A = arith.extui %ge3A_109 : i1 to i32
      %cond3A = arith.constant 0 : i32
      %cond3A_110 = arith.cmpi ne, %convert_element_type3A, %cond3A : i32
      scf.if %cond3A_110 {
        %add3A_195 = arith.constant 0 : i32
        %add3A_196 = arith.addi %mul3A_103, %add3A_195 : i32
        %dma_wait3A_197 = arith.constant 0 : i32
        %dma_wait3A_198 = tpu.memref_slice %arg4[%add3A_196, %dma_wait3A_197] : memref<18x80xi32, #tpu.memory_space<vmem>> -> memref<1x80xi32, #tpu.memory_space<vmem>>
        %dma_wait3A_199 = tpu.memref_squeeze %dma_wait3A_198 : memref<1x80xi32, #tpu.memory_space<vmem>> -> memref<80xi32, #tpu.memory_space<vmem>>
        %dma_wait3A_200 = arith.constant 0 : i32
        %dma_wait3A_201 = arith.constant 0 : i32
        %dma_wait3A_202 = tpu.memref_slice %arg7[%dma_wait3A_200, %dma_wait3A_201] : memref<2048x32xf32, #tpu.memory_space<vmem_shared>> -> memref<2048x32xf32, #tpu.memory_space<vmem_shared>>
        tpu.wait_indirect_dma semaphore(%arg8 : memref<!tpu.dma_semaphore, #tpu.memory_space<semaphore_mem>>) src(%arg5 : memref<80x32xf32, #tpu.memory_space<vmem>>) dst(%dma_wait3A_202 : memref<2048x32xf32, #tpu.memory_space<vmem_shared>>)
        %add3A_203 = arith.constant 1 : i32
        %add3A_204 = arith.addi %mul3A_103, %add3A_203 : i32
        %dma_wait3A_205 = arith.constant 0 : i32
        %dma_wait3A_206 = tpu.memref_slice %arg4[%add3A_204, %dma_wait3A_205] : memref<18x80xi32, #tpu.memory_space<vmem>> -> memref<1x80xi32, #tpu.memory_space<vmem>>
        %dma_wait3A_207 = tpu.memref_squeeze %dma_wait3A_206 : memref<1x80xi32, #tpu.memory_space<vmem>> -> memref<80xi32, #tpu.memory_space<vmem>>
        %dma_wait3A_208 = arith.constant 0 : i32
        %dma_wait3A_209 = arith.constant 0 : i32
        %dma_wait3A_210 = tpu.memref_slice %arg7[%dma_wait3A_208, %dma_wait3A_209] : memref<2048x32xf32, #tpu.memory_space<vmem_shared>> -> memref<2048x32xf32, #tpu.memory_space<vmem_shared>>
        tpu.wait_indirect_dma semaphore(%arg8 : memref<!tpu.dma_semaphore, #tpu.memory_space<semaphore_mem>>) src(%arg5 : memref<80x32xf32, #tpu.memory_space<vmem>>) dst(%dma_wait3A_210 : memref<2048x32xf32, #tpu.memory_space<vmem_shared>>)
        %add3A_211 = arith.constant 2 : i32
        %add3A_212 = arith.addi %mul3A_103, %add3A_211 : i32
        %dma_wait3A_213 = arith.constant 0 : i32
        %dma_wait3A_214 = tpu.memref_slice %arg4[%add3A_212, %dma_wait3A_213] : memref<18x80xi32, #tpu.memory_space<vmem>> -> memref<1x80xi32, #tpu.memory_space<vmem>>
        %dma_wait3A_215 = tpu.memref_squeeze %dma_wait3A_214 : memref<1x80xi32, #tpu.memory_space<vmem>> -> memref<80xi32, #tpu.memory_space<vmem>>
        %dma_wait3A_216 = arith.constant 0 : i32
        %dma_wait3A_217 = arith.constant 0 : i32
        %dma_wait3A_218 = tpu.memref_slice %arg7[%dma_wait3A_216, %dma_wait3A_217] : memref<2048x32xf32, #tpu.memory_space<vmem_shared>> -> memref<2048x32xf32, #tpu.memory_space<vmem_shared>>
        tpu.wait_indirect_dma semaphore(%arg8 : memref<!tpu.dma_semaphore, #tpu.memory_space<semaphore_mem>>) src(%arg5 : memref<80x32xf32, #tpu.memory_space<vmem>>) dst(%dma_wait3A_218 : memref<2048x32xf32, #tpu.memory_space<vmem_shared>>)
        %add3A_219 = arith.constant 3 : i32
        %add3A_220 = arith.addi %mul3A_103, %add3A_219 : i32
        %dma_wait3A_221 = arith.constant 0 : i32
        %dma_wait3A_222 = tpu.memref_slice %arg4[%add3A_220, %dma_wait3A_221] : memref<18x80xi32, #tpu.memory_space<vmem>> -> memref<1x80xi32, #tpu.memory_space<vmem>>
        %dma_wait3A_223 = tpu.memref_squeeze %dma_wait3A_222 : memref<1x80xi32, #tpu.memory_space<vmem>> -> memref<80xi32, #tpu.memory_space<vmem>>
        %dma_wait3A_224 = arith.constant 0 : i32
        %dma_wait3A_225 = arith.constant 0 : i32
        %dma_wait3A_226 = tpu.memref_slice %arg7[%dma_wait3A_224, %dma_wait3A_225] : memref<2048x32xf32, #tpu.memory_space<vmem_shared>> -> memref<2048x32xf32, #tpu.memory_space<vmem_shared>>
        tpu.wait_indirect_dma semaphore(%arg8 : memref<!tpu.dma_semaphore, #tpu.memory_space<semaphore_mem>>) src(%arg5 : memref<80x32xf32, #tpu.memory_space<vmem>>) dst(%dma_wait3A_226 : memref<2048x32xf32, #tpu.memory_space<vmem_shared>>)
        %add3A_227 = arith.constant 4 : i32
        %add3A_228 = arith.addi %mul3A_103, %add3A_227 : i32
        %dma_wait3A_229 = arith.constant 0 : i32
        %dma_wait3A_230 = tpu.memref_slice %arg4[%add3A_228, %dma_wait3A_229] : memref<18x80xi32, #tpu.memory_space<vmem>> -> memref<1x80xi32, #tpu.memory_space<vmem>>
        %dma_wait3A_231 = tpu.memref_squeeze %dma_wait3A_230 : memref<1x80xi32, #tpu.memory_space<vmem>> -> memref<80xi32, #tpu.memory_space<vmem>>
        %dma_wait3A_232 = arith.constant 0 : i32
        %dma_wait3A_233 = arith.constant 0 : i32
        %dma_wait3A_234 = tpu.memref_slice %arg7[%dma_wait3A_232, %dma_wait3A_233] : memref<2048x32xf32, #tpu.memory_space<vmem_shared>> -> memref<2048x32xf32, #tpu.memory_space<vmem_shared>>
        tpu.wait_indirect_dma semaphore(%arg8 : memref<!tpu.dma_semaphore, #tpu.memory_space<semaphore_mem>>) src(%arg5 : memref<80x32xf32, #tpu.memory_space<vmem>>) dst(%dma_wait3A_234 : memref<2048x32xf32, #tpu.memory_space<vmem_shared>>)
        %add3A_235 = arith.constant 5 : i32
        %add3A_236 = arith.addi %mul3A_103, %add3A_235 : i32
        %dma_wait3A_237 = arith.constant 0 : i32
        %dma_wait3A_238 = tpu.memref_slice %arg4[%add3A_236, %dma_wait3A_237] : memref<18x80xi32, #tpu.memory_space<vmem>> -> memref<1x80xi32, #tpu.memory_space<vmem>>
        %dma_wait3A_239 = tpu.memref_squeeze %dma_wait3A_238 : memref<1x80xi32, #tpu.memory_space<vmem>> -> memref<80xi32, #tpu.memory_space<vmem>>
        %dma_wait3A_240 = arith.constant 0 : i32
        %dma_wait3A_241 = arith.constant 0 : i32
        %dma_wait3A_242 = tpu.memref_slice %arg7[%dma_wait3A_240, %dma_wait3A_241] : memref<2048x32xf32, #tpu.memory_space<vmem_shared>> -> memref<2048x32xf32, #tpu.memory_space<vmem_shared>>
        tpu.wait_indirect_dma semaphore(%arg8 : memref<!tpu.dma_semaphore, #tpu.memory_space<semaphore_mem>>) src(%arg5 : memref<80x32xf32, #tpu.memory_space<vmem>>) dst(%dma_wait3A_242 : memref<2048x32xf32, #tpu.memory_space<vmem_shared>>)
        %add3A_243 = arith.constant 6 : i32
        %add3A_244 = arith.addi %mul3A_103, %add3A_243 : i32
        %dma_wait3A_245 = arith.constant 0 : i32
        %dma_wait3A_246 = tpu.memref_slice %arg4[%add3A_244, %dma_wait3A_245] : memref<18x80xi32, #tpu.memory_space<vmem>> -> memref<1x80xi32, #tpu.memory_space<vmem>>
        %dma_wait3A_247 = tpu.memref_squeeze %dma_wait3A_246 : memref<1x80xi32, #tpu.memory_space<vmem>> -> memref<80xi32, #tpu.memory_space<vmem>>
        %dma_wait3A_248 = arith.constant 0 : i32
        %dma_wait3A_249 = arith.constant 0 : i32
        %dma_wait3A_250 = tpu.memref_slice %arg7[%dma_wait3A_248, %dma_wait3A_249] : memref<2048x32xf32, #tpu.memory_space<vmem_shared>> -> memref<2048x32xf32, #tpu.memory_space<vmem_shared>>
        tpu.wait_indirect_dma semaphore(%arg8 : memref<!tpu.dma_semaphore, #tpu.memory_space<semaphore_mem>>) src(%arg5 : memref<80x32xf32, #tpu.memory_space<vmem>>) dst(%dma_wait3A_250 : memref<2048x32xf32, #tpu.memory_space<vmem_shared>>)
        %add3A_251 = arith.constant 7 : i32
        %add3A_252 = arith.addi %mul3A_103, %add3A_251 : i32
        %dma_wait3A_253 = arith.constant 0 : i32
        %dma_wait3A_254 = tpu.memref_slice %arg4[%add3A_252, %dma_wait3A_253] : memref<18x80xi32, #tpu.memory_space<vmem>> -> memref<1x80xi32, #tpu.memory_space<vmem>>
        %dma_wait3A_255 = tpu.memref_squeeze %dma_wait3A_254 : memref<1x80xi32, #tpu.memory_space<vmem>> -> memref<80xi32, #tpu.memory_space<vmem>>
        %dma_wait3A_256 = arith.constant 0 : i32
        %dma_wait3A_257 = arith.constant 0 : i32
        %dma_wait3A_258 = tpu.memref_slice %arg7[%dma_wait3A_256, %dma_wait3A_257] : memref<2048x32xf32, #tpu.memory_space<vmem_shared>> -> memref<2048x32xf32, #tpu.memory_space<vmem_shared>>
        tpu.wait_indirect_dma semaphore(%arg8 : memref<!tpu.dma_semaphore, #tpu.memory_space<semaphore_mem>>) src(%arg5 : memref<80x32xf32, #tpu.memory_space<vmem>>) dst(%dma_wait3A_258 : memref<2048x32xf32, #tpu.memory_space<vmem_shared>>)
        %add3A_259 = arith.constant 8 : i32
        %add3A_260 = arith.addi %mul3A_103, %add3A_259 : i32
        %dma_wait3A_261 = arith.constant 0 : i32
        %dma_wait3A_262 = tpu.memref_slice %arg4[%add3A_260, %dma_wait3A_261] : memref<18x80xi32, #tpu.memory_space<vmem>> -> memref<1x80xi32, #tpu.memory_space<vmem>>
        %dma_wait3A_263 = tpu.memref_squeeze %dma_wait3A_262 : memref<1x80xi32, #tpu.memory_space<vmem>> -> memref<80xi32, #tpu.memory_space<vmem>>
        %dma_wait3A_264 = arith.constant 0 : i32
        %dma_wait3A_265 = arith.constant 0 : i32
        %dma_wait3A_266 = tpu.memref_slice %arg7[%dma_wait3A_264, %dma_wait3A_265] : memref<2048x32xf32, #tpu.memory_space<vmem_shared>> -> memref<2048x32xf32, #tpu.memory_space<vmem_shared>>
        tpu.wait_indirect_dma semaphore(%arg8 : memref<!tpu.dma_semaphore, #tpu.memory_space<semaphore_mem>>) src(%arg5 : memref<80x32xf32, #tpu.memory_space<vmem>>) dst(%dma_wait3A_266 : memref<2048x32xf32, #tpu.memory_space<vmem_shared>>)
      } else {
      }
      %add3A_111 = arith.constant 1 : i32
      %add3A_112 = arith.addi %scan3A_95, %add3A_111 : i32
      %lt3A = arith.constant 7 : i32
      %lt3A_113 = arith.cmpi slt, %add3A_112, %lt3A : i32
      %convert_element_type3A_114 = arith.extui %lt3A_113 : i1 to i32
      %cond3A_115 = arith.constant 0 : i32
      %cond3A_116 = arith.cmpi ne, %convert_element_type3A_114, %cond3A_115 : i32
      scf.if %cond3A_116 {
        %dma_start3A_195 = arith.constant 0 : i32
        %dma_start3A_196 = tpu.memref_slice %arg4[%mul3A_103, %dma_start3A_195] : memref<18x80xi32, #tpu.memory_space<vmem>> -> memref<9x80xi32, #tpu.memory_space<vmem>>
        %dma_start3A_197 = arith.constant 0 : i32
        %dma_start3A_198 = tpu.memref_slice %arg2[%add3A_108, %dma_start3A_197] : memref<2016x80xi32, #tpu.memory_space<hbm>> -> memref<9x80xi32, #tpu.memory_space<hbm>>
        %dma_start3A_199 = arith.constant 0 : i32
        %dma_start3A_200 = tpu.memref_slice %arg4[%mul3A_103, %dma_start3A_199] : memref<18x80xi32, #tpu.memory_space<vmem>> -> memref<9x80xi32, #tpu.memory_space<vmem>>
        %dma_start3A_201 = arith.constant 0 : i32
        %dma_start3A_202 = tpu.memref_slice %arg2[%add3A_108, %dma_start3A_201] : memref<2016x80xi32, #tpu.memory_space<hbm>> -> memref<9x80xi32, #tpu.memory_space<hbm>>
        tpu.enqueue_dma source(%dma_start3A_202 : memref<9x80xi32, #tpu.memory_space<hbm>>) target(%dma_start3A_200 : memref<9x80xi32, #tpu.memory_space<vmem>>) target_semaphore(%arg9 : memref<!tpu.dma_semaphore, #tpu.memory_space<semaphore_mem>>)
      } else {
      }
      %add3A_117 = arith.constant 0 : i32
      %add3A_118 = arith.addi %mul3A_98, %add3A_117 : i32
      %dma_start3A = arith.constant 0 : i32
      %dma_start3A_119 = tpu.memref_slice %arg4[%add3A_118, %dma_start3A] : memref<18x80xi32, #tpu.memory_space<vmem>> -> memref<1x80xi32, #tpu.memory_space<vmem>>
      %dma_start3A_120 = tpu.memref_squeeze %dma_start3A_119 : memref<1x80xi32, #tpu.memory_space<vmem>> -> memref<80xi32, #tpu.memory_space<vmem>>
      %dma_start3A_121 = arith.constant 0 : i32
      %dma_start3A_122 = arith.constant 0 : i32
      %dma_start3A_123 = tpu.memref_slice %arg7[%dma_start3A_121, %dma_start3A_122] : memref<2048x32xf32, #tpu.memory_space<vmem_shared>> -> memref<2048x32xf32, #tpu.memory_space<vmem_shared>>
      tpu.enqueue_indirect_dma source(%arg5 : memref<80x32xf32, #tpu.memory_space<vmem>>) target(%dma_start3A_123 : memref<2048x32xf32, #tpu.memory_space<vmem_shared>>) offsets(%dma_start3A_120 : memref<80xi32, #tpu.memory_space<vmem>>) semaphore(%arg8 : memref<!tpu.dma_semaphore, #tpu.memory_space<semaphore_mem>>) {add = true}
      %add3A_124 = arith.constant 1 : i32
      %add3A_125 = arith.addi %mul3A_98, %add3A_124 : i32
      %dma_start3A_126 = arith.constant 0 : i32
      %dma_start3A_127 = tpu.memref_slice %arg4[%add3A_125, %dma_start3A_126] : memref<18x80xi32, #tpu.memory_space<vmem>> -> memref<1x80xi32, #tpu.memory_space<vmem>>
      %dma_start3A_128 = tpu.memref_squeeze %dma_start3A_127 : memref<1x80xi32, #tpu.memory_space<vmem>> -> memref<80xi32, #tpu.memory_space<vmem>>
      %dma_start3A_129 = arith.constant 0 : i32
      %dma_start3A_130 = arith.constant 0 : i32
      %dma_start3A_131 = tpu.memref_slice %arg7[%dma_start3A_129, %dma_start3A_130] : memref<2048x32xf32, #tpu.memory_space<vmem_shared>> -> memref<2048x32xf32, #tpu.memory_space<vmem_shared>>
      tpu.enqueue_indirect_dma source(%arg5 : memref<80x32xf32, #tpu.memory_space<vmem>>) target(%dma_start3A_131 : memref<2048x32xf32, #tpu.memory_space<vmem_shared>>) offsets(%dma_start3A_128 : memref<80xi32, #tpu.memory_space<vmem>>) semaphore(%arg8 : memref<!tpu.dma_semaphore, #tpu.memory_space<semaphore_mem>>) {add = true}
      %add3A_132 = arith.constant 2 : i32
      %add3A_133 = arith.addi %mul3A_98, %add3A_132 : i32
      %dma_start3A_134 = arith.constant 0 : i32
      %dma_start3A_135 = tpu.memref_slice %arg4[%add3A_133, %dma_start3A_134] : memref<18x80xi32, #tpu.memory_space<vmem>> -> memref<1x80xi32, #tpu.memory_space<vmem>>
      %dma_start3A_136 = tpu.memref_squeeze %dma_start3A_135 : memref<1x80xi32, #tpu.memory_space<vmem>> -> memref<80xi32, #tpu.memory_space<vmem>>
      %dma_start3A_137 = arith.constant 0 : i32
      %dma_start3A_138 = arith.constant 0 : i32
      %dma_start3A_139 = tpu.memref_slice %arg7[%dma_start3A_137, %dma_start3A_138] : memref<2048x32xf32, #tpu.memory_space<vmem_shared>> -> memref<2048x32xf32, #tpu.memory_space<vmem_shared>>
      tpu.enqueue_indirect_dma source(%arg5 : memref<80x32xf32, #tpu.memory_space<vmem>>) target(%dma_start3A_139 : memref<2048x32xf32, #tpu.memory_space<vmem_shared>>) offsets(%dma_start3A_136 : memref<80xi32, #tpu.memory_space<vmem>>) semaphore(%arg8 : memref<!tpu.dma_semaphore, #tpu.memory_space<semaphore_mem>>) {add = true}
      %add3A_140 = arith.constant 3 : i32
      %add3A_141 = arith.addi %mul3A_98, %add3A_140 : i32
      %dma_start3A_142 = arith.constant 0 : i32
      %dma_start3A_143 = tpu.memref_slice %arg4[%add3A_141, %dma_start3A_142] : memref<18x80xi32, #tpu.memory_space<vmem>> -> memref<1x80xi32, #tpu.memory_space<vmem>>
      %dma_start3A_144 = tpu.memref_squeeze %dma_start3A_143 : memref<1x80xi32, #tpu.memory_space<vmem>> -> memref<80xi32, #tpu.memory_space<vmem>>
      %dma_start3A_145 = arith.constant 0 : i32
      %dma_start3A_146 = arith.constant 0 : i32
      %dma_start3A_147 = tpu.memref_slice %arg7[%dma_start3A_145, %dma_start3A_146] : memref<2048x32xf32, #tpu.memory_space<vmem_shared>> -> memref<2048x32xf32, #tpu.memory_space<vmem_shared>>
      tpu.enqueue_indirect_dma source(%arg5 : memref<80x32xf32, #tpu.memory_space<vmem>>) target(%dma_start3A_147 : memref<2048x32xf32, #tpu.memory_space<vmem_shared>>) offsets(%dma_start3A_144 : memref<80xi32, #tpu.memory_space<vmem>>) semaphore(%arg8 : memref<!tpu.dma_semaphore, #tpu.memory_space<semaphore_mem>>) {add = true}
      %add3A_148 = arith.constant 4 : i32
      %add3A_149 = arith.addi %mul3A_98, %add3A_148 : i32
      %dma_start3A_150 = arith.constant 0 : i32
      %dma_start3A_151 = tpu.memref_slice %arg4[%add3A_149, %dma_start3A_150] : memref<18x80xi32, #tpu.memory_space<vmem>> -> memref<1x80xi32, #tpu.memory_space<vmem>>
      %dma_start3A_152 = tpu.memref_squeeze %dma_start3A_151 : memref<1x80xi32, #tpu.memory_space<vmem>> -> memref<80xi32, #tpu.memory_space<vmem>>
      %dma_start3A_153 = arith.constant 0 : i32
      %dma_start3A_154 = arith.constant 0 : i32
      %dma_start3A_155 = tpu.memref_slice %arg7[%dma_start3A_153, %dma_start3A_154] : memref<2048x32xf32, #tpu.memory_space<vmem_shared>> -> memref<2048x32xf32, #tpu.memory_space<vmem_shared>>
      tpu.enqueue_indirect_dma source(%arg5 : memref<80x32xf32, #tpu.memory_space<vmem>>) target(%dma_start3A_155 : memref<2048x32xf32, #tpu.memory_space<vmem_shared>>) offsets(%dma_start3A_152 : memref<80xi32, #tpu.memory_space<vmem>>) semaphore(%arg8 : memref<!tpu.dma_semaphore, #tpu.memory_space<semaphore_mem>>) {add = true}
      %add3A_156 = arith.constant 5 : i32
      %add3A_157 = arith.addi %mul3A_98, %add3A_156 : i32
      %dma_start3A_158 = arith.constant 0 : i32
      %dma_start3A_159 = tpu.memref_slice %arg4[%add3A_157, %dma_start3A_158] : memref<18x80xi32, #tpu.memory_space<vmem>> -> memref<1x80xi32, #tpu.memory_space<vmem>>
      %dma_start3A_160 = tpu.memref_squeeze %dma_start3A_159 : memref<1x80xi32, #tpu.memory_space<vmem>> -> memref<80xi32, #tpu.memory_space<vmem>>
      %dma_start3A_161 = arith.constant 0 : i32
      %dma_start3A_162 = arith.constant 0 : i32
      %dma_start3A_163 = tpu.memref_slice %arg7[%dma_start3A_161, %dma_start3A_162] : memref<2048x32xf32, #tpu.memory_space<vmem_shared>> -> memref<2048x32xf32, #tpu.memory_space<vmem_shared>>
      tpu.enqueue_indirect_dma source(%arg5 : memref<80x32xf32, #tpu.memory_space<vmem>>) target(%dma_start3A_163 : memref<2048x32xf32, #tpu.memory_space<vmem_shared>>) offsets(%dma_start3A_160 : memref<80xi32, #tpu.memory_space<vmem>>) semaphore(%arg8 : memref<!tpu.dma_semaphore, #tpu.memory_space<semaphore_mem>>) {add = true}
      %add3A_164 = arith.constant 6 : i32
      %add3A_165 = arith.addi %mul3A_98, %add3A_164 : i32
      %dma_start3A_166 = arith.constant 0 : i32
      %dma_start3A_167 = tpu.memref_slice %arg4[%add3A_165, %dma_start3A_166] : memref<18x80xi32, #tpu.memory_space<vmem>> -> memref<1x80xi32, #tpu.memory_space<vmem>>
      %dma_start3A_168 = tpu.memref_squeeze %dma_start3A_167 : memref<1x80xi32, #tpu.memory_space<vmem>> -> memref<80xi32, #tpu.memory_space<vmem>>
      %dma_start3A_169 = arith.constant 0 : i32
      %dma_start3A_170 = arith.constant 0 : i32
      %dma_start3A_171 = tpu.memref_slice %arg7[%dma_start3A_169, %dma_start3A_170] : memref<2048x32xf32, #tpu.memory_space<vmem_shared>> -> memref<2048x32xf32, #tpu.memory_space<vmem_shared>>
      tpu.enqueue_indirect_dma source(%arg5 : memref<80x32xf32, #tpu.memory_space<vmem>>) target(%dma_start3A_171 : memref<2048x32xf32, #tpu.memory_space<vmem_shared>>) offsets(%dma_start3A_168 : memref<80xi32, #tpu.memory_space<vmem>>) semaphore(%arg8 : memref<!tpu.dma_semaphore, #tpu.memory_space<semaphore_mem>>) {add = true}
      %add3A_172 = arith.constant 7 : i32
      %add3A_173 = arith.addi %mul3A_98, %add3A_172 : i32
      %dma_start3A_174 = arith.constant 0 : i32
      %dma_start3A_175 = tpu.memref_slice %arg4[%add3A_173, %dma_start3A_174] : memref<18x80xi32, #tpu.memory_space<vmem>> -> memref<1x80xi32, #tpu.memory_space<vmem>>
      %dma_start3A_176 = tpu.memref_squeeze %dma_start3A_175 : memref<1x80xi32, #tpu.memory_space<vmem>> -> memref<80xi32, #tpu.memory_space<vmem>>
      %dma_start3A_177 = arith.constant 0 : i32
      %dma_start3A_178 = arith.constant 0 : i32
      %dma_start3A_179 = tpu.memref_slice %arg7[%dma_start3A_177, %dma_start3A_178] : memref<2048x32xf32, #tpu.memory_space<vmem_shared>> -> memref<2048x32xf32, #tpu.memory_space<vmem_shared>>
      tpu.enqueue_indirect_dma source(%arg5 : memref<80x32xf32, #tpu.memory_space<vmem>>) target(%dma_start3A_179 : memref<2048x32xf32, #tpu.memory_space<vmem_shared>>) offsets(%dma_start3A_176 : memref<80xi32, #tpu.memory_space<vmem>>) semaphore(%arg8 : memref<!tpu.dma_semaphore, #tpu.memory_space<semaphore_mem>>) {add = true}
      %add3A_180 = arith.constant 8 : i32
      %add3A_181 = arith.addi %mul3A_98, %add3A_180 : i32
      %dma_start3A_182 = arith.constant 0 : i32
      %dma_start3A_183 = tpu.memref_slice %arg4[%add3A_181, %dma_start3A_182] : memref<18x80xi32, #tpu.memory_space<vmem>> -> memref<1x80xi32, #tpu.memory_space<vmem>>
      %dma_start3A_184 = tpu.memref_squeeze %dma_start3A_183 : memref<1x80xi32, #tpu.memory_space<vmem>> -> memref<80xi32, #tpu.memory_space<vmem>>
      %dma_start3A_185 = arith.constant 0 : i32
      %dma_start3A_186 = arith.constant 0 : i32
      %dma_start3A_187 = tpu.memref_slice %arg7[%dma_start3A_185, %dma_start3A_186] : memref<2048x32xf32, #tpu.memory_space<vmem_shared>> -> memref<2048x32xf32, #tpu.memory_space<vmem_shared>>
      tpu.enqueue_indirect_dma source(%arg5 : memref<80x32xf32, #tpu.memory_space<vmem>>) target(%dma_start3A_187 : memref<2048x32xf32, #tpu.memory_space<vmem_shared>>) offsets(%dma_start3A_184 : memref<80xi32, #tpu.memory_space<vmem>>) semaphore(%arg8 : memref<!tpu.dma_semaphore, #tpu.memory_space<semaphore_mem>>) {add = true}
      %add3A_188 = arith.constant 1 : i32
      %add3A_189 = arith.addi %scan3A_95, %add3A_188 : i32
      %lt3A_190 = arith.constant 7 : i32
      %lt3A_191 = arith.cmpi slt, %add3A_189, %lt3A_190 : i32
      %convert_element_type3A_192 = arith.extui %lt3A_191 : i1 to i32
      %cond3A_193 = arith.constant 0 : i32
      %cond3A_194 = arith.cmpi ne, %convert_element_type3A_192, %cond3A_193 : i32
      scf.if %cond3A_194 {
        %dma_wait3A_195 = arith.constant 0 : i32
        %dma_wait3A_196 = tpu.memref_slice %arg4[%mul3A_103, %dma_wait3A_195] : memref<18x80xi32, #tpu.memory_space<vmem>> -> memref<9x80xi32, #tpu.memory_space<vmem>>
        %dma_wait3A_197 = arith.constant 0 : i32
        %dma_wait3A_198 = tpu.memref_slice %arg2[%add3A_108, %dma_wait3A_197] : memref<2016x80xi32, #tpu.memory_space<hbm>> -> memref<9x80xi32, #tpu.memory_space<hbm>>
        %dma_wait3A_199 = arith.constant 0 : i32
        %dma_wait3A_200 = tpu.memref_slice %arg4[%mul3A_103, %dma_wait3A_199] : memref<18x80xi32, #tpu.memory_space<vmem>> -> memref<9x80xi32, #tpu.memory_space<vmem>>
        %dma_wait3A_201 = arith.constant 0 : i32
        %dma_wait3A_202 = tpu.memref_slice %arg2[%add3A_108, %dma_wait3A_201] : memref<2016x80xi32, #tpu.memory_space<hbm>> -> memref<9x80xi32, #tpu.memory_space<hbm>>
        tpu.wait_dma2 semaphore(%arg9 : memref<!tpu.dma_semaphore, #tpu.memory_space<semaphore_mem>>) src(%dma_wait3A_202 : memref<9x80xi32, #tpu.memory_space<hbm>>) dst(%dma_wait3A_200 : memref<9x80xi32, #tpu.memory_space<vmem>>)
      } else {
      }
    }
    %scan3A_24 = arith.constant 7 : i32
    %dma_wait3A = arith.constant 0 : i32
    %dma_wait3A_25 = arith.constant 0 : i32
    %dma_wait3A_26 = tpu.memref_slice %arg4[%dma_wait3A, %dma_wait3A_25] : memref<18x80xi32, #tpu.memory_space<vmem>> -> memref<1x80xi32, #tpu.memory_space<vmem>>
    %dma_wait3A_27 = tpu.memref_squeeze %dma_wait3A_26 : memref<1x80xi32, #tpu.memory_space<vmem>> -> memref<80xi32, #tpu.memory_space<vmem>>
    %dma_wait3A_28 = arith.constant 0 : i32
    %dma_wait3A_29 = arith.constant 0 : i32
    %dma_wait3A_30 = tpu.memref_slice %arg7[%dma_wait3A_28, %dma_wait3A_29] : memref<2048x32xf32, #tpu.memory_space<vmem_shared>> -> memref<2048x32xf32, #tpu.memory_space<vmem_shared>>
    tpu.wait_indirect_dma semaphore(%arg8 : memref<!tpu.dma_semaphore, #tpu.memory_space<semaphore_mem>>) src(%arg5 : memref<80x32xf32, #tpu.memory_space<vmem>>) dst(%dma_wait3A_30 : memref<2048x32xf32, #tpu.memory_space<vmem_shared>>)
    %dma_wait3A_31 = arith.constant 1 : i32
    %dma_wait3A_32 = arith.constant 0 : i32
    %dma_wait3A_33 = tpu.memref_slice %arg4[%dma_wait3A_31, %dma_wait3A_32] : memref<18x80xi32, #tpu.memory_space<vmem>> -> memref<1x80xi32, #tpu.memory_space<vmem>>
    %dma_wait3A_34 = tpu.memref_squeeze %dma_wait3A_33 : memref<1x80xi32, #tpu.memory_space<vmem>> -> memref<80xi32, #tpu.memory_space<vmem>>
    %dma_wait3A_35 = arith.constant 0 : i32
    %dma_wait3A_36 = arith.constant 0 : i32
    %dma_wait3A_37 = tpu.memref_slice %arg7[%dma_wait3A_35, %dma_wait3A_36] : memref<2048x32xf32, #tpu.memory_space<vmem_shared>> -> memref<2048x32xf32, #tpu.memory_space<vmem_shared>>
    tpu.wait_indirect_dma semaphore(%arg8 : memref<!tpu.dma_semaphore, #tpu.memory_space<semaphore_mem>>) src(%arg5 : memref<80x32xf32, #tpu.memory_space<vmem>>) dst(%dma_wait3A_37 : memref<2048x32xf32, #tpu.memory_space<vmem_shared>>)
    %dma_wait3A_38 = arith.constant 2 : i32
    %dma_wait3A_39 = arith.constant 0 : i32
    %dma_wait3A_40 = tpu.memref_slice %arg4[%dma_wait3A_38, %dma_wait3A_39] : memref<18x80xi32, #tpu.memory_space<vmem>> -> memref<1x80xi32, #tpu.memory_space<vmem>>
    %dma_wait3A_41 = tpu.memref_squeeze %dma_wait3A_40 : memref<1x80xi32, #tpu.memory_space<vmem>> -> memref<80xi32, #tpu.memory_space<vmem>>
    %dma_wait3A_42 = arith.constant 0 : i32
    %dma_wait3A_43 = arith.constant 0 : i32
    %dma_wait3A_44 = tpu.memref_slice %arg7[%dma_wait3A_42, %dma_wait3A_43] : memref<2048x32xf32, #tpu.memory_space<vmem_shared>> -> memref<2048x32xf32, #tpu.memory_space<vmem_shared>>
    tpu.wait_indirect_dma semaphore(%arg8 : memref<!tpu.dma_semaphore, #tpu.memory_space<semaphore_mem>>) src(%arg5 : memref<80x32xf32, #tpu.memory_space<vmem>>) dst(%dma_wait3A_44 : memref<2048x32xf32, #tpu.memory_space<vmem_shared>>)
    %dma_wait3A_45 = arith.constant 3 : i32
    %dma_wait3A_46 = arith.constant 0 : i32
    %dma_wait3A_47 = tpu.memref_slice %arg4[%dma_wait3A_45, %dma_wait3A_46] : memref<18x80xi32, #tpu.memory_space<vmem>> -> memref<1x80xi32, #tpu.memory_space<vmem>>
    %dma_wait3A_48 = tpu.memref_squeeze %dma_wait3A_47 : memref<1x80xi32, #tpu.memory_space<vmem>> -> memref<80xi32, #tpu.memory_space<vmem>>
    %dma_wait3A_49 = arith.constant 0 : i32
    %dma_wait3A_50 = arith.constant 0 : i32
    %dma_wait3A_51 = tpu.memref_slice %arg7[%dma_wait3A_49, %dma_wait3A_50] : memref<2048x32xf32, #tpu.memory_space<vmem_shared>> -> memref<2048x32xf32, #tpu.memory_space<vmem_shared>>
    tpu.wait_indirect_dma semaphore(%arg8 : memref<!tpu.dma_semaphore, #tpu.memory_space<semaphore_mem>>) src(%arg5 : memref<80x32xf32, #tpu.memory_space<vmem>>) dst(%dma_wait3A_51 : memref<2048x32xf32, #tpu.memory_space<vmem_shared>>)
    %dma_wait3A_52 = arith.constant 4 : i32
    %dma_wait3A_53 = arith.constant 0 : i32
    %dma_wait3A_54 = tpu.memref_slice %arg4[%dma_wait3A_52, %dma_wait3A_53] : memref<18x80xi32, #tpu.memory_space<vmem>> -> memref<1x80xi32, #tpu.memory_space<vmem>>
    %dma_wait3A_55 = tpu.memref_squeeze %dma_wait3A_54 : memref<1x80xi32, #tpu.memory_space<vmem>> -> memref<80xi32, #tpu.memory_space<vmem>>
    %dma_wait3A_56 = arith.constant 0 : i32
    %dma_wait3A_57 = arith.constant 0 : i32
    %dma_wait3A_58 = tpu.memref_slice %arg7[%dma_wait3A_56, %dma_wait3A_57] : memref<2048x32xf32, #tpu.memory_space<vmem_shared>> -> memref<2048x32xf32, #tpu.memory_space<vmem_shared>>
    tpu.wait_indirect_dma semaphore(%arg8 : memref<!tpu.dma_semaphore, #tpu.memory_space<semaphore_mem>>) src(%arg5 : memref<80x32xf32, #tpu.memory_space<vmem>>) dst(%dma_wait3A_58 : memref<2048x32xf32, #tpu.memory_space<vmem_shared>>)
    %dma_wait3A_59 = arith.constant 5 : i32
    %dma_wait3A_60 = arith.constant 0 : i32
    %dma_wait3A_61 = tpu.memref_slice %arg4[%dma_wait3A_59, %dma_wait3A_60] : memref<18x80xi32, #tpu.memory_space<vmem>> -> memref<1x80xi32, #tpu.memory_space<vmem>>
    %dma_wait3A_62 = tpu.memref_squeeze %dma_wait3A_61 : memref<1x80xi32, #tpu.memory_space<vmem>> -> memref<80xi32, #tpu.memory_space<vmem>>
    %dma_wait3A_63 = arith.constant 0 : i32
    %dma_wait3A_64 = arith.constant 0 : i32
    %dma_wait3A_65 = tpu.memref_slice %arg7[%dma_wait3A_63, %dma_wait3A_64] : memref<2048x32xf32, #tpu.memory_space<vmem_shared>> -> memref<2048x32xf32, #tpu.memory_space<vmem_shared>>
    tpu.wait_indirect_dma semaphore(%arg8 : memref<!tpu.dma_semaphore, #tpu.memory_space<semaphore_mem>>) src(%arg5 : memref<80x32xf32, #tpu.memory_space<vmem>>) dst(%dma_wait3A_65 : memref<2048x32xf32, #tpu.memory_space<vmem_shared>>)
    %dma_wait3A_66 = arith.constant 6 : i32
    %dma_wait3A_67 = arith.constant 0 : i32
    %dma_wait3A_68 = tpu.memref_slice %arg4[%dma_wait3A_66, %dma_wait3A_67] : memref<18x80xi32, #tpu.memory_space<vmem>> -> memref<1x80xi32, #tpu.memory_space<vmem>>
    %dma_wait3A_69 = tpu.memref_squeeze %dma_wait3A_68 : memref<1x80xi32, #tpu.memory_space<vmem>> -> memref<80xi32, #tpu.memory_space<vmem>>
    %dma_wait3A_70 = arith.constant 0 : i32
    %dma_wait3A_71 = arith.constant 0 : i32
    %dma_wait3A_72 = tpu.memref_slice %arg7[%dma_wait3A_70, %dma_wait3A_71] : memref<2048x32xf32, #tpu.memory_space<vmem_shared>> -> memref<2048x32xf32, #tpu.memory_space<vmem_shared>>
    tpu.wait_indirect_dma semaphore(%arg8 : memref<!tpu.dma_semaphore, #tpu.memory_space<semaphore_mem>>) src(%arg5 : memref<80x32xf32, #tpu.memory_space<vmem>>) dst(%dma_wait3A_72 : memref<2048x32xf32, #tpu.memory_space<vmem_shared>>)
    %dma_wait3A_73 = arith.constant 7 : i32
    %dma_wait3A_74 = arith.constant 0 : i32
    %dma_wait3A_75 = tpu.memref_slice %arg4[%dma_wait3A_73, %dma_wait3A_74] : memref<18x80xi32, #tpu.memory_space<vmem>> -> memref<1x80xi32, #tpu.memory_space<vmem>>
    %dma_wait3A_76 = tpu.memref_squeeze %dma_wait3A_75 : memref<1x80xi32, #tpu.memory_space<vmem>> -> memref<80xi32, #tpu.memory_space<vmem>>
    %dma_wait3A_77 = arith.constant 0 : i32
    %dma_wait3A_78 = arith.constant 0 : i32
    %dma_wait3A_79 = tpu.memref_slice %arg7[%dma_wait3A_77, %dma_wait3A_78] : memref<2048x32xf32, #tpu.memory_space<vmem_shared>> -> memref<2048x32xf32, #tpu.memory_space<vmem_shared>>
    tpu.wait_indirect_dma semaphore(%arg8 : memref<!tpu.dma_semaphore, #tpu.memory_space<semaphore_mem>>) src(%arg5 : memref<80x32xf32, #tpu.memory_space<vmem>>) dst(%dma_wait3A_79 : memref<2048x32xf32, #tpu.memory_space<vmem_shared>>)
    %dma_wait3A_80 = arith.constant 8 : i32
    %dma_wait3A_81 = arith.constant 0 : i32
    %dma_wait3A_82 = tpu.memref_slice %arg4[%dma_wait3A_80, %dma_wait3A_81] : memref<18x80xi32, #tpu.memory_space<vmem>> -> memref<1x80xi32, #tpu.memory_space<vmem>>
    %dma_wait3A_83 = tpu.memref_squeeze %dma_wait3A_82 : memref<1x80xi32, #tpu.memory_space<vmem>> -> memref<80xi32, #tpu.memory_space<vmem>>
    %dma_wait3A_84 = arith.constant 0 : i32
    %dma_wait3A_85 = arith.constant 0 : i32
    %dma_wait3A_86 = tpu.memref_slice %arg7[%dma_wait3A_84, %dma_wait3A_85] : memref<2048x32xf32, #tpu.memory_space<vmem_shared>> -> memref<2048x32xf32, #tpu.memory_space<vmem_shared>>
    tpu.wait_indirect_dma semaphore(%arg8 : memref<!tpu.dma_semaphore, #tpu.memory_space<semaphore_mem>>) src(%arg5 : memref<80x32xf32, #tpu.memory_space<vmem>>) dst(%dma_wait3A_86 : memref<2048x32xf32, #tpu.memory_space<vmem_shared>>)
    %barrier3A_87 = arith.constant 0 : index
    tpu.barrier barrier_id(%barrier3A_87)
    %mul3A_88 = arith.constant 128 : i32
    %mul3A_89 = arith.muli %arg1, %mul3A_88 : i32
    %mul3A_90 = arith.constant 2048 : i32
    %mul3A_91 = arith.muli %arg0, %mul3A_90 : i32
    %mul3A_92 = arith.constant 128 : i32
    %mul3A_93 = arith.muli %arg1, %mul3A_92 : i32
    %add3A_94 = arith.addi %mul3A_91, %mul3A_93 : i32
    "tpu.region"() ({
      %run_scoped3A = tpu.sem_alloc : memref<!tpu.dma_semaphore, #tpu.memory_space<semaphore_mem>>
      %dma_start3A = arith.constant 0 : i32
      %dma_start3A_95 = tpu.memref_slice %arg3[%add3A_94, %dma_start3A] : memref<4096x32xf32, #tpu.memory_space<hbm>> -> memref<128x32xf32, #tpu.memory_space<hbm>>
      %dma_start3A_96 = arith.constant 0 : i32
      %dma_start3A_97 = tpu.memref_slice %arg7[%mul3A_89, %dma_start3A_96] : memref<2048x32xf32, #tpu.memory_space<vmem_shared>> -> memref<128x32xf32, #tpu.memory_space<vmem_shared>>
      tpu.enqueue_dma source(%dma_start3A_97 : memref<128x32xf32, #tpu.memory_space<vmem_shared>>) target(%dma_start3A_95 : memref<128x32xf32, #tpu.memory_space<hbm>>) target_semaphore(%run_scoped3A : memref<!tpu.dma_semaphore, #tpu.memory_space<semaphore_mem>>)
      %dma_wait3A_98 = arith.constant 0 : i32
      %dma_wait3A_99 = tpu.memref_slice %arg3[%add3A_94, %dma_wait3A_98] : memref<4096x32xf32, #tpu.memory_space<hbm>> -> memref<128x32xf32, #tpu.memory_space<hbm>>
      %dma_wait3A_100 = arith.constant 0 : i32
      %dma_wait3A_101 = tpu.memref_slice %arg7[%mul3A_89, %dma_wait3A_100] : memref<2048x32xf32, #tpu.memory_space<vmem_shared>> -> memref<128x32xf32, #tpu.memory_space<vmem_shared>>
      tpu.wait_dma2 semaphore(%run_scoped3A : memref<!tpu.dma_semaphore, #tpu.memory_space<semaphore_mem>>) src(%dma_wait3A_101 : memref<128x32xf32, #tpu.memory_space<vmem_shared>>) dst(%dma_wait3A_99 : memref<128x32xf32, #tpu.memory_space<hbm>>)
      tpu.yield
    }) : () -> ()
    return
  }
}

#map = affine_map<(d0, d1) -> (0, 0)>
module attributes {stable_mosaic.version = 14 : i64} {
  func.func @cnt(%arg0: i32, %arg1: i32, %arg2: memref<4000x80xi32, #tpu.memory_space<hbm>>, %arg3: memref<20224x32xf32, #tpu.memory_space<hbm>>, %arg4: memref<10x80xi32, #tpu.memory_space<vmem>>, %arg5: memref<80x32xf32, #tpu.memory_space<vmem>>, %arg6: memref<632x32xf32, #tpu.memory_space<vmem>>, %arg7: memref<10112x32xf32, #tpu.memory_space<vmem_shared>>, %arg8: memref<!tpu.dma_semaphore, #tpu.memory_space<semaphore_mem>>, %arg9: memref<!tpu.dma_semaphore, #tpu.memory_space<semaphore_mem>>) attributes {dimension_semantics = [#tpu.dimension_semantics<core_parallel>, #tpu.dimension_semantics<subcore_parallel>], iteration_bounds = array<i64: 2, 16>, scalar_prefetch = 0 : i64, scratch_operands = 6 : i64, tpu.core_type = #tpu.core_type<sc_vector_subcore>, window_params = [{transform_indices = #map}, {transform_indices = #map}]} {
    %mul3A = arith.constant 2 : i32
    %mul3A_0 = arith.muli %arg1, %mul3A : i32
    %add3A = arith.addi %mul3A_0, %arg0 : i32
    %broadcast_in_dim3A = arith.constant 0.000000e+00 : f32
    %broadcast_in_dim3A_1 = vector.broadcast %broadcast_in_dim3A : f32 to vector<16xf32>
    %broadcast_in_dim3A_2 = arith.constant 1.000000e+00 : f32
    %broadcast_in_dim3A_3 = vector.broadcast %broadcast_in_dim3A_2 : f32 to vector<16xf32>
    %scan3A = arith.constant 0 : i32
    %scan3A_4 = arith.constant 0 : i32
    %scan3A_5 = arith.constant 632 : i32
    %scan3A_6 = arith.addi %scan3A_4, %scan3A_5 : i32
    %scan3A_7 = arith.constant 1 : i32
    scf.for %scan3A_67 = %scan3A_4 to %scan3A_6 step %scan3A_7  : i32 {
      %swap3A = arith.index_cast %scan3A_67 : i32 to index
      %swap3A_68 = arith.constant 0 : index
      %swap3A_69 = tpu.vector_load %arg6[%swap3A, %swap3A_68] {strides = array<i32>} : memref<632x32xf32, #tpu.memory_space<vmem>>, vector<1x16xf32>,
      %swap3A_70 = vector.shape_cast %swap3A_69 : vector<1x16xf32> to vector<16xf32>
      %swap3A_71 = vector.shape_cast %broadcast_in_dim3A_1 : vector<16xf32> to vector<1x16xf32>
      tpu.vector_store %arg6[%swap3A, %swap3A_68], %swap3A_71 {strides = array<i32>} : memref<632x32xf32, #tpu.memory_space<vmem>>, vector<1x16xf32>,
      %swap3A_72 = arith.index_cast %scan3A_67 : i32 to index
      %swap3A_73 = arith.constant 16 : index
      %swap3A_74 = tpu.vector_load %arg6[%swap3A_72, %swap3A_73] {strides = array<i32>} : memref<632x32xf32, #tpu.memory_space<vmem>>, vector<1x16xf32>,
      %swap3A_75 = vector.shape_cast %swap3A_74 : vector<1x16xf32> to vector<16xf32>
      %swap3A_76 = vector.shape_cast %broadcast_in_dim3A_1 : vector<16xf32> to vector<1x16xf32>
      tpu.vector_store %arg6[%swap3A_72, %swap3A_73], %swap3A_76 {strides = array<i32>} : memref<632x32xf32, #tpu.memory_space<vmem>>, vector<1x16xf32>,
    }
    %scan3A_8 = arith.constant 632 : i32
    %scan3A_9 = arith.constant 0 : i32
    %scan3A_10 = arith.constant 0 : i32
    %scan3A_11 = arith.constant 80 : i32
    %scan3A_12 = arith.addi %scan3A_10, %scan3A_11 : i32
    %scan3A_13 = arith.constant 1 : i32
    scf.for %scan3A_67 = %scan3A_10 to %scan3A_12 step %scan3A_13  : i32 {
      %swap3A = arith.index_cast %scan3A_67 : i32 to index
      %swap3A_68 = arith.constant 0 : index
      %swap3A_69 = tpu.vector_load %arg5[%swap3A, %swap3A_68] {strides = array<i32>} : memref<80x32xf32, #tpu.memory_space<vmem>>, vector<1x16xf32>,
      %swap3A_70 = vector.shape_cast %swap3A_69 : vector<1x16xf32> to vector<16xf32>
      %swap3A_71 = vector.shape_cast %broadcast_in_dim3A_3 : vector<16xf32> to vector<1x16xf32>
      tpu.vector_store %arg5[%swap3A, %swap3A_68], %swap3A_71 {strides = array<i32>} : memref<80x32xf32, #tpu.memory_space<vmem>>, vector<1x16xf32>,
      %swap3A_72 = arith.index_cast %scan3A_67 : i32 to index
      %swap3A_73 = arith.constant 16 : index
      %swap3A_74 = tpu.vector_load %arg5[%swap3A_72, %swap3A_73] {strides = array<i32>} : memref<80x32xf32, #tpu.memory_space<vmem>>, vector<1x16xf32>,
      %swap3A_75 = vector.shape_cast %swap3A_74 : vector<1x16xf32> to vector<16xf32>
      %swap3A_76 = vector.shape_cast %broadcast_in_dim3A_3 : vector<16xf32> to vector<1x16xf32>
      tpu.vector_store %arg5[%swap3A_72, %swap3A_73], %swap3A_76 {strides = array<i32>} : memref<80x32xf32, #tpu.memory_space<vmem>>, vector<1x16xf32>,
    }
    %scan3A_14 = arith.constant 80 : i32
    %mul3A_15 = arith.constant 632 : i32
    %mul3A_16 = arith.muli %arg1, %mul3A_15 : i32
    "tpu.region"() ({
      %run_scoped3A = tpu.sem_alloc : memref<!tpu.dma_semaphore, #tpu.memory_space<semaphore_mem>>
      %dma_start3A = arith.constant 0 : i32
      %dma_start3A_67 = tpu.memref_slice %arg7[%mul3A_16, %dma_start3A] : memref<10112x32xf32, #tpu.memory_space<vmem_shared>> -> memref<632x32xf32, #tpu.memory_space<vmem_shared>>
      %dma_start3A_68 = arith.constant 0 : i32
      %dma_start3A_69 = tpu.memref_slice %arg7[%mul3A_16, %dma_start3A_68] : memref<10112x32xf32, #tpu.memory_space<vmem_shared>> -> memref<632x32xf32, #tpu.memory_space<vmem_shared>>
      tpu.enqueue_dma source(%arg6 : memref<632x32xf32, #tpu.memory_space<vmem>>) target(%dma_start3A_69 : memref<632x32xf32, #tpu.memory_space<vmem_shared>>) target_semaphore(%run_scoped3A : memref<!tpu.dma_semaphore, #tpu.memory_space<semaphore_mem>>)
      %dma_wait3A_70 = arith.constant 0 : i32
      %dma_wait3A_71 = tpu.memref_slice %arg7[%mul3A_16, %dma_wait3A_70] : memref<10112x32xf32, #tpu.memory_space<vmem_shared>> -> memref<632x32xf32, #tpu.memory_space<vmem_shared>>
      %dma_wait3A_72 = arith.constant 0 : i32
      %dma_wait3A_73 = tpu.memref_slice %arg7[%mul3A_16, %dma_wait3A_72] : memref<10112x32xf32, #tpu.memory_space<vmem_shared>> -> memref<632x32xf32, #tpu.memory_space<vmem_shared>>
      tpu.wait_dma2 semaphore(%run_scoped3A : memref<!tpu.dma_semaphore, #tpu.memory_space<semaphore_mem>>) src(%arg6 : memref<632x32xf32, #tpu.memory_space<vmem>>) dst(%dma_wait3A_73 : memref<632x32xf32, #tpu.memory_space<vmem_shared>>)
      tpu.yield
    }) : () -> ()
    %barrier3A = arith.constant 0 : index
    tpu.barrier barrier_id(%barrier3A)
    %mul3A_17 = arith.constant 125 : i32
    %mul3A_18 = arith.muli %add3A, %mul3A_17 : i32
    "tpu.region"() ({
      %run_scoped3A = tpu.sem_alloc : memref<!tpu.dma_semaphore, #tpu.memory_space<semaphore_mem>>
      %dma_start3A = arith.constant 0 : i32
      %dma_start3A_67 = arith.constant 0 : i32
      %dma_start3A_68 = tpu.memref_slice %arg4[%dma_start3A, %dma_start3A_67] : memref<10x80xi32, #tpu.memory_space<vmem>> -> memref<5x80xi32, #tpu.memory_space<vmem>>
      %dma_start3A_69 = arith.constant 0 : i32
      %dma_start3A_70 = tpu.memref_slice %arg2[%mul3A_18, %dma_start3A_69] : memref<4000x80xi32, #tpu.memory_space<hbm>> -> memref<5x80xi32, #tpu.memory_space<hbm>>
      %dma_start3A_71 = arith.constant 0 : i32
      %dma_start3A_72 = arith.constant 0 : i32
      %dma_start3A_73 = tpu.memref_slice %arg4[%dma_start3A_71, %dma_start3A_72] : memref<10x80xi32, #tpu.memory_space<vmem>> -> memref<5x80xi32, #tpu.memory_space<vmem>>
      %dma_start3A_74 = arith.constant 0 : i32
      %dma_start3A_75 = tpu.memref_slice %arg2[%mul3A_18, %dma_start3A_74] : memref<4000x80xi32, #tpu.memory_space<hbm>> -> memref<5x80xi32, #tpu.memory_space<hbm>>
      tpu.enqueue_dma source(%dma_start3A_75 : memref<5x80xi32, #tpu.memory_space<hbm>>) target(%dma_start3A_73 : memref<5x80xi32, #tpu.memory_space<vmem>>) target_semaphore(%run_scoped3A : memref<!tpu.dma_semaphore, #tpu.memory_space<semaphore_mem>>)
      %dma_wait3A_76 = arith.constant 0 : i32
      %dma_wait3A_77 = arith.constant 0 : i32
      %dma_wait3A_78 = tpu.memref_slice %arg4[%dma_wait3A_76, %dma_wait3A_77] : memref<10x80xi32, #tpu.memory_space<vmem>> -> memref<5x80xi32, #tpu.memory_space<vmem>>
      %dma_wait3A_79 = arith.constant 0 : i32
      %dma_wait3A_80 = tpu.memref_slice %arg2[%mul3A_18, %dma_wait3A_79] : memref<4000x80xi32, #tpu.memory_space<hbm>> -> memref<5x80xi32, #tpu.memory_space<hbm>>
      %dma_wait3A_81 = arith.constant 0 : i32
      %dma_wait3A_82 = arith.constant 0 : i32
      %dma_wait3A_83 = tpu.memref_slice %arg4[%dma_wait3A_81, %dma_wait3A_82] : memref<10x80xi32, #tpu.memory_space<vmem>> -> memref<5x80xi32, #tpu.memory_space<vmem>>
      %dma_wait3A_84 = arith.constant 0 : i32
      %dma_wait3A_85 = tpu.memref_slice %arg2[%mul3A_18, %dma_wait3A_84] : memref<4000x80xi32, #tpu.memory_space<hbm>> -> memref<5x80xi32, #tpu.memory_space<hbm>>
      tpu.wait_dma2 semaphore(%run_scoped3A : memref<!tpu.dma_semaphore, #tpu.memory_space<semaphore_mem>>) src(%dma_wait3A_85 : memref<5x80xi32, #tpu.memory_space<hbm>>) dst(%dma_wait3A_83 : memref<5x80xi32, #tpu.memory_space<vmem>>)
      tpu.yield
    }) : () -> ()
    %scan3A_19 = arith.constant 0 : i32
    %scan3A_20 = arith.constant 0 : i32
    %scan3A_21 = arith.constant 25 : i32
    %scan3A_22 = arith.addi %scan3A_20, %scan3A_21 : i32
    %scan3A_23 = arith.constant 1 : i32
    scf.for %scan3A_67 = %scan3A_20 to %scan3A_22 step %scan3A_23  : i32 {
      %rem3A = arith.constant 2 : i32
      %rem3A_68 = arith.remsi %scan3A_67, %rem3A : i32
      %mul3A_69 = arith.constant 5 : i32
      %mul3A_70 = arith.muli %rem3A_68, %mul3A_69 : i32
      %rem3A_71 = arith.constant 2 : i32
      %rem3A_72 = arith.remsi %scan3A_67, %rem3A_71 : i32
      %sub3A = arith.constant 1 : i32
      %sub3A_73 = arith.subi %sub3A, %rem3A_72 : i32
      %mul3A_74 = arith.constant 5 : i32
      %mul3A_75 = arith.muli %sub3A_73, %mul3A_74 : i32
      %add3A_76 = arith.constant 1 : i32
      %add3A_77 = arith.addi %scan3A_67, %add3A_76 : i32
      %mul3A_78 = arith.constant 5 : i32
      %mul3A_79 = arith.muli %add3A_77, %mul3A_78 : i32
      %add3A_80 = arith.addi %mul3A_18, %mul3A_79 : i32
      %ge3A = arith.constant 1 : i32
      %ge3A_81 = arith.cmpi sge, %scan3A_67, %ge3A : i32
      %convert_element_type3A = arith.extui %ge3A_81 : i1 to i32
      %cond3A = arith.constant 0 : i32
      %cond3A_82 = arith.cmpi ne, %convert_element_type3A, %cond3A : i32
      scf.if %cond3A_82 {
        %add3A_135 = arith.constant 0 : i32
        %add3A_136 = arith.addi %mul3A_75, %add3A_135 : i32
        %dma_wait3A_137 = arith.constant 0 : i32
        %dma_wait3A_138 = tpu.memref_slice %arg4[%add3A_136, %dma_wait3A_137] : memref<10x80xi32, #tpu.memory_space<vmem>> -> memref<1x80xi32, #tpu.memory_space<vmem>>
        %dma_wait3A_139 = tpu.memref_squeeze %dma_wait3A_138 : memref<1x80xi32, #tpu.memory_space<vmem>> -> memref<80xi32, #tpu.memory_space<vmem>>
        %dma_wait3A_140 = arith.constant 0 : i32
        %dma_wait3A_141 = arith.constant 0 : i32
        %dma_wait3A_142 = tpu.memref_slice %arg7[%dma_wait3A_140, %dma_wait3A_141] : memref<10112x32xf32, #tpu.memory_space<vmem_shared>> -> memref<10112x32xf32, #tpu.memory_space<vmem_shared>>
        tpu.wait_indirect_dma semaphore(%arg8 : memref<!tpu.dma_semaphore, #tpu.memory_space<semaphore_mem>>) src(%arg5 : memref<80x32xf32, #tpu.memory_space<vmem>>) dst(%dma_wait3A_142 : memref<10112x32xf32, #tpu.memory_space<vmem_shared>>)
        %add3A_143 = arith.constant 1 : i32
        %add3A_144 = arith.addi %mul3A_75, %add3A_143 : i32
        %dma_wait3A_145 = arith.constant 0 : i32
        %dma_wait3A_146 = tpu.memref_slice %arg4[%add3A_144, %dma_wait3A_145] : memref<10x80xi32, #tpu.memory_space<vmem>> -> memref<1x80xi32, #tpu.memory_space<vmem>>
        %dma_wait3A_147 = tpu.memref_squeeze %dma_wait3A_146 : memref<1x80xi32, #tpu.memory_space<vmem>> -> memref<80xi32, #tpu.memory_space<vmem>>
        %dma_wait3A_148 = arith.constant 0 : i32
        %dma_wait3A_149 = arith.constant 0 : i32
        %dma_wait3A_150 = tpu.memref_slice %arg7[%dma_wait3A_148, %dma_wait3A_149] : memref<10112x32xf32, #tpu.memory_space<vmem_shared>> -> memref<10112x32xf32, #tpu.memory_space<vmem_shared>>
        tpu.wait_indirect_dma semaphore(%arg8 : memref<!tpu.dma_semaphore, #tpu.memory_space<semaphore_mem>>) src(%arg5 : memref<80x32xf32, #tpu.memory_space<vmem>>) dst(%dma_wait3A_150 : memref<10112x32xf32, #tpu.memory_space<vmem_shared>>)
        %add3A_151 = arith.constant 2 : i32
        %add3A_152 = arith.addi %mul3A_75, %add3A_151 : i32
        %dma_wait3A_153 = arith.constant 0 : i32
        %dma_wait3A_154 = tpu.memref_slice %arg4[%add3A_152, %dma_wait3A_153] : memref<10x80xi32, #tpu.memory_space<vmem>> -> memref<1x80xi32, #tpu.memory_space<vmem>>
        %dma_wait3A_155 = tpu.memref_squeeze %dma_wait3A_154 : memref<1x80xi32, #tpu.memory_space<vmem>> -> memref<80xi32, #tpu.memory_space<vmem>>
        %dma_wait3A_156 = arith.constant 0 : i32
        %dma_wait3A_157 = arith.constant 0 : i32
        %dma_wait3A_158 = tpu.memref_slice %arg7[%dma_wait3A_156, %dma_wait3A_157] : memref<10112x32xf32, #tpu.memory_space<vmem_shared>> -> memref<10112x32xf32, #tpu.memory_space<vmem_shared>>
        tpu.wait_indirect_dma semaphore(%arg8 : memref<!tpu.dma_semaphore, #tpu.memory_space<semaphore_mem>>) src(%arg5 : memref<80x32xf32, #tpu.memory_space<vmem>>) dst(%dma_wait3A_158 : memref<10112x32xf32, #tpu.memory_space<vmem_shared>>)
        %add3A_159 = arith.constant 3 : i32
        %add3A_160 = arith.addi %mul3A_75, %add3A_159 : i32
        %dma_wait3A_161 = arith.constant 0 : i32
        %dma_wait3A_162 = tpu.memref_slice %arg4[%add3A_160, %dma_wait3A_161] : memref<10x80xi32, #tpu.memory_space<vmem>> -> memref<1x80xi32, #tpu.memory_space<vmem>>
        %dma_wait3A_163 = tpu.memref_squeeze %dma_wait3A_162 : memref<1x80xi32, #tpu.memory_space<vmem>> -> memref<80xi32, #tpu.memory_space<vmem>>
        %dma_wait3A_164 = arith.constant 0 : i32
        %dma_wait3A_165 = arith.constant 0 : i32
        %dma_wait3A_166 = tpu.memref_slice %arg7[%dma_wait3A_164, %dma_wait3A_165] : memref<10112x32xf32, #tpu.memory_space<vmem_shared>> -> memref<10112x32xf32, #tpu.memory_space<vmem_shared>>
        tpu.wait_indirect_dma semaphore(%arg8 : memref<!tpu.dma_semaphore, #tpu.memory_space<semaphore_mem>>) src(%arg5 : memref<80x32xf32, #tpu.memory_space<vmem>>) dst(%dma_wait3A_166 : memref<10112x32xf32, #tpu.memory_space<vmem_shared>>)
        %add3A_167 = arith.constant 4 : i32
        %add3A_168 = arith.addi %mul3A_75, %add3A_167 : i32
        %dma_wait3A_169 = arith.constant 0 : i32
        %dma_wait3A_170 = tpu.memref_slice %arg4[%add3A_168, %dma_wait3A_169] : memref<10x80xi32, #tpu.memory_space<vmem>> -> memref<1x80xi32, #tpu.memory_space<vmem>>
        %dma_wait3A_171 = tpu.memref_squeeze %dma_wait3A_170 : memref<1x80xi32, #tpu.memory_space<vmem>> -> memref<80xi32, #tpu.memory_space<vmem>>
        %dma_wait3A_172 = arith.constant 0 : i32
        %dma_wait3A_173 = arith.constant 0 : i32
        %dma_wait3A_174 = tpu.memref_slice %arg7[%dma_wait3A_172, %dma_wait3A_173] : memref<10112x32xf32, #tpu.memory_space<vmem_shared>> -> memref<10112x32xf32, #tpu.memory_space<vmem_shared>>
        tpu.wait_indirect_dma semaphore(%arg8 : memref<!tpu.dma_semaphore, #tpu.memory_space<semaphore_mem>>) src(%arg5 : memref<80x32xf32, #tpu.memory_space<vmem>>) dst(%dma_wait3A_174 : memref<10112x32xf32, #tpu.memory_space<vmem_shared>>)
      } else {
      }
      %add3A_83 = arith.constant 1 : i32
      %add3A_84 = arith.addi %scan3A_67, %add3A_83 : i32
      %lt3A = arith.constant 25 : i32
      %lt3A_85 = arith.cmpi slt, %add3A_84, %lt3A : i32
      %convert_element_type3A_86 = arith.extui %lt3A_85 : i1 to i32
      %cond3A_87 = arith.constant 0 : i32
      %cond3A_88 = arith.cmpi ne, %convert_element_type3A_86, %cond3A_87 : i32
      scf.if %cond3A_88 {
        %dma_start3A_135 = arith.constant 0 : i32
        %dma_start3A_136 = tpu.memref_slice %arg4[%mul3A_75, %dma_start3A_135] : memref<10x80xi32, #tpu.memory_space<vmem>> -> memref<5x80xi32, #tpu.memory_space<vmem>>
        %dma_start3A_137 = arith.constant 0 : i32
        %dma_start3A_138 = tpu.memref_slice %arg2[%add3A_80, %dma_start3A_137] : memref<4000x80xi32, #tpu.memory_space<hbm>> -> memref<5x80xi32, #tpu.memory_space<hbm>>
        %dma_start3A_139 = arith.constant 0 : i32
        %dma_start3A_140 = tpu.memref_slice %arg4[%mul3A_75, %dma_start3A_139] : memref<10x80xi32, #tpu.memory_space<vmem>> -> memref<5x80xi32, #tpu.memory_space<vmem>>
        %dma_start3A_141 = arith.constant 0 : i32
        %dma_start3A_142 = tpu.memref_slice %arg2[%add3A_80, %dma_start3A_141] : memref<4000x80xi32, #tpu.memory_space<hbm>> -> memref<5x80xi32, #tpu.memory_space<hbm>>
        tpu.enqueue_dma source(%dma_start3A_142 : memref<5x80xi32, #tpu.memory_space<hbm>>) target(%dma_start3A_140 : memref<5x80xi32, #tpu.memory_space<vmem>>) target_semaphore(%arg9 : memref<!tpu.dma_semaphore, #tpu.memory_space<semaphore_mem>>)
      } else {
      }
      %add3A_89 = arith.constant 0 : i32
      %add3A_90 = arith.addi %mul3A_70, %add3A_89 : i32
      %dma_start3A = arith.constant 0 : i32
      %dma_start3A_91 = tpu.memref_slice %arg4[%add3A_90, %dma_start3A] : memref<10x80xi32, #tpu.memory_space<vmem>> -> memref<1x80xi32, #tpu.memory_space<vmem>>
      %dma_start3A_92 = tpu.memref_squeeze %dma_start3A_91 : memref<1x80xi32, #tpu.memory_space<vmem>> -> memref<80xi32, #tpu.memory_space<vmem>>
      %dma_start3A_93 = arith.constant 0 : i32
      %dma_start3A_94 = arith.constant 0 : i32
      %dma_start3A_95 = tpu.memref_slice %arg7[%dma_start3A_93, %dma_start3A_94] : memref<10112x32xf32, #tpu.memory_space<vmem_shared>> -> memref<10112x32xf32, #tpu.memory_space<vmem_shared>>
      tpu.enqueue_indirect_dma source(%arg5 : memref<80x32xf32, #tpu.memory_space<vmem>>) target(%dma_start3A_95 : memref<10112x32xf32, #tpu.memory_space<vmem_shared>>) offsets(%dma_start3A_92 : memref<80xi32, #tpu.memory_space<vmem>>) semaphore(%arg8 : memref<!tpu.dma_semaphore, #tpu.memory_space<semaphore_mem>>) {add = true}
      %add3A_96 = arith.constant 1 : i32
      %add3A_97 = arith.addi %mul3A_70, %add3A_96 : i32
      %dma_start3A_98 = arith.constant 0 : i32
      %dma_start3A_99 = tpu.memref_slice %arg4[%add3A_97, %dma_start3A_98] : memref<10x80xi32, #tpu.memory_space<vmem>> -> memref<1x80xi32, #tpu.memory_space<vmem>>
      %dma_start3A_100 = tpu.memref_squeeze %dma_start3A_99 : memref<1x80xi32, #tpu.memory_space<vmem>> -> memref<80xi32, #tpu.memory_space<vmem>>
      %dma_start3A_101 = arith.constant 0 : i32
      %dma_start3A_102 = arith.constant 0 : i32
      %dma_start3A_103 = tpu.memref_slice %arg7[%dma_start3A_101, %dma_start3A_102] : memref<10112x32xf32, #tpu.memory_space<vmem_shared>> -> memref<10112x32xf32, #tpu.memory_space<vmem_shared>>
      tpu.enqueue_indirect_dma source(%arg5 : memref<80x32xf32, #tpu.memory_space<vmem>>) target(%dma_start3A_103 : memref<10112x32xf32, #tpu.memory_space<vmem_shared>>) offsets(%dma_start3A_100 : memref<80xi32, #tpu.memory_space<vmem>>) semaphore(%arg8 : memref<!tpu.dma_semaphore, #tpu.memory_space<semaphore_mem>>) {add = true}
      %add3A_104 = arith.constant 2 : i32
      %add3A_105 = arith.addi %mul3A_70, %add3A_104 : i32
      %dma_start3A_106 = arith.constant 0 : i32
      %dma_start3A_107 = tpu.memref_slice %arg4[%add3A_105, %dma_start3A_106] : memref<10x80xi32, #tpu.memory_space<vmem>> -> memref<1x80xi32, #tpu.memory_space<vmem>>
      %dma_start3A_108 = tpu.memref_squeeze %dma_start3A_107 : memref<1x80xi32, #tpu.memory_space<vmem>> -> memref<80xi32, #tpu.memory_space<vmem>>
      %dma_start3A_109 = arith.constant 0 : i32
      %dma_start3A_110 = arith.constant 0 : i32
      %dma_start3A_111 = tpu.memref_slice %arg7[%dma_start3A_109, %dma_start3A_110] : memref<10112x32xf32, #tpu.memory_space<vmem_shared>> -> memref<10112x32xf32, #tpu.memory_space<vmem_shared>>
      tpu.enqueue_indirect_dma source(%arg5 : memref<80x32xf32, #tpu.memory_space<vmem>>) target(%dma_start3A_111 : memref<10112x32xf32, #tpu.memory_space<vmem_shared>>) offsets(%dma_start3A_108 : memref<80xi32, #tpu.memory_space<vmem>>) semaphore(%arg8 : memref<!tpu.dma_semaphore, #tpu.memory_space<semaphore_mem>>) {add = true}
      %add3A_112 = arith.constant 3 : i32
      %add3A_113 = arith.addi %mul3A_70, %add3A_112 : i32
      %dma_start3A_114 = arith.constant 0 : i32
      %dma_start3A_115 = tpu.memref_slice %arg4[%add3A_113, %dma_start3A_114] : memref<10x80xi32, #tpu.memory_space<vmem>> -> memref<1x80xi32, #tpu.memory_space<vmem>>
      %dma_start3A_116 = tpu.memref_squeeze %dma_start3A_115 : memref<1x80xi32, #tpu.memory_space<vmem>> -> memref<80xi32, #tpu.memory_space<vmem>>
      %dma_start3A_117 = arith.constant 0 : i32
      %dma_start3A_118 = arith.constant 0 : i32
      %dma_start3A_119 = tpu.memref_slice %arg7[%dma_start3A_117, %dma_start3A_118] : memref<10112x32xf32, #tpu.memory_space<vmem_shared>> -> memref<10112x32xf32, #tpu.memory_space<vmem_shared>>
      tpu.enqueue_indirect_dma source(%arg5 : memref<80x32xf32, #tpu.memory_space<vmem>>) target(%dma_start3A_119 : memref<10112x32xf32, #tpu.memory_space<vmem_shared>>) offsets(%dma_start3A_116 : memref<80xi32, #tpu.memory_space<vmem>>) semaphore(%arg8 : memref<!tpu.dma_semaphore, #tpu.memory_space<semaphore_mem>>) {add = true}
      %add3A_120 = arith.constant 4 : i32
      %add3A_121 = arith.addi %mul3A_70, %add3A_120 : i32
      %dma_start3A_122 = arith.constant 0 : i32
      %dma_start3A_123 = tpu.memref_slice %arg4[%add3A_121, %dma_start3A_122] : memref<10x80xi32, #tpu.memory_space<vmem>> -> memref<1x80xi32, #tpu.memory_space<vmem>>
      %dma_start3A_124 = tpu.memref_squeeze %dma_start3A_123 : memref<1x80xi32, #tpu.memory_space<vmem>> -> memref<80xi32, #tpu.memory_space<vmem>>
      %dma_start3A_125 = arith.constant 0 : i32
      %dma_start3A_126 = arith.constant 0 : i32
      %dma_start3A_127 = tpu.memref_slice %arg7[%dma_start3A_125, %dma_start3A_126] : memref<10112x32xf32, #tpu.memory_space<vmem_shared>> -> memref<10112x32xf32, #tpu.memory_space<vmem_shared>>
      tpu.enqueue_indirect_dma source(%arg5 : memref<80x32xf32, #tpu.memory_space<vmem>>) target(%dma_start3A_127 : memref<10112x32xf32, #tpu.memory_space<vmem_shared>>) offsets(%dma_start3A_124 : memref<80xi32, #tpu.memory_space<vmem>>) semaphore(%arg8 : memref<!tpu.dma_semaphore, #tpu.memory_space<semaphore_mem>>) {add = true}
      %add3A_128 = arith.constant 1 : i32
      %add3A_129 = arith.addi %scan3A_67, %add3A_128 : i32
      %lt3A_130 = arith.constant 25 : i32
      %lt3A_131 = arith.cmpi slt, %add3A_129, %lt3A_130 : i32
      %convert_element_type3A_132 = arith.extui %lt3A_131 : i1 to i32
      %cond3A_133 = arith.constant 0 : i32
      %cond3A_134 = arith.cmpi ne, %convert_element_type3A_132, %cond3A_133 : i32
      scf.if %cond3A_134 {
        %dma_wait3A_135 = arith.constant 0 : i32
        %dma_wait3A_136 = tpu.memref_slice %arg4[%mul3A_75, %dma_wait3A_135] : memref<10x80xi32, #tpu.memory_space<vmem>> -> memref<5x80xi32, #tpu.memory_space<vmem>>
        %dma_wait3A_137 = arith.constant 0 : i32
        %dma_wait3A_138 = tpu.memref_slice %arg2[%add3A_80, %dma_wait3A_137] : memref<4000x80xi32, #tpu.memory_space<hbm>> -> memref<5x80xi32, #tpu.memory_space<hbm>>
        %dma_wait3A_139 = arith.constant 0 : i32
        %dma_wait3A_140 = tpu.memref_slice %arg4[%mul3A_75, %dma_wait3A_139] : memref<10x80xi32, #tpu.memory_space<vmem>> -> memref<5x80xi32, #tpu.memory_space<vmem>>
        %dma_wait3A_141 = arith.constant 0 : i32
        %dma_wait3A_142 = tpu.memref_slice %arg2[%add3A_80, %dma_wait3A_141] : memref<4000x80xi32, #tpu.memory_space<hbm>> -> memref<5x80xi32, #tpu.memory_space<hbm>>
        tpu.wait_dma2 semaphore(%arg9 : memref<!tpu.dma_semaphore, #tpu.memory_space<semaphore_mem>>) src(%dma_wait3A_142 : memref<5x80xi32, #tpu.memory_space<hbm>>) dst(%dma_wait3A_140 : memref<5x80xi32, #tpu.memory_space<vmem>>)
      } else {
      }
    }
    %scan3A_24 = arith.constant 25 : i32
    %dma_wait3A = arith.constant 0 : i32
    %dma_wait3A_25 = arith.constant 0 : i32
    %dma_wait3A_26 = tpu.memref_slice %arg4[%dma_wait3A, %dma_wait3A_25] : memref<10x80xi32, #tpu.memory_space<vmem>> -> memref<1x80xi32, #tpu.memory_space<vmem>>
    %dma_wait3A_27 = tpu.memref_squeeze %dma_wait3A_26 : memref<1x80xi32, #tpu.memory_space<vmem>> -> memref<80xi32, #tpu.memory_space<vmem>>
    %dma_wait3A_28 = arith.constant 0 : i32
    %dma_wait3A_29 = arith.constant 0 : i32
    %dma_wait3A_30 = tpu.memref_slice %arg7[%dma_wait3A_28, %dma_wait3A_29] : memref<10112x32xf32, #tpu.memory_space<vmem_shared>> -> memref<10112x32xf32, #tpu.memory_space<vmem_shared>>
    tpu.wait_indirect_dma semaphore(%arg8 : memref<!tpu.dma_semaphore, #tpu.memory_space<semaphore_mem>>) src(%arg5 : memref<80x32xf32, #tpu.memory_space<vmem>>) dst(%dma_wait3A_30 : memref<10112x32xf32, #tpu.memory_space<vmem_shared>>)
    %dma_wait3A_31 = arith.constant 1 : i32
    %dma_wait3A_32 = arith.constant 0 : i32
    %dma_wait3A_33 = tpu.memref_slice %arg4[%dma_wait3A_31, %dma_wait3A_32] : memref<10x80xi32, #tpu.memory_space<vmem>> -> memref<1x80xi32, #tpu.memory_space<vmem>>
    %dma_wait3A_34 = tpu.memref_squeeze %dma_wait3A_33 : memref<1x80xi32, #tpu.memory_space<vmem>> -> memref<80xi32, #tpu.memory_space<vmem>>
    %dma_wait3A_35 = arith.constant 0 : i32
    %dma_wait3A_36 = arith.constant 0 : i32
    %dma_wait3A_37 = tpu.memref_slice %arg7[%dma_wait3A_35, %dma_wait3A_36] : memref<10112x32xf32, #tpu.memory_space<vmem_shared>> -> memref<10112x32xf32, #tpu.memory_space<vmem_shared>>
    tpu.wait_indirect_dma semaphore(%arg8 : memref<!tpu.dma_semaphore, #tpu.memory_space<semaphore_mem>>) src(%arg5 : memref<80x32xf32, #tpu.memory_space<vmem>>) dst(%dma_wait3A_37 : memref<10112x32xf32, #tpu.memory_space<vmem_shared>>)
    %dma_wait3A_38 = arith.constant 2 : i32
    %dma_wait3A_39 = arith.constant 0 : i32
    %dma_wait3A_40 = tpu.memref_slice %arg4[%dma_wait3A_38, %dma_wait3A_39] : memref<10x80xi32, #tpu.memory_space<vmem>> -> memref<1x80xi32, #tpu.memory_space<vmem>>
    %dma_wait3A_41 = tpu.memref_squeeze %dma_wait3A_40 : memref<1x80xi32, #tpu.memory_space<vmem>> -> memref<80xi32, #tpu.memory_space<vmem>>
    %dma_wait3A_42 = arith.constant 0 : i32
    %dma_wait3A_43 = arith.constant 0 : i32
    %dma_wait3A_44 = tpu.memref_slice %arg7[%dma_wait3A_42, %dma_wait3A_43] : memref<10112x32xf32, #tpu.memory_space<vmem_shared>> -> memref<10112x32xf32, #tpu.memory_space<vmem_shared>>
    tpu.wait_indirect_dma semaphore(%arg8 : memref<!tpu.dma_semaphore, #tpu.memory_space<semaphore_mem>>) src(%arg5 : memref<80x32xf32, #tpu.memory_space<vmem>>) dst(%dma_wait3A_44 : memref<10112x32xf32, #tpu.memory_space<vmem_shared>>)
    %dma_wait3A_45 = arith.constant 3 : i32
    %dma_wait3A_46 = arith.constant 0 : i32
    %dma_wait3A_47 = tpu.memref_slice %arg4[%dma_wait3A_45, %dma_wait3A_46] : memref<10x80xi32, #tpu.memory_space<vmem>> -> memref<1x80xi32, #tpu.memory_space<vmem>>
    %dma_wait3A_48 = tpu.memref_squeeze %dma_wait3A_47 : memref<1x80xi32, #tpu.memory_space<vmem>> -> memref<80xi32, #tpu.memory_space<vmem>>
    %dma_wait3A_49 = arith.constant 0 : i32
    %dma_wait3A_50 = arith.constant 0 : i32
    %dma_wait3A_51 = tpu.memref_slice %arg7[%dma_wait3A_49, %dma_wait3A_50] : memref<10112x32xf32, #tpu.memory_space<vmem_shared>> -> memref<10112x32xf32, #tpu.memory_space<vmem_shared>>
    tpu.wait_indirect_dma semaphore(%arg8 : memref<!tpu.dma_semaphore, #tpu.memory_space<semaphore_mem>>) src(%arg5 : memref<80x32xf32, #tpu.memory_space<vmem>>) dst(%dma_wait3A_51 : memref<10112x32xf32, #tpu.memory_space<vmem_shared>>)
    %dma_wait3A_52 = arith.constant 4 : i32
    %dma_wait3A_53 = arith.constant 0 : i32
    %dma_wait3A_54 = tpu.memref_slice %arg4[%dma_wait3A_52, %dma_wait3A_53] : memref<10x80xi32, #tpu.memory_space<vmem>> -> memref<1x80xi32, #tpu.memory_space<vmem>>
    %dma_wait3A_55 = tpu.memref_squeeze %dma_wait3A_54 : memref<1x80xi32, #tpu.memory_space<vmem>> -> memref<80xi32, #tpu.memory_space<vmem>>
    %dma_wait3A_56 = arith.constant 0 : i32
    %dma_wait3A_57 = arith.constant 0 : i32
    %dma_wait3A_58 = tpu.memref_slice %arg7[%dma_wait3A_56, %dma_wait3A_57] : memref<10112x32xf32, #tpu.memory_space<vmem_shared>> -> memref<10112x32xf32, #tpu.memory_space<vmem_shared>>
    tpu.wait_indirect_dma semaphore(%arg8 : memref<!tpu.dma_semaphore, #tpu.memory_space<semaphore_mem>>) src(%arg5 : memref<80x32xf32, #tpu.memory_space<vmem>>) dst(%dma_wait3A_58 : memref<10112x32xf32, #tpu.memory_space<vmem_shared>>)
    %barrier3A_59 = arith.constant 0 : index
    tpu.barrier barrier_id(%barrier3A_59)
    %mul3A_60 = arith.constant 632 : i32
    %mul3A_61 = arith.muli %arg1, %mul3A_60 : i32
    %mul3A_62 = arith.constant 10112 : i32
    %mul3A_63 = arith.muli %arg0, %mul3A_62 : i32
    %mul3A_64 = arith.constant 632 : i32
    %mul3A_65 = arith.muli %arg1, %mul3A_64 : i32
    %add3A_66 = arith.addi %mul3A_63, %mul3A_65 : i32
    "tpu.region"() ({
      %run_scoped3A = tpu.sem_alloc : memref<!tpu.dma_semaphore, #tpu.memory_space<semaphore_mem>>
      %dma_start3A = arith.constant 0 : i32
      %dma_start3A_67 = tpu.memref_slice %arg3[%add3A_66, %dma_start3A] : memref<20224x32xf32, #tpu.memory_space<hbm>> -> memref<632x32xf32, #tpu.memory_space<hbm>>
      %dma_start3A_68 = arith.constant 0 : i32
      %dma_start3A_69 = tpu.memref_slice %arg7[%mul3A_61, %dma_start3A_68] : memref<10112x32xf32, #tpu.memory_space<vmem_shared>> -> memref<632x32xf32, #tpu.memory_space<vmem_shared>>
      tpu.enqueue_dma source(%dma_start3A_69 : memref<632x32xf32, #tpu.memory_space<vmem_shared>>) target(%dma_start3A_67 : memref<632x32xf32, #tpu.memory_space<hbm>>) target_semaphore(%run_scoped3A : memref<!tpu.dma_semaphore, #tpu.memory_space<semaphore_mem>>)
      %dma_wait3A_70 = arith.constant 0 : i32
      %dma_wait3A_71 = tpu.memref_slice %arg3[%add3A_66, %dma_wait3A_70] : memref<20224x32xf32, #tpu.memory_space<hbm>> -> memref<632x32xf32, #tpu.memory_space<hbm>>
      %dma_wait3A_72 = arith.constant 0 : i32
      %dma_wait3A_73 = tpu.memref_slice %arg7[%mul3A_61, %dma_wait3A_72] : memref<10112x32xf32, #tpu.memory_space<vmem_shared>> -> memref<632x32xf32, #tpu.memory_space<vmem_shared>>
      tpu.wait_dma2 semaphore(%run_scoped3A : memref<!tpu.dma_semaphore, #tpu.memory_space<semaphore_mem>>) src(%dma_wait3A_73 : memref<632x32xf32, #tpu.memory_space<vmem_shared>>) dst(%dma_wait3A_71 : memref<632x32xf32, #tpu.memory_space<hbm>>)
      tpu.yield
    }) : () -> ()
    return
  }
}

module attributes {stable_mosaic.version = 14 : i64} {
  func.func @_tc1_body(%arg0: i32, %arg1: memref<2x1264x64xf32, #tpu.memory_space<vmem>>, %arg2: memref<2x1264x32xf32, #tpu.memory_space<vmem>>, %arg3: memref<128x128xf32, #tpu.memory_space<vmem>>, %arg4: memref<1x128xf32, #tpu.memory_space<vmem>>, %arg5: memref<1264x128xf32, #tpu.memory_space<vmem>>) attributes {dimension_semantics = [#tpu.dimension_semantics<arbitrary>], iteration_bounds = array<i64: 8>, scalar_prefetch = 0 : i64, scratch_operands = 0 : i64, tpu.core_type = #tpu.core_type<tc>, window_params = [{transform_indices = @transform_0, window_bounds = array<i64: 2, 1264, 64>}, {transform_indices = @transform_1, window_bounds = array<i64: 2, 1264, 32>}, {pipeline_mode = #tpu.pipeline_mode<synchronous>, transform_indices = @transform_2, window_bounds = array<i64: 128, 128>}, {pipeline_mode = #tpu.pipeline_mode<synchronous>, transform_indices = @transform_3, window_bounds = array<i64: 1, 128>}, {transform_indices = @transform_4, window_bounds = array<i64: 1264, 128>}]} {
    %get3A = arith.constant 0 : index
    %get3A_0 = arith.constant 0 : index
    %get3A_1 = arith.constant 0 : index
    %get3A_2 = vector.load %arg1[%get3A, %get3A_0, %get3A_1] : memref<2x1264x64xf32, #tpu.memory_space<vmem>>, vector<1x1264x64xf32>
    %get3A_3 = vector.shape_cast %get3A_2 : vector<1x1264x64xf32> to vector<1264x64xf32>
    %get3A_4 = arith.constant 1 : index
    %get3A_5 = arith.constant 0 : index
    %get3A_6 = arith.constant 0 : index
    %get3A_7 = vector.load %arg1[%get3A_4, %get3A_5, %get3A_6] : memref<2x1264x64xf32, #tpu.memory_space<vmem>>, vector<1x1264x64xf32>
    %get3A_8 = vector.shape_cast %get3A_7 : vector<1x1264x64xf32> to vector<1264x64xf32>
    %concatenate3A = tpu.concatenate %get3A_3, %get3A_8 in 1 : vector<1264x64xf32>, vector<1264x64xf32> -> vector<1264x128xf32>
    %get3A_9 = arith.constant 0 : index
    %get3A_10 = arith.constant 0 : index
    %get3A_11 = arith.constant 0 : index
    %get3A_12 = vector.load %arg2[%get3A_9, %get3A_10, %get3A_11] : memref<2x1264x32xf32, #tpu.memory_space<vmem>>, vector<1x1264x1xf32>
    %get3A_13 = vector.shape_cast %get3A_12 : vector<1x1264x1xf32> to vector<1264x1xf32>
    %get3A_14 = arith.constant 1 : index
    %get3A_15 = arith.constant 0 : index
    %get3A_16 = arith.constant 0 : index
    %get3A_17 = vector.load %arg2[%get3A_14, %get3A_15, %get3A_16] : memref<2x1264x32xf32, #tpu.memory_space<vmem>>, vector<1x1264x1xf32>
    %get3A_18 = vector.shape_cast %get3A_17 : vector<1x1264x1xf32> to vector<1264x1xf32>
    %add3A = arith.addf %get3A_13, %get3A_18 : vector<1264x1xf32>
    %max3A = arith.constant 1.000000e+00 : f32
    %max3A_19 = vector.broadcast %max3A : f32 to vector<1264x1xf32>
    %max3A_20 = arith.maximumf %add3A, %max3A_19 : vector<1264x1xf32>
    %div3A = vector.broadcast %max3A_20 : vector<1264x1xf32> to vector<1264x128xf32>
    %div3A_21 = arith.divf %concatenate3A, %div3A : vector<1264x128xf32>
    %get3A_22 = arith.constant 0 : index
    %get3A_23 = arith.constant 0 : index
    %get3A_24 = vector.load %arg3[%get3A_22, %get3A_23] : memref<128x128xf32, #tpu.memory_space<vmem>>, vector<128x128xf32>
    %dot_general3A = arith.constant dense<0.000000e+00> : vector<1264x128xf32>
    %dot_general3A_25 = tpu.matmul %div3A_21, %get3A_24, %dot_general3A {dimension_numbers = #tpu.dot_dimension_numbers<[1], [1], [0], [0], [0, 0, 1, 0], [], []>, transpose_lhs_hint = false} : vector<1264x128xf32>, vector<128x128xf32>, vector<1264x128xf32> -> vector<1264x128xf32>
    %get3A_26 = arith.constant 0 : index
    %get3A_27 = arith.constant 0 : index
    %get3A_28 = vector.load %arg4[%get3A_26, %get3A_27] : memref<1x128xf32, #tpu.memory_space<vmem>>, vector<1x128xf32>
    %add3A_29 = vector.broadcast %get3A_28 : vector<1x128xf32> to vector<1264x128xf32>
    %add3A_30 = arith.addf %dot_general3A_25, %add3A_29 : vector<1264x128xf32>
    %max3A_31 = arith.constant 0.000000e+00 : f32
    %max3A_32 = vector.broadcast %max3A_31 : f32 to vector<1264x128xf32>
    %max3A_33 = arith.maximumf %add3A_30, %max3A_32 : vector<1264x128xf32>
    %swap3A = arith.constant 0 : index
    %swap3A_34 = arith.constant 0 : index
    %swap3A_35 = vector.load %arg5[%swap3A, %swap3A_34] : memref<1264x128xf32, #tpu.memory_space<vmem>>, vector<1264x128xf32>
    tpu.vector_store %arg5[%swap3A, %swap3A_34], %max3A_33 {strides = array<i32>} : memref<1264x128xf32, #tpu.memory_space<vmem>>, vector<1264x128xf32>,
    return
  }
  func.func @transform_0(%arg0: i32) -> (i32, i32, i32) {
    %c0_i32 = arith.constant 0 : i32
    %c0_i32_0 = arith.constant 0 : i32
    %c0_i32_1 = arith.constant 0 : i32
    return %c0_i32, %arg0, %c0_i32_0 : i32, i32, i32
  }
  func.func @transform_1(%arg0: i32) -> (i32, i32, i32) {
    %c0_i32 = arith.constant 0 : i32
    %c0_i32_0 = arith.constant 0 : i32
    %c0_i32_1 = arith.constant 0 : i32
    return %c0_i32, %arg0, %c0_i32_0 : i32, i32, i32
  }
  func.func @transform_2(%arg0: i32) -> (i32, i32) {
    %c0_i32 = arith.constant 0 : i32
    %c0_i32_0 = arith.constant 0 : i32
    %c0_i32_1 = arith.constant 0 : i32
    return %c0_i32, %c0_i32_0 : i32, i32
  }
  func.func @transform_3(%arg0: i32) -> (i32, i32) {
    %c0_i32 = arith.constant 0 : i32
    %c0_i32_0 = arith.constant 0 : i32
    %c0_i32_1 = arith.constant 0 : i32
    return %c0_i32, %c0_i32_0 : i32, i32
  }
  func.func @transform_4(%arg0: i32) -> (i32, i32) {
    %c0_i32 = arith.constant 0 : i32
    %c0_i32_0 = arith.constant 0 : i32
    return %arg0, %c0_i32 : i32, i32
  }
}

module attributes {stable_mosaic.version = 14 : i64} {
  func.func @_tc2_body(%arg0: memref<2x2048x64xf32, #tpu.memory_space<vmem>>, %arg1: memref<2x2048x32xf32, #tpu.memory_space<vmem>>, %arg2: memref<64x128xf32, #tpu.memory_space<vmem>>, %arg3: memref<1x64xf32, #tpu.memory_space<vmem>>, %arg4: memref<2048x64xf32, #tpu.memory_space<vmem>>) attributes {dimension_semantics = [], scalar_prefetch = 0 : i64, scratch_operands = 0 : i64, tpu.core_type = #tpu.core_type<tc>} {
    %get3A = arith.constant 0 : index
    %get3A_0 = arith.constant 0 : index
    %get3A_1 = arith.constant 0 : index
    %get3A_2 = vector.load %arg0[%get3A, %get3A_0, %get3A_1] : memref<2x2048x64xf32, #tpu.memory_space<vmem>>, vector<1x2048x64xf32>
    %get3A_3 = vector.shape_cast %get3A_2 : vector<1x2048x64xf32> to vector<2048x64xf32>
    %get3A_4 = arith.constant 1 : index
    %get3A_5 = arith.constant 0 : index
    %get3A_6 = arith.constant 0 : index
    %get3A_7 = vector.load %arg0[%get3A_4, %get3A_5, %get3A_6] : memref<2x2048x64xf32, #tpu.memory_space<vmem>>, vector<1x2048x64xf32>
    %get3A_8 = vector.shape_cast %get3A_7 : vector<1x2048x64xf32> to vector<2048x64xf32>
    %concatenate3A = tpu.concatenate %get3A_3, %get3A_8 in 1 : vector<2048x64xf32>, vector<2048x64xf32> -> vector<2048x128xf32>
    %get3A_9 = arith.constant 0 : index
    %get3A_10 = arith.constant 0 : index
    %get3A_11 = arith.constant 0 : index
    %get3A_12 = vector.load %arg1[%get3A_9, %get3A_10, %get3A_11] : memref<2x2048x32xf32, #tpu.memory_space<vmem>>, vector<1x2048x1xf32>
    %get3A_13 = vector.shape_cast %get3A_12 : vector<1x2048x1xf32> to vector<2048x1xf32>
    %get3A_14 = arith.constant 1 : index
    %get3A_15 = arith.constant 0 : index
    %get3A_16 = arith.constant 0 : index
    %get3A_17 = vector.load %arg1[%get3A_14, %get3A_15, %get3A_16] : memref<2x2048x32xf32, #tpu.memory_space<vmem>>, vector<1x2048x1xf32>
    %get3A_18 = vector.shape_cast %get3A_17 : vector<1x2048x1xf32> to vector<2048x1xf32>
    %add3A = arith.addf %get3A_13, %get3A_18 : vector<2048x1xf32>
    %max3A = arith.constant 1.000000e+00 : f32
    %max3A_19 = vector.broadcast %max3A : f32 to vector<2048x1xf32>
    %max3A_20 = arith.maximumf %add3A, %max3A_19 : vector<2048x1xf32>
    %div3A = vector.broadcast %max3A_20 : vector<2048x1xf32> to vector<2048x128xf32>
    %div3A_21 = arith.divf %concatenate3A, %div3A : vector<2048x128xf32>
    %get3A_22 = arith.constant 0 : index
    %get3A_23 = arith.constant 0 : index
    %get3A_24 = vector.load %arg2[%get3A_22, %get3A_23] : memref<64x128xf32, #tpu.memory_space<vmem>>, vector<64x128xf32>
    %dot_general3A = arith.constant dense<0.000000e+00> : vector<2048x64xf32>
    %dot_general3A_25 = tpu.matmul %div3A_21, %get3A_24, %dot_general3A {dimension_numbers = #tpu.dot_dimension_numbers<[1], [1], [0], [0], [0, 0, 1, 0], [], []>, transpose_lhs_hint = false} : vector<2048x128xf32>, vector<64x128xf32>, vector<2048x64xf32> -> vector<2048x64xf32>
    %get3A_26 = arith.constant 0 : index
    %get3A_27 = arith.constant 0 : index
    %get3A_28 = vector.load %arg3[%get3A_26, %get3A_27] : memref<1x64xf32, #tpu.memory_space<vmem>>, vector<1x64xf32>
    %add3A_29 = vector.broadcast %get3A_28 : vector<1x64xf32> to vector<2048x64xf32>
    %add3A_30 = arith.addf %dot_general3A_25, %add3A_29 : vector<2048x64xf32>
    %reduce_max3A = arith.constant dense<0xFF800000> : vector<2048xf32>
    %reduce_max3A_31 = vector.multi_reduction <maximumf>, %add3A_30, %reduce_max3A [1] : vector<2048x64xf32> to vector<2048xf32>
    %broadcast_in_dim3A = vector.shape_cast %reduce_max3A_31 : vector<2048xf32> to vector<2048x1xf32>
    %sub3A = vector.broadcast %broadcast_in_dim3A : vector<2048x1xf32> to vector<2048x64xf32>
    %sub3A_32 = arith.subf %add3A_30, %sub3A : vector<2048x64xf32>
    %exp3A = math.exp %sub3A_32 : vector<2048x64xf32>
    %reduce_sum3A = arith.constant dense<0.000000e+00> : vector<2048xf32>
    %reduce_sum3A_33 = vector.multi_reduction <add>, %exp3A, %reduce_sum3A [1] : vector<2048x64xf32> to vector<2048xf32>
    %broadcast_in_dim3A_34 = vector.shape_cast %reduce_sum3A_33 : vector<2048xf32> to vector<2048x1xf32>
    %log3A = math.log %broadcast_in_dim3A_34 : vector<2048x1xf32>
    %sub3A_35 = vector.broadcast %log3A : vector<2048x1xf32> to vector<2048x64xf32>
    %sub3A_36 = arith.subf %sub3A_32, %sub3A_35 : vector<2048x64xf32>
    %swap3A = arith.constant 0 : index
    %swap3A_37 = arith.constant 0 : index
    %swap3A_38 = vector.load %arg4[%swap3A, %swap3A_37] : memref<2048x64xf32, #tpu.memory_space<vmem>>, vector<2048x64xf32>
    tpu.vector_store %arg4[%swap3A, %swap3A_37], %sub3A_36 {strides = array<i32>} : memref<2048x64xf32, #tpu.memory_space<vmem>>, vector<2048x64xf32>,
    return
  }
}

</mosaic_0001>

<sc_bundles>
// kernel: kernel.11.cloned.1.call-start
scs
__scs_entry_jumppad:
0x0: {  	(pc) =	sbr.rel $0x88, $3  }
0x1: {  	(tag) =	ssettag $0x0;
	lr =	simm.s32 $0x1  }
0x2: {  	[smem:$0x3F9A] =	sst lr;
	_ =	strace $0xD0000000  }
0x3: {  	_ = 	snop  }
0x4: {  	_ = 	snop  }
0x5: {  	_ = 	snop  }
0x6: {  	_ = 	snop  }
0x7: {  	_ = 	snop  }
__scs_overlays_trampoline_lowered:
0x8: {  	[smem:$0x3FA9] =	sst s0  }
0x9: {  	[smem:$0x3FAA] =	sst s1  }
0xa: {  	[smem:$0x3FAB] =	sst s2  }
0xb: {  	[smem:$0x3FAC] =	sst s3  }
0xc: {  	[smem:$0x3FAD] =	sst s4  }
0xd: {  	[smem:$0x3FAE] =	sst s5  }
0xe: {  	[smem:$0x3FAF] =	sst s6  }
0xf: {  	[smem:$0x3FB0] =	sst s7  }
0x10: {  	[smem:$0x3FB1] =	sst s8  }
0x11: {  	[smem:$0x3FB2] =	sst s9;
	s0 =	simm.s32 @!p0 $0x0  }
0x12: {  	s1 =	sld [smem:$0x3F98];
	s0 =	simm.s32 @p0 $0x1  }
0x13: {  	[smem:$0x3FB3] =	sst s0;
	s0 =	simm.s32 @!p1 $0x0  }
0x14: {  	s2 =	sld [smem:$0x3F97];
	s0 =	simm.s32 @p1 $0x1  }
0x15: {  	[smem:$0x3FB4] =	sst s0;
	s0 =	simm.s32 @!p2 $0x0  }
0x16: {  	s3 =	sld [smem:$0x3FDB];
	s0 =	simm.s32 @p2 $0x1  }
0x17: {  	s4 =	simm.s32 $0x1BF5;
	[smem:$0x3FB6] =	sst s0  }
0x18: {  	s0 =	sld [smem:$0x3F99];
	_ =	swait.ge [sflag:s4], $0x0  }
0x19: {  	s7 =	sld [smem:$0x3F9A]  }
0x1a: {  	s8 =	sadd.s32 $0xFFFFE003, lr  }
0x1b: {  	s9 =	sadd.s32 $0xFFFFFEF7, lr;
	s5 =	simm.s32 $0xFFFFFFFF;
	p2 =	slt.u32 s8, $0xFFFFF086  }
0x1c: {  	p1 =	slt.u32 s9, $0xF7A;
	s5 =	simm.s32 @!p2 $0x0  }
0x1d: {  	s5 =	simm.s32 @p1 $0x1;
	p0 =	seq.s32 s7, s2  }
0x1e: {  	s7 =	smul.u32 @!p0 $0xF7A, s2;
	p2 =	seq.s32 @!p0 s5, $0x0  }
0x1f: {  	s9 =	smul.u32 $0xF7A, s1;
	s8 =	simm.s32 @!p0 $0x1BF5;
	p2 =	por !p2, p0  }
0x20: {  	[sflag:s8] =	ssyncset.s32 @!p0 $0xFFFFF086;
	s6 =	sadd.s32 @!p0 s3, s7;
	s7 =	simm.s32 @!p0 $0x108  }
0x21: {  	s3 =	sadd.s32 s3, s9;
	s6 =	sadd.s32 @!p0 $0x88, s6;
	s7 =	simm.s32 @p2 $0x1082  }
0x22: {  	[simem:s7], [sflag:s8] =	dma.local @!p0 [hbm:s6], $0xF7A  }
0x23: {  	s9 =	sor.u32 $0xD0000000, s2;
	s6 =	simm.s32 $0x108;
	_ =	swait.ge @!p0 [sflag:s8], $0x0  }
0x24: {  	s3 =	sadd.s32 $0x88, s3;
	s6 =	simm.s32 @!p1 $0x1082;
	[sflag:s4] =	ssyncset.s32 $0xFFFFF086  }
0x25: {  	[simem:s6], [sflag:s4] =	dma.local [hbm:s3], $0xF7A  }
0x26: {  	[smem:$0x3F9A] =	sst s1;
	(tag) =	ssettag s2;
	_ =	strace s9  }
0x27: {  	s1 =	sld [smem:$0x3FAA]  }
0x28: {  	s2 =	sld [smem:$0x3FAB]  }
0x29: {  	s4 =	sld [smem:$0x3FAD]  }
0x2a: {  	p0 =	seq.s32 s5, $0x0;
	s5 =	sld [smem:$0x3FAE]  }
0x2b: {  	s6 =	sld [smem:$0x3FAF]  }
0x2c: {  	s7 =	sld [smem:$0x3FB0]  }
0x2d: {  	s3 =	simm.s32 $0x108;
	s8 =	sld [smem:$0x3FB1]  }
0x2e: {  	s3 =	simm.s32 @!p0 $0x1082;
	s9 =	sld [smem:$0x3FB2]  }
0x2f: {  	lr =	sadd.s32 s0, s3;
	s0 =	sld [smem:$0x3FA9]  }
0x30: {  	s3 =	sld [smem:$0x3FAC]  }
0x31: {  	[smem:$0x3FB5] =	sst s10  }
0x32: {  	s10 =	sld [smem:$0x3FB3];
	_ =	sdelay $0x3  }
0x33: {  	p0 =	seq.s32 s10, $0x1;
	s10 =	sld [smem:$0x3FB5];
	_ =	sdelay $0x3  }
0x34: {  	[smem:$0x3FB5] =	sst s10  }
0x35: {  	s10 =	sld [smem:$0x3FB4];
	_ =	sdelay $0x3  }
0x36: {  	p1 =	seq.s32 s10, $0x1;
	s10 =	sld [smem:$0x3FB5];
	_ =	sdelay $0x3  }
0x37: {  	[smem:$0x3FB5] =	sst s10  }
0x38: {  	s10 =	sld [smem:$0x3FB6]  }
0x39: {  	_ = 	snop;
	(pc) =	sbr.ind lr, $3  }
0x3a: {  	_ = 	snop  }
0x3b: {  	_ = 	snop  }
0x3c: {  	p2 =	seq.s32 s10, $0x1;
	s10 =	sld [smem:$0x3FB5]  }
0x3d: {  	_ =	shalt  }
0x3e: {  	_ =	shalt  }
0x3f: {  	_ =	shalt  }
0x40: {  	_ =	shalt  }
0x41: {  	_ =	shalt  }
0x42: {  	_ =	shalt  }
0x43: {  	_ =	shalt  }
0x44: {  	_ =	shalt  }
0x45: {  	_ =	shalt  }
0x46: {  	_ =	shalt  }
0x47: {  	_ =	shalt  }
0x48: {  	_ =	shalt  }
0x49: {  	_ =	shalt  }
0x4a: {  	_ =	shalt  }
0x4b: {  	_ =	shalt  }
0x4c: {  	_ =	shalt  }
0x4d: {  	_ =	shalt  }
0x4e: {  	_ =	shalt  }
0x4f: {  	_ =	shalt  }
0x50: {  	_ =	shalt  }
0x51: {  	_ =	shalt  }
0x52: {  	_ =	shalt  }
0x53: {  	_ =	shalt  }
0x54: {  	_ =	shalt  }
0x55: {  	_ =	shalt  }
0x56: {  	_ =	shalt  }
0x57: {  	_ =	shalt  }
0x58: {  	_ =	shalt  }
0x59: {  	_ =	shalt  }
0x5a: {  	_ =	shalt  }
0x5b: {  	_ =	shalt  }
0x5c: {  	_ =	shalt  }
0x5d: {  	_ =	shalt  }
0x5e: {  	_ =	shalt  }
0x5f: {  	_ =	shalt  }
0x60: {  	_ =	shalt  }
0x61: {  	_ =	shalt  }
0x62: {  	_ =	shalt  }
0x63: {  	_ =	shalt  }
0x64: {  	_ =	shalt  }
0x65: {  	_ =	shalt  }
0x66: {  	_ =	shalt  }
0x67: {  	_ =	shalt  }
0x68: {  	_ =	shalt  }
0x69: {  	_ =	shalt  }
0x6a: {  	_ =	shalt  }
0x6b: {  	_ =	shalt  }
0x6c: {  	_ =	shalt  }
0x6d: {  	_ =	shalt  }
0x6e: {  	_ =	shalt  }
0x6f: {  	_ =	shalt  }
0x70: {  	_ =	shalt  }
0x71: {  	_ =	shalt  }
0x72: {  	_ =	shalt  }
0x73: {  	_ =	shalt  }
0x74: {  	_ =	shalt  }
0x75: {  	_ =	shalt  }
0x76: {  	_ =	shalt  }
0x77: {  	_ =	shalt  }
0x78: {  	_ =	shalt  }
0x79: {  	_ =	shalt  }
0x7a: {  	_ =	shalt  }
0x7b: {  	_ =	shalt  }
0x7c: {  	_ =	shalt  }
0x7d: {  	_ =	shalt  }
0x7e: {  	_ =	shalt  }
0x7f: {  	_ =	shalt  }
0x80: {  	_ =	shalt  }
0x81: {  	_ =	shalt  }
0x82: {  	_ =	shalt  }
0x83: {  	_ =	shalt  }
0x84: {  	_ =	shalt  }
0x85: {  	_ =	shalt  }
0x86: {  	_ =	shalt  }
0x87: {  	_ =	shalt  }
.Lfunc_end0:
.L_simem_size_0:
called_computation.1_lowered:
.L_overlay_start_0:
0x88: {  	s2 =	sld [smem:$0x3FD9]  }
0x89: {  	s3 =	sld [smem:$0x3FFE];
	_ =	sdelay $0x1  }
0x8a: {  	s1 =	srdreg.scid  }
0x8b: {  	s0 =	sand.u32 $0x1, s1  }
0x8c: {  	s17 =	sshll.u32 s0, $0xA;
	s2 =	sadd.s32 s3, s2  }
0x8d: {  	s2 =	sadd.s32 s2, s17  }
0x8e: {  	[smem:$0x3FC1] =	sst s2  }
0x8f: {  	_ = 	snop  }
0x90: {  	(tm) =	ssettm $0x1  }
0x91: {  	s18 =	sld [smem:$0x3FFB];
	_ =	sdelay $0x3  }
0x92: {  	_ =	strace s18  }
0x93: {  	s2 =	sld [smem:$0x3FFC];
	_ =	sdelay $0x3  }
0x94: {  	_ =	strace s2  }
0x95: {  	s2 =	sld [smem:$0x3FFD];
	_ =	sdelay $0x3  }
0x96: {  	_ =	strace s2  }
0x97: {  	_ =	strace $0x8FFFFFFF  }
0x98: {  	s19 =	sld [smem:$0x3FDB];
	_ =	sdelay $0x1  }
0x99: {  	s20 =	simm.s32 $_scs_section_size  }
0x9a: {  	s4 =	simm.s32 $_size__tile_overlayer_lowered;
	s5 =	simm.s32 $_tile_overlayer_lowered  }
0x9b: {  	s6 =	simm.s32 $0x1BFF;
	s21 =	sshll.u32 s5, $0x1;
	s3 =	sadd.s32 s20, s19  }
0x9c: {  	s22 =	simm.s32 $0x0;
	s4 =	sshll.u32 s4, $0x1;
	s5 =	sadd.s32 s21, s3  }
0x9d: {  	[timem:s22], [sflag:s6] =	dma.local [hbm:s5], s4  }
0x9e: {  	_ =	swait.ge [sflag:s6], s4  }
0x9f: {  	s4 =	ssub.s32 $0x0, s4;
	[sflag:s6] =	ssyncset.done $0x0  }
0xa0: {  	[sflag:s6] =	ssyncadd.s32 s4;
	_ =	sdelay $0x1  }
0xa1: {  	s23 =	simm.s32 $0x1B8B  }
0xa2: {  	_ =	swait.ge [sflag:s23], $0x1  }
0xa3: {  	[sflag:s23] =	ssyncset.done $0x0  }
0xa4: {  	[sflag:s23] =	ssyncadd.s32 $0xFFFFFFFF  }
0xa5: {  	s4 =	sld [smem:$0x0]  }
0xa6: {  	s5 =	sand.u32 $0xFFFFFFFE, s1  }
0xa7: {  	p0 =	sne.s32 s1, s5  }
0xa8: {  	s5 =	sshll.u32 @p0 s5, $0xE  }
0xa9: {  	s5 =	sadd.s32 @p0 $0x11B8D, s5;
	s6 =	sshll.u32 @p0 s4, $0x11  }
0xaa: {  	s5 =	sor.u32 @p0 s6, s5  }
0xab: {  	[sflag:s5] =	ssyncadd.remote.s32 @p0 $0x1;
	_ =	sdelay $0x1  }
0xac: {  	s5 =	simm.s32 @p0 $0x1B8D  }
0xad: {  	_ =	swait.eq @p0 [sflag:s5], $0x1  }
0xae: {  	[sflag:s5] =	ssyncadd.s32 @p0 $0xFFFFFFFF  }
0xaf: {  	s6 =	sshll.u32 @!p0 s1, $0xE  }
0xb0: {  	s6 =	sor.u32 @!p0 $0x4000, s6;
	s5 =	simm.s32 @!p0 $0x1B8D  }
0xb1: {  	s4 =	sshll.u32 @!p0 s4, $0x11;
	s6 =	sadd.s32 @!p0 $0x11B8D, s6;
	_ =	swait.eq @!p0 [sflag:s5], $0x1  }
0xb2: {  	s4 =	sor.u32 @!p0 s4, s6;
	[sflag:s5] =	ssyncadd.s32 @!p0 $0xFFFFFFFF  }
0xb3: {  	s25 =	simm.s32 $0x1B8E;
	s24 =	sld [smem:$0x3FFE];
	[sflag:s4] =	ssyncadd.remote.s32 @!p0 $0x1  }
0xb4: {  	s26 =	simm.s32 $execute0_lowered;
	[smem:$0x3FD2] =	sst s25  }
0xb5: {  	s5 =	sshll.u32 s26, $0x1;
	_ =	strace $0x80000049;
	[dreg:$0x1] =	wrdreg $0xFFFFFFFF  }
0xb6: {  	s28 =	simm.s32 $_size_execute0_lowered;
	s3 =	sadd.s32 s3, s5;
	[dreg:$0x0] =	wrdreg $0x0  }
0xb7: {  	s5 =	sshll.u32 s28, $0x1;
	[dreg:$0x2] =	wrdreg s3  }
0xb8: {  	[dreg:$0x3] =	wrdreg s5  }
0xb9: {  	[dreg:$0x4] =	wrdreg $0xC0  }
0xba: {  	_ =	task [dreg:s22], $0x5FFFF  }
0xbb: {  	[dreg:$0x1] =	wrdreg $0xFFFFFFFF  }
0xbc: {  	[dreg:$0x0] =	wrdreg $0x60  }
0xbd: {  	[dreg:$0x2] =	wrdreg s24  }
0xbe: {  	[dreg:$0x3] =	wrdreg $0x5C200  }
0xbf: {  	[dreg:$0x4] =	wrdreg $0xB  }
0xc0: {  	_ =	task.clear_ibuf [dreg:s22], $0x5FFFF;
	_ =	strace $0x90000049  }
0xc1: {  	s29 =	simm.s32 $0xB;
	_ =	strace $0x8000004B  }
0xc2: {  	_ =	swait.ge [sflag:s29], $0x1  }
0xc3: {  	[sflag:s29] =	ssyncadd.s32 $0xFFFFFFFF  }
0xc4: {  	_ =	strace $0x9000004B  }
0xc5: {  	_ =	sfence  }
0xc6: {  	s30 =	sld [smem:$0x0];
	_ =	sdelay $0x2  }
0xc7: {  	s31 =	sshll.u32 s1, $0xD;
	s1 =	sshrl.u32 s1, $0x2  }
0xc8: {  	s4 =	sand.u32 $0x4000, s31;
	s1 =	sadd.s32 s1, s30  }
0xc9: {  	s0 =	sor.u32 s4, s0;
	s1 =	sshll.u32 s1, $0x11  }
0xca: {  	s0 =	sor.u32 s1, s0  }
0xcb: {  	s0 =	sadd.s32 $0x8F2B, s0  }
0xcc: {  	[sflag:s0] =	ssyncadd.remote.s32 $0x1  }
0xcd: {  	_ =	sfence.sel $0xFFFF  }
0xce: {  	[dreg:$0x0] =	wrdreg $0xFFFFFFFF;
	(pc) =	sbr.abs _section_cstart, $3  }
0xcf: {  	[dreg:$0x1] =	wrdreg $0xFFFFFFFF  }
0xd0: {  	_ =	task.clear_ibuf [dreg:s22], $0x2FFFF;
	_ =	strace $0x9FFFFFFF  }
0xd1: {  	(tm) =	ssettm $0x7FFFFFFF  }
tec
execute0_lowered:
.L_overlay_start_1:
0x0: {  	(tag) =	ssettag $0x1  }
0x1: {  	s4 =	rddreg [dreg:$0x0]  }
0x2: {  	s2 =	rddreg [dreg:$0x1]  }
0x3: {  	s0 =	rddreg [dreg:$0x2];
	s5 =	srdreg.scid  }
0x4: {  	s1 =	stileid.u32;
	s3 =	simm.s32 $0x0;
	s12 =	simm.s32 $0x190  }
0x5: {  	s13 =	simm.s32 $0x50;
	s14 =	simm.s32 $0x320;
	s15 =	simm.s32 $0xA0  }
0x6: {  	s16 =	simm.s32 $0xF0;
	s17 =	simm.s32 $0x140;
	s18 =	simm.s32 $0x2  }
0x7: {  	s19 =	simm.s32 $0x1;
	s20 =	simm.s32 $0x0;
	s6 =	smul.u32 $0x9E0, s1  }
0x8: {  	s5 =	sand.u32 $0x1, s5;
	[smem:$0x7FF] =	sst s3;
	s29 =	smul.u32 $0x13C00, s1  }
0x9: {  	s8 =	sadd.s32 $0xA800, s4;
	s9 =	sshll.u32 s1, $0x1;
	s11 =	smul.u32 $0x9C4, s1  }
0xa: {  	s7 =	smul.u32 $0x9E00, s5;
	_ =	strace $0x8000004A;
	s30 =	ssub.s32 $0x2, s5  }
0xb: {  	s28 =	sor.u32 s5, s9;
	s31 =	smul.u32 $0x4E2, s5;
	s10 =	sshrl.u32 s30, $0x1  }
0xc: {  	s9 =	sshrl.u32 s29, $0x2;
	s11 =	sadd.s32 s11, s8;
	s6 =	sadd.s32 s6, s7  }
0xd: {  	s7 =	smul.u32 $0x4E2, s28;
	s10 =	ssub.s32 s30, s10;
	s6 =	sadd.s32 s6, s4  }
0xe: {  	s4 =	sadd.s32 s9, s2;
	s9 =	sadd.s32 s31, s11;
	s11 =	simm.s32 $0x3  }
0xf: {  	s5 =	sadd.s32 s8, s7;
	s6 =	sadd.s32 $0x3BE00, s6;
	s7 =	smax.u32 s10, $0x1  }
0x10: {  	v0 =	vimm.f32 $0.0e+00;
	v1 =	vimm.f32 $1.000000000e+00;
	s9 =	sadd.s32 $0x64, s9;
	s10 =	simm.s32 $0xD20;
	s8 =	sadd.s32 $0x32, s5  }
.LBB2_1:
0x11: {  	s21 =	simm.s32 $0x0  }
.LBB2_2:
0x12: {  	p0 =	sne.s32 s21, $0x13B80  }
.Ltmp0:
0x13: {  	_ = 	snop;
	(pc) =	sbr.rel @p0 .LBB2_2-.Ltmp0, $4  }
0x14: {  	_ = 	snop  }
0x15: {  	s22 =	sshra.s32 s21, $0x2  }
0x16: {  	[tilespmem:s22+$0xD20] =	vst v0  }
0x17: {  	s21 =	sadd.s32 $0x80, s21;
	[tilespmem:s22+$0xD30] =	vst v0  }
0x18: {  	s21 =	simm.s32 $0x80;
	s22 =	simm.s32 $0x0  }
.LBB2_4:
0x19: {  	p0 =	sne.s32 s21, $0x2780;
	[tilespmem:s22+$0x320] =	vst v1;
	s23 =	smov.u32 s21;
	s21 =	sadd.s32 $0x80, s21  }
.Ltmp1:
0x1a: {  	[tilespmem:s22+$0x330] =	vst v1;
	(pc) =	sbr.rel @p0 .LBB2_4-.Ltmp1, $2  }
0x1b: {  	_ =	sdelay $0x2  }
0x1c: {  	s22 =	sshra.s32 s23, $0x2  }
0x1d: {  	[tilespmem:s22+$0x320] =	vst v1  }
0x1e: {  	[tilespmem:s22+$0x330] =	vst v1  }
0x1f: {  	[spmem:s4] =	stream.linear.scatter [tilespmem:s10], [sflag:$0x3], $0x4F00, $0x38;
	[tilespmem:$0xAB20] =	vst v63  }
0x20: {  	_ =	swait.ge [sflag:s11], $0x4F00  }
0x21: {  	[sflag:s11] =	ssyncset.done $0x0  }
0x22: {  	[sflag:s11] =	ssyncadd.s32 $0xFFFFB100  }
0x23: {  	[bflag:$0x0] =	sbarrier.arrive $0xFFFF  }
0x24: {  	[tilespmem:s3], [sflag:$0x3] =	stream.linear.gather [hbm4b:s5+s3], $0x190, $0x38;
	[tilespmem:$0xAB20] =	vst v63  }
0x25: {  	_ =	swait.ge [sflag:s11], $0x190  }
0x26: {  	[sflag:s11] =	ssyncset.done $0x0  }
0x27: {  	[sflag:s11] =	ssyncadd.s32 $0xFFFFFE70  }
0x28: {  	[tilespmem:s12], [sflag:$0x2] =	stream.linear.gather [hbm4b:s8+s3], $0x190, $0x38;
	[tilespmem:$0xAB20] =	vst v63  }
0x29: {  	_ = 	snop  }
0x2a: {  	[spmem:s2] =	stream.indirect.scatter.add.f32 [tilespmem:s14], [sflag:$0x1], $0x20, s3, s13, $0xb8;
	[tilespmem:$0xAB20] =	vst v63  }
0x2b: {  	_ = 	snop  }
0x2c: {  	[spmem:s2] =	stream.indirect.scatter.add.f32 [tilespmem:s14], [sflag:$0x1], $0x20, s13, s13, $0xb8;
	[tilespmem:$0xAB20] =	vst v63  }
0x2d: {  	_ = 	snop  }
0x2e: {  	[spmem:s2] =	stream.indirect.scatter.add.f32 [tilespmem:s14], [sflag:$0x1], $0x20, s15, s13, $0xb8;
	[tilespmem:$0xAB20] =	vst v63  }
0x2f: {  	_ = 	snop  }
0x30: {  	[spmem:s2] =	stream.indirect.scatter.add.f32 [tilespmem:s14], [sflag:$0x1], $0x20, s16, s13, $0xb8;
	[tilespmem:$0xAB20] =	vst v63  }
0x31: {  	_ = 	snop  }
0x32: {  	[spmem:s2] =	stream.indirect.scatter.add.f32 [tilespmem:s14], [sflag:$0x1], $0x20, s17, s13, $0xb8;
	[tilespmem:$0xAB20] =	vst v63  }
0x33: {  	_ =	swait.ge [sflag:s18], $0x190  }
0x34: {  	[sflag:s18] =	ssyncset.done $0x0  }
0x35: {  	s21 =	simm.s32 $0xFFFFFFE8;
	s22 =	smov.u32 s9;
	[sflag:s18] =	ssyncadd.s32 $0xFFFFFE70  }
.LBB2_6:
0x36: {  	_ =	swait.ge [sflag:s19], $0xA00  }
0x37: {  	[sflag:s19] =	ssyncset.done $0x0  }
0x38: {  	[sflag:s19] =	ssyncadd.s32 $0xFFFFF600  }
0x39: {  	_ =	swait.ge [sflag:s19], $0xA00  }
0x3a: {  	[sflag:s19] =	ssyncset.done $0x0  }
0x3b: {  	[sflag:s19] =	ssyncadd.s32 $0xFFFFF600  }
0x3c: {  	_ =	swait.ge [sflag:s19], $0xA00  }
0x3d: {  	[sflag:s19] =	ssyncset.done $0x0  }
0x3e: {  	[sflag:s19] =	ssyncadd.s32 $0xFFFFF600  }
0x3f: {  	s23 =	sadd.s32 $0xFFFFFFFF, s21;
	_ =	swait.ge [sflag:s19], $0xA00  }
0x40: {  	p0 =	seq.s32 s21, $0xFFFFFFFF;
	s23 =	sand.u32 $0x1, s23;
	[sflag:s19] =	ssyncset.done $0x0  }
0x41: {  	s24 =	sxor.u32 @!p0 $0x1, s23;
	[sflag:s19] =	ssyncadd.s32 $0xFFFFF600  }
0x42: {  	s24 =	smul.u32 @!p0 $0x640, s24;
	_ =	swait.ge [sflag:s19], $0xA00  }
0x43: {  	s25 =	simm.s32 @!p0 $0x0;
	[sflag:s19] =	ssyncset.done $0x0  }
0x44: {  	s23 =	smul.u32 $0x640, s23;
	s24 =	sshrl.u32 @!p0 s24, $0x2;
	[sflag:s19] =	ssyncadd.s32 $0xFFFFF600  }
0x45: {  	[tilespmem:s24], [sflag:$0x2] =	stream.linear.gather @!p0 [hbm4b:s22+s25], $0x190, $0x38;
	[tilespmem:$0xAB20] =	vst v63  }
0x46: {  	s23 =	sshrl.u32 s23, $0x2  }
0x47: {  	[spmem:s2] =	stream.indirect.scatter.add.f32 [tilespmem:s14], [sflag:$0x1], $0x20, s23, s13, $0xb8;
	[tilespmem:$0xAB20] =	vst v63  }
0x48: {  	s29 =	sadd.s32 $0x50, s23  }
0x49: {  	[spmem:s2] =	stream.indirect.scatter.add.f32 [tilespmem:s14], [sflag:$0x1], $0x20, s29, s13, $0xb8;
	[tilespmem:$0xAB20] =	vst v63  }
0x4a: {  	s21 =	sadd.s32 @!p0 $0x1, s21;
	s30 =	sadd.s32 $0xA0, s23  }
0x4b: {  	[spmem:s2] =	stream.indirect.scatter.add.f32 [tilespmem:s14], [sflag:$0x1], $0x20, s30, s13, $0xb8;
	[tilespmem:$0xAB20] =	vst v63  }
0x4c: {  	p1 =	seq.s32 @!p0 s21, $0x0;
	s31 =	sadd.s32 $0xF0, s23  }
0x4d: {  	[spmem:s2] =	stream.indirect.scatter.add.f32 [tilespmem:s14], [sflag:$0x1], $0x20, s31, s13, $0xb8;
	[tilespmem:$0xAB20] =	vst v63  }
0x4e: {  	p1 =	por p0, p1;
	s23 =	sadd.s32 $0x140, s23  }
0x4f: {  	[spmem:s2] =	stream.indirect.scatter.add.f32 [tilespmem:s14], [sflag:$0x1], $0x20, s23, s13, $0xb8;
	[tilespmem:$0xAB20] =	vst v63  }
.Ltmp2:
0x50: {  	_ = 	snop;
	(pc) =	sbr.rel @!p1 .LBB2_6-.Ltmp2, $4  }
0x51: {  	s23 =	simm.s32 @!p0 $0x2  }
0x52: {  	_ =	swait.ge @!p0 [sflag:s23], $0x190  }
0x53: {  	[sflag:s23] =	ssyncset.done @!p0 $0x0  }
0x54: {  	s22 =	sadd.s32 @!p0 $0x32, s22;
	[sflag:s23] =	ssyncadd.s32 @!p0 $0xFFFFFE70  }
0x55: {  	_ =	swait.ge [sflag:s19], $0xA00  }
0x56: {  	[sflag:s19] =	ssyncset.done $0x0  }
0x57: {  	[sflag:s19] =	ssyncadd.s32 $0xFFFFF600  }
0x58: {  	_ =	swait.ge [sflag:s19], $0xA00  }
0x59: {  	[sflag:s19] =	ssyncset.done $0x0  }
0x5a: {  	[sflag:s19] =	ssyncadd.s32 $0xFFFFF600  }
0x5b: {  	_ =	swait.ge [sflag:s19], $0xA00  }
0x5c: {  	[sflag:s19] =	ssyncset.done $0x0  }
0x5d: {  	[sflag:s19] =	ssyncadd.s32 $0xFFFFF600  }
0x5e: {  	_ =	swait.ge [sflag:s19], $0xA00  }
0x5f: {  	[sflag:s19] =	ssyncset.done $0x0  }
0x60: {  	[sflag:s19] =	ssyncadd.s32 $0xFFFFF600  }
0x61: {  	_ =	swait.ge [sflag:s19], $0xA00  }
0x62: {  	s21 =	sshll.u32 s1, $0x6;
	s20 =	sadd.s32 $0x1, s20;
	[sflag:s19] =	ssyncset.done $0x0  }
0x63: {  	s22 =	sshrl.u32 s4, $0x3;
	p0 =	sne.s32 s20, s7;
	[sflag:s19] =	ssyncadd.s32 $0xFFFFF600  }
.Ltmp3:
0x64: {  	s21 =	sor.u32 $0x1C03, s21;
	[bflag:$0x0] =	sbarrier.arrive $0xFFFF;
	(pc) =	sbr.rel @p0 .LBB2_1-.Ltmp3, $4  }
0x65: {  	[hbm:s6], [sflag:s21] =	dma.local [spmem:s22], $0x9E0  }
0x66: {  	_ =	swait.ge [sflag:s11], $0x9E0  }
0x67: {  	[sflag:s11] =	ssyncset.done $0x0  }
0x68: {  	[sflag:s11] =	ssyncadd.s32 $0xFFFFF620  }
0x69: {  	_ =	sfence.sel $0x180000  }
0x6a: {  	[bflag:$0x0] =	sbarrier.arrive $0xFFFF  }
0x6b: {  	p0 =	sne.s32 s1, $0x0;
	_ =	strace $0x9000004A  }
0x6c: {  	s0 =	sadd.s32 @!p0 $0x100000, s0;
	[bflag:$0x2] =	sbarrier.arrive $0xFFFF  }
0x6d: {  	[sflag:s0] =	ssyncadd.tile.s32 @!p0 $0x1;
	_ =	shalt  }
.Lfunc_end2:
_tile_overlayer_lowered:
.L_overlay_start_2:
0x6e: {  	(tag) =	ssettag $0x2  }
0x6f: {  	s0 =	rddreg [dreg:$0x0];
	s2 =	stileid.u32  }
0x70: {  	s1 =	rddreg [dreg:$0x1];
	p0 =	sne.s32 s2, $0x0  }
0x71: {  	s3 =	rddreg [dreg:$0x2];
	[bflag:$0x3] =	sbarrier.arrive $0xFFFF;
	s2 =	simm.s32 @!p0 $0x1C03  }
0x72: {  	[timem:s3], [sflag:s2] =	dma.local @!p0 [hbm:s0], s1  }
0x73: {  	s0 =	simm.s32 @!p0 $0x3  }
0x74: {  	_ =	swait.ge @!p0 [sflag:s0], s1  }
0x75: {  	s1 =	ssub.s32 @!p0 $0x0, s1;
	[sflag:s0] =	ssyncset.done @!p0 $0x0  }
0x76: {  	[sflag:s0] =	ssyncadd.s32 @!p0 s1  }
0x77: {  	[bflag:$0x3] =	sbarrier.arrive $0xFFFF  }
0x78: {  	_ =	shalt  }

// kernel: kernel.14.cloned.1.call-start
scs
__scs_entry_jumppad:
0x0: {  	(pc) =	sbr.rel $0x88, $3  }
0x1: {  	(tag) =	ssettag $0x0;
	lr =	simm.s32 $0x1  }
0x2: {  	[smem:$0x3F9A] =	sst lr;
	_ =	strace $0xD0000000  }
0x3: {  	_ = 	snop  }
0x4: {  	_ = 	snop  }
0x5: {  	_ = 	snop  }
0x6: {  	_ = 	snop  }
0x7: {  	_ = 	snop  }
__scs_overlays_trampoline_lowered:
0x8: {  	[smem:$0x3FA9] =	sst s0  }
0x9: {  	[smem:$0x3FAA] =	sst s1  }
0xa: {  	[smem:$0x3FAB] =	sst s2  }
0xb: {  	[smem:$0x3FAC] =	sst s3  }
0xc: {  	[smem:$0x3FAD] =	sst s4  }
0xd: {  	[smem:$0x3FAE] =	sst s5  }
0xe: {  	[smem:$0x3FAF] =	sst s6  }
0xf: {  	[smem:$0x3FB0] =	sst s7  }
0x10: {  	[smem:$0x3FB1] =	sst s8  }
0x11: {  	[smem:$0x3FB2] =	sst s9;
	s0 =	simm.s32 @!p0 $0x0  }
0x12: {  	s1 =	sld [smem:$0x3F98];
	s0 =	simm.s32 @p0 $0x1  }
0x13: {  	[smem:$0x3FB3] =	sst s0;
	s0 =	simm.s32 @!p1 $0x0  }
0x14: {  	s2 =	sld [smem:$0x3F97];
	s0 =	simm.s32 @p1 $0x1  }
0x15: {  	[smem:$0x3FB4] =	sst s0;
	s0 =	simm.s32 @!p2 $0x0  }
0x16: {  	s3 =	sld [smem:$0x3FDB];
	s0 =	simm.s32 @p2 $0x1  }
0x17: {  	s4 =	simm.s32 $0x1BF5;
	[smem:$0x3FB6] =	sst s0  }
0x18: {  	s0 =	sld [smem:$0x3F99];
	_ =	swait.ge [sflag:s4], $0x0  }
0x19: {  	s7 =	sld [smem:$0x3F9A]  }
0x1a: {  	s8 =	sadd.s32 $0xFFFFE003, lr  }
0x1b: {  	s9 =	sadd.s32 $0xFFFFFEF7, lr;
	s5 =	simm.s32 $0xFFFFFFFF;
	p2 =	slt.u32 s8, $0xFFFFF086  }
0x1c: {  	p1 =	slt.u32 s9, $0xF7A;
	s5 =	simm.s32 @!p2 $0x0  }
0x1d: {  	s5 =	simm.s32 @p1 $0x1;
	p0 =	seq.s32 s7, s2  }
0x1e: {  	s7 =	smul.u32 @!p0 $0xF7A, s2;
	p2 =	seq.s32 @!p0 s5, $0x0  }
0x1f: {  	s9 =	smul.u32 $0xF7A, s1;
	s8 =	simm.s32 @!p0 $0x1BF5;
	p2 =	por !p2, p0  }
0x20: {  	[sflag:s8] =	ssyncset.s32 @!p0 $0xFFFFF086;
	s6 =	sadd.s32 @!p0 s3, s7;
	s7 =	simm.s32 @!p0 $0x108  }
0x21: {  	s3 =	sadd.s32 s3, s9;
	s6 =	sadd.s32 @!p0 $0x88, s6;
	s7 =	simm.s32 @p2 $0x1082  }
0x22: {  	[simem:s7], [sflag:s8] =	dma.local @!p0 [hbm:s6], $0xF7A  }
0x23: {  	s9 =	sor.u32 $0xD0000000, s2;
	s6 =	simm.s32 $0x108;
	_ =	swait.ge @!p0 [sflag:s8], $0x0  }
0x24: {  	s3 =	sadd.s32 $0x88, s3;
	s6 =	simm.s32 @!p1 $0x1082;
	[sflag:s4] =	ssyncset.s32 $0xFFFFF086  }
0x25: {  	[simem:s6], [sflag:s4] =	dma.local [hbm:s3], $0xF7A  }
0x26: {  	[smem:$0x3F9A] =	sst s1;
	(tag) =	ssettag s2;
	_ =	strace s9  }
0x27: {  	s1 =	sld [smem:$0x3FAA]  }
0x28: {  	s2 =	sld [smem:$0x3FAB]  }
0x29: {  	s4 =	sld [smem:$0x3FAD]  }
0x2a: {  	p0 =	seq.s32 s5, $0x0;
	s5 =	sld [smem:$0x3FAE]  }
0x2b: {  	s6 =	sld [smem:$0x3FAF]  }
0x2c: {  	s7 =	sld [smem:$0x3FB0]  }
0x2d: {  	s3 =	simm.s32 $0x108;
	s8 =	sld [smem:$0x3FB1]  }
0x2e: {  	s3 =	simm.s32 @!p0 $0x1082;
	s9 =	sld [smem:$0x3FB2]  }
0x2f: {  	lr =	sadd.s32 s0, s3;
	s0 =	sld [smem:$0x3FA9]  }
0x30: {  	s3 =	sld [smem:$0x3FAC]  }
0x31: {  	[smem:$0x3FB5] =	sst s10  }
0x32: {  	s10 =	sld [smem:$0x3FB3];
	_ =	sdelay $0x3  }
0x33: {  	p0 =	seq.s32 s10, $0x1;
	s10 =	sld [smem:$0x3FB5];
	_ =	sdelay $0x3  }
0x34: {  	[smem:$0x3FB5] =	sst s10  }
0x35: {  	s10 =	sld [smem:$0x3FB4];
	_ =	sdelay $0x3  }
0x36: {  	p1 =	seq.s32 s10, $0x1;
	s10 =	sld [smem:$0x3FB5];
	_ =	sdelay $0x3  }
0x37: {  	[smem:$0x3FB5] =	sst s10  }
0x38: {  	s10 =	sld [smem:$0x3FB6]  }
0x39: {  	_ = 	snop;
	(pc) =	sbr.ind lr, $3  }
0x3a: {  	_ = 	snop  }
0x3b: {  	_ = 	snop  }
0x3c: {  	p2 =	seq.s32 s10, $0x1;
	s10 =	sld [smem:$0x3FB5]  }
0x3d: {  	_ =	shalt  }
0x3e: {  	_ =	shalt  }
0x3f: {  	_ =	shalt  }
0x40: {  	_ =	shalt  }
0x41: {  	_ =	shalt  }
0x42: {  	_ =	shalt  }
0x43: {  	_ =	shalt  }
0x44: {  	_ =	shalt  }
0x45: {  	_ =	shalt  }
0x46: {  	_ =	shalt  }
0x47: {  	_ =	shalt  }
0x48: {  	_ =	shalt  }
0x49: {  	_ =	shalt  }
0x4a: {  	_ =	shalt  }
0x4b: {  	_ =	shalt  }
0x4c: {  	_ =	shalt  }
0x4d: {  	_ =	shalt  }
0x4e: {  	_ =	shalt  }
0x4f: {  	_ =	shalt  }
0x50: {  	_ =	shalt  }
0x51: {  	_ =	shalt  }
0x52: {  	_ =	shalt  }
0x53: {  	_ =	shalt  }
0x54: {  	_ =	shalt  }
0x55: {  	_ =	shalt  }
0x56: {  	_ =	shalt  }
0x57: {  	_ =	shalt  }
0x58: {  	_ =	shalt  }
0x59: {  	_ =	shalt  }
0x5a: {  	_ =	shalt  }
0x5b: {  	_ =	shalt  }
0x5c: {  	_ =	shalt  }
0x5d: {  	_ =	shalt  }
0x5e: {  	_ =	shalt  }
0x5f: {  	_ =	shalt  }
0x60: {  	_ =	shalt  }
0x61: {  	_ =	shalt  }
0x62: {  	_ =	shalt  }
0x63: {  	_ =	shalt  }
0x64: {  	_ =	shalt  }
0x65: {  	_ =	shalt  }
0x66: {  	_ =	shalt  }
0x67: {  	_ =	shalt  }
0x68: {  	_ =	shalt  }
0x69: {  	_ =	shalt  }
0x6a: {  	_ =	shalt  }
0x6b: {  	_ =	shalt  }
0x6c: {  	_ =	shalt  }
0x6d: {  	_ =	shalt  }
0x6e: {  	_ =	shalt  }
0x6f: {  	_ =	shalt  }
0x70: {  	_ =	shalt  }
0x71: {  	_ =	shalt  }
0x72: {  	_ =	shalt  }
0x73: {  	_ =	shalt  }
0x74: {  	_ =	shalt  }
0x75: {  	_ =	shalt  }
0x76: {  	_ =	shalt  }
0x77: {  	_ =	shalt  }
0x78: {  	_ =	shalt  }
0x79: {  	_ =	shalt  }
0x7a: {  	_ =	shalt  }
0x7b: {  	_ =	shalt  }
0x7c: {  	_ =	shalt  }
0x7d: {  	_ =	shalt  }
0x7e: {  	_ =	shalt  }
0x7f: {  	_ =	shalt  }
0x80: {  	_ =	shalt  }
0x81: {  	_ =	shalt  }
0x82: {  	_ =	shalt  }
0x83: {  	_ =	shalt  }
0x84: {  	_ =	shalt  }
0x85: {  	_ =	shalt  }
0x86: {  	_ =	shalt  }
0x87: {  	_ =	shalt  }
.Lfunc_end0:
.L_simem_size_0:
called_computation.2_lowered:
.L_overlay_start_0:
0x88: {  	s2 =	sld [smem:$0x3FD9]  }
0x89: {  	s3 =	sld [smem:$0x3FFE];
	_ =	sdelay $0x1  }
0x8a: {  	s1 =	srdreg.scid  }
0x8b: {  	s0 =	sand.u32 $0x1, s1  }
0x8c: {  	s17 =	sshll.u32 s0, $0xA;
	s2 =	sadd.s32 s3, s2  }
0x8d: {  	s2 =	sadd.s32 s2, s17  }
0x8e: {  	[smem:$0x3FC1] =	sst s2  }
0x8f: {  	_ = 	snop  }
0x90: {  	(tm) =	ssettm $0x1  }
0x91: {  	s18 =	sld [smem:$0x3FFB];
	_ =	sdelay $0x3  }
0x92: {  	_ =	strace s18  }
0x93: {  	s2 =	sld [smem:$0x3FFC];
	_ =	sdelay $0x3  }
0x94: {  	_ =	strace s2  }
0x95: {  	s2 =	sld [smem:$0x3FFD];
	_ =	sdelay $0x3  }
0x96: {  	_ =	strace s2  }
0x97: {  	_ =	strace $0x8FFFFFFF  }
0x98: {  	s19 =	sld [smem:$0x3FDB];
	_ =	sdelay $0x1  }
0x99: {  	s20 =	simm.s32 $_scs_section_size  }
0x9a: {  	s4 =	simm.s32 $_size__tile_overlayer_lowered;
	s5 =	simm.s32 $_tile_overlayer_lowered  }
0x9b: {  	s6 =	simm.s32 $0x1BFF;
	s21 =	sshll.u32 s5, $0x1;
	s3 =	sadd.s32 s20, s19  }
0x9c: {  	s22 =	simm.s32 $0x0;
	s4 =	sshll.u32 s4, $0x1;
	s5 =	sadd.s32 s21, s3  }
0x9d: {  	[timem:s22], [sflag:s6] =	dma.local [hbm:s5], s4  }
0x9e: {  	_ =	swait.ge [sflag:s6], s4  }
0x9f: {  	s4 =	ssub.s32 $0x0, s4;
	[sflag:s6] =	ssyncset.done $0x0  }
0xa0: {  	[sflag:s6] =	ssyncadd.s32 s4;
	_ =	sdelay $0x1  }
0xa1: {  	s23 =	simm.s32 $0x1B8B  }
0xa2: {  	_ =	swait.ge [sflag:s23], $0x1  }
0xa3: {  	[sflag:s23] =	ssyncset.done $0x0  }
0xa4: {  	[sflag:s23] =	ssyncadd.s32 $0xFFFFFFFF  }
0xa5: {  	s4 =	sld [smem:$0x0]  }
0xa6: {  	s5 =	sand.u32 $0xFFFFFFFE, s1  }
0xa7: {  	p0 =	sne.s32 s1, s5  }
0xa8: {  	s5 =	sshll.u32 @p0 s5, $0xE  }
0xa9: {  	s5 =	sadd.s32 @p0 $0x11B8D, s5;
	s6 =	sshll.u32 @p0 s4, $0x11  }
0xaa: {  	s5 =	sor.u32 @p0 s6, s5  }
0xab: {  	[sflag:s5] =	ssyncadd.remote.s32 @p0 $0x1;
	_ =	sdelay $0x1  }
0xac: {  	s5 =	simm.s32 @p0 $0x1B8D  }
0xad: {  	_ =	swait.eq @p0 [sflag:s5], $0x1  }
0xae: {  	[sflag:s5] =	ssyncadd.s32 @p0 $0xFFFFFFFF  }
0xaf: {  	s6 =	sshll.u32 @!p0 s1, $0xE  }
0xb0: {  	s6 =	sor.u32 @!p0 $0x4000, s6;
	s5 =	simm.s32 @!p0 $0x1B8D  }
0xb1: {  	s4 =	sshll.u32 @!p0 s4, $0x11;
	s6 =	sadd.s32 @!p0 $0x11B8D, s6;
	_ =	swait.eq @!p0 [sflag:s5], $0x1  }
0xb2: {  	s4 =	sor.u32 @!p0 s4, s6;
	[sflag:s5] =	ssyncadd.s32 @!p0 $0xFFFFFFFF  }
0xb3: {  	s25 =	simm.s32 $0x1B8E;
	s24 =	sld [smem:$0x3FFE];
	[sflag:s4] =	ssyncadd.remote.s32 @!p0 $0x1  }
0xb4: {  	s26 =	simm.s32 $execute0_lowered;
	[smem:$0x3FD2] =	sst s25  }
0xb5: {  	s5 =	sshll.u32 s26, $0x1;
	_ =	strace $0x8000004F;
	[dreg:$0x1] =	wrdreg $0xFFFFFFFF  }
0xb6: {  	s28 =	simm.s32 $_size_execute0_lowered;
	s3 =	sadd.s32 s3, s5;
	[dreg:$0x0] =	wrdreg $0x0  }
0xb7: {  	s5 =	sshll.u32 s28, $0x1;
	[dreg:$0x2] =	wrdreg s3  }
0xb8: {  	[dreg:$0x3] =	wrdreg s5  }
0xb9: {  	[dreg:$0x4] =	wrdreg $0xC0  }
0xba: {  	_ =	task [dreg:s22], $0x5FFFF  }
0xbb: {  	[dreg:$0x1] =	wrdreg $0xFFFFFFFF  }
0xbc: {  	[dreg:$0x0] =	wrdreg $0x60  }
0xbd: {  	[dreg:$0x2] =	wrdreg s24  }
0xbe: {  	[dreg:$0x3] =	wrdreg $0x135200  }
0xbf: {  	[dreg:$0x4] =	wrdreg $0xA  }
0xc0: {  	_ =	task.clear_ibuf [dreg:s22], $0x5FFFF;
	_ =	strace $0x9000004F  }
0xc1: {  	s29 =	simm.s32 $0xA;
	_ =	strace $0x80000051  }
0xc2: {  	_ =	swait.ge [sflag:s29], $0x1  }
0xc3: {  	[sflag:s29] =	ssyncadd.s32 $0xFFFFFFFF  }
0xc4: {  	_ =	strace $0x90000051  }
0xc5: {  	_ =	sfence  }
0xc6: {  	s30 =	sld [smem:$0x0];
	_ =	sdelay $0x2  }
0xc7: {  	s31 =	sshll.u32 s1, $0xD;
	s1 =	sshrl.u32 s1, $0x2  }
0xc8: {  	s4 =	sand.u32 $0x4000, s31;
	s1 =	sadd.s32 s1, s30  }
0xc9: {  	s0 =	sor.u32 s4, s0;
	s1 =	sshll.u32 s1, $0x11  }
0xca: {  	s0 =	sor.u32 s1, s0  }
0xcb: {  	s0 =	sadd.s32 $0x8F2B, s0  }
0xcc: {  	[sflag:s0] =	ssyncadd.remote.s32 $0x1  }
0xcd: {  	_ =	sfence.sel $0xFFFF  }
0xce: {  	[dreg:$0x0] =	wrdreg $0xFFFFFFFF;
	(pc) =	sbr.abs _section_cstart, $3  }
0xcf: {  	[dreg:$0x1] =	wrdreg $0xFFFFFFFF  }
0xd0: {  	_ =	task.clear_ibuf [dreg:s22], $0x2FFFF;
	_ =	strace $0x9FFFFFFF  }
0xd1: {  	(tm) =	ssettm $0x7FFFFFFF  }
tec
execute0_lowered:
.L_overlay_start_1:
0x0: {  	(tag) =	ssettag $0x1  }
0x1: {  	s0 =	rddreg [dreg:$0x0]  }
0x2: {  	s2 =	rddreg [dreg:$0x1];
	s3 =	simm.s32 $0x0;
	s1 =	stileid.u32  }
0x3: {  	s6 =	srdreg.scid;
	s13 =	simm.s32 $0x12520;
	s14 =	simm.s32 $0x4  }
0x4: {  	s16 =	simm.s32 $0x50;
	s28 =	simm.s32 $0xA50;
	s29 =	simm.s32 $0x7120  }
0x5: {  	s30 =	simm.s32 $0xAA0;
	s31 =	simm.s32 $0x8520;
	s17 =	simm.s32 $0x3  }
0x6: {  	s18 =	simm.s32 $0x0;
	[smem:$0x7FF] =	sst s3;
	s5 =	smul.u32 $0x4EC, s1  }
0x7: {  	s4 =	sadd.s32 $0xA00, s0;
	s15 =	sand.u32 $0x1, s6;
	s25 =	sshll.u32 s1, $0xA  }
0x8: {  	s7 =	sshll.u32 s1, $0xD;
	_ =	strace $0x80000050;
	s6 =	ssub.s32 $0x2, s15  }
0x9: {  	s8 =	sshll.u32 s15, $0xE;
	v0 =	vmov s15;
	s15 =	simm.s32 $0x2;
	s12 =	sadd.s32 s5, s0  }
.Ltmp0:
0xa: {  	s26 =	sshrl.u32 s6, $0x1;
	s5 =	sadd.s32 s7, s2;
	(pc) =	sbr.rel .LBB2_1-.Ltmp0, $4  }
0xb: {  	s0 =	sadd.s32 s25, s0;
	s10 =	ssub.s32 s6, s26;
	s6 =	sadd.s32 $0x1000, s5  }
0xc: {  	s7 =	sadd.s32 $0x54A00, s12;
	s0 =	sadd.s32 s8, s0;
	s8 =	sadd.s32 $0x4FA00, s12  }
0xd: {  	s11 =	sadd.s32 $0x54A46, s12;
	s12 =	sadd.s32 $0x4FA46, s12;
	s26 =	simm.s32 $0x5D20  }
0xe: {  	v1 =	vimm.f32 $0.0e+00;
	s9 =	sadd.s32 $0x28200, s0;
	s10 =	smax.u32 s10, $0x1;
	s0 =	simm.s32 $0x1  }
.LBB2_7:
0xf: {  	_ =	swait.ge [sflag:s15], $0x1400  }
0x10: {  	[sflag:s15] =	ssyncset.done $0x0  }
0x11: {  	[sflag:s15] =	ssyncadd.s32 $0xFFFFEC00  }
0x12: {  	_ =	swait.ge [sflag:s15], $0x1400  }
0x13: {  	[sflag:s15] =	ssyncset.done $0x0  }
0x14: {  	[sflag:s15] =	ssyncadd.s32 $0xFFFFEC00  }
0x15: {  	_ =	swait.ge [sflag:s15], $0x1400  }
0x16: {  	[sflag:s15] =	ssyncset.done $0x0  }
0x17: {  	[sflag:s15] =	ssyncadd.s32 $0xFFFFEC00  }
0x18: {  	_ =	swait.ge [sflag:s15], $0x1400  }
0x19: {  	[sflag:s15] =	ssyncset.done $0x0  }
0x1a: {  	[sflag:s15] =	ssyncadd.s32 $0xFFFFEC00  }
0x1b: {  	_ =	swait.ge [sflag:s15], $0x1400  }
0x1c: {  	[sflag:s15] =	ssyncset.done $0x0  }
0x1d: {  	[sflag:s15] =	ssyncadd.s32 $0xFFFFEC00  }
0x1e: {  	_ =	swait.ge [sflag:s15], $0x1400  }
0x1f: {  	[sflag:s15] =	ssyncset.done $0x0  }
0x20: {  	[sflag:s15] =	ssyncadd.s32 $0xFFFFEC00  }
0x21: {  	_ =	swait.ge [sflag:s15], $0x1400  }
0x22: {  	s19 =	sshll.u32 s1, $0x6;
	s18 =	sadd.s32 $0x1, s18;
	[sflag:s15] =	ssyncset.done $0x0  }
0x23: {  	s20 =	sshrl.u32 s5, $0x3;
	p0 =	sne.s32 s18, s10;
	[sflag:s15] =	ssyncadd.s32 $0xFFFFEC00  }
.Ltmp1:
0x24: {  	s19 =	sor.u32 $0x1C04, s19;
	[bflag:$0x0] =	sbarrier.arrive $0xFFFF;
	(pc) =	sbr.rel @!p0 .LBB2_8-.Ltmp1, $4  }
0x25: {  	[hbm:s9], [sflag:s19] =	dma.local [spmem:s20], $0x400  }
0x26: {  	_ =	swait.ge [sflag:s14], $0x400  }
0x27: {  	[sflag:s14] =	ssyncset.done $0x0  }
0x28: {  	[sflag:s14] =	ssyncadd.s32 $0xFFFFFC00  }
.LBB2_1:
0x29: {  	s19 =	sand.u32 $0x3F00, s3  }
0x2a: {  	s20 =	sand.u32 $0x30, s3;
	s21 =	sshrl.u32 s19, $0x2  }
0x2b: {  	s19 =	simm.s32 $0x40;
	s21 =	sor.u32 s20, s21;
	s20 =	simm.s32 $0x0  }
.LBB2_2:
0x2c: {  	p0 =	sne.s32 s19, $0x3FC0  }
0x2d: {  	[tilespmem:s21+$0x12520] =	vst v1;
	s20 =	sadd.s32 $0x10, s20;
	s21 =	smov.u32 s19;
	s19 =	sadd.s32 $0x40, s19  }
.Ltmp2:
0x2e: {  	(pc) =	sbr.rel @p0 .LBB2_2-.Ltmp2, $4  }
0x2f: {  	_ = 	snop  }
0x30: {  	s21 =	sand.u32 $0x3F00, s21  }
0x31: {  	s22 =	sand.u32 $0x30, s20;
	s21 =	sshrl.u32 s21, $0x2  }
0x32: {  	s21 =	sor.u32 s22, s21  }
0x33: {  	[tilespmem:s21+$0x12520] =	vst v1  }
0x34: {  	[spmem:s5] =	stream.linear.scatter [tilespmem:s13], [sflag:$0x4], $0x1000, $0x38;
	[tilespmem:$0x15520] =	vst v63  }
0x35: {  	_ =	swait.ge [sflag:s14], $0x1000  }
0x36: {  	[sflag:s14] =	ssyncset.done $0x0  }
0x37: {  	[sflag:s14] =	ssyncadd.s32 $0xFFFFF000  }
0x38: {  	[spmem:s6] =	stream.linear.scatter [tilespmem:s13], [sflag:$0x4], $0x1000, $0x38;
	[tilespmem:$0x15520] =	vst v63  }
0x39: {  	_ =	swait.ge [sflag:s14], $0x1000  }
0x3a: {  	[sflag:s14] =	ssyncset.done $0x0  }
0x3b: {  	[sflag:s14] =	ssyncadd.s32 $0xFFFFF000  }
0x3c: {  	s19 =	simm.s32 $0x0;
	[bflag:$0x0] =	sbarrier.arrive $0xFFFF  }
0x3d: {  	[tilespmem:s19], [sflag:$0x4] =	stream.linear.gather [hbm4b:s7+s19], $0x230, $0x38;
	[tilespmem:$0x15520] =	vst v63  }
0x3e: {  	_ =	swait.ge [sflag:s14], $0x230  }
0x3f: {  	[sflag:s14] =	ssyncset.done $0x0  }
0x40: {  	s20 =	simm.s32 $0x460;
	[sflag:s14] =	ssyncadd.s32 $0xFFFFFDD0  }
0x41: {  	[tilespmem:s20], [sflag:$0x4] =	stream.linear.gather [hbm4b:s8+s19], $0x230, $0x38;
	[tilespmem:$0x15520] =	vst v63  }
0x42: {  	_ =	swait.ge [sflag:s14], $0x230  }
0x43: {  	[sflag:s14] =	ssyncset.done $0x0  }
0x44: {  	[sflag:s14] =	ssyncadd.s32 $0xFFFFFDD0  }
0x45: {  	v2 =	vld [tilespmem:$0x0]  }
0x46: {  	v3 =	vld [tilespmem:$0x10]  }
0x47: {  	v4 =	vld [tilespmem:$0x20]  }
0x48: {  	v5 =	vld [tilespmem:$0x30]  }
0x49: {  	v6 =	vld [tilespmem:$0x40]  }
0x4a: {  	v7 =	vld [tilespmem:$0x50];
	v2 =	vshll.u32 v2, $0x1  }
0x4b: {  	v8 =	vld [tilespmem:$0x60];
	v3 =	vshll.u32 v3, $0x1;
	v2 =	vor.u32 v0, v2  }
0x4c: {  	v36 =	vld [tilespmem:$0x70];
	[tilespmem:$0x8C0] =	vst v2;
	v2 =	vor.u32 v0, v3;
	v3 =	vshll.u32 v4, $0x1  }
0x4d: {  	v37 =	vld [tilespmem:$0x80];
	[tilespmem:$0x8D0] =	vst v2;
	v2 =	vor.u32 v0, v3;
	v3 =	vshll.u32 v5, $0x1  }
0x4e: {  	v38 =	vld [tilespmem:$0x90];
	[tilespmem:$0x8E0] =	vst v2;
	v2 =	vor.u32 v0, v3;
	v3 =	vshll.u32 v6, $0x1  }
0x4f: {  	v39 =	vld [tilespmem:$0xA0];
	[tilespmem:$0x8F0] =	vst v2;
	v2 =	vor.u32 v0, v3;
	v3 =	vshll.u32 v7, $0x1  }
0x50: {  	v40 =	vld [tilespmem:$0xB0];
	[tilespmem:$0x900] =	vst v2;
	v2 =	vor.u32 v0, v3;
	v3 =	vshll.u32 v8, $0x1  }
0x51: {  	v41 =	vld [tilespmem:$0xC0];
	[tilespmem:$0x910] =	vst v2;
	v2 =	vor.u32 v0, v3;
	v3 =	vshll.u32 v36, $0x1  }
0x52: {  	v42 =	vld [tilespmem:$0xD0];
	[tilespmem:$0x920] =	vst v2;
	v2 =	vor.u32 v0, v3;
	v3 =	vshll.u32 v37, $0x1  }
0x53: {  	v43 =	vld [tilespmem:$0xE0];
	[tilespmem:$0x930] =	vst v2;
	v2 =	vor.u32 v0, v3;
	v3 =	vshll.u32 v38, $0x1  }
0x54: {  	v44 =	vld [tilespmem:$0xF0];
	[tilespmem:$0x940] =	vst v2;
	v2 =	vor.u32 v0, v3;
	v3 =	vshll.u32 v39, $0x1  }
0x55: {  	v45 =	vld [tilespmem:$0x100];
	[tilespmem:$0x950] =	vst v2;
	v2 =	vor.u32 v0, v3;
	v3 =	vshll.u32 v40, $0x1  }
0x56: {  	v46 =	vld [tilespmem:$0x110];
	[tilespmem:$0x960] =	vst v2;
	v2 =	vor.u32 v0, v3;
	v3 =	vshll.u32 v41, $0x1  }
0x57: {  	v47 =	vld [tilespmem:$0x120];
	[tilespmem:$0x970] =	vst v2;
	v2 =	vor.u32 v0, v3;
	v3 =	vshll.u32 v42, $0x1  }
0x58: {  	v48 =	vld [tilespmem:$0x130];
	[tilespmem:$0x980] =	vst v2;
	v2 =	vor.u32 v0, v3;
	v3 =	vshll.u32 v43, $0x1  }
0x59: {  	v49 =	vld [tilespmem:$0x140];
	[tilespmem:$0x990] =	vst v2;
	v2 =	vor.u32 v0, v3;
	v3 =	vshll.u32 v44, $0x1  }
0x5a: {  	v50 =	vld [tilespmem:$0x150];
	[tilespmem:$0x9A0] =	vst v2;
	v2 =	vor.u32 v0, v3;
	v3 =	vshll.u32 v45, $0x1  }
0x5b: {  	v51 =	vld [tilespmem:$0x160];
	[tilespmem:$0x9B0] =	vst v2;
	v2 =	vor.u32 v0, v3;
	v3 =	vshll.u32 v46, $0x1  }
0x5c: {  	v52 =	vld [tilespmem:$0x170];
	[tilespmem:$0x9C0] =	vst v2;
	v2 =	vor.u32 v0, v3;
	v3 =	vshll.u32 v47, $0x1  }
0x5d: {  	v53 =	vld [tilespmem:$0x180];
	[tilespmem:$0x9D0] =	vst v2;
	v2 =	vor.u32 v0, v3;
	v3 =	vshll.u32 v48, $0x1  }
0x5e: {  	v54 =	vld [tilespmem:$0x190];
	[tilespmem:$0x9E0] =	vst v2;
	v2 =	vor.u32 v0, v3;
	v3 =	vshll.u32 v49, $0x1  }
0x5f: {  	v55 =	vld [tilespmem:$0x1A0];
	[tilespmem:$0x9F0] =	vst v2;
	v2 =	vor.u32 v0, v3;
	v3 =	vshll.u32 v50, $0x1  }
0x60: {  	v56 =	vld [tilespmem:$0x1B0];
	[tilespmem:$0xA00] =	vst v2;
	v2 =	vor.u32 v0, v3;
	v3 =	vshll.u32 v51, $0x1  }
0x61: {  	v57 =	vld [tilespmem:$0x1C0];
	[tilespmem:$0xA10] =	vst v2;
	v2 =	vor.u32 v0, v3;
	v3 =	vshll.u32 v52, $0x1  }
0x62: {  	v58 =	vld [tilespmem:$0x1D0];
	[tilespmem:$0xA20] =	vst v2;
	v2 =	vor.u32 v0, v3;
	v3 =	vshll.u32 v53, $0x1  }
0x63: {  	v59 =	vld [tilespmem:$0x1E0];
	[tilespmem:$0xA30] =	vst v2;
	v2 =	vor.u32 v0, v3;
	v3 =	vshll.u32 v54, $0x1  }
0x64: {  	v60 =	vld [tilespmem:$0x1F0];
	[tilespmem:$0xA40] =	vst v2;
	v2 =	vor.u32 v0, v3;
	v3 =	vshll.u32 v55, $0x1  }
0x65: {  	v61 =	vld [tilespmem:$0x200];
	[tilespmem:$0xA50] =	vst v2;
	v2 =	vor.u32 v0, v3;
	v3 =	vshll.u32 v56, $0x1  }
0x66: {  	v62 =	vld [tilespmem:$0x210];
	[tilespmem:$0xA60] =	vst v2;
	v2 =	vor.u32 v0, v3;
	v3 =	vshll.u32 v57, $0x1  }
0x67: {  	v63 =	vld [tilespmem:$0x220];
	[tilespmem:$0xA70] =	vst v2;
	v2 =	vor.u32 v0, v3;
	v3 =	vshll.u32 v58, $0x1  }
0x68: {  	[tilespmem:$0xA80] =	vst v2;
	v2 =	vor.u32 v0, v3;
	v3 =	vshll.u32 v59, $0x1  }
0x69: {  	[tilespmem:$0xA90] =	vst v2;
	v2 =	vor.u32 v0, v3;
	v3 =	vshll.u32 v60, $0x1  }
0x6a: {  	[tilespmem:$0xAA0] =	vst v2;
	v2 =	vor.u32 v0, v3;
	v3 =	vshll.u32 v61, $0x1  }
0x6b: {  	[tilespmem:$0xAB0] =	vst v2;
	v2 =	vor.u32 v0, v3;
	v3 =	vshll.u32 v62, $0x1  }
0x6c: {  	[tilespmem:$0xAC0] =	vst v2;
	v2 =	vor.u32 v0, v3;
	v3 =	vshll.u32 v63, $0x1  }
0x6d: {  	[tilespmem:$0xAD0] =	vst v2;
	v2 =	vor.u32 v0, v3  }
0x6e: {  	s22 =	simm.s32 $0x8C0;
	s23 =	simm.s32 $0xD20;
	[tilespmem:$0xAE0] =	vst v2  }
0x6f: {  	[tilespmem:s23], [sflag:$0x1] =	stream.indirect.gather [hbm4b:s4+s16], $0x40, s22, s16, $0xb8;
	[tilespmem:$0x15520] =	vst v63  }
0x70: {  	s24 =	simm.s32 $0x910;
	s25 =	simm.s32 $0x2120  }
0x71: {  	[tilespmem:s25], [sflag:$0x1] =	stream.indirect.gather [hbm4b:s4+s16], $0x40, s24, s16, $0xb8;
	[tilespmem:$0x15520] =	vst v63  }
0x72: {  	s21 =	simm.s32 $0x960;
	s22 =	simm.s32 $0x3520  }
0x73: {  	[tilespmem:s22], [sflag:$0x1] =	stream.indirect.gather [hbm4b:s4+s16], $0x40, s21, s16, $0xb8;
	[tilespmem:$0x15520] =	vst v63  }
0x74: {  	s23 =	simm.s32 $0x9B0;
	s24 =	simm.s32 $0x4920  }
0x75: {  	[tilespmem:s24], [sflag:$0x1] =	stream.indirect.gather [hbm4b:s4+s16], $0x40, s23, s16, $0xb8;
	[tilespmem:$0x15520] =	vst v63  }
0x76: {  	s25 =	simm.s32 $0xA00  }
0x77: {  	[tilespmem:s26], [sflag:$0x1] =	stream.indirect.gather [hbm4b:s4+s16], $0x40, s25, s16, $0xb8;
	[tilespmem:$0x15520] =	vst v63  }
.Ltmp3:
0x78: {  	_ = 	snop;
	(pc) =	sbr.rel .LBB2_4-.Ltmp3, $4  }
0x79: {  	_ = 	snop  }
0x7a: {  	[tilespmem:s29], [sflag:$0x1] =	stream.indirect.gather [hbm4b:s4+s16], $0x40, s28, s16, $0xb8;
	[tilespmem:$0x15520] =	vst v63  }
0x7b: {  	s20 =	simm.s32 $0x0  }
0x7c: {  	[tilespmem:s31], [sflag:$0x1] =	stream.indirect.gather [hbm4b:s4+s16], $0x40, s30, s16, $0xb8;
	[tilespmem:$0x15520] =	vst v63  }
.LBB2_6:
0x7d: {  	s19 =	sadd.s32 $0x46, s19  }
0x7e: {  	p0 =	sne.s32 s19, $0x4EC  }
.Ltmp4:
0x7f: {  	_ = 	snop;
	(pc) =	sbr.rel @!p0 .LBB2_7-.Ltmp4, $2  }
0x80: {  	_ =	sdelay $0x2  }
0x81: {  	s20 =	sadd.s32 $0x1, s20  }
.LBB2_4:
0x82: {  	p0 =	seq.s32 s19, $0x0  }
0x83: {  	s23 =	simm.s32 @!p0 $0x2  }
0x84: {  	_ =	swait.ge @!p0 [sflag:s23], $0x1400  }
0x85: {  	[sflag:s23] =	ssyncset.done @!p0 $0x0  }
0x86: {  	[sflag:s23] =	ssyncadd.s32 @!p0 $0xFFFFEC00  }
0x87: {  	_ =	swait.ge @!p0 [sflag:s23], $0x1400  }
0x88: {  	[sflag:s23] =	ssyncset.done @!p0 $0x0  }
0x89: {  	[sflag:s23] =	ssyncadd.s32 @!p0 $0xFFFFEC00  }
0x8a: {  	_ =	swait.ge @!p0 [sflag:s23], $0x1400  }
0x8b: {  	[sflag:s23] =	ssyncset.done @!p0 $0x0  }
0x8c: {  	[sflag:s23] =	ssyncadd.s32 @!p0 $0xFFFFEC00  }
0x8d: {  	_ =	swait.ge @!p0 [sflag:s23], $0x1400  }
0x8e: {  	[sflag:s23] =	ssyncset.done @!p0 $0x0  }
0x8f: {  	[sflag:s23] =	ssyncadd.s32 @!p0 $0xFFFFEC00  }
0x90: {  	_ =	swait.ge @!p0 [sflag:s23], $0x1400  }
0x91: {  	[sflag:s23] =	ssyncset.done @!p0 $0x0  }
0x92: {  	[sflag:s23] =	ssyncadd.s32 @!p0 $0xFFFFEC00  }
0x93: {  	_ =	swait.ge @!p0 [sflag:s23], $0x1400  }
0x94: {  	[sflag:s23] =	ssyncset.done @!p0 $0x0  }
0x95: {  	[sflag:s23] =	ssyncadd.s32 @!p0 $0xFFFFEC00  }
0x96: {  	s22 =	sand.u32 $0x1, s20;
	p1 =	seq.s32 @!p0 s19, $0x4A6;
	_ =	swait.ge @!p0 [sflag:s23], $0x1400  }
0x97: {  	s21 =	sxor.u32 $0x1, s22;
	p1 =	por p0, !p1;
	[sflag:s23] =	ssyncset.done @!p0 $0x0  }
0x98: {  	[sflag:s23] =	ssyncadd.s32 @!p0 $0xFFFFEC00;
	s23 =	smul.u32 @p1 $0x230, s21  }
0x99: {  	s24 =	sadd.s32 @p1 s19, s11  }
0x9a: {  	[tilespmem:s23], [sflag:$0x3] =	stream.linear.gather @p1 [hbm4b:s24+s3], $0x230, $0x38;
	[tilespmem:$0x15520] =	vst v63  }
0x9b: {  	s25 =	smul.u32 $0x23000, s22;
	s23 =	sadd.s32 @p1 $0x460, s23;
	s24 =	sadd.s32 @p1 s19, s12  }
0x9c: {  	[tilespmem:s23], [sflag:$0x3] =	stream.linear.gather @p1 [hbm4b:s24+s3], $0x230, $0x38;
	[tilespmem:$0x15520] =	vst v63  }
0x9d: {  	s24 =	smul.u32 $0x7, s22  }
0x9e: {  	p0 =	por @!p0 $0x1, $0x1;
	s23 =	sshrl.u32 s25, $0x2;
	s22 =	smul.u32 $0x8C0, s22  }
0x9f: {  	p0 =	por @p1 $0x0, $0x0;
	s23 =	sadd.s32 $0xD20, s23;
	_ =	swait.ge [sflag:s0], $0x1400  }
0xa0: {  	[sflag:s0] =	ssyncset.done $0x0;
	s22 =	sshrl.u32 s22, $0x2;
	s25 =	smul.u32 $0x5000, s24  }
0xa1: {  	s24 =	smul.u32 $0x140, s24;
	[sflag:s0] =	ssyncadd.s32 $0xFFFFEC00;
	s22 =	sadd.s32 $0x460, s22  }
0xa2: {  	[spmem:s2] =	stream.indirect.scatter.add.f32 [tilespmem:s23], [sflag:$0x2], $0x40, s22, s16, $0xb8;
	[tilespmem:$0x15520] =	vst v63  }
0xa3: {  	s22 =	sadd.s32 $0x5000, s25;
	s23 =	sadd.s32 $0x140, s24;
	_ =	swait.ge [sflag:s0], $0x1400  }
0xa4: {  	s22 =	sshrl.u32 s22, $0x2;
	s23 =	sshrl.u32 s23, $0x2;
	[sflag:s0] =	ssyncset.done $0x0  }
0xa5: {  	s22 =	sadd.s32 $0xD20, s22;
	s23 =	sadd.s32 $0x460, s23;
	[sflag:s0] =	ssyncadd.s32 $0xFFFFEC00  }
0xa6: {  	[spmem:s2] =	stream.indirect.scatter.add.f32 [tilespmem:s22], [sflag:$0x2], $0x40, s23, s16, $0xb8;
	[tilespmem:$0x15520] =	vst v63  }
0xa7: {  	s22 =	sadd.s32 $0xA000, s25;
	s23 =	sadd.s32 $0x280, s24;
	_ =	swait.ge [sflag:s0], $0x1400  }
0xa8: {  	s22 =	sshrl.u32 s22, $0x2;
	s23 =	sshrl.u32 s23, $0x2;
	[sflag:s0] =	ssyncset.done $0x0  }
0xa9: {  	s22 =	sadd.s32 $0xD20, s22;
	s23 =	sadd.s32 $0x460, s23;
	[sflag:s0] =	ssyncadd.s32 $0xFFFFEC00  }
0xaa: {  	[spmem:s2] =	stream.indirect.scatter.add.f32 [tilespmem:s22], [sflag:$0x2], $0x40, s23, s16, $0xb8;
	[tilespmem:$0x15520] =	vst v63  }
0xab: {  	s22 =	sadd.s32 $0xF000, s25;
	s23 =	sadd.s32 $0x3C0, s24;
	_ =	swait.ge [sflag:s0], $0x1400  }
0xac: {  	s22 =	sshrl.u32 s22, $0x2;
	s23 =	sshrl.u32 s23, $0x2;
	[sflag:s0] =	ssyncset.done $0x0  }
0xad: {  	s22 =	sadd.s32 $0xD20, s22;
	s23 =	sadd.s32 $0x460, s23;
	[sflag:s0] =	ssyncadd.s32 $0xFFFFEC00  }
0xae: {  	[spmem:s2] =	stream.indirect.scatter.add.f32 [tilespmem:s22], [sflag:$0x2], $0x40, s23, s16, $0xb8;
	[tilespmem:$0x15520] =	vst v63  }
0xaf: {  	s22 =	sadd.s32 $0x14000, s25;
	s23 =	sadd.s32 $0x500, s24;
	_ =	swait.ge [sflag:s0], $0x1400  }
0xb0: {  	s22 =	sshrl.u32 s22, $0x2;
	s23 =	sshrl.u32 s23, $0x2;
	[sflag:s0] =	ssyncset.done $0x0  }
0xb1: {  	s22 =	sadd.s32 $0xD20, s22;
	s23 =	sadd.s32 $0x460, s23;
	[sflag:s0] =	ssyncadd.s32 $0xFFFFEC00  }
0xb2: {  	[spmem:s2] =	stream.indirect.scatter.add.f32 [tilespmem:s22], [sflag:$0x2], $0x40, s23, s16, $0xb8;
	[tilespmem:$0x15520] =	vst v63  }
0xb3: {  	s22 =	sadd.s32 $0x19000, s25;
	s23 =	sadd.s32 $0x640, s24;
	_ =	swait.ge [sflag:s0], $0x1400  }
0xb4: {  	s22 =	sshrl.u32 s22, $0x2;
	s23 =	sshrl.u32 s23, $0x2;
	[sflag:s0] =	ssyncset.done $0x0  }
0xb5: {  	s22 =	sadd.s32 $0xD20, s22;
	s23 =	sadd.s32 $0x460, s23;
	[sflag:s0] =	ssyncadd.s32 $0xFFFFEC00  }
0xb6: {  	[spmem:s2] =	stream.indirect.scatter.add.f32 [tilespmem:s22], [sflag:$0x2], $0x40, s23, s16, $0xb8;
	[tilespmem:$0x15520] =	vst v63  }
.Ltmp5:
0xb7: {  	_ = 	snop;
	(pc) =	sbr.rel @p0 .LBB2_6-.Ltmp5, $4  }
0xb8: {  	s23 =	sadd.s32 $0x1E000, s25;
	s25 =	sadd.s32 $0x780, s24;
	_ =	swait.ge [sflag:s0], $0x1400  }
0xb9: {  	s22 =	sshrl.u32 s23, $0x2;
	s23 =	sshrl.u32 s25, $0x2;
	[sflag:s0] =	ssyncset.done $0x0  }
0xba: {  	s22 =	sadd.s32 $0xD20, s22;
	s23 =	sadd.s32 $0x460, s23;
	[sflag:s0] =	ssyncadd.s32 $0xFFFFEC00  }
0xbb: {  	[spmem:s2] =	stream.indirect.scatter.add.f32 [tilespmem:s22], [sflag:$0x2], $0x40, s23, s16, $0xb8;
	[tilespmem:$0x15520] =	vst v63  }
0xbc: {  	_ =	swait.ge [sflag:s17], $0x230  }
0xbd: {  	[sflag:s17] =	ssyncset.done $0x0  }
0xbe: {  	[sflag:s17] =	ssyncadd.s32 $0xFFFFFDD0  }
0xbf: {  	_ =	swait.ge [sflag:s17], $0x230  }
0xc0: {  	s23 =	smul.u32 $0x230, s21;
	[sflag:s17] =	ssyncset.done $0x0  }
0xc1: {  	[sflag:s17] =	ssyncadd.s32 $0xFFFFFDD0  }
0xc2: {  	v2 =	vld [tilespmem:s23+$0x0]  }
0xc3: {  	v3 =	vld [tilespmem:s23+$0x10]  }
0xc4: {  	v4 =	vld [tilespmem:s23+$0x20]  }
0xc5: {  	v5 =	vld [tilespmem:s23+$0x30]  }
0xc6: {  	v6 =	vld [tilespmem:s23+$0x40]  }
0xc7: {  	v2 =	vshll.u32 v2, $0x1  }
0xc8: {  	v3 =	vshll.u32 v3, $0x1;
	v2 =	vor.u32 v0, v2  }
0xc9: {  	[tilespmem:s23+$0x8C0] =	vst v2;
	v2 =	vor.u32 v0, v3;
	v3 =	vshll.u32 v4, $0x1  }
0xca: {  	s24 =	smul.u32 $0x7, s21;
	[tilespmem:s23+$0x8D0] =	vst v2;
	v2 =	vor.u32 v0, v3;
	v3 =	vshll.u32 v5, $0x1  }
0xcb: {  	[tilespmem:s23+$0x8E0] =	vst v2;
	v2 =	vor.u32 v0, v3;
	v3 =	vshll.u32 v6, $0x1  }
0xcc: {  	s22 =	smul.u32 $0x50, s24;
	[tilespmem:s23+$0x8F0] =	vst v2;
	v2 =	vor.u32 v0, v3  }
0xcd: {  	[tilespmem:s23+$0x900] =	vst v2  }
0xce: {  	v2 =	vld [tilespmem:s22+$0x50]  }
0xcf: {  	v3 =	vld [tilespmem:s22+$0x60]  }
0xd0: {  	v38 =	vld [tilespmem:s22+$0x70]  }
0xd1: {  	v39 =	vld [tilespmem:s22+$0x80]  }
0xd2: {  	v40 =	vld [tilespmem:s22+$0x90]  }
0xd3: {  	v7 =	vld [tilespmem:s22+$0xA0];
	v2 =	vshll.u32 v2, $0x1  }
0xd4: {  	v8 =	vld [tilespmem:s22+$0xB0];
	v3 =	vshll.u32 v3, $0x1;
	v2 =	vor.u32 v0, v2  }
0xd5: {  	v41 =	vld [tilespmem:s22+$0xC0];
	[tilespmem:s22+$0x910] =	vst v2;
	v2 =	vor.u32 v0, v3;
	v3 =	vshll.u32 v38, $0x1  }
0xd6: {  	v42 =	vld [tilespmem:s22+$0xD0];
	[tilespmem:s22+$0x920] =	vst v2;
	v2 =	vor.u32 v0, v3;
	v3 =	vshll.u32 v39, $0x1  }
0xd7: {  	v43 =	vld [tilespmem:s22+$0xE0];
	[tilespmem:s22+$0x930] =	vst v2;
	v2 =	vor.u32 v0, v3;
	v3 =	vshll.u32 v40, $0x1  }
0xd8: {  	v44 =	vld [tilespmem:s22+$0xF0];
	[tilespmem:s22+$0x940] =	vst v2;
	v2 =	vor.u32 v0, v3;
	v3 =	vshll.u32 v7, $0x1  }
0xd9: {  	v45 =	vld [tilespmem:s22+$0x100];
	[tilespmem:s22+$0x950] =	vst v2;
	v2 =	vor.u32 v0, v3;
	v3 =	vshll.u32 v8, $0x1  }
0xda: {  	v46 =	vld [tilespmem:s22+$0x110];
	[tilespmem:s22+$0x960] =	vst v2;
	v2 =	vor.u32 v0, v3;
	v3 =	vshll.u32 v41, $0x1  }
0xdb: {  	v47 =	vld [tilespmem:s22+$0x120];
	[tilespmem:s22+$0x970] =	vst v2;
	v2 =	vor.u32 v0, v3;
	v3 =	vshll.u32 v42, $0x1  }
0xdc: {  	v48 =	vld [tilespmem:s22+$0x130];
	[tilespmem:s22+$0x980] =	vst v2;
	v2 =	vor.u32 v0, v3;
	v3 =	vshll.u32 v43, $0x1  }
0xdd: {  	v49 =	vld [tilespmem:s22+$0x140];
	[tilespmem:s22+$0x990] =	vst v2;
	v2 =	vor.u32 v0, v3;
	v3 =	vshll.u32 v44, $0x1  }
0xde: {  	v50 =	vld [tilespmem:s22+$0x150];
	[tilespmem:s22+$0x9A0] =	vst v2;
	v2 =	vor.u32 v0, v3;
	v3 =	vshll.u32 v45, $0x1  }
0xdf: {  	v51 =	vld [tilespmem:s22+$0x160];
	[tilespmem:s22+$0x9B0] =	vst v2;
	v2 =	vor.u32 v0, v3;
	v3 =	vshll.u32 v46, $0x1  }
0xe0: {  	v52 =	vld [tilespmem:s22+$0x170];
	[tilespmem:s22+$0x9C0] =	vst v2;
	v2 =	vor.u32 v0, v3;
	v3 =	vshll.u32 v47, $0x1  }
0xe1: {  	v53 =	vld [tilespmem:s22+$0x180];
	[tilespmem:s22+$0x9D0] =	vst v2;
	v2 =	vor.u32 v0, v3;
	v3 =	vshll.u32 v48, $0x1  }
0xe2: {  	v54 =	vld [tilespmem:s22+$0x190];
	[tilespmem:s22+$0x9E0] =	vst v2;
	v2 =	vor.u32 v0, v3;
	v3 =	vshll.u32 v49, $0x1  }
0xe3: {  	v55 =	vld [tilespmem:s22+$0x1A0];
	[tilespmem:s22+$0x9F0] =	vst v2;
	v2 =	vor.u32 v0, v3;
	v3 =	vshll.u32 v50, $0x1  }
0xe4: {  	v56 =	vld [tilespmem:s22+$0x1B0];
	[tilespmem:s22+$0xA00] =	vst v2;
	v2 =	vor.u32 v0, v3;
	v3 =	vshll.u32 v51, $0x1  }
0xe5: {  	v57 =	vld [tilespmem:s22+$0x1C0];
	[tilespmem:s22+$0xA10] =	vst v2;
	v2 =	vor.u32 v0, v3;
	v3 =	vshll.u32 v52, $0x1  }
0xe6: {  	v58 =	vld [tilespmem:s22+$0x1D0];
	[tilespmem:s22+$0xA20] =	vst v2;
	v2 =	vor.u32 v0, v3;
	v3 =	vshll.u32 v53, $0x1  }
0xe7: {  	v59 =	vld [tilespmem:s22+$0x1E0];
	[tilespmem:s22+$0xA30] =	vst v2;
	v2 =	vor.u32 v0, v3;
	v3 =	vshll.u32 v54, $0x1  }
0xe8: {  	v60 =	vld [tilespmem:s22+$0x1F0];
	[tilespmem:s22+$0xA40] =	vst v2;
	v2 =	vor.u32 v0, v3;
	v3 =	vshll.u32 v55, $0x1  }
0xe9: {  	v61 =	vld [tilespmem:s22+$0x200];
	[tilespmem:s22+$0xA50] =	vst v2;
	v2 =	vor.u32 v0, v3;
	v3 =	vshll.u32 v56, $0x1  }
0xea: {  	v62 =	vld [tilespmem:s22+$0x210];
	[tilespmem:s22+$0xA60] =	vst v2;
	v2 =	vor.u32 v0, v3;
	v3 =	vshll.u32 v57, $0x1  }
0xeb: {  	v63 =	vld [tilespmem:s22+$0x220];
	[tilespmem:s22+$0xA70] =	vst v2;
	v2 =	vor.u32 v0, v3;
	v3 =	vshll.u32 v58, $0x1  }
0xec: {  	[tilespmem:s22+$0xA80] =	vst v2;
	v2 =	vor.u32 v0, v3;
	v3 =	vshll.u32 v59, $0x1  }
0xed: {  	[tilespmem:s22+$0xA90] =	vst v2;
	v2 =	vor.u32 v0, v3;
	v3 =	vshll.u32 v60, $0x1  }
0xee: {  	[tilespmem:s22+$0xAA0] =	vst v2;
	v2 =	vor.u32 v0, v3;
	v3 =	vshll.u32 v61, $0x1  }
0xef: {  	s25 =	smul.u32 $0x23000, s21;
	[tilespmem:s22+$0xAB0] =	vst v2;
	v2 =	vor.u32 v0, v3;
	v3 =	vshll.u32 v62, $0x1  }
0xf0: {  	[tilespmem:s22+$0xAC0] =	vst v2;
	v2 =	vor.u32 v0, v3;
	v3 =	vshll.u32 v63, $0x1  }
0xf1: {  	s21 =	sshrl.u32 s25, $0x2;
	[tilespmem:s22+$0xAD0] =	vst v2;
	v2 =	vor.u32 v0, v3  }
0xf2: {  	s24 =	smul.u32 $0x5000, s24;
	s21 =	sadd.s32 $0xD20, s21;
	s23 =	sadd.s32 $0x8C0, s23;
	[tilespmem:s22+$0xAE0] =	vst v2  }
0xf3: {  	[tilespmem:s21], [sflag:$0x1] =	stream.indirect.gather [hbm4b:s4+s16], $0x40, s23, s16, $0xb8;
	[tilespmem:$0x15520] =	vst v63  }
0xf4: {  	s23 =	sadd.s32 $0x5000, s24  }
0xf5: {  	s21 =	sshrl.u32 s23, $0x2  }
0xf6: {  	s25 =	sadd.s32 $0x910, s22;
	s23 =	sadd.s32 $0xA000, s24;
	s21 =	sadd.s32 $0xD20, s21  }
0xf7: {  	[tilespmem:s21], [sflag:$0x1] =	stream.indirect.gather [hbm4b:s4+s16], $0x40, s25, s16, $0xb8;
	[tilespmem:$0x15520] =	vst v63  }
0xf8: {  	s21 =	sshrl.u32 s23, $0x2  }
0xf9: {  	s25 =	sadd.s32 $0x960, s22;
	s23 =	sadd.s32 $0xF000, s24;
	s21 =	sadd.s32 $0xD20, s21  }
0xfa: {  	[tilespmem:s21], [sflag:$0x1] =	stream.indirect.gather [hbm4b:s4+s16], $0x40, s25, s16, $0xb8;
	[tilespmem:$0x15520] =	vst v63  }
0xfb: {  	s21 =	sshrl.u32 s23, $0x2  }
0xfc: {  	s25 =	sadd.s32 $0x9B0, s22;
	s23 =	sadd.s32 $0x14000, s24;
	s21 =	sadd.s32 $0xD20, s21  }
0xfd: {  	[tilespmem:s21], [sflag:$0x1] =	stream.indirect.gather [hbm4b:s4+s16], $0x40, s25, s16, $0xb8;
	[tilespmem:$0x15520] =	vst v63  }
0xfe: {  	s21 =	sshrl.u32 s23, $0x2  }
0xff: {  	s25 =	sadd.s32 $0xA00, s22;
	s23 =	sadd.s32 $0x19000, s24;
	s21 =	sadd.s32 $0xD20, s21  }
0x100: {  	[tilespmem:s21], [sflag:$0x1] =	stream.indirect.gather [hbm4b:s4+s16], $0x40, s25, s16, $0xb8;
	[tilespmem:$0x15520] =	vst v63  }
0x101: {  	s21 =	sshrl.u32 s23, $0x2  }
0x102: {  	s25 =	sadd.s32 $0xA50, s22;
	s21 =	sadd.s32 $0xD20, s21  }
0x103: {  	[tilespmem:s21], [sflag:$0x1] =	stream.indirect.gather [hbm4b:s4+s16], $0x40, s25, s16, $0xb8;
	[tilespmem:$0x15520] =	vst v63  }
.Ltmp6:
0x104: {  	_ = 	snop;
	(pc) =	sbr.rel .LBB2_6-.Ltmp6, $4  }
0x105: {  	s25 =	sadd.s32 $0x1E000, s24  }
0x106: {  	s21 =	sshrl.u32 s25, $0x2  }
0x107: {  	s22 =	sadd.s32 $0xAA0, s22;
	s21 =	sadd.s32 $0xD20, s21  }
0x108: {  	[tilespmem:s21], [sflag:$0x1] =	stream.indirect.gather [hbm4b:s4+s16], $0x40, s22, s16, $0xb8;
	[tilespmem:$0x15520] =	vst v63  }
.LBB2_8:
0x109: {  	_ =	sfence.sel $0x180000  }
0x10a: {  	[bflag:$0x0] =	sbarrier.arrive $0xFFFF  }
0x10b: {  	_ =	strace $0x90000050  }
0x10c: {  	[bflag:$0x2] =	sbarrier.arrive $0xFFFF  }
0x10d: {  	p0 =	sne.s32 s1, $0x0;
	s0 =	rddreg [dreg:$0x2]  }
0x10e: {  	s0 =	sadd.s32 @!p0 $0x100000, s0  }
0x10f: {  	[sflag:s0] =	ssyncadd.tile.s32 @!p0 $0x1;
	_ =	shalt  }
.Lfunc_end2:
_tile_overlayer_lowered:
.L_overlay_start_2:
0x110: {  	(tag) =	ssettag $0x2  }
0x111: {  	s0 =	rddreg [dreg:$0x0];
	s2 =	stileid.u32  }
0x112: {  	s1 =	rddreg [dreg:$0x1];
	p0 =	sne.s32 s2, $0x0  }
0x113: {  	s3 =	rddreg [dreg:$0x2];
	[bflag:$0x3] =	sbarrier.arrive $0xFFFF;
	s2 =	simm.s32 @!p0 $0x1C04  }
0x114: {  	[timem:s3], [sflag:s2] =	dma.local @!p0 [hbm:s0], s1  }
0x115: {  	s0 =	simm.s32 @!p0 $0x4  }
0x116: {  	_ =	swait.ge @!p0 [sflag:s0], s1  }
0x117: {  	s1 =	ssub.s32 @!p0 $0x0, s1;
	[sflag:s0] =	ssyncset.done @!p0 $0x0  }
0x118: {  	[sflag:s0] =	ssyncadd.s32 @!p0 s1  }
0x119: {  	[bflag:$0x3] =	sbarrier.arrive $0xFFFF  }
0x11a: {  	_ =	shalt  }

// kernel: kernel.17.cloned.1.call-start
scs
__scs_entry_jumppad:
0x0: {  	(pc) =	sbr.rel $0x88, $3  }
0x1: {  	(tag) =	ssettag $0x0;
	lr =	simm.s32 $0x1  }
0x2: {  	[smem:$0x3F9A] =	sst lr;
	_ =	strace $0xD0000000  }
0x3: {  	_ = 	snop  }
0x4: {  	_ = 	snop  }
0x5: {  	_ = 	snop  }
0x6: {  	_ = 	snop  }
0x7: {  	_ = 	snop  }
__scs_overlays_trampoline_lowered:
0x8: {  	[smem:$0x3FA9] =	sst s0  }
0x9: {  	[smem:$0x3FAA] =	sst s1  }
0xa: {  	[smem:$0x3FAB] =	sst s2  }
0xb: {  	[smem:$0x3FAC] =	sst s3  }
0xc: {  	[smem:$0x3FAD] =	sst s4  }
0xd: {  	[smem:$0x3FAE] =	sst s5  }
0xe: {  	[smem:$0x3FAF] =	sst s6  }
0xf: {  	[smem:$0x3FB0] =	sst s7  }
0x10: {  	[smem:$0x3FB1] =	sst s8  }
0x11: {  	[smem:$0x3FB2] =	sst s9;
	s0 =	simm.s32 @!p0 $0x0  }
0x12: {  	s1 =	sld [smem:$0x3F98];
	s0 =	simm.s32 @p0 $0x1  }
0x13: {  	[smem:$0x3FB3] =	sst s0;
	s0 =	simm.s32 @!p1 $0x0  }
0x14: {  	s2 =	sld [smem:$0x3F97];
	s0 =	simm.s32 @p1 $0x1  }
0x15: {  	[smem:$0x3FB4] =	sst s0;
	s0 =	simm.s32 @!p2 $0x0  }
0x16: {  	s3 =	sld [smem:$0x3FDB];
	s0 =	simm.s32 @p2 $0x1  }
0x17: {  	s4 =	simm.s32 $0x1BF5;
	[smem:$0x3FB6] =	sst s0  }
0x18: {  	s0 =	sld [smem:$0x3F99];
	_ =	swait.ge [sflag:s4], $0x0  }
0x19: {  	s7 =	sld [smem:$0x3F9A]  }
0x1a: {  	s8 =	sadd.s32 $0xFFFFE003, lr  }
0x1b: {  	s9 =	sadd.s32 $0xFFFFFEF7, lr;
	s5 =	simm.s32 $0xFFFFFFFF;
	p2 =	slt.u32 s8, $0xFFFFF086  }
0x1c: {  	p1 =	slt.u32 s9, $0xF7A;
	s5 =	simm.s32 @!p2 $0x0  }
0x1d: {  	s5 =	simm.s32 @p1 $0x1;
	p0 =	seq.s32 s7, s2  }
0x1e: {  	s7 =	smul.u32 @!p0 $0xF7A, s2;
	p2 =	seq.s32 @!p0 s5, $0x0  }
0x1f: {  	s9 =	smul.u32 $0xF7A, s1;
	s8 =	simm.s32 @!p0 $0x1BF5;
	p2 =	por !p2, p0  }
0x20: {  	[sflag:s8] =	ssyncset.s32 @!p0 $0xFFFFF086;
	s6 =	sadd.s32 @!p0 s3, s7;
	s7 =	simm.s32 @!p0 $0x108  }
0x21: {  	s3 =	sadd.s32 s3, s9;
	s6 =	sadd.s32 @!p0 $0x88, s6;
	s7 =	simm.s32 @p2 $0x1082  }
0x22: {  	[simem:s7], [sflag:s8] =	dma.local @!p0 [hbm:s6], $0xF7A  }
0x23: {  	s9 =	sor.u32 $0xD0000000, s2;
	s6 =	simm.s32 $0x108;
	_ =	swait.ge @!p0 [sflag:s8], $0x0  }
0x24: {  	s3 =	sadd.s32 $0x88, s3;
	s6 =	simm.s32 @!p1 $0x1082;
	[sflag:s4] =	ssyncset.s32 $0xFFFFF086  }
0x25: {  	[simem:s6], [sflag:s4] =	dma.local [hbm:s3], $0xF7A  }
0x26: {  	[smem:$0x3F9A] =	sst s1;
	(tag) =	ssettag s2;
	_ =	strace s9  }
0x27: {  	s1 =	sld [smem:$0x3FAA]  }
0x28: {  	s2 =	sld [smem:$0x3FAB]  }
0x29: {  	s4 =	sld [smem:$0x3FAD]  }
0x2a: {  	p0 =	seq.s32 s5, $0x0;
	s5 =	sld [smem:$0x3FAE]  }
0x2b: {  	s6 =	sld [smem:$0x3FAF]  }
0x2c: {  	s7 =	sld [smem:$0x3FB0]  }
0x2d: {  	s3 =	simm.s32 $0x108;
	s8 =	sld [smem:$0x3FB1]  }
0x2e: {  	s3 =	simm.s32 @!p0 $0x1082;
	s9 =	sld [smem:$0x3FB2]  }
0x2f: {  	lr =	sadd.s32 s0, s3;
	s0 =	sld [smem:$0x3FA9]  }
0x30: {  	s3 =	sld [smem:$0x3FAC]  }
0x31: {  	[smem:$0x3FB5] =	sst s10  }
0x32: {  	s10 =	sld [smem:$0x3FB3];
	_ =	sdelay $0x3  }
0x33: {  	p0 =	seq.s32 s10, $0x1;
	s10 =	sld [smem:$0x3FB5];
	_ =	sdelay $0x3  }
0x34: {  	[smem:$0x3FB5] =	sst s10  }
0x35: {  	s10 =	sld [smem:$0x3FB4];
	_ =	sdelay $0x3  }
0x36: {  	p1 =	seq.s32 s10, $0x1;
	s10 =	sld [smem:$0x3FB5];
	_ =	sdelay $0x3  }
0x37: {  	[smem:$0x3FB5] =	sst s10  }
0x38: {  	s10 =	sld [smem:$0x3FB6]  }
0x39: {  	_ = 	snop;
	(pc) =	sbr.ind lr, $3  }
0x3a: {  	_ = 	snop  }
0x3b: {  	_ = 	snop  }
0x3c: {  	p2 =	seq.s32 s10, $0x1;
	s10 =	sld [smem:$0x3FB5]  }
0x3d: {  	_ =	shalt  }
0x3e: {  	_ =	shalt  }
0x3f: {  	_ =	shalt  }
0x40: {  	_ =	shalt  }
0x41: {  	_ =	shalt  }
0x42: {  	_ =	shalt  }
0x43: {  	_ =	shalt  }
0x44: {  	_ =	shalt  }
0x45: {  	_ =	shalt  }
0x46: {  	_ =	shalt  }
0x47: {  	_ =	shalt  }
0x48: {  	_ =	shalt  }
0x49: {  	_ =	shalt  }
0x4a: {  	_ =	shalt  }
0x4b: {  	_ =	shalt  }
0x4c: {  	_ =	shalt  }
0x4d: {  	_ =	shalt  }
0x4e: {  	_ =	shalt  }
0x4f: {  	_ =	shalt  }
0x50: {  	_ =	shalt  }
0x51: {  	_ =	shalt  }
0x52: {  	_ =	shalt  }
0x53: {  	_ =	shalt  }
0x54: {  	_ =	shalt  }
0x55: {  	_ =	shalt  }
0x56: {  	_ =	shalt  }
0x57: {  	_ =	shalt  }
0x58: {  	_ =	shalt  }
0x59: {  	_ =	shalt  }
0x5a: {  	_ =	shalt  }
0x5b: {  	_ =	shalt  }
0x5c: {  	_ =	shalt  }
0x5d: {  	_ =	shalt  }
0x5e: {  	_ =	shalt  }
0x5f: {  	_ =	shalt  }
0x60: {  	_ =	shalt  }
0x61: {  	_ =	shalt  }
0x62: {  	_ =	shalt  }
0x63: {  	_ =	shalt  }
0x64: {  	_ =	shalt  }
0x65: {  	_ =	shalt  }
0x66: {  	_ =	shalt  }
0x67: {  	_ =	shalt  }
0x68: {  	_ =	shalt  }
0x69: {  	_ =	shalt  }
0x6a: {  	_ =	shalt  }
0x6b: {  	_ =	shalt  }
0x6c: {  	_ =	shalt  }
0x6d: {  	_ =	shalt  }
0x6e: {  	_ =	shalt  }
0x6f: {  	_ =	shalt  }
0x70: {  	_ =	shalt  }
0x71: {  	_ =	shalt  }
0x72: {  	_ =	shalt  }
0x73: {  	_ =	shalt  }
0x74: {  	_ =	shalt  }
0x75: {  	_ =	shalt  }
0x76: {  	_ =	shalt  }
0x77: {  	_ =	shalt  }
0x78: {  	_ =	shalt  }
0x79: {  	_ =	shalt  }
0x7a: {  	_ =	shalt  }
0x7b: {  	_ =	shalt  }
0x7c: {  	_ =	shalt  }
0x7d: {  	_ =	shalt  }
0x7e: {  	_ =	shalt  }
0x7f: {  	_ =	shalt  }
0x80: {  	_ =	shalt  }
0x81: {  	_ =	shalt  }
0x82: {  	_ =	shalt  }
0x83: {  	_ =	shalt  }
0x84: {  	_ =	shalt  }
0x85: {  	_ =	shalt  }
0x86: {  	_ =	shalt  }
0x87: {  	_ =	shalt  }
.Lfunc_end0:
.L_simem_size_0:
called_computation.3_lowered:
.L_overlay_start_0:
0x88: {  	s2 =	sld [smem:$0x3FD9]  }
0x89: {  	s3 =	sld [smem:$0x3FFE];
	_ =	sdelay $0x1  }
0x8a: {  	s1 =	srdreg.scid  }
0x8b: {  	s0 =	sand.u32 $0x1, s1  }
0x8c: {  	s17 =	sshll.u32 s0, $0xA;
	s2 =	sadd.s32 s3, s2  }
0x8d: {  	s2 =	sadd.s32 s2, s17  }
0x8e: {  	[smem:$0x3FC1] =	sst s2  }
0x8f: {  	_ = 	snop  }
0x90: {  	s18 =	sld [smem:$0x3FD0];
	(tm) =	ssettm $0x1  }
0x91: {  	s19 =	sld [smem:$0x3FFB];
	_ =	sdelay $0x3  }
0x92: {  	_ =	strace s19  }
0x93: {  	s2 =	sld [smem:$0x3FFC];
	_ =	sdelay $0x3  }
0x94: {  	_ =	strace s2  }
0x95: {  	s2 =	sld [smem:$0x3FFD];
	_ =	sdelay $0x3  }
0x96: {  	_ =	strace s2  }
0x97: {  	_ =	strace $0x8FFFFFFF  }
0x98: {  	s20 =	sld [smem:$0x3FDB];
	_ =	sdelay $0x1  }
0x99: {  	s4 =	simm.s32 $_scs_section_size  }
0x9a: {  	s5 =	simm.s32 $_size__tile_overlayer_lowered;
	s6 =	simm.s32 $_tile_overlayer_lowered  }
0x9b: {  	s7 =	simm.s32 $0x1BFF;
	s21 =	sshll.u32 s6, $0x1;
	s4 =	sadd.s32 s4, s20  }
0x9c: {  	s22 =	simm.s32 $0x0;
	s5 =	sshll.u32 s5, $0x1;
	s6 =	sadd.s32 s21, s4  }
0x9d: {  	[timem:s22], [sflag:s7] =	dma.local [hbm:s6], s5  }
0x9e: {  	_ =	swait.ge [sflag:s7], s5  }
0x9f: {  	s5 =	ssub.s32 $0x0, s5;
	[sflag:s7] =	ssyncset.done $0x0  }
0xa0: {  	[sflag:s7] =	ssyncadd.s32 s5;
	_ =	sdelay $0x1  }
0xa1: {  	s23 =	simm.s32 $0x1B8B  }
0xa2: {  	_ =	swait.ge [sflag:s23], $0x1  }
0xa3: {  	[sflag:s23] =	ssyncset.done $0x0  }
0xa4: {  	[sflag:s23] =	ssyncadd.s32 $0xFFFFFFFF  }
0xa5: {  	s5 =	sld [smem:$0x0]  }
0xa6: {  	s6 =	sand.u32 $0xFFFFFFFE, s1  }
0xa7: {  	p0 =	sne.s32 s1, s6  }
0xa8: {  	s6 =	sshll.u32 @p0 s6, $0xE  }
0xa9: {  	s6 =	sadd.s32 @p0 $0x11B8D, s6;
	s7 =	sshll.u32 @p0 s5, $0x11  }
0xaa: {  	s6 =	sor.u32 @p0 s7, s6  }
0xab: {  	[sflag:s6] =	ssyncadd.remote.s32 @p0 $0x1;
	_ =	sdelay $0x1  }
0xac: {  	s6 =	simm.s32 @p0 $0x1B8D  }
0xad: {  	_ =	swait.eq @p0 [sflag:s6], $0x1  }
0xae: {  	[sflag:s6] =	ssyncadd.s32 @p0 $0xFFFFFFFF  }
0xaf: {  	s7 =	sshll.u32 @!p0 s1, $0xE  }
0xb0: {  	s7 =	sor.u32 @!p0 $0x4000, s7;
	s6 =	simm.s32 @!p0 $0x1B8D  }
0xb1: {  	s5 =	sshll.u32 @!p0 s5, $0x11;
	s7 =	sadd.s32 @!p0 $0x11B8D, s7;
	_ =	swait.eq @!p0 [sflag:s6], $0x1  }
0xb2: {  	s5 =	sor.u32 @!p0 s5, s7;
	[sflag:s6] =	ssyncadd.s32 @!p0 $0xFFFFFFFF  }
0xb3: {  	s25 =	simm.s32 $0x1B8E;
	s24 =	sld [smem:$0x3FFE];
	[sflag:s5] =	ssyncadd.remote.s32 @!p0 $0x1  }
0xb4: {  	s26 =	simm.s32 $execute0_lowered;
	[smem:$0x3FD2] =	sst s25  }
0xb5: {  	s6 =	sshll.u32 s26, $0x1;
	_ =	strace $0x8000004C;
	[dreg:$0x1] =	wrdreg $0xFFFFFFFF  }
0xb6: {  	s28 =	simm.s32 $_size_execute0_lowered;
	s4 =	sadd.s32 s4, s6;
	[dreg:$0x0] =	wrdreg $0x0  }
0xb7: {  	s6 =	sshll.u32 s28, $0x1;
	[dreg:$0x2] =	wrdreg s4  }
0xb8: {  	[dreg:$0x3] =	wrdreg s6  }
0xb9: {  	[dreg:$0x4] =	wrdreg $0xC0  }
0xba: {  	_ =	task [dreg:s22], $0x5FFFF  }
0xbb: {  	[dreg:$0x1] =	wrdreg $0xFFFFFFFF  }
0xbc: {  	[dreg:$0x0] =	wrdreg $0x60  }
0xbd: {  	[dreg:$0x2] =	wrdreg s24  }
0xbe: {  	[dreg:$0x3] =	wrdreg s18  }
0xbf: {  	[dreg:$0x4] =	wrdreg $0x1FA00  }
0xc0: {  	[dreg:$0x5] =	wrdreg $0x9  }
0xc1: {  	_ =	task.clear_ibuf [dreg:s22], $0x6FFFF;
	_ =	strace $0x9000004C  }
0xc2: {  	s29 =	simm.s32 $0x9;
	_ =	strace $0x8000004E  }
0xc3: {  	_ =	swait.ge [sflag:s29], $0x1  }
0xc4: {  	[sflag:s29] =	ssyncadd.s32 $0xFFFFFFFF  }
0xc5: {  	_ =	strace $0x9000004E  }
0xc6: {  	_ =	sfence  }
0xc7: {  	s30 =	sld [smem:$0x0];
	_ =	sdelay $0x2  }
0xc8: {  	s31 =	sshll.u32 s1, $0xD;
	s1 =	sshrl.u32 s1, $0x2  }
0xc9: {  	s4 =	sand.u32 $0x4000, s31;
	s1 =	sadd.s32 s1, s30  }
0xca: {  	s0 =	sor.u32 s4, s0;
	s1 =	sshll.u32 s1, $0x11  }
0xcb: {  	s0 =	sor.u32 s1, s0  }
0xcc: {  	s0 =	sadd.s32 $0x8F2B, s0  }
0xcd: {  	[sflag:s0] =	ssyncadd.remote.s32 $0x1  }
0xce: {  	_ =	sfence.sel $0xFFFF  }
0xcf: {  	[dreg:$0x0] =	wrdreg $0xFFFFFFFF;
	(pc) =	sbr.abs _section_cstart, $3  }
0xd0: {  	[dreg:$0x1] =	wrdreg $0xFFFFFFFF  }
0xd1: {  	_ =	task.clear_ibuf [dreg:s22], $0x2FFFF;
	_ =	strace $0x9FFFFFFF  }
0xd2: {  	(tm) =	ssettm $0x7FFFFFFF  }
0xd3: {  	_ =	shalt  }
tec
execute0_lowered:
.L_overlay_start_1:
0x0: {  	(tag) =	ssettag $0x1  }
0x1: {  	s4 =	rddreg [dreg:$0x0]  }
0x2: {  	s5 =	rddreg [dreg:$0x1]  }
0x3: {  	s2 =	rddreg [dreg:$0x2]  }
0x4: {  	s0 =	rddreg [dreg:$0x3]  }
0x5: {  	s3 =	simm.s32 $0x0;
	s6 =	srdreg.scid;
	s1 =	stileid.u32  }
0x6: {  	s13 =	simm.s32 $0x50;
	s14 =	simm.s32 $0x5A0;
	s15 =	simm.s32 $0xA0  }
0x7: {  	s16 =	simm.s32 $0xF0;
	s17 =	simm.s32 $0x140;
	s18 =	simm.s32 $0x190  }
0x8: {  	s19 =	simm.s32 $0x1E0;
	s20 =	simm.s32 $0x230;
	s21 =	simm.s32 $0x280  }
0x9: {  	s22 =	simm.s32 $0x2;
	s23 =	simm.s32 $0x1;
	s24 =	simm.s32 $0x0  }
0xa: {  	[smem:$0x7FF] =	sst s3;
	s6 =	sand.u32 $0x1, s6;
	s7 =	sshll.u32 s1, $0x1  }
0xb: {  	s9 =	sadd.s32 $0x4FA00, s4;
	s30 =	sshll.u32 s1, $0xC;
	s10 =	smul.u32 $0x4EC, s1  }
0xc: {  	s11 =	sshll.u32 s1, $0x9;
	_ =	strace $0x8000004D;
	s8 =	ssub.s32 $0x2, s6  }
0xd: {  	s7 =	sor.u32 s6, s7;
	s4 =	sadd.s32 s30, s2;
	s12 =	smul.u32 $0x276, s6  }
0xe: {  	s6 =	sshll.u32 s6, $0xD;
	s11 =	sadd.s32 s5, s11;
	s29 =	sshrl.u32 s8, $0x1  }
0xf: {  	s7 =	smul.u32 $0x276, s7;
	s10 =	sadd.s32 s10, s9;
	s6 =	sadd.s32 s6, s11  }
0x10: {  	s11 =	simm.s32 $0x3;
	s8 =	ssub.s32 s8, s29;
	s31 =	sadd.s32 s12, s10  }
0x11: {  	s10 =	simm.s32 $0xFA0;
	s12 =	simm.s32 $0x2D0;
	s5 =	sadd.s32 s9, s7  }
0x12: {  	v0 =	vimm.f32 $0.0e+00;
	v1 =	vimm.f32 $1.000000000e+00;
	s7 =	smax.u32 s8, $0x1;
	s9 =	sadd.s32 $0xB4, s31;
	s8 =	sadd.s32 $0x5A, s5  }
.LBB2_1:
0x13: {  	s25 =	simm.s32 $0x0  }
.LBB2_2:
0x14: {  	p0 =	sne.s32 s25, $0x3F80  }
.Ltmp0:
0x15: {  	_ = 	snop;
	(pc) =	sbr.rel @p0 .LBB2_2-.Ltmp0, $4  }
0x16: {  	_ = 	snop  }
0x17: {  	s26 =	sshra.s32 s25, $0x2  }
0x18: {  	[tilespmem:s26+$0xFA0] =	vst v0  }
0x19: {  	s25 =	sadd.s32 $0x80, s25;
	[tilespmem:s26+$0xFB0] =	vst v0  }
0x1a: {  	s25 =	simm.s32 $0x80;
	s26 =	simm.s32 $0x0  }
.LBB2_4:
0x1b: {  	p0 =	sne.s32 s25, $0x2780;
	[tilespmem:s26+$0x5A0] =	vst v1;
	s28 =	smov.u32 s25;
	s25 =	sadd.s32 $0x80, s25  }
.Ltmp1:
0x1c: {  	[tilespmem:s26+$0x5B0] =	vst v1;
	(pc) =	sbr.rel @p0 .LBB2_4-.Ltmp1, $2  }
0x1d: {  	_ =	sdelay $0x2  }
0x1e: {  	s26 =	sshra.s32 s28, $0x2  }
0x1f: {  	[tilespmem:s26+$0x5A0] =	vst v1  }
0x20: {  	[tilespmem:s26+$0x5B0] =	vst v1  }
0x21: {  	[spmem:s4] =	stream.linear.scatter [tilespmem:s10], [sflag:$0x3], $0x1000, $0x38;
	[tilespmem:$0x2FA0] =	vst v63  }
0x22: {  	_ =	swait.ge [sflag:s11], $0x1000  }
0x23: {  	[sflag:s11] =	ssyncset.done $0x0  }
0x24: {  	[sflag:s11] =	ssyncadd.s32 $0xFFFFF000  }
0x25: {  	[bflag:$0x0] =	sbarrier.arrive $0xFFFF  }
0x26: {  	[tilespmem:s3], [sflag:$0x3] =	stream.linear.gather [hbm4b:s5+s3], $0x2D0, $0x38;
	[tilespmem:$0x2FA0] =	vst v63  }
0x27: {  	_ =	swait.ge [sflag:s11], $0x2D0  }
0x28: {  	[sflag:s11] =	ssyncset.done $0x0  }
0x29: {  	[sflag:s11] =	ssyncadd.s32 $0xFFFFFD30  }
0x2a: {  	[tilespmem:s12], [sflag:$0x2] =	stream.linear.gather [hbm4b:s8+s3], $0x2D0, $0x38;
	[tilespmem:$0x2FA0] =	vst v63  }
0x2b: {  	_ = 	snop  }
0x2c: {  	[spmem:s2] =	stream.indirect.scatter.add.f32 [tilespmem:s14], [sflag:$0x1], $0x20, s3, s13, $0xb8;
	[tilespmem:$0x2FA0] =	vst v63  }
0x2d: {  	_ = 	snop  }
0x2e: {  	[spmem:s2] =	stream.indirect.scatter.add.f32 [tilespmem:s14], [sflag:$0x1], $0x20, s13, s13, $0xb8;
	[tilespmem:$0x2FA0] =	vst v63  }
0x2f: {  	_ = 	snop  }
0x30: {  	[spmem:s2] =	stream.indirect.scatter.add.f32 [tilespmem:s14], [sflag:$0x1], $0x20, s15, s13, $0xb8;
	[tilespmem:$0x2FA0] =	vst v63  }
0x31: {  	_ = 	snop  }
0x32: {  	[spmem:s2] =	stream.indirect.scatter.add.f32 [tilespmem:s14], [sflag:$0x1], $0x20, s16, s13, $0xb8;
	[tilespmem:$0x2FA0] =	vst v63  }
0x33: {  	_ = 	snop  }
0x34: {  	[spmem:s2] =	stream.indirect.scatter.add.f32 [tilespmem:s14], [sflag:$0x1], $0x20, s17, s13, $0xb8;
	[tilespmem:$0x2FA0] =	vst v63  }
0x35: {  	_ = 	snop  }
0x36: {  	[spmem:s2] =	stream.indirect.scatter.add.f32 [tilespmem:s14], [sflag:$0x1], $0x20, s18, s13, $0xb8;
	[tilespmem:$0x2FA0] =	vst v63  }
0x37: {  	_ = 	snop  }
0x38: {  	[spmem:s2] =	stream.indirect.scatter.add.f32 [tilespmem:s14], [sflag:$0x1], $0x20, s19, s13, $0xb8;
	[tilespmem:$0x2FA0] =	vst v63  }
0x39: {  	_ = 	snop  }
0x3a: {  	[spmem:s2] =	stream.indirect.scatter.add.f32 [tilespmem:s14], [sflag:$0x1], $0x20, s20, s13, $0xb8;
	[tilespmem:$0x2FA0] =	vst v63  }
0x3b: {  	_ = 	snop  }
0x3c: {  	[spmem:s2] =	stream.indirect.scatter.add.f32 [tilespmem:s14], [sflag:$0x1], $0x20, s21, s13, $0xb8;
	[tilespmem:$0x2FA0] =	vst v63  }
0x3d: {  	_ =	swait.ge [sflag:s22], $0x2D0  }
0x3e: {  	[sflag:s22] =	ssyncset.done $0x0  }
0x3f: {  	s25 =	simm.s32 $0xFFFFFFFA;
	s26 =	smov.u32 s9;
	[sflag:s22] =	ssyncadd.s32 $0xFFFFFD30  }
.LBB2_6:
0x40: {  	_ =	swait.ge [sflag:s23], $0xA00  }
0x41: {  	[sflag:s23] =	ssyncset.done $0x0  }
0x42: {  	[sflag:s23] =	ssyncadd.s32 $0xFFFFF600  }
0x43: {  	_ =	swait.ge [sflag:s23], $0xA00  }
0x44: {  	[sflag:s23] =	ssyncset.done $0x0  }
0x45: {  	[sflag:s23] =	ssyncadd.s32 $0xFFFFF600  }
0x46: {  	_ =	swait.ge [sflag:s23], $0xA00  }
0x47: {  	[sflag:s23] =	ssyncset.done $0x0  }
0x48: {  	[sflag:s23] =	ssyncadd.s32 $0xFFFFF600  }
0x49: {  	_ =	swait.ge [sflag:s23], $0xA00  }
0x4a: {  	[sflag:s23] =	ssyncset.done $0x0  }
0x4b: {  	[sflag:s23] =	ssyncadd.s32 $0xFFFFF600  }
0x4c: {  	_ =	swait.ge [sflag:s23], $0xA00  }
0x4d: {  	[sflag:s23] =	ssyncset.done $0x0  }
0x4e: {  	[sflag:s23] =	ssyncadd.s32 $0xFFFFF600  }
0x4f: {  	_ =	swait.ge [sflag:s23], $0xA00  }
0x50: {  	[sflag:s23] =	ssyncset.done $0x0  }
0x51: {  	[sflag:s23] =	ssyncadd.s32 $0xFFFFF600  }
0x52: {  	_ =	swait.ge [sflag:s23], $0xA00  }
0x53: {  	[sflag:s23] =	ssyncset.done $0x0  }
0x54: {  	[sflag:s23] =	ssyncadd.s32 $0xFFFFF600  }
0x55: {  	s28 =	sadd.s32 $0xFFFFFFFF, s25;
	_ =	swait.ge [sflag:s23], $0xA00  }
0x56: {  	p0 =	seq.s32 s25, $0xFFFFFFFF;
	s28 =	sand.u32 $0x1, s28;
	[sflag:s23] =	ssyncset.done $0x0  }
0x57: {  	s29 =	sxor.u32 @!p0 $0x1, s28;
	[sflag:s23] =	ssyncadd.s32 $0xFFFFF600  }
0x58: {  	s29 =	smul.u32 @!p0 $0xB40, s29;
	_ =	swait.ge [sflag:s23], $0xA00  }
0x59: {  	s30 =	simm.s32 @!p0 $0x0;
	[sflag:s23] =	ssyncset.done $0x0  }
0x5a: {  	s28 =	smul.u32 $0xB40, s28;
	s29 =	sshrl.u32 @!p0 s29, $0x2;
	[sflag:s23] =	ssyncadd.s32 $0xFFFFF600  }
0x5b: {  	[tilespmem:s29], [sflag:$0x2] =	stream.linear.gather @!p0 [hbm4b:s26+s30], $0x2D0, $0x38;
	[tilespmem:$0x2FA0] =	vst v63  }
0x5c: {  	s28 =	sshrl.u32 s28, $0x2  }
0x5d: {  	[spmem:s2] =	stream.indirect.scatter.add.f32 [tilespmem:s14], [sflag:$0x1], $0x20, s28, s13, $0xb8;
	[tilespmem:$0x2FA0] =	vst v63  }
0x5e: {  	s31 =	sadd.s32 $0x50, s28  }
0x5f: {  	[spmem:s2] =	stream.indirect.scatter.add.f32 [tilespmem:s14], [sflag:$0x1], $0x20, s31, s13, $0xb8;
	[tilespmem:$0x2FA0] =	vst v63  }
0x60: {  	s30 =	sadd.s32 $0xA0, s28  }
0x61: {  	[spmem:s2] =	stream.indirect.scatter.add.f32 [tilespmem:s14], [sflag:$0x1], $0x20, s30, s13, $0xb8;
	[tilespmem:$0x2FA0] =	vst v63  }
0x62: {  	s31 =	sadd.s32 $0xF0, s28  }
0x63: {  	[spmem:s2] =	stream.indirect.scatter.add.f32 [tilespmem:s14], [sflag:$0x1], $0x20, s31, s13, $0xb8;
	[tilespmem:$0x2FA0] =	vst v63  }
0x64: {  	s30 =	sadd.s32 $0x140, s28  }
0x65: {  	[spmem:s2] =	stream.indirect.scatter.add.f32 [tilespmem:s14], [sflag:$0x1], $0x20, s30, s13, $0xb8;
	[tilespmem:$0x2FA0] =	vst v63  }
0x66: {  	s31 =	sadd.s32 $0x190, s28  }
0x67: {  	[spmem:s2] =	stream.indirect.scatter.add.f32 [tilespmem:s14], [sflag:$0x1], $0x20, s31, s13, $0xb8;
	[tilespmem:$0x2FA0] =	vst v63  }
0x68: {  	s25 =	sadd.s32 @!p0 $0x1, s25;
	s30 =	sadd.s32 $0x1E0, s28  }
0x69: {  	[spmem:s2] =	stream.indirect.scatter.add.f32 [tilespmem:s14], [sflag:$0x1], $0x20, s30, s13, $0xb8;
	[tilespmem:$0x2FA0] =	vst v63  }
0x6a: {  	p1 =	seq.s32 @!p0 s25, $0x0;
	s31 =	sadd.s32 $0x230, s28  }
0x6b: {  	[spmem:s2] =	stream.indirect.scatter.add.f32 [tilespmem:s14], [sflag:$0x1], $0x20, s31, s13, $0xb8;
	[tilespmem:$0x2FA0] =	vst v63  }
0x6c: {  	p1 =	por p0, p1;
	s28 =	sadd.s32 $0x280, s28  }
0x6d: {  	[spmem:s2] =	stream.indirect.scatter.add.f32 [tilespmem:s14], [sflag:$0x1], $0x20, s28, s13, $0xb8;
	[tilespmem:$0x2FA0] =	vst v63  }
.Ltmp2:
0x6e: {  	_ = 	snop;
	(pc) =	sbr.rel @!p1 .LBB2_6-.Ltmp2, $4  }
0x6f: {  	s28 =	simm.s32 @!p0 $0x2  }
0x70: {  	_ =	swait.ge @!p0 [sflag:s28], $0x2D0  }
0x71: {  	[sflag:s28] =	ssyncset.done @!p0 $0x0  }
0x72: {  	s26 =	sadd.s32 @!p0 $0x5A, s26;
	[sflag:s28] =	ssyncadd.s32 @!p0 $0xFFFFFD30  }
0x73: {  	_ =	swait.ge [sflag:s23], $0xA00  }
0x74: {  	[sflag:s23] =	ssyncset.done $0x0  }
0x75: {  	[sflag:s23] =	ssyncadd.s32 $0xFFFFF600  }
0x76: {  	_ =	swait.ge [sflag:s23], $0xA00  }
0x77: {  	[sflag:s23] =	ssyncset.done $0x0  }
0x78: {  	[sflag:s23] =	ssyncadd.s32 $0xFFFFF600  }
0x79: {  	_ =	swait.ge [sflag:s23], $0xA00  }
0x7a: {  	[sflag:s23] =	ssyncset.done $0x0  }
0x7b: {  	[sflag:s23] =	ssyncadd.s32 $0xFFFFF600  }
0x7c: {  	_ =	swait.ge [sflag:s23], $0xA00  }
0x7d: {  	[sflag:s23] =	ssyncset.done $0x0  }
0x7e: {  	[sflag:s23] =	ssyncadd.s32 $0xFFFFF600  }
0x7f: {  	_ =	swait.ge [sflag:s23], $0xA00  }
0x80: {  	[sflag:s23] =	ssyncset.done $0x0  }
0x81: {  	[sflag:s23] =	ssyncadd.s32 $0xFFFFF600  }
0x82: {  	_ =	swait.ge [sflag:s23], $0xA00  }
0x83: {  	[sflag:s23] =	ssyncset.done $0x0  }
0x84: {  	[sflag:s23] =	ssyncadd.s32 $0xFFFFF600  }
0x85: {  	_ =	swait.ge [sflag:s23], $0xA00  }
0x86: {  	[sflag:s23] =	ssyncset.done $0x0  }
0x87: {  	[sflag:s23] =	ssyncadd.s32 $0xFFFFF600  }
0x88: {  	_ =	swait.ge [sflag:s23], $0xA00  }
0x89: {  	[sflag:s23] =	ssyncset.done $0x0  }
0x8a: {  	[sflag:s23] =	ssyncadd.s32 $0xFFFFF600  }
0x8b: {  	_ =	swait.ge [sflag:s23], $0xA00  }
0x8c: {  	s25 =	sshll.u32 s1, $0x6;
	s24 =	sadd.s32 $0x1, s24;
	[sflag:s23] =	ssyncset.done $0x0  }
0x8d: {  	s26 =	sshrl.u32 s4, $0x3;
	p0 =	sne.s32 s24, s7;
	[sflag:s23] =	ssyncadd.s32 $0xFFFFF600  }
.Ltmp3:
0x8e: {  	s25 =	sor.u32 $0x1C03, s25;
	[bflag:$0x0] =	sbarrier.arrive $0xFFFF;
	(pc) =	sbr.rel @p0 .LBB2_1-.Ltmp3, $4  }
0x8f: {  	[hbm:s6], [sflag:s25] =	dma.local [spmem:s26], $0x200  }
0x90: {  	_ =	swait.ge [sflag:s11], $0x200  }
0x91: {  	[sflag:s11] =	ssyncset.done $0x0  }
0x92: {  	[sflag:s11] =	ssyncadd.s32 $0xFFFFFE00  }
0x93: {  	_ =	sfence.sel $0x180000  }
0x94: {  	[bflag:$0x0] =	sbarrier.arrive $0xFFFF  }
0x95: {  	p0 =	sne.s32 s1, $0x0;
	_ =	strace $0x9000004D  }
0x96: {  	s0 =	sadd.s32 @!p0 $0x100000, s0;
	[bflag:$0x2] =	sbarrier.arrive $0xFFFF  }
0x97: {  	[sflag:s0] =	ssyncadd.tile.s32 @!p0 $0x1;
	_ =	shalt  }
.Lfunc_end2:
_tile_overlayer_lowered:
.L_overlay_start_2:
0x98: {  	(tag) =	ssettag $0x2  }
0x99: {  	s0 =	rddreg [dreg:$0x0];
	s2 =	stileid.u32  }
0x9a: {  	s1 =	rddreg [dreg:$0x1];
	p0 =	sne.s32 s2, $0x0  }
0x9b: {  	s3 =	rddreg [dreg:$0x2];
	[bflag:$0x3] =	sbarrier.arrive $0xFFFF;
	s2 =	simm.s32 @!p0 $0x1C03  }
0x9c: {  	[timem:s3], [sflag:s2] =	dma.local @!p0 [hbm:s0], s1  }
0x9d: {  	s0 =	simm.s32 @!p0 $0x3  }
0x9e: {  	_ =	swait.ge @!p0 [sflag:s0], s1  }
0x9f: {  	s1 =	ssub.s32 @!p0 $0x0, s1;
	[sflag:s0] =	ssyncset.done @!p0 $0x0  }
0xa0: {  	[sflag:s0] =	ssyncadd.s32 @!p0 s1  }
0xa1: {  	[bflag:$0x3] =	sbarrier.arrive $0xFFFF  }
0xa2: {  	_ =	shalt  }

// kernel: kernel.8.cloned.1.call-start
scs
__scs_entry_jumppad:
0x0: {  	(pc) =	sbr.rel $0x88, $3  }
0x1: {  	(tag) =	ssettag $0x0;
	lr =	simm.s32 $0x1  }
0x2: {  	[smem:$0x3F9A] =	sst lr;
	_ =	strace $0xD0000000  }
0x3: {  	_ = 	snop  }
0x4: {  	_ = 	snop  }
0x5: {  	_ = 	snop  }
0x6: {  	_ = 	snop  }
0x7: {  	_ = 	snop  }
__scs_overlays_trampoline_lowered:
0x8: {  	[smem:$0x3FA9] =	sst s0  }
0x9: {  	[smem:$0x3FAA] =	sst s1  }
0xa: {  	[smem:$0x3FAB] =	sst s2  }
0xb: {  	[smem:$0x3FAC] =	sst s3  }
0xc: {  	[smem:$0x3FAD] =	sst s4  }
0xd: {  	[smem:$0x3FAE] =	sst s5  }
0xe: {  	[smem:$0x3FAF] =	sst s6  }
0xf: {  	[smem:$0x3FB0] =	sst s7  }
0x10: {  	[smem:$0x3FB1] =	sst s8  }
0x11: {  	[smem:$0x3FB2] =	sst s9;
	s0 =	simm.s32 @!p0 $0x0  }
0x12: {  	s1 =	sld [smem:$0x3F98];
	s0 =	simm.s32 @p0 $0x1  }
0x13: {  	[smem:$0x3FB3] =	sst s0;
	s0 =	simm.s32 @!p1 $0x0  }
0x14: {  	s2 =	sld [smem:$0x3F97];
	s0 =	simm.s32 @p1 $0x1  }
0x15: {  	[smem:$0x3FB4] =	sst s0;
	s0 =	simm.s32 @!p2 $0x0  }
0x16: {  	s3 =	sld [smem:$0x3FDB];
	s0 =	simm.s32 @p2 $0x1  }
0x17: {  	s4 =	simm.s32 $0x1BF5;
	[smem:$0x3FB6] =	sst s0  }
0x18: {  	s0 =	sld [smem:$0x3F99];
	_ =	swait.ge [sflag:s4], $0x0  }
0x19: {  	s7 =	sld [smem:$0x3F9A]  }
0x1a: {  	s8 =	sadd.s32 $0xFFFFE003, lr  }
0x1b: {  	s9 =	sadd.s32 $0xFFFFFEF7, lr;
	s5 =	simm.s32 $0xFFFFFFFF;
	p2 =	slt.u32 s8, $0xFFFFF086  }
0x1c: {  	p1 =	slt.u32 s9, $0xF7A;
	s5 =	simm.s32 @!p2 $0x0  }
0x1d: {  	s5 =	simm.s32 @p1 $0x1;
	p0 =	seq.s32 s7, s2  }
0x1e: {  	s7 =	smul.u32 @!p0 $0xF7A, s2;
	p2 =	seq.s32 @!p0 s5, $0x0  }
0x1f: {  	s9 =	smul.u32 $0xF7A, s1;
	s8 =	simm.s32 @!p0 $0x1BF5;
	p2 =	por !p2, p0  }
0x20: {  	[sflag:s8] =	ssyncset.s32 @!p0 $0xFFFFF086;
	s6 =	sadd.s32 @!p0 s3, s7;
	s7 =	simm.s32 @!p0 $0x108  }
0x21: {  	s3 =	sadd.s32 s3, s9;
	s6 =	sadd.s32 @!p0 $0x88, s6;
	s7 =	simm.s32 @p2 $0x1082  }
0x22: {  	[simem:s7], [sflag:s8] =	dma.local @!p0 [hbm:s6], $0xF7A  }
0x23: {  	s9 =	sor.u32 $0xD0000000, s2;
	s6 =	simm.s32 $0x108;
	_ =	swait.ge @!p0 [sflag:s8], $0x0  }
0x24: {  	s3 =	sadd.s32 $0x88, s3;
	s6 =	simm.s32 @!p1 $0x1082;
	[sflag:s4] =	ssyncset.s32 $0xFFFFF086  }
0x25: {  	[simem:s6], [sflag:s4] =	dma.local [hbm:s3], $0xF7A  }
0x26: {  	[smem:$0x3F9A] =	sst s1;
	(tag) =	ssettag s2;
	_ =	strace s9  }
0x27: {  	s1 =	sld [smem:$0x3FAA]  }
0x28: {  	s2 =	sld [smem:$0x3FAB]  }
0x29: {  	s4 =	sld [smem:$0x3FAD]  }
0x2a: {  	p0 =	seq.s32 s5, $0x0;
	s5 =	sld [smem:$0x3FAE]  }
0x2b: {  	s6 =	sld [smem:$0x3FAF]  }
0x2c: {  	s7 =	sld [smem:$0x3FB0]  }
0x2d: {  	s3 =	simm.s32 $0x108;
	s8 =	sld [smem:$0x3FB1]  }
0x2e: {  	s3 =	simm.s32 @!p0 $0x1082;
	s9 =	sld [smem:$0x3FB2]  }
0x2f: {  	lr =	sadd.s32 s0, s3;
	s0 =	sld [smem:$0x3FA9]  }
0x30: {  	s3 =	sld [smem:$0x3FAC]  }
0x31: {  	[smem:$0x3FB5] =	sst s10  }
0x32: {  	s10 =	sld [smem:$0x3FB3];
	_ =	sdelay $0x3  }
0x33: {  	p0 =	seq.s32 s10, $0x1;
	s10 =	sld [smem:$0x3FB5];
	_ =	sdelay $0x3  }
0x34: {  	[smem:$0x3FB5] =	sst s10  }
0x35: {  	s10 =	sld [smem:$0x3FB4];
	_ =	sdelay $0x3  }
0x36: {  	p1 =	seq.s32 s10, $0x1;
	s10 =	sld [smem:$0x3FB5];
	_ =	sdelay $0x3  }
0x37: {  	[smem:$0x3FB5] =	sst s10  }
0x38: {  	s10 =	sld [smem:$0x3FB6]  }
0x39: {  	_ = 	snop;
	(pc) =	sbr.ind lr, $3  }
0x3a: {  	_ = 	snop  }
0x3b: {  	_ = 	snop  }
0x3c: {  	p2 =	seq.s32 s10, $0x1;
	s10 =	sld [smem:$0x3FB5]  }
0x3d: {  	_ =	shalt  }
0x3e: {  	_ =	shalt  }
0x3f: {  	_ =	shalt  }
0x40: {  	_ =	shalt  }
0x41: {  	_ =	shalt  }
0x42: {  	_ =	shalt  }
0x43: {  	_ =	shalt  }
0x44: {  	_ =	shalt  }
0x45: {  	_ =	shalt  }
0x46: {  	_ =	shalt  }
0x47: {  	_ =	shalt  }
0x48: {  	_ =	shalt  }
0x49: {  	_ =	shalt  }
0x4a: {  	_ =	shalt  }
0x4b: {  	_ =	shalt  }
0x4c: {  	_ =	shalt  }
0x4d: {  	_ =	shalt  }
0x4e: {  	_ =	shalt  }
0x4f: {  	_ =	shalt  }
0x50: {  	_ =	shalt  }
0x51: {  	_ =	shalt  }
0x52: {  	_ =	shalt  }
0x53: {  	_ =	shalt  }
0x54: {  	_ =	shalt  }
0x55: {  	_ =	shalt  }
0x56: {  	_ =	shalt  }
0x57: {  	_ =	shalt  }
0x58: {  	_ =	shalt  }
0x59: {  	_ =	shalt  }
0x5a: {  	_ =	shalt  }
0x5b: {  	_ =	shalt  }
0x5c: {  	_ =	shalt  }
0x5d: {  	_ =	shalt  }
0x5e: {  	_ =	shalt  }
0x5f: {  	_ =	shalt  }
0x60: {  	_ =	shalt  }
0x61: {  	_ =	shalt  }
0x62: {  	_ =	shalt  }
0x63: {  	_ =	shalt  }
0x64: {  	_ =	shalt  }
0x65: {  	_ =	shalt  }
0x66: {  	_ =	shalt  }
0x67: {  	_ =	shalt  }
0x68: {  	_ =	shalt  }
0x69: {  	_ =	shalt  }
0x6a: {  	_ =	shalt  }
0x6b: {  	_ =	shalt  }
0x6c: {  	_ =	shalt  }
0x6d: {  	_ =	shalt  }
0x6e: {  	_ =	shalt  }
0x6f: {  	_ =	shalt  }
0x70: {  	_ =	shalt  }
0x71: {  	_ =	shalt  }
0x72: {  	_ =	shalt  }
0x73: {  	_ =	shalt  }
0x74: {  	_ =	shalt  }
0x75: {  	_ =	shalt  }
0x76: {  	_ =	shalt  }
0x77: {  	_ =	shalt  }
0x78: {  	_ =	shalt  }
0x79: {  	_ =	shalt  }
0x7a: {  	_ =	shalt  }
0x7b: {  	_ =	shalt  }
0x7c: {  	_ =	shalt  }
0x7d: {  	_ =	shalt  }
0x7e: {  	_ =	shalt  }
0x7f: {  	_ =	shalt  }
0x80: {  	_ =	shalt  }
0x81: {  	_ =	shalt  }
0x82: {  	_ =	shalt  }
0x83: {  	_ =	shalt  }
0x84: {  	_ =	shalt  }
0x85: {  	_ =	shalt  }
0x86: {  	_ =	shalt  }
0x87: {  	_ =	shalt  }
.Lfunc_end0:
.L_simem_size_0:
called_computation_lowered:
.L_overlay_start_0:
0x88: {  	s2 =	sld [smem:$0x3FD9]  }
0x89: {  	s3 =	sld [smem:$0x3FFE];
	_ =	sdelay $0x1  }
0x8a: {  	s1 =	srdreg.scid  }
0x8b: {  	s0 =	sand.u32 $0x1, s1  }
0x8c: {  	s17 =	sshll.u32 s0, $0xA;
	s2 =	sadd.s32 s3, s2  }
0x8d: {  	s2 =	sadd.s32 s2, s17  }
0x8e: {  	[smem:$0x3FC1] =	sst s2  }
0x8f: {  	_ = 	snop  }
0x90: {  	s2 =	sld [smem:$0x3FC9];
	(tm) =	ssettm $0x1  }
0x91: {  	s18 =	sld [smem:$0x3FFB];
	_ =	sdelay $0x3  }
0x92: {  	_ =	strace s18  }
0x93: {  	s3 =	sld [smem:$0x3FFC];
	_ =	sdelay $0x3  }
0x94: {  	_ =	strace s3  }
0x95: {  	s3 =	sld [smem:$0x3FFD];
	_ =	sdelay $0x3  }
0x96: {  	_ =	strace s3  }
0x97: {  	_ =	strace $0x8FFFFFFF  }
0x98: {  	s19 =	sld [smem:$0x3FDB];
	_ =	sdelay $0x1  }
0x99: {  	s4 =	simm.s32 $_scs_section_size  }
0x9a: {  	s5 =	simm.s32 $_size__tile_overlayer_lowered;
	s6 =	simm.s32 $_tile_overlayer_lowered  }
0x9b: {  	s22 =	simm.s32 $0x1BFF;
	s21 =	sshll.u32 s6, $0x1;
	s3 =	sadd.s32 s4, s19  }
0x9c: {  	s7 =	simm.s32 $0x0;
	s20 =	sshll.u32 s5, $0x1;
	s5 =	sadd.s32 s21, s3  }
0x9d: {  	[timem:s7], [sflag:s22] =	dma.local [hbm:s5], s20  }
0x9e: {  	_ =	swait.ge [sflag:s22], s20  }
0x9f: {  	s4 =	ssub.s32 $0x0, s20;
	[sflag:s22] =	ssyncset.done $0x0  }
0xa0: {  	[sflag:s22] =	ssyncadd.s32 s4;
	_ =	sdelay $0x1  }
0xa1: {  	s23 =	simm.s32 $0x1B8B  }
0xa2: {  	_ =	swait.ge [sflag:s23], $0x1  }
0xa3: {  	[sflag:s23] =	ssyncset.done $0x0  }
0xa4: {  	s25 =	simm.s32 $0x1B8E;
	s24 =	sld [smem:$0x3FFE];
	[sflag:s23] =	ssyncadd.s32 $0xFFFFFFFF  }
0xa5: {  	s26 =	simm.s32 $execute0_lowered;
	[smem:$0x3FD2] =	sst s25  }
0xa6: {  	s5 =	sshll.u32 s26, $0x1;
	_ =	strace $0x80000046;
	[dreg:$0x1] =	wrdreg $0xFFFFFFFF  }
0xa7: {  	s28 =	simm.s32 $_size_execute0_lowered;
	s3 =	sadd.s32 s3, s5;
	[dreg:$0x0] =	wrdreg $0x0  }
0xa8: {  	s5 =	sshll.u32 s28, $0x1;
	[dreg:$0x2] =	wrdreg s3  }
0xa9: {  	[dreg:$0x3] =	wrdreg s5  }
0xaa: {  	[dreg:$0x4] =	wrdreg $0xC0  }
0xab: {  	_ =	task [dreg:s7], $0x5FFFF  }
0xac: {  	[dreg:$0x1] =	wrdreg $0xFFFFFFFF  }
0xad: {  	[dreg:$0x0] =	wrdreg $0x60  }
0xae: {  	[dreg:$0x2] =	wrdreg s2  }
0xaf: {  	[dreg:$0x3] =	wrdreg s24  }
0xb0: {  	[dreg:$0x4] =	wrdreg $0x120600  }
0xb1: {  	[dreg:$0x5] =	wrdreg $0xA  }
0xb2: {  	_ =	task.clear_ibuf [dreg:s7], $0x6FFFF;
	_ =	strace $0x90000046  }
0xb3: {  	s29 =	simm.s32 $0xA;
	_ =	strace $0x80000048  }
0xb4: {  	_ =	swait.ge [sflag:s29], $0x1  }
0xb5: {  	[sflag:s29] =	ssyncadd.s32 $0xFFFFFFFF  }
0xb6: {  	_ =	strace $0x90000048  }
0xb7: {  	_ =	sfence  }
0xb8: {  	s30 =	sld [smem:$0x0];
	_ =	sdelay $0x2  }
0xb9: {  	s31 =	sshll.u32 s1, $0xD;
	s1 =	sshrl.u32 s1, $0x2  }
0xba: {  	s3 =	sand.u32 $0x4000, s31;
	s1 =	sadd.s32 s1, s30  }
0xbb: {  	s0 =	sor.u32 s3, s0;
	s1 =	sshll.u32 s1, $0x11  }
0xbc: {  	s0 =	sor.u32 s1, s0  }
0xbd: {  	s0 =	sadd.s32 $0x8F2B, s0  }
0xbe: {  	[sflag:s0] =	ssyncadd.remote.s32 $0x1  }
0xbf: {  	_ =	sfence.sel $0xFFFF  }
0xc0: {  	[dreg:$0x0] =	wrdreg $0xFFFFFFFF;
	(pc) =	sbr.abs _section_cstart, $3  }
0xc1: {  	[dreg:$0x1] =	wrdreg $0xFFFFFFFF  }
0xc2: {  	_ =	task.clear_ibuf [dreg:s7], $0x2FFFF;
	_ =	strace $0x9FFFFFFF  }
0xc3: {  	(tm) =	ssettm $0x7FFFFFFF  }
tec
execute0_lowered:
.L_overlay_start_1:
0x0: {  	(tag) =	ssettag $0x1  }
0x1: {  	s2 =	rddreg [dreg:$0x0]  }
0x2: {  	s0 =	rddreg [dreg:$0x1]  }
0x3: {  	s3 =	rddreg [dreg:$0x2];
	s1 =	stileid.u32;
	s4 =	simm.s32 $0x0  }
0x4: {  	s6 =	srdreg.scid;
	s13 =	simm.s32 $0xD160;
	s14 =	simm.s32 $0x4  }
0x5: {  	s16 =	simm.s32 $0x50;
	s22 =	simm.s32 $0x3160;
	s28 =	simm.s32 $0x1  }
0x6: {  	s29 =	simm.s32 $0x2;
	s30 =	simm.s32 $0x3;
	s5 =	smul.u32 $0x9C4, s1  }
0x7: {  	s31 =	simm.s32 $0x0;
	s7 =	smul.u32 $0x13C0, s1;
	[smem:$0x7FF] =	sst s4  }
0x8: {  	s15 =	sand.u32 $0x1, s6;
	s23 =	smul.u32 $0x27800, s1;
	_ =	strace $0x80000047  }
0x9: {  	s8 =	smul.u32 $0x13C00, s15;
	s9 =	ssub.s32 $0x2, s15;
	s12 =	sadd.s32 s5, s0  }
0xa: {  	s24 =	sshrl.u32 s23, $0x2;
	s26 =	sshrl.u32 s9, $0x1;
	s23 =	simm.s32 $0x730  }
.Ltmp0:
0xb: {  	s25 =	sadd.s32 s7, s8;
	s5 =	sadd.s32 s24, s3;
	(pc) =	sbr.rel .LBB2_1-.Ltmp0, $4  }
0xc: {  	s10 =	ssub.s32 s9, s26;
	s7 =	sadd.s32 $0xA00, s12;
	s8 =	sadd.s32 $0xA800, s12  }
0xd: {  	s11 =	sadd.s32 $0xA32, s12;
	s12 =	sadd.s32 $0xA832, s12;
	s24 =	simm.s32 $0x4560  }
0xe: {  	s26 =	simm.s32 $0x5960;
	s0 =	sadd.s32 s25, s0;
	s6 =	sadd.s32 $0x4F00, s5  }
0xf: {  	v1 =	vimm.f32 $0.0e+00;
	v0 =	vmov s15;
	s10 =	smax.u32 s10, $0x1;
	s25 =	simm.s32 $0x780;
	s9 =	sadd.s32 $0x14600, s0  }
.LBB2_7:
0x10: {  	_ =	swait.ge [sflag:s29], $0x1400  }
0x11: {  	[sflag:s29] =	ssyncset.done $0x0  }
0x12: {  	[sflag:s29] =	ssyncadd.s32 $0xFFFFEC00  }
0x13: {  	_ =	swait.ge [sflag:s29], $0x1400  }
0x14: {  	[sflag:s29] =	ssyncset.done $0x0  }
0x15: {  	[sflag:s29] =	ssyncadd.s32 $0xFFFFEC00  }
0x16: {  	_ =	swait.ge [sflag:s29], $0x1400  }
0x17: {  	[sflag:s29] =	ssyncset.done $0x0  }
0x18: {  	[sflag:s29] =	ssyncadd.s32 $0xFFFFEC00  }
0x19: {  	_ =	swait.ge [sflag:s29], $0x1400  }
0x1a: {  	[sflag:s29] =	ssyncset.done $0x0  }
0x1b: {  	[sflag:s29] =	ssyncadd.s32 $0xFFFFEC00  }
0x1c: {  	_ =	swait.ge [sflag:s29], $0x1400  }
0x1d: {  	s0 =	sshll.u32 s1, $0x6;
	s31 =	sadd.s32 $0x1, s31;
	[sflag:s29] =	ssyncset.done $0x0  }
0x1e: {  	s15 =	sshrl.u32 s5, $0x3;
	p0 =	sne.s32 s31, s10;
	[sflag:s29] =	ssyncadd.s32 $0xFFFFEC00  }
.Ltmp1:
0x1f: {  	s0 =	sor.u32 $0x1C04, s0;
	[bflag:$0x0] =	sbarrier.arrive $0xFFFF;
	(pc) =	sbr.rel @!p0 .LBB2_8-.Ltmp1, $4  }
0x20: {  	[hbm:s9], [sflag:s0] =	dma.local [spmem:s15], $0x13C0  }
0x21: {  	_ =	swait.ge [sflag:s14], $0x13C0  }
0x22: {  	[sflag:s14] =	ssyncset.done $0x0  }
0x23: {  	[sflag:s14] =	ssyncadd.s32 $0xFFFFEC40  }
.LBB2_1:
0x24: {  	s0 =	sand.u32 $0x1FF00, s4  }
0x25: {  	s15 =	sand.u32 $0x30, s4;
	s17 =	sshrl.u32 s0, $0x2  }
0x26: {  	s0 =	simm.s32 $0x40;
	s17 =	sor.u32 s15, s17;
	s15 =	simm.s32 $0x0  }
.LBB2_2:
0x27: {  	p0 =	sne.s32 s0, $0x13BC0  }
0x28: {  	[tilespmem:s17+$0xD160] =	vst v1;
	s15 =	sadd.s32 $0x10, s15;
	s17 =	smov.u32 s0;
	s0 =	sadd.s32 $0x40, s0  }
.Ltmp2:
0x29: {  	(pc) =	sbr.rel @p0 .LBB2_2-.Ltmp2, $4  }
0x2a: {  	_ = 	snop  }
0x2b: {  	s17 =	sand.u32 $0x1FF00, s17  }
0x2c: {  	s18 =	sand.u32 $0x30, s15;
	s17 =	sshrl.u32 s17, $0x2  }
0x2d: {  	s17 =	sor.u32 s18, s17  }
0x2e: {  	[tilespmem:s17+$0xD160] =	vst v1  }
0x2f: {  	[spmem:s5] =	stream.linear.scatter [tilespmem:s13], [sflag:$0x4], $0x4F00, $0x38;
	[tilespmem:$0x1BE60] =	vst v63  }
0x30: {  	_ =	swait.ge [sflag:s14], $0x4F00  }
0x31: {  	[sflag:s14] =	ssyncset.done $0x0  }
0x32: {  	[sflag:s14] =	ssyncadd.s32 $0xFFFFB100  }
0x33: {  	[spmem:s6] =	stream.linear.scatter [tilespmem:s13], [sflag:$0x4], $0x4F00, $0x38;
	[tilespmem:$0x1BE60] =	vst v63  }
0x34: {  	_ =	swait.ge [sflag:s14], $0x4F00  }
0x35: {  	[sflag:s14] =	ssyncset.done $0x0  }
0x36: {  	[sflag:s14] =	ssyncadd.s32 $0xFFFFB100  }
0x37: {  	s0 =	simm.s32 $0x0;
	[bflag:$0x0] =	sbarrier.arrive $0xFFFF  }
0x38: {  	[tilespmem:s0], [sflag:$0x4] =	stream.linear.gather [hbm4b:s7+s0], $0x190, $0x38;
	[tilespmem:$0x1BE60] =	vst v63  }
0x39: {  	_ =	swait.ge [sflag:s14], $0x190  }
0x3a: {  	[sflag:s14] =	ssyncset.done $0x0  }
0x3b: {  	s15 =	simm.s32 $0x320;
	[sflag:s14] =	ssyncadd.s32 $0xFFFFFE70  }
0x3c: {  	[tilespmem:s15], [sflag:$0x4] =	stream.linear.gather [hbm4b:s8+s0], $0x190, $0x38;
	[tilespmem:$0x1BE60] =	vst v63  }
0x3d: {  	_ =	swait.ge [sflag:s14], $0x190  }
0x3e: {  	[sflag:s14] =	ssyncset.done $0x0  }
0x3f: {  	[sflag:s14] =	ssyncadd.s32 $0xFFFFFE70  }
0x40: {  	v2 =	vld [tilespmem:$0x0]  }
0x41: {  	v3 =	vld [tilespmem:$0x10]  }
0x42: {  	v4 =	vld [tilespmem:$0x20]  }
0x43: {  	v5 =	vld [tilespmem:$0x30]  }
0x44: {  	v6 =	vld [tilespmem:$0x40]  }
0x45: {  	v7 =	vld [tilespmem:$0x50];
	v2 =	vshll.u32 v2, $0x1  }
0x46: {  	v8 =	vld [tilespmem:$0x60];
	v3 =	vshll.u32 v3, $0x1;
	v2 =	vor.u32 v0, v2  }
0x47: {  	v46 =	vld [tilespmem:$0x70];
	[tilespmem:$0x640] =	vst v2;
	v2 =	vor.u32 v0, v3;
	v3 =	vshll.u32 v4, $0x1  }
0x48: {  	v47 =	vld [tilespmem:$0x80];
	[tilespmem:$0x650] =	vst v2;
	v2 =	vor.u32 v0, v3;
	v3 =	vshll.u32 v5, $0x1  }
0x49: {  	v48 =	vld [tilespmem:$0x90];
	[tilespmem:$0x660] =	vst v2;
	v2 =	vor.u32 v0, v3;
	v3 =	vshll.u32 v6, $0x1  }
0x4a: {  	v49 =	vld [tilespmem:$0xA0];
	[tilespmem:$0x670] =	vst v2;
	v2 =	vor.u32 v0, v3;
	v3 =	vshll.u32 v7, $0x1  }
0x4b: {  	v50 =	vld [tilespmem:$0xB0];
	[tilespmem:$0x680] =	vst v2;
	v2 =	vor.u32 v0, v3;
	v3 =	vshll.u32 v8, $0x1  }
0x4c: {  	v51 =	vld [tilespmem:$0xC0];
	[tilespmem:$0x690] =	vst v2;
	v2 =	vor.u32 v0, v3;
	v3 =	vshll.u32 v46, $0x1  }
0x4d: {  	v52 =	vld [tilespmem:$0xD0];
	[tilespmem:$0x6A0] =	vst v2;
	v2 =	vor.u32 v0, v3;
	v3 =	vshll.u32 v47, $0x1  }
0x4e: {  	v53 =	vld [tilespmem:$0xE0];
	[tilespmem:$0x6B0] =	vst v2;
	v2 =	vor.u32 v0, v3;
	v3 =	vshll.u32 v48, $0x1  }
0x4f: {  	v54 =	vld [tilespmem:$0xF0];
	[tilespmem:$0x6C0] =	vst v2;
	v2 =	vor.u32 v0, v3;
	v3 =	vshll.u32 v49, $0x1  }
0x50: {  	v55 =	vld [tilespmem:$0x100];
	[tilespmem:$0x6D0] =	vst v2;
	v2 =	vor.u32 v0, v3;
	v3 =	vshll.u32 v50, $0x1  }
0x51: {  	v56 =	vld [tilespmem:$0x110];
	[tilespmem:$0x6E0] =	vst v2;
	v2 =	vor.u32 v0, v3;
	v3 =	vshll.u32 v51, $0x1  }
0x52: {  	v57 =	vld [tilespmem:$0x120];
	[tilespmem:$0x6F0] =	vst v2;
	v2 =	vor.u32 v0, v3;
	v3 =	vshll.u32 v52, $0x1  }
0x53: {  	v58 =	vld [tilespmem:$0x130];
	[tilespmem:$0x700] =	vst v2;
	v2 =	vor.u32 v0, v3;
	v3 =	vshll.u32 v53, $0x1  }
0x54: {  	v59 =	vld [tilespmem:$0x140];
	[tilespmem:$0x710] =	vst v2;
	v2 =	vor.u32 v0, v3;
	v3 =	vshll.u32 v54, $0x1  }
0x55: {  	v60 =	vld [tilespmem:$0x150];
	[tilespmem:$0x720] =	vst v2;
	v2 =	vor.u32 v0, v3;
	v3 =	vshll.u32 v55, $0x1  }
0x56: {  	v61 =	vld [tilespmem:$0x160];
	[tilespmem:$0x730] =	vst v2;
	v2 =	vor.u32 v0, v3;
	v3 =	vshll.u32 v56, $0x1  }
0x57: {  	v62 =	vld [tilespmem:$0x170];
	[tilespmem:$0x740] =	vst v2;
	v2 =	vor.u32 v0, v3;
	v3 =	vshll.u32 v57, $0x1  }
0x58: {  	v63 =	vld [tilespmem:$0x180];
	[tilespmem:$0x750] =	vst v2;
	v2 =	vor.u32 v0, v3;
	v3 =	vshll.u32 v58, $0x1  }
0x59: {  	[tilespmem:$0x760] =	vst v2;
	v2 =	vor.u32 v0, v3;
	v3 =	vshll.u32 v59, $0x1  }
0x5a: {  	[tilespmem:$0x770] =	vst v2;
	v2 =	vor.u32 v0, v3;
	v3 =	vshll.u32 v60, $0x1  }
0x5b: {  	[tilespmem:$0x780] =	vst v2;
	v2 =	vor.u32 v0, v3;
	v3 =	vshll.u32 v61, $0x1  }
0x5c: {  	[tilespmem:$0x790] =	vst v2;
	v2 =	vor.u32 v0, v3;
	v3 =	vshll.u32 v62, $0x1  }
0x5d: {  	[tilespmem:$0x7A0] =	vst v2;
	v2 =	vor.u32 v0, v3;
	v3 =	vshll.u32 v63, $0x1  }
0x5e: {  	[tilespmem:$0x7B0] =	vst v2;
	v2 =	vor.u32 v0, v3  }
0x5f: {  	s17 =	simm.s32 $0x640;
	s18 =	simm.s32 $0x960;
	[tilespmem:$0x7C0] =	vst v2  }
0x60: {  	[tilespmem:s18], [sflag:$0x1] =	stream.indirect.gather [hbm4b:s2+s16], $0x40, s17, s16, $0xb8;
	[tilespmem:$0x1BE60] =	vst v63  }
0x61: {  	s19 =	simm.s32 $0x690;
	s20 =	simm.s32 $0x1D60  }
0x62: {  	[tilespmem:s20], [sflag:$0x1] =	stream.indirect.gather [hbm4b:s2+s16], $0x40, s19, s16, $0xb8;
	[tilespmem:$0x1BE60] =	vst v63  }
0x63: {  	s21 =	simm.s32 $0x6E0  }
0x64: {  	[tilespmem:s22], [sflag:$0x1] =	stream.indirect.gather [hbm4b:s2+s16], $0x40, s21, s16, $0xb8;
	[tilespmem:$0x1BE60] =	vst v63  }
.Ltmp3:
0x65: {  	_ = 	snop;
	(pc) =	sbr.rel .LBB2_4-.Ltmp3, $4  }
0x66: {  	_ = 	snop  }
0x67: {  	[tilespmem:s24], [sflag:$0x1] =	stream.indirect.gather [hbm4b:s2+s16], $0x40, s23, s16, $0xb8;
	[tilespmem:$0x1BE60] =	vst v63  }
0x68: {  	s15 =	simm.s32 $0x0  }
0x69: {  	[tilespmem:s26], [sflag:$0x1] =	stream.indirect.gather [hbm4b:s2+s16], $0x40, s25, s16, $0xb8;
	[tilespmem:$0x1BE60] =	vst v63  }
.LBB2_6:
0x6a: {  	s0 =	sadd.s32 $0x32, s0  }
0x6b: {  	p0 =	sne.s32 s0, $0x9C4  }
.Ltmp4:
0x6c: {  	_ = 	snop;
	(pc) =	sbr.rel @!p0 .LBB2_7-.Ltmp4, $2  }
0x6d: {  	_ =	sdelay $0x2  }
0x6e: {  	s15 =	sadd.s32 $0x1, s15  }
.LBB2_4:
0x6f: {  	p0 =	seq.s32 s0, $0x0  }
0x70: {  	s19 =	simm.s32 @!p0 $0x2  }
0x71: {  	_ =	swait.ge @!p0 [sflag:s19], $0x1400  }
0x72: {  	[sflag:s19] =	ssyncset.done @!p0 $0x0  }
0x73: {  	[sflag:s19] =	ssyncadd.s32 @!p0 $0xFFFFEC00  }
0x74: {  	_ =	swait.ge @!p0 [sflag:s19], $0x1400  }
0x75: {  	[sflag:s19] =	ssyncset.done @!p0 $0x0  }
0x76: {  	[sflag:s19] =	ssyncadd.s32 @!p0 $0xFFFFEC00  }
0x77: {  	_ =	swait.ge @!p0 [sflag:s19], $0x1400  }
0x78: {  	[sflag:s19] =	ssyncset.done @!p0 $0x0  }
0x79: {  	[sflag:s19] =	ssyncadd.s32 @!p0 $0xFFFFEC00  }
0x7a: {  	_ =	swait.ge @!p0 [sflag:s19], $0x1400  }
0x7b: {  	[sflag:s19] =	ssyncset.done @!p0 $0x0  }
0x7c: {  	[sflag:s19] =	ssyncadd.s32 @!p0 $0xFFFFEC00  }
0x7d: {  	s18 =	sand.u32 $0x1, s15;
	p1 =	seq.s32 @!p0 s0, $0x992;
	_ =	swait.ge @!p0 [sflag:s19], $0x1400  }
0x7e: {  	s17 =	sxor.u32 $0x1, s18;
	p1 =	por p0, !p1;
	[sflag:s19] =	ssyncset.done @!p0 $0x0  }
0x7f: {  	[sflag:s19] =	ssyncadd.s32 @!p0 $0xFFFFEC00;
	s19 =	smul.u32 @p1 $0x190, s17  }
0x80: {  	s20 =	sadd.s32 @p1 s0, s11  }
0x81: {  	[tilespmem:s19], [sflag:$0x3] =	stream.linear.gather @p1 [hbm4b:s20+s4], $0x190, $0x38;
	[tilespmem:$0x1BE60] =	vst v63  }
0x82: {  	s21 =	smul.u32 $0x19000, s18;
	s19 =	sadd.s32 @p1 $0x320, s19;
	s20 =	sadd.s32 @p1 s0, s12  }
0x83: {  	[tilespmem:s19], [sflag:$0x3] =	stream.linear.gather @p1 [hbm4b:s20+s4], $0x190, $0x38;
	[tilespmem:$0x1BE60] =	vst v63  }
0x84: {  	s20 =	smul.u32 $0x5, s18  }
0x85: {  	p0 =	por @!p0 $0x1, $0x1;
	s19 =	sshrl.u32 s21, $0x2;
	s18 =	smul.u32 $0x640, s18  }
0x86: {  	p0 =	por @p1 $0x0, $0x0;
	s19 =	sadd.s32 $0x960, s19;
	_ =	swait.ge [sflag:s28], $0x1400  }
0x87: {  	[sflag:s28] =	ssyncset.done $0x0;
	s18 =	sshrl.u32 s18, $0x2;
	s21 =	smul.u32 $0x5000, s20  }
0x88: {  	s20 =	smul.u32 $0x140, s20;
	[sflag:s28] =	ssyncadd.s32 $0xFFFFEC00;
	s18 =	sadd.s32 $0x320, s18  }
0x89: {  	[spmem:s3] =	stream.indirect.scatter.add.f32 [tilespmem:s19], [sflag:$0x2], $0x40, s18, s16, $0xb8;
	[tilespmem:$0x1BE60] =	vst v63  }
0x8a: {  	s18 =	sadd.s32 $0x5000, s21;
	s19 =	sadd.s32 $0x140, s20;
	_ =	swait.ge [sflag:s28], $0x1400  }
0x8b: {  	s18 =	sshrl.u32 s18, $0x2;
	s19 =	sshrl.u32 s19, $0x2;
	[sflag:s28] =	ssyncset.done $0x0  }
0x8c: {  	s18 =	sadd.s32 $0x960, s18;
	s19 =	sadd.s32 $0x320, s19;
	[sflag:s28] =	ssyncadd.s32 $0xFFFFEC00  }
0x8d: {  	[spmem:s3] =	stream.indirect.scatter.add.f32 [tilespmem:s18], [sflag:$0x2], $0x40, s19, s16, $0xb8;
	[tilespmem:$0x1BE60] =	vst v63  }
0x8e: {  	s18 =	sadd.s32 $0xA000, s21;
	s19 =	sadd.s32 $0x280, s20;
	_ =	swait.ge [sflag:s28], $0x1400  }
0x8f: {  	s18 =	sshrl.u32 s18, $0x2;
	s19 =	sshrl.u32 s19, $0x2;
	[sflag:s28] =	ssyncset.done $0x0  }
0x90: {  	s18 =	sadd.s32 $0x960, s18;
	s19 =	sadd.s32 $0x320, s19;
	[sflag:s28] =	ssyncadd.s32 $0xFFFFEC00  }
0x91: {  	[spmem:s3] =	stream.indirect.scatter.add.f32 [tilespmem:s18], [sflag:$0x2], $0x40, s19, s16, $0xb8;
	[tilespmem:$0x1BE60] =	vst v63  }
0x92: {  	s18 =	sadd.s32 $0xF000, s21;
	s19 =	sadd.s32 $0x3C0, s20;
	_ =	swait.ge [sflag:s28], $0x1400  }
0x93: {  	s18 =	sshrl.u32 s18, $0x2;
	s19 =	sshrl.u32 s19, $0x2;
	[sflag:s28] =	ssyncset.done $0x0  }
0x94: {  	s18 =	sadd.s32 $0x960, s18;
	s19 =	sadd.s32 $0x320, s19;
	[sflag:s28] =	ssyncadd.s32 $0xFFFFEC00  }
0x95: {  	[spmem:s3] =	stream.indirect.scatter.add.f32 [tilespmem:s18], [sflag:$0x2], $0x40, s19, s16, $0xb8;
	[tilespmem:$0x1BE60] =	vst v63  }
.Ltmp5:
0x96: {  	_ = 	snop;
	(pc) =	sbr.rel @p0 .LBB2_6-.Ltmp5, $4  }
0x97: {  	s19 =	sadd.s32 $0x14000, s21;
	s21 =	sadd.s32 $0x500, s20;
	_ =	swait.ge [sflag:s28], $0x1400  }
0x98: {  	s18 =	sshrl.u32 s19, $0x2;
	s19 =	sshrl.u32 s21, $0x2;
	[sflag:s28] =	ssyncset.done $0x0  }
0x99: {  	s18 =	sadd.s32 $0x960, s18;
	s19 =	sadd.s32 $0x320, s19;
	[sflag:s28] =	ssyncadd.s32 $0xFFFFEC00  }
0x9a: {  	[spmem:s3] =	stream.indirect.scatter.add.f32 [tilespmem:s18], [sflag:$0x2], $0x40, s19, s16, $0xb8;
	[tilespmem:$0x1BE60] =	vst v63  }
0x9b: {  	_ =	swait.ge [sflag:s30], $0x190  }
0x9c: {  	[sflag:s30] =	ssyncset.done $0x0  }
0x9d: {  	[sflag:s30] =	ssyncadd.s32 $0xFFFFFE70  }
0x9e: {  	_ =	swait.ge [sflag:s30], $0x190  }
0x9f: {  	s18 =	smul.u32 $0x190, s17;
	[sflag:s30] =	ssyncset.done $0x0  }
0xa0: {  	[sflag:s30] =	ssyncadd.s32 $0xFFFFFE70  }
0xa1: {  	v2 =	vld [tilespmem:s18+$0x0]  }
0xa2: {  	v3 =	vld [tilespmem:s18+$0x10]  }
0xa3: {  	v4 =	vld [tilespmem:s18+$0x20]  }
0xa4: {  	v5 =	vld [tilespmem:s18+$0x30]  }
0xa5: {  	v6 =	vld [tilespmem:s18+$0x40]  }
0xa6: {  	v2 =	vshll.u32 v2, $0x1  }
0xa7: {  	v3 =	vshll.u32 v3, $0x1;
	v2 =	vor.u32 v0, v2  }
0xa8: {  	[tilespmem:s18+$0x640] =	vst v2;
	v2 =	vor.u32 v0, v3;
	v3 =	vshll.u32 v4, $0x1  }
0xa9: {  	s20 =	smul.u32 $0x5, s17;
	[tilespmem:s18+$0x650] =	vst v2;
	v2 =	vor.u32 v0, v3;
	v3 =	vshll.u32 v5, $0x1  }
0xaa: {  	[tilespmem:s18+$0x660] =	vst v2;
	v2 =	vor.u32 v0, v3;
	v3 =	vshll.u32 v6, $0x1  }
0xab: {  	s19 =	smul.u32 $0x50, s20;
	[tilespmem:s18+$0x670] =	vst v2;
	v2 =	vor.u32 v0, v3  }
0xac: {  	[tilespmem:s18+$0x680] =	vst v2  }
0xad: {  	v2 =	vld [tilespmem:s19+$0x50]  }
0xae: {  	v3 =	vld [tilespmem:s19+$0x60]  }
0xaf: {  	v48 =	vld [tilespmem:s19+$0x70]  }
0xb0: {  	v49 =	vld [tilespmem:s19+$0x80]  }
0xb1: {  	v50 =	vld [tilespmem:s19+$0x90]  }
0xb2: {  	v7 =	vld [tilespmem:s19+$0xA0];
	v2 =	vshll.u32 v2, $0x1  }
0xb3: {  	v8 =	vld [tilespmem:s19+$0xB0];
	v3 =	vshll.u32 v3, $0x1;
	v2 =	vor.u32 v0, v2  }
0xb4: {  	v51 =	vld [tilespmem:s19+$0xC0];
	[tilespmem:s19+$0x690] =	vst v2;
	v2 =	vor.u32 v0, v3;
	v3 =	vshll.u32 v48, $0x1  }
0xb5: {  	v52 =	vld [tilespmem:s19+$0xD0];
	[tilespmem:s19+$0x6A0] =	vst v2;
	v2 =	vor.u32 v0, v3;
	v3 =	vshll.u32 v49, $0x1  }
0xb6: {  	v53 =	vld [tilespmem:s19+$0xE0];
	[tilespmem:s19+$0x6B0] =	vst v2;
	v2 =	vor.u32 v0, v3;
	v3 =	vshll.u32 v50, $0x1  }
0xb7: {  	v54 =	vld [tilespmem:s19+$0xF0];
	[tilespmem:s19+$0x6C0] =	vst v2;
	v2 =	vor.u32 v0, v3;
	v3 =	vshll.u32 v7, $0x1  }
0xb8: {  	v55 =	vld [tilespmem:s19+$0x100];
	[tilespmem:s19+$0x6D0] =	vst v2;
	v2 =	vor.u32 v0, v3;
	v3 =	vshll.u32 v8, $0x1  }
0xb9: {  	v56 =	vld [tilespmem:s19+$0x110];
	[tilespmem:s19+$0x6E0] =	vst v2;
	v2 =	vor.u32 v0, v3;
	v3 =	vshll.u32 v51, $0x1  }
0xba: {  	v57 =	vld [tilespmem:s19+$0x120];
	[tilespmem:s19+$0x6F0] =	vst v2;
	v2 =	vor.u32 v0, v3;
	v3 =	vshll.u32 v52, $0x1  }
0xbb: {  	v58 =	vld [tilespmem:s19+$0x130];
	[tilespmem:s19+$0x700] =	vst v2;
	v2 =	vor.u32 v0, v3;
	v3 =	vshll.u32 v53, $0x1  }
0xbc: {  	v59 =	vld [tilespmem:s19+$0x140];
	[tilespmem:s19+$0x710] =	vst v2;
	v2 =	vor.u32 v0, v3;
	v3 =	vshll.u32 v54, $0x1  }
0xbd: {  	v60 =	vld [tilespmem:s19+$0x150];
	[tilespmem:s19+$0x720] =	vst v2;
	v2 =	vor.u32 v0, v3;
	v3 =	vshll.u32 v55, $0x1  }
0xbe: {  	v61 =	vld [tilespmem:s19+$0x160];
	[tilespmem:s19+$0x730] =	vst v2;
	v2 =	vor.u32 v0, v3;
	v3 =	vshll.u32 v56, $0x1  }
0xbf: {  	v62 =	vld [tilespmem:s19+$0x170];
	[tilespmem:s19+$0x740] =	vst v2;
	v2 =	vor.u32 v0, v3;
	v3 =	vshll.u32 v57, $0x1  }
0xc0: {  	v63 =	vld [tilespmem:s19+$0x180];
	[tilespmem:s19+$0x750] =	vst v2;
	v2 =	vor.u32 v0, v3;
	v3 =	vshll.u32 v58, $0x1  }
0xc1: {  	[tilespmem:s19+$0x760] =	vst v2;
	v2 =	vor.u32 v0, v3;
	v3 =	vshll.u32 v59, $0x1  }
0xc2: {  	[tilespmem:s19+$0x770] =	vst v2;
	v2 =	vor.u32 v0, v3;
	v3 =	vshll.u32 v60, $0x1  }
0xc3: {  	[tilespmem:s19+$0x780] =	vst v2;
	v2 =	vor.u32 v0, v3;
	v3 =	vshll.u32 v61, $0x1  }
0xc4: {  	s21 =	smul.u32 $0x19000, s17;
	[tilespmem:s19+$0x790] =	vst v2;
	v2 =	vor.u32 v0, v3;
	v3 =	vshll.u32 v62, $0x1  }
0xc5: {  	[tilespmem:s19+$0x7A0] =	vst v2;
	v2 =	vor.u32 v0, v3;
	v3 =	vshll.u32 v63, $0x1  }
0xc6: {  	s17 =	sshrl.u32 s21, $0x2;
	[tilespmem:s19+$0x7B0] =	vst v2;
	v2 =	vor.u32 v0, v3  }
0xc7: {  	s20 =	smul.u32 $0x5000, s20;
	s17 =	sadd.s32 $0x960, s17;
	s18 =	sadd.s32 $0x640, s18;
	[tilespmem:s19+$0x7C0] =	vst v2  }
0xc8: {  	[tilespmem:s17], [sflag:$0x1] =	stream.indirect.gather [hbm4b:s2+s16], $0x40, s18, s16, $0xb8;
	[tilespmem:$0x1BE60] =	vst v63  }
0xc9: {  	s18 =	sadd.s32 $0x5000, s20  }
0xca: {  	s17 =	sshrl.u32 s18, $0x2  }
0xcb: {  	s21 =	sadd.s32 $0x690, s19;
	s18 =	sadd.s32 $0xA000, s20;
	s17 =	sadd.s32 $0x960, s17  }
0xcc: {  	[tilespmem:s17], [sflag:$0x1] =	stream.indirect.gather [hbm4b:s2+s16], $0x40, s21, s16, $0xb8;
	[tilespmem:$0x1BE60] =	vst v63  }
0xcd: {  	s17 =	sshrl.u32 s18, $0x2  }
0xce: {  	s21 =	sadd.s32 $0x6E0, s19;
	s18 =	sadd.s32 $0xF000, s20;
	s17 =	sadd.s32 $0x960, s17  }
0xcf: {  	[tilespmem:s17], [sflag:$0x1] =	stream.indirect.gather [hbm4b:s2+s16], $0x40, s21, s16, $0xb8;
	[tilespmem:$0x1BE60] =	vst v63  }
0xd0: {  	s20 =	sadd.s32 $0x14000, s20;
	s17 =	sshrl.u32 s18, $0x2  }
.Ltmp6:
0xd1: {  	s21 =	sadd.s32 $0x730, s19;
	s17 =	sadd.s32 $0x960, s17;
	(pc) =	sbr.rel .LBB2_6-.Ltmp6, $4  }
0xd2: {  	[tilespmem:s17], [sflag:$0x1] =	stream.indirect.gather [hbm4b:s2+s16], $0x40, s21, s16, $0xb8;
	[tilespmem:$0x1BE60] =	vst v63  }
0xd3: {  	s17 =	sshrl.u32 s20, $0x2  }
0xd4: {  	s21 =	sadd.s32 $0x780, s19;
	s17 =	sadd.s32 $0x960, s17  }
0xd5: {  	[tilespmem:s17], [sflag:$0x1] =	stream.indirect.gather [hbm4b:s2+s16], $0x40, s21, s16, $0xb8;
	[tilespmem:$0x1BE60] =	vst v63  }
.LBB2_8:
0xd6: {  	_ =	sfence.sel $0x180000  }
0xd7: {  	[bflag:$0x0] =	sbarrier.arrive $0xFFFF  }
0xd8: {  	_ =	strace $0x90000047  }
0xd9: {  	[bflag:$0x2] =	sbarrier.arrive $0xFFFF  }
0xda: {  	p0 =	sne.s32 s1, $0x0;
	s0 =	rddreg [dreg:$0x3]  }
0xdb: {  	s0 =	sadd.s32 @!p0 $0x100000, s0  }
0xdc: {  	[sflag:s0] =	ssyncadd.tile.s32 @!p0 $0x1;
	_ =	shalt  }
.Lfunc_end2:
_tile_overlayer_lowered:
.L_overlay_start_2:
0xdd: {  	(tag) =	ssettag $0x2  }
0xde: {  	s0 =	rddreg [dreg:$0x0];
	s2 =	stileid.u32  }
0xdf: {  	s1 =	rddreg [dreg:$0x1];
	p0 =	sne.s32 s2, $0x0  }
0xe0: {  	s3 =	rddreg [dreg:$0x2];
	[bflag:$0x3] =	sbarrier.arrive $0xFFFF;
	s2 =	simm.s32 @!p0 $0x1C04  }
0xe1: {  	[timem:s3], [sflag:s2] =	dma.local @!p0 [hbm:s0], s1  }
0xe2: {  	s0 =	simm.s32 @!p0 $0x4  }
0xe3: {  	_ =	swait.ge @!p0 [sflag:s0], s1  }
0xe4: {  	s1 =	ssub.s32 @!p0 $0x0, s1;
	[sflag:s0] =	ssyncset.done @!p0 $0x0  }
0xe5: {  	[sflag:s0] =	ssyncadd.s32 @!p0 s1  }
0xe6: {  	[bflag:$0x3] =	sbarrier.arrive $0xFFFF  }
0xe7: {  	_ =	shalt  }

</sc_bundles>
